<compile_context>
chip_gen: v7x
topology: tpu7x:2x2x1
jax: 0.10.2.dev20260603
libtpu: 0.0.44.dev20260713+nightly
codegen_flags: <defaults>
</compile_context>

<pallas_src>
import functools
import jax
import jax.numpy as jnp
from jax import lax
from jax.experimental import pallas as pl
from jax.experimental.pallas import tpu as pltpu, tpu_sc as plsc

_B, _S = 4, 4096
_D = 1024
_L = 16
_NW = 32
_W = _S // _NW
_WVECS = _W // _L
_GCHUNK = 16
_DEPTH = 4
_OG = 2


def _mask(x):
    return jnp.where(x != 0, 1, 0).astype(jnp.int32)


def _ring(chunks, rows, gsem, table_hbm, out_hbm, wsem):
    n = len(chunks)
    gathers = [None] * n
    writes = [None] * n

    def issue(i):
        return pltpu.async_copy(
            table_hbm.at[chunks[i][0]], rows[i % _DEPTH], gsem[i % _OG]
        )

    for i in range(min(_OG, n)):
        gathers[i] = issue(i)
    for i in range(n):
        slot = i % _DEPTH
        gathers[i].wait()
        if i + _OG < n:
            j = i - (_DEPTH - _OG)
            if j >= 0:
                for h in writes[j]:
                    h.wait()
            gathers[i + _OG] = issue(i + _OG)
        writes[i] = [
            pltpu.async_copy(
                rows[slot], out_hbm.at[pl.ds(ob, _GCHUNK)], wsem[slot]
            )
            for ob in chunks[i][1]
        ]
    for i in range(max(0, n - _DEPTH), n):
        for h in writes[i]:
            h.wait()


def _body(inp_hbm, table_hbm, out_hbm, inp_v, *scratch):
    idx = scratch[:_B]
    rows = scratch[_B : _B + _DEPTH]
    gsem = scratch[_B + _DEPTH : _B + _DEPTH + _OG]
    wsem = scratch[_B + _DEPTH + _OG :]
    nc = 2
    wid = lax.axis_index("s") * nc + lax.axis_index("c")

    pltpu.sync_copy(inp_hbm, inp_v)

    def count_step(j, accs):
        return tuple(
            accs[bb] + _mask(inp_v[bb, pl.ds(j * _L, _L)]) for bb in range(_B)
        )

    zero = jnp.zeros((_L,), jnp.int32)
    accs = lax.fori_loop(0, wid * _WVECS, count_step, (zero,) * _B)
    carries = [jnp.sum(a) for a in accs]
    prefix_eq = (
        (carries[1] == carries[0])
        & (carries[2] == carries[0])
        & (carries[3] == carries[0])
    )

    base_vec = wid * _WVECS

    def pos_step(j, st):
        c0, c1, c2, c3, eq = st
        cs = [c0, c1, c2, c3]
        ms = []
        for bb in range(_B):
            x = inp_v[bb, pl.ds((base_vec + j) * _L, _L)]
            m = _mask(x)
            pos = (cs[bb] + jnp.cumsum(m)) * m
            idx[bb][pl.ds(j * _L, _L)] = pos
            cs[bb] = cs[bb] + jnp.sum(m)
            ms.append(m)
        eq = (
            eq
            + jnp.abs(ms[1] - ms[0])
            + jnp.abs(ms[2] - ms[0])
            + jnp.abs(ms[3] - ms[0])
        )
        return (cs[0], cs[1], cs[2], cs[3], eq)

    st = lax.fori_loop(
        0, _WVECS, pos_step, (carries[0], carries[1], carries[2], carries[3], zero)
    )
    masks_eq = jnp.sum(st[4]) == 0
    shared = prefix_eq & masks_eq

    col0 = wid * _W

    @pl.when(shared)
    def _shared_gather():
        chunks = [
            (
                idx[0].at[pl.ds(g * _GCHUNK, _GCHUNK)],
                [bb * _S + col0 + g * _GCHUNK for bb in range(_B)],
            )
            for g in range(_WVECS)
        ]
        _ring(chunks, rows, gsem, table_hbm, out_hbm, wsem)

    @pl.when(jnp.logical_not(shared))
    def _per_row_gather():
        chunks = [
            (
                idx[bb].at[pl.ds(g * _GCHUNK, _GCHUNK)],
                [bb * _S + col0 + g * _GCHUNK],
            )
            for bb in range(_B)
            for g in range(_WVECS)
        ]
        _ring(chunks, rows, gsem, table_hbm, out_hbm, wsem)


@jax.jit
def _run(inp, weights):
    mesh = plsc.VectorSubcoreMesh(core_axis_name="c", subcore_axis_name="s")
    k = functools.partial(
        pl.kernel,
        mesh=mesh,
        out_type=jax.ShapeDtypeStruct((_B * _S, _D), jnp.float32),
        scratch_types=[pltpu.VMEM((_B, _S), jnp.int32)]
        + [pltpu.VMEM((_W,), jnp.int32) for _ in range(_B)]
        + [pltpu.VMEM((_GCHUNK, _D), jnp.float32) for _ in range(_DEPTH)]
        + [pltpu.SemaphoreType.DMA for _ in range(_OG + _DEPTH)],
        compiler_params=pltpu.CompilerParams(needs_layout_passes=False),
    )(_body)
    return k(inp, weights)


def kernel(input, weights):
    out = _run(input, weights)
    return lax.stop_gradient(out.reshape(_B, _S, _D))

# --- scband reference (transcript-rebuilt; emitter-appended) ---
"""Pipeline reference for scband-sinusoidal-positional-embedding-59631325938457 (READ-ONLY COPY).

The authoritative reference and input builder live on the scoring server;
editing this copy changes nothing except your own understanding.
"""

import jax, jax.numpy as jnp
import numpy as np

NUM_EMBEDDINGS = 4096
EMBEDDING_DIM = 1024
PADDING_IDX = 0


def _reset_parameters(num_embeddings, embedding_dim, padding_idx):
    emb_dim = embedding_dim // 2
    emb_pos = jnp.log(jnp.asarray(10000.0)) / (emb_dim - 1)
    emb_pos = jnp.exp(jnp.arange(emb_dim, dtype=jnp.float32) * -emb_pos)
    embeddings = jnp.arange(num_embeddings + 1, dtype=jnp.float32)[:, None] * emb_pos[None, :]
    embeddings = jnp.concatenate([jnp.sin(embeddings), jnp.cos(embeddings)], axis=1)
    embeddings = embeddings.at[padding_idx].set(0.0)
    return embeddings


def make_positions(tensor, padding_idx):
    # fairseq-style: cumulative count of non-pad tokens, pads stay at padding_idx
    mask = (tensor != padding_idx).astype(jnp.int32)
    return jnp.cumsum(mask, axis=1) * mask + padding_idx


def setup_inputs(seed: int = 0) -> dict:
    key = jax.random.key(seed)
    k1, k2 = jax.random.split(key)
    inp = jax.random.randint(k1, (4, 4096), 0, 30000, dtype=jnp.int32)
    weights = _reset_parameters(NUM_EMBEDDINGS, EMBEDDING_DIM, PADDING_IDX)
    return {"input": inp, "weights": weights}


def reference(input, weights):
    bz, sz = input.shape
    positions = make_positions(input, PADDING_IDX)
    embeddings = jnp.take(weights, positions.reshape(-1), axis=0).reshape(bz, sz, EMBEDDING_DIM)
    return jax.lax.stop_gradient(embeddings)

if __name__ == "__main__":
    import jax
    _d = setup_inputs()
    print(jax.jit(kernel)(*tuple(_d.values())))

</pallas_src>

<mosaic_0001>
#map = affine_map<(d0, d1) -> (0, 0)>
module attributes {stable_mosaic.version = 14 : i64} {
  func.func @_body(%arg0: i32, %arg1: i32, %arg2: memref<4x4096xi32, #tpu.memory_space<hbm>>, %arg3: memref<4097x1024xf32, #tpu.memory_space<hbm>>, %arg4: memref<16384x1024xf32, #tpu.memory_space<hbm>>, %arg5: memref<4x4096xi32, #tpu.memory_space<vmem>>, %arg6: memref<128xi32, #tpu.memory_space<vmem>>, %arg7: memref<128xi32, #tpu.memory_space<vmem>>, %arg8: memref<128xi32, #tpu.memory_space<vmem>>, %arg9: memref<128xi32, #tpu.memory_space<vmem>>, %arg10: memref<16x1024xf32, #tpu.memory_space<vmem>>, %arg11: memref<16x1024xf32, #tpu.memory_space<vmem>>, %arg12: memref<16x1024xf32, #tpu.memory_space<vmem>>, %arg13: memref<16x1024xf32, #tpu.memory_space<vmem>>, %arg14: memref<!tpu.dma_semaphore, #tpu.memory_space<semaphore_mem>>, %arg15: memref<!tpu.dma_semaphore, #tpu.memory_space<semaphore_mem>>, %arg16: memref<!tpu.dma_semaphore, #tpu.memory_space<semaphore_mem>>, %arg17: memref<!tpu.dma_semaphore, #tpu.memory_space<semaphore_mem>>, %arg18: memref<!tpu.dma_semaphore, #tpu.memory_space<semaphore_mem>>, %arg19: memref<!tpu.dma_semaphore, #tpu.memory_space<semaphore_mem>>) attributes {dimension_semantics = [#tpu.dimension_semantics<core_parallel>, #tpu.dimension_semantics<subcore_parallel>], iteration_bounds = array<i64: 2, 16>, scalar_prefetch = 0 : i64, scratch_operands = 15 : i64, tpu.core_type = #tpu.core_type<sc_vector_subcore>, window_params = [{transform_indices = #map}, {transform_indices = #map}, {transform_indices = #map}]} {
    %mul3A = arith.constant 2 : i32
    %mul3A_0 = arith.muli %arg1, %mul3A : i32
    %add3A = arith.addi %mul3A_0, %arg0 : i32
    "tpu.region"() ({
      %run_scoped3A = tpu.sem_alloc : memref<!tpu.dma_semaphore, #tpu.memory_space<semaphore_mem>>
      tpu.enqueue_dma source(%arg2 : memref<4x4096xi32, #tpu.memory_space<hbm>>) target(%arg5 : memref<4x4096xi32, #tpu.memory_space<vmem>>) target_semaphore(%run_scoped3A : memref<!tpu.dma_semaphore, #tpu.memory_space<semaphore_mem>>)
      tpu.wait_dma2 semaphore(%run_scoped3A : memref<!tpu.dma_semaphore, #tpu.memory_space<semaphore_mem>>) src(%arg2 : memref<4x4096xi32, #tpu.memory_space<hbm>>) dst(%arg5 : memref<4x4096xi32, #tpu.memory_space<vmem>>)
      tpu.yield
    }) : () -> ()
    %broadcast_in_dim3A = arith.constant 0 : i32
    %broadcast_in_dim3A_1 = vector.broadcast %broadcast_in_dim3A : i32 to vector<16xi32>
    %mul3A_2 = arith.constant 8 : i32
    %mul3A_3 = arith.muli %add3A, %mul3A_2 : i32
    %while3A = arith.constant 0 : i32
    %while3A_4 = arith.subi %mul3A_3, %while3A : i32
    %while3A_5 = arith.addi %while3A, %while3A_4 : i32
    %while3A_6 = arith.constant 1 : i32
    %while3A_7 = arith.divsi %while3A_4, %while3A_6 : i32
    %while3A_8 = arith.muli %while3A_7, %while3A_6 : i32
    %while3A_9 = arith.addi %while3A, %while3A_8 : i32
    %while3A_10 = arith.constant 1 : i32
    %while3A_11:4 = scf.for %while3A_53 = %while3A to %while3A_9 step %while3A_10 iter_args(%while3A_54 = %broadcast_in_dim3A_1, %while3A_55 = %broadcast_in_dim3A_1, %while3A_56 = %broadcast_in_dim3A_1, %while3A_57 = %broadcast_in_dim3A_1) -> (vector<16xi32>, vector<16xi32>, vector<16xi32>, vector<16xi32>)  : i32 {
      %mul3A_58 = arith.constant 16 : i32
      %mul3A_59 = arith.muli %while3A_53, %mul3A_58 : i32
      %get3A = arith.constant 0 : i32
      %get3A_60 = arith.index_cast %get3A : i32 to index
      %get3A_61 = arith.index_cast %mul3A_59 : i32 to index
      %get3A_62 = tpu.vector_load %arg5[%get3A_60, %get3A_61] {strides = array<i32>} : memref<4x4096xi32, #tpu.memory_space<vmem>>, vector<16xi32>,
      %ne3A = arith.constant 0 : i32
      %ne3A_63 = vector.broadcast %ne3A : i32 to vector<16xi32>
      %ne3A_64 = arith.cmpi ne, %get3A_62, %ne3A_63 : vector<16xi32>
      %jit3A = arith.constant 1 : i32
      %jit3A_65 = arith.constant 0 : i32
      %broadcast_in_dim3A_66 = vector.broadcast %jit3A : i32 to vector<16xi32>
      %broadcast_in_dim3A_67 = vector.broadcast %jit3A_65 : i32 to vector<16xi32>
      %select_n3A = arith.select %ne3A_64, %broadcast_in_dim3A_66, %broadcast_in_dim3A_67 : vector<16xi1>, vector<16xi32>
      %add3A_68 = arith.addi %while3A_54, %select_n3A : vector<16xi32>
      %mul3A_69 = arith.constant 16 : i32
      %mul3A_70 = arith.muli %while3A_53, %mul3A_69 : i32
      %get3A_71 = arith.constant 1 : i32
      %get3A_72 = arith.index_cast %get3A_71 : i32 to index
      %get3A_73 = arith.index_cast %mul3A_70 : i32 to index
      %get3A_74 = tpu.vector_load %arg5[%get3A_72, %get3A_73] {strides = array<i32>} : memref<4x4096xi32, #tpu.memory_space<vmem>>, vector<16xi32>,
      %ne3A_75 = arith.constant 0 : i32
      %ne3A_76 = vector.broadcast %ne3A_75 : i32 to vector<16xi32>
      %ne3A_77 = arith.cmpi ne, %get3A_74, %ne3A_76 : vector<16xi32>
      %jit3A_78 = arith.constant 1 : i32
      %jit3A_79 = arith.constant 0 : i32
      %broadcast_in_dim3A_80 = vector.broadcast %jit3A_78 : i32 to vector<16xi32>
      %broadcast_in_dim3A_81 = vector.broadcast %jit3A_79 : i32 to vector<16xi32>
      %select_n3A_82 = arith.select %ne3A_77, %broadcast_in_dim3A_80, %broadcast_in_dim3A_81 : vector<16xi1>, vector<16xi32>
      %add3A_83 = arith.addi %while3A_55, %select_n3A_82 : vector<16xi32>
      %mul3A_84 = arith.constant 16 : i32
      %mul3A_85 = arith.muli %while3A_53, %mul3A_84 : i32
      %get3A_86 = arith.constant 2 : i32
      %get3A_87 = arith.index_cast %get3A_86 : i32 to index
      %get3A_88 = arith.index_cast %mul3A_85 : i32 to index
      %get3A_89 = tpu.vector_load %arg5[%get3A_87, %get3A_88] {strides = array<i32>} : memref<4x4096xi32, #tpu.memory_space<vmem>>, vector<16xi32>,
      %ne3A_90 = arith.constant 0 : i32
      %ne3A_91 = vector.broadcast %ne3A_90 : i32 to vector<16xi32>
      %ne3A_92 = arith.cmpi ne, %get3A_89, %ne3A_91 : vector<16xi32>
      %jit3A_93 = arith.constant 1 : i32
      %jit3A_94 = arith.constant 0 : i32
      %broadcast_in_dim3A_95 = vector.broadcast %jit3A_93 : i32 to vector<16xi32>
      %broadcast_in_dim3A_96 = vector.broadcast %jit3A_94 : i32 to vector<16xi32>
      %select_n3A_97 = arith.select %ne3A_92, %broadcast_in_dim3A_95, %broadcast_in_dim3A_96 : vector<16xi1>, vector<16xi32>
      %add3A_98 = arith.addi %while3A_56, %select_n3A_97 : vector<16xi32>
      %mul3A_99 = arith.constant 16 : i32
      %mul3A_100 = arith.muli %while3A_53, %mul3A_99 : i32
      %get3A_101 = arith.constant 3 : i32
      %get3A_102 = arith.index_cast %get3A_101 : i32 to index
      %get3A_103 = arith.index_cast %mul3A_100 : i32 to index
      %get3A_104 = tpu.vector_load %arg5[%get3A_102, %get3A_103] {strides = array<i32>} : memref<4x4096xi32, #tpu.memory_space<vmem>>, vector<16xi32>,
      %ne3A_105 = arith.constant 0 : i32
      %ne3A_106 = vector.broadcast %ne3A_105 : i32 to vector<16xi32>
      %ne3A_107 = arith.cmpi ne, %get3A_104, %ne3A_106 : vector<16xi32>
      %jit3A_108 = arith.constant 1 : i32
      %jit3A_109 = arith.constant 0 : i32
      %broadcast_in_dim3A_110 = vector.broadcast %jit3A_108 : i32 to vector<16xi32>
      %broadcast_in_dim3A_111 = vector.broadcast %jit3A_109 : i32 to vector<16xi32>
      %select_n3A_112 = arith.select %ne3A_107, %broadcast_in_dim3A_110, %broadcast_in_dim3A_111 : vector<16xi1>, vector<16xi32>
      %add3A_113 = arith.addi %while3A_57, %select_n3A_112 : vector<16xi32>
      scf.yield %add3A_68, %add3A_83, %add3A_98, %add3A_113 : vector<16xi32>, vector<16xi32>, vector<16xi32>, vector<16xi32>
    }
    %while3A_12 = arith.constant 1 : i32
    %while3A_13:4 = scf.for %while3A_53 = %while3A_9 to %while3A_5 step %while3A_12 iter_args(%while3A_54 = %while3A_11#0, %while3A_55 = %while3A_11#1, %while3A_56 = %while3A_11#2, %while3A_57 = %while3A_11#3) -> (vector<16xi32>, vector<16xi32>, vector<16xi32>, vector<16xi32>)  : i32 {
      %mul3A_58 = arith.constant 16 : i32
      %mul3A_59 = arith.muli %while3A_53, %mul3A_58 : i32
      %get3A = arith.constant 0 : i32
      %get3A_60 = arith.index_cast %get3A : i32 to index
      %get3A_61 = arith.index_cast %mul3A_59 : i32 to index
      %get3A_62 = tpu.vector_load %arg5[%get3A_60, %get3A_61] {strides = array<i32>} : memref<4x4096xi32, #tpu.memory_space<vmem>>, vector<16xi32>,
      %ne3A = arith.constant 0 : i32
      %ne3A_63 = vector.broadcast %ne3A : i32 to vector<16xi32>
      %ne3A_64 = arith.cmpi ne, %get3A_62, %ne3A_63 : vector<16xi32>
      %jit3A = arith.constant 1 : i32
      %jit3A_65 = arith.constant 0 : i32
      %broadcast_in_dim3A_66 = vector.broadcast %jit3A : i32 to vector<16xi32>
      %broadcast_in_dim3A_67 = vector.broadcast %jit3A_65 : i32 to vector<16xi32>
      %select_n3A = arith.select %ne3A_64, %broadcast_in_dim3A_66, %broadcast_in_dim3A_67 : vector<16xi1>, vector<16xi32>
      %add3A_68 = arith.addi %while3A_54, %select_n3A : vector<16xi32>
      %mul3A_69 = arith.constant 16 : i32
      %mul3A_70 = arith.muli %while3A_53, %mul3A_69 : i32
      %get3A_71 = arith.constant 1 : i32
      %get3A_72 = arith.index_cast %get3A_71 : i32 to index
      %get3A_73 = arith.index_cast %mul3A_70 : i32 to index
      %get3A_74 = tpu.vector_load %arg5[%get3A_72, %get3A_73] {strides = array<i32>} : memref<4x4096xi32, #tpu.memory_space<vmem>>, vector<16xi32>,
      %ne3A_75 = arith.constant 0 : i32
      %ne3A_76 = vector.broadcast %ne3A_75 : i32 to vector<16xi32>
      %ne3A_77 = arith.cmpi ne, %get3A_74, %ne3A_76 : vector<16xi32>
      %jit3A_78 = arith.constant 1 : i32
      %jit3A_79 = arith.constant 0 : i32
      %broadcast_in_dim3A_80 = vector.broadcast %jit3A_78 : i32 to vector<16xi32>
      %broadcast_in_dim3A_81 = vector.broadcast %jit3A_79 : i32 to vector<16xi32>
      %select_n3A_82 = arith.select %ne3A_77, %broadcast_in_dim3A_80, %broadcast_in_dim3A_81 : vector<16xi1>, vector<16xi32>
      %add3A_83 = arith.addi %while3A_55, %select_n3A_82 : vector<16xi32>
      %mul3A_84 = arith.constant 16 : i32
      %mul3A_85 = arith.muli %while3A_53, %mul3A_84 : i32
      %get3A_86 = arith.constant 2 : i32
      %get3A_87 = arith.index_cast %get3A_86 : i32 to index
      %get3A_88 = arith.index_cast %mul3A_85 : i32 to index
      %get3A_89 = tpu.vector_load %arg5[%get3A_87, %get3A_88] {strides = array<i32>} : memref<4x4096xi32, #tpu.memory_space<vmem>>, vector<16xi32>,
      %ne3A_90 = arith.constant 0 : i32
      %ne3A_91 = vector.broadcast %ne3A_90 : i32 to vector<16xi32>
      %ne3A_92 = arith.cmpi ne, %get3A_89, %ne3A_91 : vector<16xi32>
      %jit3A_93 = arith.constant 1 : i32
      %jit3A_94 = arith.constant 0 : i32
      %broadcast_in_dim3A_95 = vector.broadcast %jit3A_93 : i32 to vector<16xi32>
      %broadcast_in_dim3A_96 = vector.broadcast %jit3A_94 : i32 to vector<16xi32>
      %select_n3A_97 = arith.select %ne3A_92, %broadcast_in_dim3A_95, %broadcast_in_dim3A_96 : vector<16xi1>, vector<16xi32>
      %add3A_98 = arith.addi %while3A_56, %select_n3A_97 : vector<16xi32>
      %mul3A_99 = arith.constant 16 : i32
      %mul3A_100 = arith.muli %while3A_53, %mul3A_99 : i32
      %get3A_101 = arith.constant 3 : i32
      %get3A_102 = arith.index_cast %get3A_101 : i32 to index
      %get3A_103 = arith.index_cast %mul3A_100 : i32 to index
      %get3A_104 = tpu.vector_load %arg5[%get3A_102, %get3A_103] {strides = array<i32>} : memref<4x4096xi32, #tpu.memory_space<vmem>>, vector<16xi32>,
      %ne3A_105 = arith.constant 0 : i32
      %ne3A_106 = vector.broadcast %ne3A_105 : i32 to vector<16xi32>
      %ne3A_107 = arith.cmpi ne, %get3A_104, %ne3A_106 : vector<16xi32>
      %jit3A_108 = arith.constant 1 : i32
      %jit3A_109 = arith.constant 0 : i32
      %broadcast_in_dim3A_110 = vector.broadcast %jit3A_108 : i32 to vector<16xi32>
      %broadcast_in_dim3A_111 = vector.broadcast %jit3A_109 : i32 to vector<16xi32>
      %select_n3A_112 = arith.select %ne3A_107, %broadcast_in_dim3A_110, %broadcast_in_dim3A_111 : vector<16xi1>, vector<16xi32>
      %add3A_113 = arith.addi %while3A_57, %select_n3A_112 : vector<16xi32>
      scf.yield %add3A_68, %add3A_83, %add3A_98, %add3A_113 : vector<16xi32>, vector<16xi32>, vector<16xi32>, vector<16xi32>
    }
    %reduce_sum3A = arith.constant true
    %reduce_sum3A_14 = vector.broadcast %reduce_sum3A : i1 to vector<16xi1>
    %reduce_sum3A_15 = tpu.scan <sum>, %while3A_13#0 masked %reduce_sum3A_14 : vector<16xi32>, vector<16xi1> -> vector<16xi32>
    %reduce_sum3A_16 = vector.extract %reduce_sum3A_15[15] : i32 from vector<16xi32>
    %reduce_sum3A_17 = arith.constant true
    %reduce_sum3A_18 = vector.broadcast %reduce_sum3A_17 : i1 to vector<16xi1>
    %reduce_sum3A_19 = tpu.scan <sum>, %while3A_13#1 masked %reduce_sum3A_18 : vector<16xi32>, vector<16xi1> -> vector<16xi32>
    %reduce_sum3A_20 = vector.extract %reduce_sum3A_19[15] : i32 from vector<16xi32>
    %reduce_sum3A_21 = arith.constant true
    %reduce_sum3A_22 = vector.broadcast %reduce_sum3A_21 : i1 to vector<16xi1>
    %reduce_sum3A_23 = tpu.scan <sum>, %while3A_13#2 masked %reduce_sum3A_22 : vector<16xi32>, vector<16xi1> -> vector<16xi32>
    %reduce_sum3A_24 = vector.extract %reduce_sum3A_23[15] : i32 from vector<16xi32>
    %reduce_sum3A_25 = arith.constant true
    %reduce_sum3A_26 = vector.broadcast %reduce_sum3A_25 : i1 to vector<16xi1>
    %reduce_sum3A_27 = tpu.scan <sum>, %while3A_13#3 masked %reduce_sum3A_26 : vector<16xi32>, vector<16xi1> -> vector<16xi32>
    %reduce_sum3A_28 = vector.extract %reduce_sum3A_27[15] : i32 from vector<16xi32>
    %eq3A = arith.cmpi eq, %reduce_sum3A_20, %reduce_sum3A_16 : i32
    %eq3A_29 = arith.cmpi eq, %reduce_sum3A_24, %reduce_sum3A_16 : i32
    %and3A = arith.andi %eq3A, %eq3A_29 : i1
    %eq3A_30 = arith.cmpi eq, %reduce_sum3A_28, %reduce_sum3A_16 : i32
    %and3A_31 = arith.andi %and3A, %eq3A_30 : i1
    %mul3A_32 = arith.constant 8 : i32
    %mul3A_33 = arith.muli %add3A, %mul3A_32 : i32
    %scan3A = arith.constant 0 : i32
    %scan3A_34 = arith.constant 8 : i32
    %scan3A_35 = arith.addi %scan3A, %scan3A_34 : i32
    %scan3A_36 = arith.constant 1 : i32
    %scan3A_37:5 = scf.for %scan3A_53 = %scan3A to %scan3A_35 step %scan3A_36 iter_args(%scan3A_54 = %reduce_sum3A_16, %scan3A_55 = %reduce_sum3A_20, %scan3A_56 = %reduce_sum3A_24, %scan3A_57 = %reduce_sum3A_28, %scan3A_58 = %broadcast_in_dim3A_1) -> (i32, i32, i32, i32, vector<16xi32>)  : i32 {
      %add3A_59 = arith.addi %mul3A_33, %scan3A_53 : i32
      %mul3A_60 = arith.constant 16 : i32
      %mul3A_61 = arith.muli %add3A_59, %mul3A_60 : i32
      %get3A = arith.constant 0 : i32
      %get3A_62 = arith.index_cast %get3A : i32 to index
      %get3A_63 = arith.index_cast %mul3A_61 : i32 to index
      %get3A_64 = tpu.vector_load %arg5[%get3A_62, %get3A_63] {strides = array<i32>} : memref<4x4096xi32, #tpu.memory_space<vmem>>, vector<16xi32>,
      %ne3A = arith.constant 0 : i32
      %ne3A_65 = vector.broadcast %ne3A : i32 to vector<16xi32>
      %ne3A_66 = arith.cmpi ne, %get3A_64, %ne3A_65 : vector<16xi32>
      %jit3A = arith.constant 1 : i32
      %jit3A_67 = arith.constant 0 : i32
      %broadcast_in_dim3A_68 = vector.broadcast %jit3A : i32 to vector<16xi32>
      %broadcast_in_dim3A_69 = vector.broadcast %jit3A_67 : i32 to vector<16xi32>
      %select_n3A = arith.select %ne3A_66, %broadcast_in_dim3A_68, %broadcast_in_dim3A_69 : vector<16xi1>, vector<16xi32>
      %cumsum3A = arith.constant true
      %cumsum3A_70 = vector.broadcast %cumsum3A : i1 to vector<16xi1>
      %cumsum3A_71 = tpu.scan <sum>, %select_n3A masked %cumsum3A_70 : vector<16xi32>, vector<16xi1> -> vector<16xi32>
      %add3A_72 = vector.broadcast %scan3A_54 : i32 to vector<16xi32>
      %add3A_73 = arith.addi %add3A_72, %cumsum3A_71 : vector<16xi32>
      %mul3A_74 = arith.muli %add3A_73, %select_n3A : vector<16xi32>
      %mul3A_75 = arith.constant 16 : i32
      %mul3A_76 = arith.muli %scan3A_53, %mul3A_75 : i32
      %swap3A = arith.index_cast %mul3A_76 : i32 to index
      %swap3A_77 = tpu.vector_load %arg6[%swap3A] {strides = array<i32>} : memref<128xi32, #tpu.memory_space<vmem>>, vector<16xi32>,
      tpu.vector_store %arg6[%swap3A], %mul3A_74 {strides = array<i32>} : memref<128xi32, #tpu.memory_space<vmem>>, vector<16xi32>,
      %reduce_sum3A_78 = arith.constant true
      %reduce_sum3A_79 = vector.broadcast %reduce_sum3A_78 : i1 to vector<16xi1>
      %reduce_sum3A_80 = tpu.scan <sum>, %select_n3A masked %reduce_sum3A_79 : vector<16xi32>, vector<16xi1> -> vector<16xi32>
      %reduce_sum3A_81 = vector.extract %reduce_sum3A_80[15] : i32 from vector<16xi32>
      %add3A_82 = arith.addi %scan3A_54, %reduce_sum3A_81 : i32
      %add3A_83 = arith.addi %mul3A_33, %scan3A_53 : i32
      %mul3A_84 = arith.constant 16 : i32
      %mul3A_85 = arith.muli %add3A_83, %mul3A_84 : i32
      %get3A_86 = arith.constant 1 : i32
      %get3A_87 = arith.index_cast %get3A_86 : i32 to index
      %get3A_88 = arith.index_cast %mul3A_85 : i32 to index
      %get3A_89 = tpu.vector_load %arg5[%get3A_87, %get3A_88] {strides = array<i32>} : memref<4x4096xi32, #tpu.memory_space<vmem>>, vector<16xi32>,
      %ne3A_90 = arith.constant 0 : i32
      %ne3A_91 = vector.broadcast %ne3A_90 : i32 to vector<16xi32>
      %ne3A_92 = arith.cmpi ne, %get3A_89, %ne3A_91 : vector<16xi32>
      %jit3A_93 = arith.constant 1 : i32
      %jit3A_94 = arith.constant 0 : i32
      %broadcast_in_dim3A_95 = vector.broadcast %jit3A_93 : i32 to vector<16xi32>
      %broadcast_in_dim3A_96 = vector.broadcast %jit3A_94 : i32 to vector<16xi32>
      %select_n3A_97 = arith.select %ne3A_92, %broadcast_in_dim3A_95, %broadcast_in_dim3A_96 : vector<16xi1>, vector<16xi32>
      %cumsum3A_98 = arith.constant true
      %cumsum3A_99 = vector.broadcast %cumsum3A_98 : i1 to vector<16xi1>
      %cumsum3A_100 = tpu.scan <sum>, %select_n3A_97 masked %cumsum3A_99 : vector<16xi32>, vector<16xi1> -> vector<16xi32>
      %add3A_101 = vector.broadcast %scan3A_55 : i32 to vector<16xi32>
      %add3A_102 = arith.addi %add3A_101, %cumsum3A_100 : vector<16xi32>
      %mul3A_103 = arith.muli %add3A_102, %select_n3A_97 : vector<16xi32>
      %mul3A_104 = arith.constant 16 : i32
      %mul3A_105 = arith.muli %scan3A_53, %mul3A_104 : i32
      %swap3A_106 = arith.index_cast %mul3A_105 : i32 to index
      %swap3A_107 = tpu.vector_load %arg7[%swap3A_106] {strides = array<i32>} : memref<128xi32, #tpu.memory_space<vmem>>, vector<16xi32>,
      tpu.vector_store %arg7[%swap3A_106], %mul3A_103 {strides = array<i32>} : memref<128xi32, #tpu.memory_space<vmem>>, vector<16xi32>,
      %reduce_sum3A_108 = arith.constant true
      %reduce_sum3A_109 = vector.broadcast %reduce_sum3A_108 : i1 to vector<16xi1>
      %reduce_sum3A_110 = tpu.scan <sum>, %select_n3A_97 masked %reduce_sum3A_109 : vector<16xi32>, vector<16xi1> -> vector<16xi32>
      %reduce_sum3A_111 = vector.extract %reduce_sum3A_110[15] : i32 from vector<16xi32>
      %add3A_112 = arith.addi %scan3A_55, %reduce_sum3A_111 : i32
      %add3A_113 = arith.addi %mul3A_33, %scan3A_53 : i32
      %mul3A_114 = arith.constant 16 : i32
      %mul3A_115 = arith.muli %add3A_113, %mul3A_114 : i32
      %get3A_116 = arith.constant 2 : i32
      %get3A_117 = arith.index_cast %get3A_116 : i32 to index
      %get3A_118 = arith.index_cast %mul3A_115 : i32 to index
      %get3A_119 = tpu.vector_load %arg5[%get3A_117, %get3A_118] {strides = array<i32>} : memref<4x4096xi32, #tpu.memory_space<vmem>>, vector<16xi32>,
      %ne3A_120 = arith.constant 0 : i32
      %ne3A_121 = vector.broadcast %ne3A_120 : i32 to vector<16xi32>
      %ne3A_122 = arith.cmpi ne, %get3A_119, %ne3A_121 : vector<16xi32>
      %jit3A_123 = arith.constant 1 : i32
      %jit3A_124 = arith.constant 0 : i32
      %broadcast_in_dim3A_125 = vector.broadcast %jit3A_123 : i32 to vector<16xi32>
      %broadcast_in_dim3A_126 = vector.broadcast %jit3A_124 : i32 to vector<16xi32>
      %select_n3A_127 = arith.select %ne3A_122, %broadcast_in_dim3A_125, %broadcast_in_dim3A_126 : vector<16xi1>, vector<16xi32>
      %cumsum3A_128 = arith.constant true
      %cumsum3A_129 = vector.broadcast %cumsum3A_128 : i1 to vector<16xi1>
      %cumsum3A_130 = tpu.scan <sum>, %select_n3A_127 masked %cumsum3A_129 : vector<16xi32>, vector<16xi1> -> vector<16xi32>
      %add3A_131 = vector.broadcast %scan3A_56 : i32 to vector<16xi32>
      %add3A_132 = arith.addi %add3A_131, %cumsum3A_130 : vector<16xi32>
      %mul3A_133 = arith.muli %add3A_132, %select_n3A_127 : vector<16xi32>
      %mul3A_134 = arith.constant 16 : i32
      %mul3A_135 = arith.muli %scan3A_53, %mul3A_134 : i32
      %swap3A_136 = arith.index_cast %mul3A_135 : i32 to index
      %swap3A_137 = tpu.vector_load %arg8[%swap3A_136] {strides = array<i32>} : memref<128xi32, #tpu.memory_space<vmem>>, vector<16xi32>,
      tpu.vector_store %arg8[%swap3A_136], %mul3A_133 {strides = array<i32>} : memref<128xi32, #tpu.memory_space<vmem>>, vector<16xi32>,
      %reduce_sum3A_138 = arith.constant true
      %reduce_sum3A_139 = vector.broadcast %reduce_sum3A_138 : i1 to vector<16xi1>
      %reduce_sum3A_140 = tpu.scan <sum>, %select_n3A_127 masked %reduce_sum3A_139 : vector<16xi32>, vector<16xi1> -> vector<16xi32>
      %reduce_sum3A_141 = vector.extract %reduce_sum3A_140[15] : i32 from vector<16xi32>
      %add3A_142 = arith.addi %scan3A_56, %reduce_sum3A_141 : i32
      %add3A_143 = arith.addi %mul3A_33, %scan3A_53 : i32
      %mul3A_144 = arith.constant 16 : i32
      %mul3A_145 = arith.muli %add3A_143, %mul3A_144 : i32
      %get3A_146 = arith.constant 3 : i32
      %get3A_147 = arith.index_cast %get3A_146 : i32 to index
      %get3A_148 = arith.index_cast %mul3A_145 : i32 to index
      %get3A_149 = tpu.vector_load %arg5[%get3A_147, %get3A_148] {strides = array<i32>} : memref<4x4096xi32, #tpu.memory_space<vmem>>, vector<16xi32>,
      %ne3A_150 = arith.constant 0 : i32
      %ne3A_151 = vector.broadcast %ne3A_150 : i32 to vector<16xi32>
      %ne3A_152 = arith.cmpi ne, %get3A_149, %ne3A_151 : vector<16xi32>
      %jit3A_153 = arith.constant 1 : i32
      %jit3A_154 = arith.constant 0 : i32
      %broadcast_in_dim3A_155 = vector.broadcast %jit3A_153 : i32 to vector<16xi32>
      %broadcast_in_dim3A_156 = vector.broadcast %jit3A_154 : i32 to vector<16xi32>
      %select_n3A_157 = arith.select %ne3A_152, %broadcast_in_dim3A_155, %broadcast_in_dim3A_156 : vector<16xi1>, vector<16xi32>
      %cumsum3A_158 = arith.constant true
      %cumsum3A_159 = vector.broadcast %cumsum3A_158 : i1 to vector<16xi1>
      %cumsum3A_160 = tpu.scan <sum>, %select_n3A_157 masked %cumsum3A_159 : vector<16xi32>, vector<16xi1> -> vector<16xi32>
      %add3A_161 = vector.broadcast %scan3A_57 : i32 to vector<16xi32>
      %add3A_162 = arith.addi %add3A_161, %cumsum3A_160 : vector<16xi32>
      %mul3A_163 = arith.muli %add3A_162, %select_n3A_157 : vector<16xi32>
      %mul3A_164 = arith.constant 16 : i32
      %mul3A_165 = arith.muli %scan3A_53, %mul3A_164 : i32
      %swap3A_166 = arith.index_cast %mul3A_165 : i32 to index
      %swap3A_167 = tpu.vector_load %arg9[%swap3A_166] {strides = array<i32>} : memref<128xi32, #tpu.memory_space<vmem>>, vector<16xi32>,
      tpu.vector_store %arg9[%swap3A_166], %mul3A_163 {strides = array<i32>} : memref<128xi32, #tpu.memory_space<vmem>>, vector<16xi32>,
      %reduce_sum3A_168 = arith.constant true
      %reduce_sum3A_169 = vector.broadcast %reduce_sum3A_168 : i1 to vector<16xi1>
      %reduce_sum3A_170 = tpu.scan <sum>, %select_n3A_157 masked %reduce_sum3A_169 : vector<16xi32>, vector<16xi1> -> vector<16xi32>
      %reduce_sum3A_171 = vector.extract %reduce_sum3A_170[15] : i32 from vector<16xi32>
      %add3A_172 = arith.addi %scan3A_57, %reduce_sum3A_171 : i32
      %sub3A = arith.subi %select_n3A_97, %select_n3A : vector<16xi32>
      %abs3A = math.absi %sub3A : vector<16xi32>
      %add3A_173 = arith.addi %scan3A_58, %abs3A : vector<16xi32>
      %sub3A_174 = arith.subi %select_n3A_127, %select_n3A : vector<16xi32>
      %abs3A_175 = math.absi %sub3A_174 : vector<16xi32>
      %add3A_176 = arith.addi %add3A_173, %abs3A_175 : vector<16xi32>
      %sub3A_177 = arith.subi %select_n3A_157, %select_n3A : vector<16xi32>
      %abs3A_178 = math.absi %sub3A_177 : vector<16xi32>
      %add3A_179 = arith.addi %add3A_176, %abs3A_178 : vector<16xi32>
      scf.yield %add3A_82, %add3A_112, %add3A_142, %add3A_172, %add3A_179 : i32, i32, i32, i32, vector<16xi32>
    }
    %scan3A_38 = arith.constant 8 : i32
    %reduce_sum3A_39 = arith.constant true
    %reduce_sum3A_40 = vector.broadcast %reduce_sum3A_39 : i1 to vector<16xi1>
    %reduce_sum3A_41 = tpu.scan <sum>, %scan3A_37#4 masked %reduce_sum3A_40 : vector<16xi32>, vector<16xi1> -> vector<16xi32>
    %reduce_sum3A_42 = vector.extract %reduce_sum3A_41[15] : i32 from vector<16xi32>
    %eq3A_43 = arith.constant 0 : i32
    %eq3A_44 = arith.cmpi eq, %reduce_sum3A_42, %eq3A_43 : i32
    %and3A_45 = arith.andi %and3A_31, %eq3A_44 : i1
    %mul3A_46 = arith.constant 128 : i32
    %mul3A_47 = arith.muli %add3A, %mul3A_46 : i32
    %convert_element_type3A = arith.extui %and3A_45 : i1 to i32
    %cond3A = arith.constant 0 : i32
    %cond3A_48 = arith.cmpi ne, %convert_element_type3A, %cond3A : i32
    scf.if %cond3A_48 {
      %add3A_53 = arith.constant 0 : i32
      %add3A_54 = arith.addi %add3A_53, %mul3A_47 : i32
      %add3A_55 = arith.constant 0 : i32
      %add3A_56 = arith.addi %add3A_54, %add3A_55 : i32
      %add3A_57 = arith.constant 4096 : i32
      %add3A_58 = arith.addi %add3A_57, %mul3A_47 : i32
      %add3A_59 = arith.constant 0 : i32
      %add3A_60 = arith.addi %add3A_58, %add3A_59 : i32
      %add3A_61 = arith.constant 8192 : i32
      %add3A_62 = arith.addi %add3A_61, %mul3A_47 : i32
      %add3A_63 = arith.constant 0 : i32
      %add3A_64 = arith.addi %add3A_62, %add3A_63 : i32
      %add3A_65 = arith.constant 12288 : i32
      %add3A_66 = arith.addi %add3A_65, %mul3A_47 : i32
      %add3A_67 = arith.constant 0 : i32
      %add3A_68 = arith.addi %add3A_66, %add3A_67 : i32
      %add3A_69 = arith.constant 0 : i32
      %add3A_70 = arith.addi %add3A_69, %mul3A_47 : i32
      %add3A_71 = arith.constant 16 : i32
      %add3A_72 = arith.addi %add3A_70, %add3A_71 : i32
      %add3A_73 = arith.constant 4096 : i32
      %add3A_74 = arith.addi %add3A_73, %mul3A_47 : i32
      %add3A_75 = arith.constant 16 : i32
      %add3A_76 = arith.addi %add3A_74, %add3A_75 : i32
      %add3A_77 = arith.constant 8192 : i32
      %add3A_78 = arith.addi %add3A_77, %mul3A_47 : i32
      %add3A_79 = arith.constant 16 : i32
      %add3A_80 = arith.addi %add3A_78, %add3A_79 : i32
      %add3A_81 = arith.constant 12288 : i32
      %add3A_82 = arith.addi %add3A_81, %mul3A_47 : i32
      %add3A_83 = arith.constant 16 : i32
      %add3A_84 = arith.addi %add3A_82, %add3A_83 : i32
      %add3A_85 = arith.constant 0 : i32
      %add3A_86 = arith.addi %add3A_85, %mul3A_47 : i32
      %add3A_87 = arith.constant 32 : i32
      %add3A_88 = arith.addi %add3A_86, %add3A_87 : i32
      %add3A_89 = arith.constant 4096 : i32
      %add3A_90 = arith.addi %add3A_89, %mul3A_47 : i32
      %add3A_91 = arith.constant 32 : i32
      %add3A_92 = arith.addi %add3A_90, %add3A_91 : i32
      %add3A_93 = arith.constant 8192 : i32
      %add3A_94 = arith.addi %add3A_93, %mul3A_47 : i32
      %add3A_95 = arith.constant 32 : i32
      %add3A_96 = arith.addi %add3A_94, %add3A_95 : i32
      %add3A_97 = arith.constant 12288 : i32
      %add3A_98 = arith.addi %add3A_97, %mul3A_47 : i32
      %add3A_99 = arith.constant 32 : i32
      %add3A_100 = arith.addi %add3A_98, %add3A_99 : i32
      %add3A_101 = arith.constant 0 : i32
      %add3A_102 = arith.addi %add3A_101, %mul3A_47 : i32
      %add3A_103 = arith.constant 48 : i32
      %add3A_104 = arith.addi %add3A_102, %add3A_103 : i32
      %add3A_105 = arith.constant 4096 : i32
      %add3A_106 = arith.addi %add3A_105, %mul3A_47 : i32
      %add3A_107 = arith.constant 48 : i32
      %add3A_108 = arith.addi %add3A_106, %add3A_107 : i32
      %add3A_109 = arith.constant 8192 : i32
      %add3A_110 = arith.addi %add3A_109, %mul3A_47 : i32
      %add3A_111 = arith.constant 48 : i32
      %add3A_112 = arith.addi %add3A_110, %add3A_111 : i32
      %add3A_113 = arith.constant 12288 : i32
      %add3A_114 = arith.addi %add3A_113, %mul3A_47 : i32
      %add3A_115 = arith.constant 48 : i32
      %add3A_116 = arith.addi %add3A_114, %add3A_115 : i32
      %add3A_117 = arith.constant 0 : i32
      %add3A_118 = arith.addi %add3A_117, %mul3A_47 : i32
      %add3A_119 = arith.constant 64 : i32
      %add3A_120 = arith.addi %add3A_118, %add3A_119 : i32
      %add3A_121 = arith.constant 4096 : i32
      %add3A_122 = arith.addi %add3A_121, %mul3A_47 : i32
      %add3A_123 = arith.constant 64 : i32
      %add3A_124 = arith.addi %add3A_122, %add3A_123 : i32
      %add3A_125 = arith.constant 8192 : i32
      %add3A_126 = arith.addi %add3A_125, %mul3A_47 : i32
      %add3A_127 = arith.constant 64 : i32
      %add3A_128 = arith.addi %add3A_126, %add3A_127 : i32
      %add3A_129 = arith.constant 12288 : i32
      %add3A_130 = arith.addi %add3A_129, %mul3A_47 : i32
      %add3A_131 = arith.constant 64 : i32
      %add3A_132 = arith.addi %add3A_130, %add3A_131 : i32
      %add3A_133 = arith.constant 0 : i32
      %add3A_134 = arith.addi %add3A_133, %mul3A_47 : i32
      %add3A_135 = arith.constant 80 : i32
      %add3A_136 = arith.addi %add3A_134, %add3A_135 : i32
      %add3A_137 = arith.constant 4096 : i32
      %add3A_138 = arith.addi %add3A_137, %mul3A_47 : i32
      %add3A_139 = arith.constant 80 : i32
      %add3A_140 = arith.addi %add3A_138, %add3A_139 : i32
      %add3A_141 = arith.constant 8192 : i32
      %add3A_142 = arith.addi %add3A_141, %mul3A_47 : i32
      %add3A_143 = arith.constant 80 : i32
      %add3A_144 = arith.addi %add3A_142, %add3A_143 : i32
      %add3A_145 = arith.constant 12288 : i32
      %add3A_146 = arith.addi %add3A_145, %mul3A_47 : i32
      %add3A_147 = arith.constant 80 : i32
      %add3A_148 = arith.addi %add3A_146, %add3A_147 : i32
      %add3A_149 = arith.constant 0 : i32
      %add3A_150 = arith.addi %add3A_149, %mul3A_47 : i32
      %add3A_151 = arith.constant 96 : i32
      %add3A_152 = arith.addi %add3A_150, %add3A_151 : i32
      %add3A_153 = arith.constant 4096 : i32
      %add3A_154 = arith.addi %add3A_153, %mul3A_47 : i32
      %add3A_155 = arith.constant 96 : i32
      %add3A_156 = arith.addi %add3A_154, %add3A_155 : i32
      %add3A_157 = arith.constant 8192 : i32
      %add3A_158 = arith.addi %add3A_157, %mul3A_47 : i32
      %add3A_159 = arith.constant 96 : i32
      %add3A_160 = arith.addi %add3A_158, %add3A_159 : i32
      %add3A_161 = arith.constant 12288 : i32
      %add3A_162 = arith.addi %add3A_161, %mul3A_47 : i32
      %add3A_163 = arith.constant 96 : i32
      %add3A_164 = arith.addi %add3A_162, %add3A_163 : i32
      %add3A_165 = arith.constant 0 : i32
      %add3A_166 = arith.addi %add3A_165, %mul3A_47 : i32
      %add3A_167 = arith.constant 112 : i32
      %add3A_168 = arith.addi %add3A_166, %add3A_167 : i32
      %add3A_169 = arith.constant 4096 : i32
      %add3A_170 = arith.addi %add3A_169, %mul3A_47 : i32
      %add3A_171 = arith.constant 112 : i32
      %add3A_172 = arith.addi %add3A_170, %add3A_171 : i32
      %add3A_173 = arith.constant 8192 : i32
      %add3A_174 = arith.addi %add3A_173, %mul3A_47 : i32
      %add3A_175 = arith.constant 112 : i32
      %add3A_176 = arith.addi %add3A_174, %add3A_175 : i32
      %add3A_177 = arith.constant 12288 : i32
      %add3A_178 = arith.addi %add3A_177, %mul3A_47 : i32
      %add3A_179 = arith.constant 112 : i32
      %add3A_180 = arith.addi %add3A_178, %add3A_179 : i32
      %dma_start3A = arith.constant 0 : i32
      %dma_start3A_181 = tpu.memref_slice %arg6[%dma_start3A] : memref<128xi32, #tpu.memory_space<vmem>> -> memref<16xi32, #tpu.memory_space<vmem>>
      %dma_start3A_182 = arith.constant 0 : i32
      %dma_start3A_183 = arith.constant 0 : i32
      %dma_start3A_184 = tpu.memref_slice %arg3[%dma_start3A_182, %dma_start3A_183] : memref<4097x1024xf32, #tpu.memory_space<hbm>> -> memref<4097x1024xf32, #tpu.memory_space<hbm>>
      tpu.enqueue_indirect_dma source(%dma_start3A_184 : memref<4097x1024xf32, #tpu.memory_space<hbm>>) target(%arg10 : memref<16x1024xf32, #tpu.memory_space<vmem>>) offsets(%dma_start3A_181 : memref<16xi32, #tpu.memory_space<vmem>>) semaphore(%arg14 : memref<!tpu.dma_semaphore, #tpu.memory_space<semaphore_mem>>)
      %dma_start3A_185 = arith.constant 16 : i32
      %dma_start3A_186 = tpu.memref_slice %arg6[%dma_start3A_185] : memref<128xi32, #tpu.memory_space<vmem>> -> memref<16xi32, #tpu.memory_space<vmem>>
      %dma_start3A_187 = arith.constant 0 : i32
      %dma_start3A_188 = arith.constant 0 : i32
      %dma_start3A_189 = tpu.memref_slice %arg3[%dma_start3A_187, %dma_start3A_188] : memref<4097x1024xf32, #tpu.memory_space<hbm>> -> memref<4097x1024xf32, #tpu.memory_space<hbm>>
      tpu.enqueue_indirect_dma source(%dma_start3A_189 : memref<4097x1024xf32, #tpu.memory_space<hbm>>) target(%arg11 : memref<16x1024xf32, #tpu.memory_space<vmem>>) offsets(%dma_start3A_186 : memref<16xi32, #tpu.memory_space<vmem>>) semaphore(%arg15 : memref<!tpu.dma_semaphore, #tpu.memory_space<semaphore_mem>>)
      %dma_wait3A = arith.constant 0 : i32
      %dma_wait3A_190 = tpu.memref_slice %arg6[%dma_wait3A] : memref<128xi32, #tpu.memory_space<vmem>> -> memref<16xi32, #tpu.memory_space<vmem>>
      %dma_wait3A_191 = arith.constant 0 : i32
      %dma_wait3A_192 = arith.constant 0 : i32
      %dma_wait3A_193 = tpu.memref_slice %arg3[%dma_wait3A_191, %dma_wait3A_192] : memref<4097x1024xf32, #tpu.memory_space<hbm>> -> memref<4097x1024xf32, #tpu.memory_space<hbm>>
      tpu.wait_indirect_dma semaphore(%arg14 : memref<!tpu.dma_semaphore, #tpu.memory_space<semaphore_mem>>) src(%dma_wait3A_193 : memref<4097x1024xf32, #tpu.memory_space<hbm>>) dst(%arg10 : memref<16x1024xf32, #tpu.memory_space<vmem>>)
      %dma_start3A_194 = arith.constant 32 : i32
      %dma_start3A_195 = tpu.memref_slice %arg6[%dma_start3A_194] : memref<128xi32, #tpu.memory_space<vmem>> -> memref<16xi32, #tpu.memory_space<vmem>>
      %dma_start3A_196 = arith.constant 0 : i32
      %dma_start3A_197 = arith.constant 0 : i32
      %dma_start3A_198 = tpu.memref_slice %arg3[%dma_start3A_196, %dma_start3A_197] : memref<4097x1024xf32, #tpu.memory_space<hbm>> -> memref<4097x1024xf32, #tpu.memory_space<hbm>>
      tpu.enqueue_indirect_dma source(%dma_start3A_198 : memref<4097x1024xf32, #tpu.memory_space<hbm>>) target(%arg12 : memref<16x1024xf32, #tpu.memory_space<vmem>>) offsets(%dma_start3A_195 : memref<16xi32, #tpu.memory_space<vmem>>) semaphore(%arg14 : memref<!tpu.dma_semaphore, #tpu.memory_space<semaphore_mem>>)
      %dma_start3A_199 = arith.constant 0 : i32
      %dma_start3A_200 = tpu.memref_slice %arg4[%add3A_56, %dma_start3A_199] : memref<16384x1024xf32, #tpu.memory_space<hbm>> -> memref<16x1024xf32, #tpu.memory_space<hbm>>
      %dma_start3A_201 = arith.constant 0 : i32
      %dma_start3A_202 = tpu.memref_slice %arg4[%add3A_56, %dma_start3A_201] : memref<16384x1024xf32, #tpu.memory_space<hbm>> -> memref<16x1024xf32, #tpu.memory_space<hbm>>
      tpu.enqueue_dma source(%arg10 : memref<16x1024xf32, #tpu.memory_space<vmem>>) target(%dma_start3A_202 : memref<16x1024xf32, #tpu.memory_space<hbm>>) target_semaphore(%arg16 : memref<!tpu.dma_semaphore, #tpu.memory_space<semaphore_mem>>)
      %dma_start3A_203 = arith.constant 0 : i32
      %dma_start3A_204 = tpu.memref_slice %arg4[%add3A_60, %dma_start3A_203] : memref<16384x1024xf32, #tpu.memory_space<hbm>> -> memref<16x1024xf32, #tpu.memory_space<hbm>>
      %dma_start3A_205 = arith.constant 0 : i32
      %dma_start3A_206 = tpu.memref_slice %arg4[%add3A_60, %dma_start3A_205] : memref<16384x1024xf32, #tpu.memory_space<hbm>> -> memref<16x1024xf32, #tpu.memory_space<hbm>>
      tpu.enqueue_dma source(%arg10 : memref<16x1024xf32, #tpu.memory_space<vmem>>) target(%dma_start3A_206 : memref<16x1024xf32, #tpu.memory_space<hbm>>) target_semaphore(%arg16 : memref<!tpu.dma_semaphore, #tpu.memory_space<semaphore_mem>>)
      %dma_start3A_207 = arith.constant 0 : i32
      %dma_start3A_208 = tpu.memref_slice %arg4[%add3A_64, %dma_start3A_207] : memref<16384x1024xf32, #tpu.memory_space<hbm>> -> memref<16x1024xf32, #tpu.memory_space<hbm>>
      %dma_start3A_209 = arith.constant 0 : i32
      %dma_start3A_210 = tpu.memref_slice %arg4[%add3A_64, %dma_start3A_209] : memref<16384x1024xf32, #tpu.memory_space<hbm>> -> memref<16x1024xf32, #tpu.memory_space<hbm>>
      tpu.enqueue_dma source(%arg10 : memref<16x1024xf32, #tpu.memory_space<vmem>>) target(%dma_start3A_210 : memref<16x1024xf32, #tpu.memory_space<hbm>>) target_semaphore(%arg16 : memref<!tpu.dma_semaphore, #tpu.memory_space<semaphore_mem>>)
      %dma_start3A_211 = arith.constant 0 : i32
      %dma_start3A_212 = tpu.memref_slice %arg4[%add3A_68, %dma_start3A_211] : memref<16384x1024xf32, #tpu.memory_space<hbm>> -> memref<16x1024xf32, #tpu.memory_space<hbm>>
      %dma_start3A_213 = arith.constant 0 : i32
      %dma_start3A_214 = tpu.memref_slice %arg4[%add3A_68, %dma_start3A_213] : memref<16384x1024xf32, #tpu.memory_space<hbm>> -> memref<16x1024xf32, #tpu.memory_space<hbm>>
      tpu.enqueue_dma source(%arg10 : memref<16x1024xf32, #tpu.memory_space<vmem>>) target(%dma_start3A_214 : memref<16x1024xf32, #tpu.memory_space<hbm>>) target_semaphore(%arg16 : memref<!tpu.dma_semaphore, #tpu.memory_space<semaphore_mem>>)
      %dma_wait3A_215 = arith.constant 16 : i32
      %dma_wait3A_216 = tpu.memref_slice %arg6[%dma_wait3A_215] : memref<128xi32, #tpu.memory_space<vmem>> -> memref<16xi32, #tpu.memory_space<vmem>>
      %dma_wait3A_217 = arith.constant 0 : i32
      %dma_wait3A_218 = arith.constant 0 : i32
      %dma_wait3A_219 = tpu.memref_slice %arg3[%dma_wait3A_217, %dma_wait3A_218] : memref<4097x1024xf32, #tpu.memory_space<hbm>> -> memref<4097x1024xf32, #tpu.memory_space<hbm>>
      tpu.wait_indirect_dma semaphore(%arg15 : memref<!tpu.dma_semaphore, #tpu.memory_space<semaphore_mem>>) src(%dma_wait3A_219 : memref<4097x1024xf32, #tpu.memory_space<hbm>>) dst(%arg11 : memref<16x1024xf32, #tpu.memory_space<vmem>>)
      %dma_start3A_220 = arith.constant 48 : i32
      %dma_start3A_221 = tpu.memref_slice %arg6[%dma_start3A_220] : memref<128xi32, #tpu.memory_space<vmem>> -> memref<16xi32, #tpu.memory_space<vmem>>
      %dma_start3A_222 = arith.constant 0 : i32
      %dma_start3A_223 = arith.constant 0 : i32
      %dma_start3A_224 = tpu.memref_slice %arg3[%dma_start3A_222, %dma_start3A_223] : memref<4097x1024xf32, #tpu.memory_space<hbm>> -> memref<4097x1024xf32, #tpu.memory_space<hbm>>
      tpu.enqueue_indirect_dma source(%dma_start3A_224 : memref<4097x1024xf32, #tpu.memory_space<hbm>>) target(%arg13 : memref<16x1024xf32, #tpu.memory_space<vmem>>) offsets(%dma_start3A_221 : memref<16xi32, #tpu.memory_space<vmem>>) semaphore(%arg15 : memref<!tpu.dma_semaphore, #tpu.memory_space<semaphore_mem>>)
      %dma_start3A_225 = arith.constant 0 : i32
      %dma_start3A_226 = tpu.memref_slice %arg4[%add3A_72, %dma_start3A_225] : memref<16384x1024xf32, #tpu.memory_space<hbm>> -> memref<16x1024xf32, #tpu.memory_space<hbm>>
      %dma_start3A_227 = arith.constant 0 : i32
      %dma_start3A_228 = tpu.memref_slice %arg4[%add3A_72, %dma_start3A_227] : memref<16384x1024xf32, #tpu.memory_space<hbm>> -> memref<16x1024xf32, #tpu.memory_space<hbm>>
      tpu.enqueue_dma source(%arg11 : memref<16x1024xf32, #tpu.memory_space<vmem>>) target(%dma_start3A_228 : memref<16x1024xf32, #tpu.memory_space<hbm>>) target_semaphore(%arg17 : memref<!tpu.dma_semaphore, #tpu.memory_space<semaphore_mem>>)
      %dma_start3A_229 = arith.constant 0 : i32
      %dma_start3A_230 = tpu.memref_slice %arg4[%add3A_76, %dma_start3A_229] : memref<16384x1024xf32, #tpu.memory_space<hbm>> -> memref<16x1024xf32, #tpu.memory_space<hbm>>
      %dma_start3A_231 = arith.constant 0 : i32
      %dma_start3A_232 = tpu.memref_slice %arg4[%add3A_76, %dma_start3A_231] : memref<16384x1024xf32, #tpu.memory_space<hbm>> -> memref<16x1024xf32, #tpu.memory_space<hbm>>
      tpu.enqueue_dma source(%arg11 : memref<16x1024xf32, #tpu.memory_space<vmem>>) target(%dma_start3A_232 : memref<16x1024xf32, #tpu.memory_space<hbm>>) target_semaphore(%arg17 : memref<!tpu.dma_semaphore, #tpu.memory_space<semaphore_mem>>)
      %dma_start3A_233 = arith.constant 0 : i32
      %dma_start3A_234 = tpu.memref_slice %arg4[%add3A_80, %dma_start3A_233] : memref<16384x1024xf32, #tpu.memory_space<hbm>> -> memref<16x1024xf32, #tpu.memory_space<hbm>>
      %dma_start3A_235 = arith.constant 0 : i32
      %dma_start3A_236 = tpu.memref_slice %arg4[%add3A_80, %dma_start3A_235] : memref<16384x1024xf32, #tpu.memory_space<hbm>> -> memref<16x1024xf32, #tpu.memory_space<hbm>>
      tpu.enqueue_dma source(%arg11 : memref<16x1024xf32, #tpu.memory_space<vmem>>) target(%dma_start3A_236 : memref<16x1024xf32, #tpu.memory_space<hbm>>) target_semaphore(%arg17 : memref<!tpu.dma_semaphore, #tpu.memory_space<semaphore_mem>>)
      %dma_start3A_237 = arith.constant 0 : i32
      %dma_start3A_238 = tpu.memref_slice %arg4[%add3A_84, %dma_start3A_237] : memref<16384x1024xf32, #tpu.memory_space<hbm>> -> memref<16x1024xf32, #tpu.memory_space<hbm>>
      %dma_start3A_239 = arith.constant 0 : i32
      %dma_start3A_240 = tpu.memref_slice %arg4[%add3A_84, %dma_start3A_239] : memref<16384x1024xf32, #tpu.memory_space<hbm>> -> memref<16x1024xf32, #tpu.memory_space<hbm>>
      tpu.enqueue_dma source(%arg11 : memref<16x1024xf32, #tpu.memory_space<vmem>>) target(%dma_start3A_240 : memref<16x1024xf32, #tpu.memory_space<hbm>>) target_semaphore(%arg17 : memref<!tpu.dma_semaphore, #tpu.memory_space<semaphore_mem>>)
      %dma_wait3A_241 = arith.constant 32 : i32
      %dma_wait3A_242 = tpu.memref_slice %arg6[%dma_wait3A_241] : memref<128xi32, #tpu.memory_space<vmem>> -> memref<16xi32, #tpu.memory_space<vmem>>
      %dma_wait3A_243 = arith.constant 0 : i32
      %dma_wait3A_244 = arith.constant 0 : i32
      %dma_wait3A_245 = tpu.memref_slice %arg3[%dma_wait3A_243, %dma_wait3A_244] : memref<4097x1024xf32, #tpu.memory_space<hbm>> -> memref<4097x1024xf32, #tpu.memory_space<hbm>>
      tpu.wait_indirect_dma semaphore(%arg14 : memref<!tpu.dma_semaphore, #tpu.memory_space<semaphore_mem>>) src(%dma_wait3A_245 : memref<4097x1024xf32, #tpu.memory_space<hbm>>) dst(%arg12 : memref<16x1024xf32, #tpu.memory_space<vmem>>)
      %dma_wait3A_246 = arith.constant 0 : i32
      %dma_wait3A_247 = tpu.memref_slice %arg4[%add3A_56, %dma_wait3A_246] : memref<16384x1024xf32, #tpu.memory_space<hbm>> -> memref<16x1024xf32, #tpu.memory_space<hbm>>
      %dma_wait3A_248 = arith.constant 0 : i32
      %dma_wait3A_249 = tpu.memref_slice %arg4[%add3A_56, %dma_wait3A_248] : memref<16384x1024xf32, #tpu.memory_space<hbm>> -> memref<16x1024xf32, #tpu.memory_space<hbm>>
      tpu.wait_dma2 semaphore(%arg16 : memref<!tpu.dma_semaphore, #tpu.memory_space<semaphore_mem>>) src(%arg10 : memref<16x1024xf32, #tpu.memory_space<vmem>>) dst(%dma_wait3A_249 : memref<16x1024xf32, #tpu.memory_space<hbm>>)
      %dma_wait3A_250 = arith.constant 0 : i32
      %dma_wait3A_251 = tpu.memref_slice %arg4[%add3A_60, %dma_wait3A_250] : memref<16384x1024xf32, #tpu.memory_space<hbm>> -> memref<16x1024xf32, #tpu.memory_space<hbm>>
      %dma_wait3A_252 = arith.constant 0 : i32
      %dma_wait3A_253 = tpu.memref_slice %arg4[%add3A_60, %dma_wait3A_252] : memref<16384x1024xf32, #tpu.memory_space<hbm>> -> memref<16x1024xf32, #tpu.memory_space<hbm>>
      tpu.wait_dma2 semaphore(%arg16 : memref<!tpu.dma_semaphore, #tpu.memory_space<semaphore_mem>>) src(%arg10 : memref<16x1024xf32, #tpu.memory_space<vmem>>) dst(%dma_wait3A_253 : memref<16x1024xf32, #tpu.memory_space<hbm>>)
      %dma_wait3A_254 = arith.constant 0 : i32
      %dma_wait3A_255 = tpu.memref_slice %arg4[%add3A_64, %dma_wait3A_254] : memref<16384x1024xf32, #tpu.memory_space<hbm>> -> memref<16x1024xf32, #tpu.memory_space<hbm>>
      %dma_wait3A_256 = arith.constant 0 : i32
      %dma_wait3A_257 = tpu.memref_slice %arg4[%add3A_64, %dma_wait3A_256] : memref<16384x1024xf32, #tpu.memory_space<hbm>> -> memref<16x1024xf32, #tpu.memory_space<hbm>>
      tpu.wait_dma2 semaphore(%arg16 : memref<!tpu.dma_semaphore, #tpu.memory_space<semaphore_mem>>) src(%arg10 : memref<16x1024xf32, #tpu.memory_space<vmem>>) dst(%dma_wait3A_257 : memref<16x1024xf32, #tpu.memory_space<hbm>>)
      %dma_wait3A_258 = arith.constant 0 : i32
      %dma_wait3A_259 = tpu.memref_slice %arg4[%add3A_68, %dma_wait3A_258] : memref<16384x1024xf32, #tpu.memory_space<hbm>> -> memref<16x1024xf32, #tpu.memory_space<hbm>>
      %dma_wait3A_260 = arith.constant 0 : i32
      %dma_wait3A_261 = tpu.memref_slice %arg4[%add3A_68, %dma_wait3A_260] : memref<16384x1024xf32, #tpu.memory_space<hbm>> -> memref<16x1024xf32, #tpu.memory_space<hbm>>
      tpu.wait_dma2 semaphore(%arg16 : memref<!tpu.dma_semaphore, #tpu.memory_space<semaphore_mem>>) src(%arg10 : memref<16x1024xf32, #tpu.memory_space<vmem>>) dst(%dma_wait3A_261 : memref<16x1024xf32, #tpu.memory_space<hbm>>)
      %dma_start3A_262 = arith.constant 64 : i32
      %dma_start3A_263 = tpu.memref_slice %arg6[%dma_start3A_262] : memref<128xi32, #tpu.memory_space<vmem>> -> memref<16xi32, #tpu.memory_space<vmem>>
      %dma_start3A_264 = arith.constant 0 : i32
      %dma_start3A_265 = arith.constant 0 : i32
      %dma_start3A_266 = tpu.memref_slice %arg3[%dma_start3A_264, %dma_start3A_265] : memref<4097x1024xf32, #tpu.memory_space<hbm>> -> memref<4097x1024xf32, #tpu.memory_space<hbm>>
      tpu.enqueue_indirect_dma source(%dma_start3A_266 : memref<4097x1024xf32, #tpu.memory_space<hbm>>) target(%arg10 : memref<16x1024xf32, #tpu.memory_space<vmem>>) offsets(%dma_start3A_263 : memref<16xi32, #tpu.memory_space<vmem>>) semaphore(%arg14 : memref<!tpu.dma_semaphore, #tpu.memory_space<semaphore_mem>>)
      %dma_start3A_267 = arith.constant 0 : i32
      %dma_start3A_268 = tpu.memref_slice %arg4[%add3A_88, %dma_start3A_267] : memref<16384x1024xf32, #tpu.memory_space<hbm>> -> memref<16x1024xf32, #tpu.memory_space<hbm>>
      %dma_start3A_269 = arith.constant 0 : i32
      %dma_start3A_270 = tpu.memref_slice %arg4[%add3A_88, %dma_start3A_269] : memref<16384x1024xf32, #tpu.memory_space<hbm>> -> memref<16x1024xf32, #tpu.memory_space<hbm>>
      tpu.enqueue_dma source(%arg12 : memref<16x1024xf32, #tpu.memory_space<vmem>>) target(%dma_start3A_270 : memref<16x1024xf32, #tpu.memory_space<hbm>>) target_semaphore(%arg18 : memref<!tpu.dma_semaphore, #tpu.memory_space<semaphore_mem>>)
      %dma_start3A_271 = arith.constant 0 : i32
      %dma_start3A_272 = tpu.memref_slice %arg4[%add3A_92, %dma_start3A_271] : memref<16384x1024xf32, #tpu.memory_space<hbm>> -> memref<16x1024xf32, #tpu.memory_space<hbm>>
      %dma_start3A_273 = arith.constant 0 : i32
      %dma_start3A_274 = tpu.memref_slice %arg4[%add3A_92, %dma_start3A_273] : memref<16384x1024xf32, #tpu.memory_space<hbm>> -> memref<16x1024xf32, #tpu.memory_space<hbm>>
      tpu.enqueue_dma source(%arg12 : memref<16x1024xf32, #tpu.memory_space<vmem>>) target(%dma_start3A_274 : memref<16x1024xf32, #tpu.memory_space<hbm>>) target_semaphore(%arg18 : memref<!tpu.dma_semaphore, #tpu.memory_space<semaphore_mem>>)
      %dma_start3A_275 = arith.constant 0 : i32
      %dma_start3A_276 = tpu.memref_slice %arg4[%add3A_96, %dma_start3A_275] : memref<16384x1024xf32, #tpu.memory_space<hbm>> -> memref<16x1024xf32, #tpu.memory_space<hbm>>
      %dma_start3A_277 = arith.constant 0 : i32
      %dma_start3A_278 = tpu.memref_slice %arg4[%add3A_96, %dma_start3A_277] : memref<16384x1024xf32, #tpu.memory_space<hbm>> -> memref<16x1024xf32, #tpu.memory_space<hbm>>
      tpu.enqueue_dma source(%arg12 : memref<16x1024xf32, #tpu.memory_space<vmem>>) target(%dma_start3A_278 : memref<16x1024xf32, #tpu.memory_space<hbm>>) target_semaphore(%arg18 : memref<!tpu.dma_semaphore, #tpu.memory_space<semaphore_mem>>)
      %dma_start3A_279 = arith.constant 0 : i32
      %dma_start3A_280 = tpu.memref_slice %arg4[%add3A_100, %dma_start3A_279] : memref<16384x1024xf32, #tpu.memory_space<hbm>> -> memref<16x1024xf32, #tpu.memory_space<hbm>>
      %dma_start3A_281 = arith.constant 0 : i32
      %dma_start3A_282 = tpu.memref_slice %arg4[%add3A_100, %dma_start3A_281] : memref<16384x1024xf32, #tpu.memory_space<hbm>> -> memref<16x1024xf32, #tpu.memory_space<hbm>>
      tpu.enqueue_dma source(%arg12 : memref<16x1024xf32, #tpu.memory_space<vmem>>) target(%dma_start3A_282 : memref<16x1024xf32, #tpu.memory_space<hbm>>) target_semaphore(%arg18 : memref<!tpu.dma_semaphore, #tpu.memory_space<semaphore_mem>>)
      %dma_wait3A_283 = arith.constant 48 : i32
      %dma_wait3A_284 = tpu.memref_slice %arg6[%dma_wait3A_283] : memref<128xi32, #tpu.memory_space<vmem>> -> memref<16xi32, #tpu.memory_space<vmem>>
      %dma_wait3A_285 = arith.constant 0 : i32
      %dma_wait3A_286 = arith.constant 0 : i32
      %dma_wait3A_287 = tpu.memref_slice %arg3[%dma_wait3A_285, %dma_wait3A_286] : memref<4097x1024xf32, #tpu.memory_space<hbm>> -> memref<4097x1024xf32, #tpu.memory_space<hbm>>
      tpu.wait_indirect_dma semaphore(%arg15 : memref<!tpu.dma_semaphore, #tpu.memory_space<semaphore_mem>>) src(%dma_wait3A_287 : memref<4097x1024xf32, #tpu.memory_space<hbm>>) dst(%arg13 : memref<16x1024xf32, #tpu.memory_space<vmem>>)
      %dma_wait3A_288 = arith.constant 0 : i32
      %dma_wait3A_289 = tpu.memref_slice %arg4[%add3A_72, %dma_wait3A_288] : memref<16384x1024xf32, #tpu.memory_space<hbm>> -> memref<16x1024xf32, #tpu.memory_space<hbm>>
      %dma_wait3A_290 = arith.constant 0 : i32
      %dma_wait3A_291 = tpu.memref_slice %arg4[%add3A_72, %dma_wait3A_290] : memref<16384x1024xf32, #tpu.memory_space<hbm>> -> memref<16x1024xf32, #tpu.memory_space<hbm>>
      tpu.wait_dma2 semaphore(%arg17 : memref<!tpu.dma_semaphore, #tpu.memory_space<semaphore_mem>>) src(%arg11 : memref<16x1024xf32, #tpu.memory_space<vmem>>) dst(%dma_wait3A_291 : memref<16x1024xf32, #tpu.memory_space<hbm>>)
      %dma_wait3A_292 = arith.constant 0 : i32
      %dma_wait3A_293 = tpu.memref_slice %arg4[%add3A_76, %dma_wait3A_292] : memref<16384x1024xf32, #tpu.memory_space<hbm>> -> memref<16x1024xf32, #tpu.memory_space<hbm>>
      %dma_wait3A_294 = arith.constant 0 : i32
      %dma_wait3A_295 = tpu.memref_slice %arg4[%add3A_76, %dma_wait3A_294] : memref<16384x1024xf32, #tpu.memory_space<hbm>> -> memref<16x1024xf32, #tpu.memory_space<hbm>>
      tpu.wait_dma2 semaphore(%arg17 : memref<!tpu.dma_semaphore, #tpu.memory_space<semaphore_mem>>) src(%arg11 : memref<16x1024xf32, #tpu.memory_space<vmem>>) dst(%dma_wait3A_295 : memref<16x1024xf32, #tpu.memory_space<hbm>>)
      %dma_wait3A_296 = arith.constant 0 : i32
      %dma_wait3A_297 = tpu.memref_slice %arg4[%add3A_80, %dma_wait3A_296] : memref<16384x1024xf32, #tpu.memory_space<hbm>> -> memref<16x1024xf32, #tpu.memory_space<hbm>>
      %dma_wait3A_298 = arith.constant 0 : i32
      %dma_wait3A_299 = tpu.memref_slice %arg4[%add3A_80, %dma_wait3A_298] : memref<16384x1024xf32, #tpu.memory_space<hbm>> -> memref<16x1024xf32, #tpu.memory_space<hbm>>
      tpu.wait_dma2 semaphore(%arg17 : memref<!tpu.dma_semaphore, #tpu.memory_space<semaphore_mem>>) src(%arg11 : memref<16x1024xf32, #tpu.memory_space<vmem>>) dst(%dma_wait3A_299 : memref<16x1024xf32, #tpu.memory_space<hbm>>)
      %dma_wait3A_300 = arith.constant 0 : i32
      %dma_wait3A_301 = tpu.memref_slice %arg4[%add3A_84, %dma_wait3A_300] : memref<16384x1024xf32, #tpu.memory_space<hbm>> -> memref<16x1024xf32, #tpu.memory_space<hbm>>
      %dma_wait3A_302 = arith.constant 0 : i32
      %dma_wait3A_303 = tpu.memref_slice %arg4[%add3A_84, %dma_wait3A_302] : memref<16384x1024xf32, #tpu.memory_space<hbm>> -> memref<16x1024xf32, #tpu.memory_space<hbm>>
      tpu.wait_dma2 semaphore(%arg17 : memref<!tpu.dma_semaphore, #tpu.memory_space<semaphore_mem>>) src(%arg11 : memref<16x1024xf32, #tpu.memory_space<vmem>>) dst(%dma_wait3A_303 : memref<16x1024xf32, #tpu.memory_space<hbm>>)
      %dma_start3A_304 = arith.constant 80 : i32
      %dma_start3A_305 = tpu.memref_slice %arg6[%dma_start3A_304] : memref<128xi32, #tpu.memory_space<vmem>> -> memref<16xi32, #tpu.memory_space<vmem>>
      %dma_start3A_306 = arith.constant 0 : i32
      %dma_start3A_307 = arith.constant 0 : i32
      %dma_start3A_308 = tpu.memref_slice %arg3[%dma_start3A_306, %dma_start3A_307] : memref<4097x1024xf32, #tpu.memory_space<hbm>> -> memref<4097x1024xf32, #tpu.memory_space<hbm>>
      tpu.enqueue_indirect_dma source(%dma_start3A_308 : memref<4097x1024xf32, #tpu.memory_space<hbm>>) target(%arg11 : memref<16x1024xf32, #tpu.memory_space<vmem>>) offsets(%dma_start3A_305 : memref<16xi32, #tpu.memory_space<vmem>>) semaphore(%arg15 : memref<!tpu.dma_semaphore, #tpu.memory_space<semaphore_mem>>)
      %dma_start3A_309 = arith.constant 0 : i32
      %dma_start3A_310 = tpu.memref_slice %arg4[%add3A_104, %dma_start3A_309] : memref<16384x1024xf32, #tpu.memory_space<hbm>> -> memref<16x1024xf32, #tpu.memory_space<hbm>>
      %dma_start3A_311 = arith.constant 0 : i32
      %dma_start3A_312 = tpu.memref_slice %arg4[%add3A_104, %dma_start3A_311] : memref<16384x1024xf32, #tpu.memory_space<hbm>> -> memref<16x1024xf32, #tpu.memory_space<hbm>>
      tpu.enqueue_dma source(%arg13 : memref<16x1024xf32, #tpu.memory_space<vmem>>) target(%dma_start3A_312 : memref<16x1024xf32, #tpu.memory_space<hbm>>) target_semaphore(%arg19 : memref<!tpu.dma_semaphore, #tpu.memory_space<semaphore_mem>>)
      %dma_start3A_313 = arith.constant 0 : i32
      %dma_start3A_314 = tpu.memref_slice %arg4[%add3A_108, %dma_start3A_313] : memref<16384x1024xf32, #tpu.memory_space<hbm>> -> memref<16x1024xf32, #tpu.memory_space<hbm>>
      %dma_start3A_315 = arith.constant 0 : i32
      %dma_start3A_316 = tpu.memref_slice %arg4[%add3A_108, %dma_start3A_315] : memref<16384x1024xf32, #tpu.memory_space<hbm>> -> memref<16x1024xf32, #tpu.memory_space<hbm>>
      tpu.enqueue_dma source(%arg13 : memref<16x1024xf32, #tpu.memory_space<vmem>>) target(%dma_start3A_316 : memref<16x1024xf32, #tpu.memory_space<hbm>>) target_semaphore(%arg19 : memref<!tpu.dma_semaphore, #tpu.memory_space<semaphore_mem>>)
      %dma_start3A_317 = arith.constant 0 : i32
      %dma_start3A_318 = tpu.memref_slice %arg4[%add3A_112, %dma_start3A_317] : memref<16384x1024xf32, #tpu.memory_space<hbm>> -> memref<16x1024xf32, #tpu.memory_space<hbm>>
      %dma_start3A_319 = arith.constant 0 : i32
      %dma_start3A_320 = tpu.memref_slice %arg4[%add3A_112, %dma_start3A_319] : memref<16384x1024xf32, #tpu.memory_space<hbm>> -> memref<16x1024xf32, #tpu.memory_space<hbm>>
      tpu.enqueue_dma source(%arg13 : memref<16x1024xf32, #tpu.memory_space<vmem>>) target(%dma_start3A_320 : memref<16x1024xf32, #tpu.memory_space<hbm>>) target_semaphore(%arg19 : memref<!tpu.dma_semaphore, #tpu.memory_space<semaphore_mem>>)
      %dma_start3A_321 = arith.constant 0 : i32
      %dma_start3A_322 = tpu.memref_slice %arg4[%add3A_116, %dma_start3A_321] : memref<16384x1024xf32, #tpu.memory_space<hbm>> -> memref<16x1024xf32, #tpu.memory_space<hbm>>
      %dma_start3A_323 = arith.constant 0 : i32
      %dma_start3A_324 = tpu.memref_slice %arg4[%add3A_116, %dma_start3A_323] : memref<16384x1024xf32, #tpu.memory_space<hbm>> -> memref<16x1024xf32, #tpu.memory_space<hbm>>
      tpu.enqueue_dma source(%arg13 : memref<16x1024xf32, #tpu.memory_space<vmem>>) target(%dma_start3A_324 : memref<16x1024xf32, #tpu.memory_space<hbm>>) target_semaphore(%arg19 : memref<!tpu.dma_semaphore, #tpu.memory_space<semaphore_mem>>)
      %dma_wait3A_325 = arith.constant 64 : i32
      %dma_wait3A_326 = tpu.memref_slice %arg6[%dma_wait3A_325] : memref<128xi32, #tpu.memory_space<vmem>> -> memref<16xi32, #tpu.memory_space<vmem>>
      %dma_wait3A_327 = arith.constant 0 : i32
      %dma_wait3A_328 = arith.constant 0 : i32
      %dma_wait3A_329 = tpu.memref_slice %arg3[%dma_wait3A_327, %dma_wait3A_328] : memref<4097x1024xf32, #tpu.memory_space<hbm>> -> memref<4097x1024xf32, #tpu.memory_space<hbm>>
      tpu.wait_indirect_dma semaphore(%arg14 : memref<!tpu.dma_semaphore, #tpu.memory_space<semaphore_mem>>) src(%dma_wait3A_329 : memref<4097x1024xf32, #tpu.memory_space<hbm>>) dst(%arg10 : memref<16x1024xf32, #tpu.memory_space<vmem>>)
      %dma_wait3A_330 = arith.constant 0 : i32
      %dma_wait3A_331 = tpu.memref_slice %arg4[%add3A_88, %dma_wait3A_330] : memref<16384x1024xf32, #tpu.memory_space<hbm>> -> memref<16x1024xf32, #tpu.memory_space<hbm>>
      %dma_wait3A_332 = arith.constant 0 : i32
      %dma_wait3A_333 = tpu.memref_slice %arg4[%add3A_88, %dma_wait3A_332] : memref<16384x1024xf32, #tpu.memory_space<hbm>> -> memref<16x1024xf32, #tpu.memory_space<hbm>>
      tpu.wait_dma2 semaphore(%arg18 : memref<!tpu.dma_semaphore, #tpu.memory_space<semaphore_mem>>) src(%arg12 : memref<16x1024xf32, #tpu.memory_space<vmem>>) dst(%dma_wait3A_333 : memref<16x1024xf32, #tpu.memory_space<hbm>>)
      %dma_wait3A_334 = arith.constant 0 : i32
      %dma_wait3A_335 = tpu.memref_slice %arg4[%add3A_92, %dma_wait3A_334] : memref<16384x1024xf32, #tpu.memory_space<hbm>> -> memref<16x1024xf32, #tpu.memory_space<hbm>>
      %dma_wait3A_336 = arith.constant 0 : i32
      %dma_wait3A_337 = tpu.memref_slice %arg4[%add3A_92, %dma_wait3A_336] : memref<16384x1024xf32, #tpu.memory_space<hbm>> -> memref<16x1024xf32, #tpu.memory_space<hbm>>
      tpu.wait_dma2 semaphore(%arg18 : memref<!tpu.dma_semaphore, #tpu.memory_space<semaphore_mem>>) src(%arg12 : memref<16x1024xf32, #tpu.memory_space<vmem>>) dst(%dma_wait3A_337 : memref<16x1024xf32, #tpu.memory_space<hbm>>)
      %dma_wait3A_338 = arith.constant 0 : i32
      %dma_wait3A_339 = tpu.memref_slice %arg4[%add3A_96, %dma_wait3A_338] : memref<16384x1024xf32, #tpu.memory_space<hbm>> -> memref<16x1024xf32, #tpu.memory_space<hbm>>
      %dma_wait3A_340 = arith.constant 0 : i32
      %dma_wait3A_341 = tpu.memref_slice %arg4[%add3A_96, %dma_wait3A_340] : memref<16384x1024xf32, #tpu.memory_space<hbm>> -> memref<16x1024xf32, #tpu.memory_space<hbm>>
      tpu.wait_dma2 semaphore(%arg18 : memref<!tpu.dma_semaphore, #tpu.memory_space<semaphore_mem>>) src(%arg12 : memref<16x1024xf32, #tpu.memory_space<vmem>>) dst(%dma_wait3A_341 : memref<16x1024xf32, #tpu.memory_space<hbm>>)
      %dma_wait3A_342 = arith.constant 0 : i32
      %dma_wait3A_343 = tpu.memref_slice %arg4[%add3A_100, %dma_wait3A_342] : memref<16384x1024xf32, #tpu.memory_space<hbm>> -> memref<16x1024xf32, #tpu.memory_space<hbm>>
      %dma_wait3A_344 = arith.constant 0 : i32
      %dma_wait3A_345 = tpu.memref_slice %arg4[%add3A_100, %dma_wait3A_344] : memref<16384x1024xf32, #tpu.memory_space<hbm>> -> memref<16x1024xf32, #tpu.memory_space<hbm>>
      tpu.wait_dma2 semaphore(%arg18 : memref<!tpu.dma_semaphore, #tpu.memory_space<semaphore_mem>>) src(%arg12 : memref<16x1024xf32, #tpu.memory_space<vmem>>) dst(%dma_wait3A_345 : memref<16x1024xf32, #tpu.memory_space<hbm>>)
      %dma_start3A_346 = arith.constant 96 : i32
      %dma_start3A_347 = tpu.memref_slice %arg6[%dma_start3A_346] : memref<128xi32, #tpu.memory_space<vmem>> -> memref<16xi32, #tpu.memory_space<vmem>>
      %dma_start3A_348 = arith.constant 0 : i32
      %dma_start3A_349 = arith.constant 0 : i32
      %dma_start3A_350 = tpu.memref_slice %arg3[%dma_start3A_348, %dma_start3A_349] : memref<4097x1024xf32, #tpu.memory_space<hbm>> -> memref<4097x1024xf32, #tpu.memory_space<hbm>>
      tpu.enqueue_indirect_dma source(%dma_start3A_350 : memref<4097x1024xf32, #tpu.memory_space<hbm>>) target(%arg12 : memref<16x1024xf32, #tpu.memory_space<vmem>>) offsets(%dma_start3A_347 : memref<16xi32, #tpu.memory_space<vmem>>) semaphore(%arg14 : memref<!tpu.dma_semaphore, #tpu.memory_space<semaphore_mem>>)
      %dma_start3A_351 = arith.constant 0 : i32
      %dma_start3A_352 = tpu.memref_slice %arg4[%add3A_120, %dma_start3A_351] : memref<16384x1024xf32, #tpu.memory_space<hbm>> -> memref<16x1024xf32, #tpu.memory_space<hbm>>
      %dma_start3A_353 = arith.constant 0 : i32
      %dma_start3A_354 = tpu.memref_slice %arg4[%add3A_120, %dma_start3A_353] : memref<16384x1024xf32, #tpu.memory_space<hbm>> -> memref<16x1024xf32, #tpu.memory_space<hbm>>
      tpu.enqueue_dma source(%arg10 : memref<16x1024xf32, #tpu.memory_space<vmem>>) target(%dma_start3A_354 : memref<16x1024xf32, #tpu.memory_space<hbm>>) target_semaphore(%arg16 : memref<!tpu.dma_semaphore, #tpu.memory_space<semaphore_mem>>)
      %dma_start3A_355 = arith.constant 0 : i32
      %dma_start3A_356 = tpu.memref_slice %arg4[%add3A_124, %dma_start3A_355] : memref<16384x1024xf32, #tpu.memory_space<hbm>> -> memref<16x1024xf32, #tpu.memory_space<hbm>>
      %dma_start3A_357 = arith.constant 0 : i32
      %dma_start3A_358 = tpu.memref_slice %arg4[%add3A_124, %dma_start3A_357] : memref<16384x1024xf32, #tpu.memory_space<hbm>> -> memref<16x1024xf32, #tpu.memory_space<hbm>>
      tpu.enqueue_dma source(%arg10 : memref<16x1024xf32, #tpu.memory_space<vmem>>) target(%dma_start3A_358 : memref<16x1024xf32, #tpu.memory_space<hbm>>) target_semaphore(%arg16 : memref<!tpu.dma_semaphore, #tpu.memory_space<semaphore_mem>>)
      %dma_start3A_359 = arith.constant 0 : i32
      %dma_start3A_360 = tpu.memref_slice %arg4[%add3A_128, %dma_start3A_359] : memref<16384x1024xf32, #tpu.memory_space<hbm>> -> memref<16x1024xf32, #tpu.memory_space<hbm>>
      %dma_start3A_361 = arith.constant 0 : i32
      %dma_start3A_362 = tpu.memref_slice %arg4[%add3A_128, %dma_start3A_361] : memref<16384x1024xf32, #tpu.memory_space<hbm>> -> memref<16x1024xf32, #tpu.memory_space<hbm>>
      tpu.enqueue_dma source(%arg10 : memref<16x1024xf32, #tpu.memory_space<vmem>>) target(%dma_start3A_362 : memref<16x1024xf32, #tpu.memory_space<hbm>>) target_semaphore(%arg16 : memref<!tpu.dma_semaphore, #tpu.memory_space<semaphore_mem>>)
      %dma_start3A_363 = arith.constant 0 : i32
      %dma_start3A_364 = tpu.memref_slice %arg4[%add3A_132, %dma_start3A_363] : memref<16384x1024xf32, #tpu.memory_space<hbm>> -> memref<16x1024xf32, #tpu.memory_space<hbm>>
      %dma_start3A_365 = arith.constant 0 : i32
      %dma_start3A_366 = tpu.memref_slice %arg4[%add3A_132, %dma_start3A_365] : memref<16384x1024xf32, #tpu.memory_space<hbm>> -> memref<16x1024xf32, #tpu.memory_space<hbm>>
      tpu.enqueue_dma source(%arg10 : memref<16x1024xf32, #tpu.memory_space<vmem>>) target(%dma_start3A_366 : memref<16x1024xf32, #tpu.memory_space<hbm>>) target_semaphore(%arg16 : memref<!tpu.dma_semaphore, #tpu.memory_space<semaphore_mem>>)
      %dma_wait3A_367 = arith.constant 80 : i32
      %dma_wait3A_368 = tpu.memref_slice %arg6[%dma_wait3A_367] : memref<128xi32, #tpu.memory_space<vmem>> -> memref<16xi32, #tpu.memory_space<vmem>>
      %dma_wait3A_369 = arith.constant 0 : i32
      %dma_wait3A_370 = arith.constant 0 : i32
      %dma_wait3A_371 = tpu.memref_slice %arg3[%dma_wait3A_369, %dma_wait3A_370] : memref<4097x1024xf32, #tpu.memory_space<hbm>> -> memref<4097x1024xf32, #tpu.memory_space<hbm>>
      tpu.wait_indirect_dma semaphore(%arg15 : memref<!tpu.dma_semaphore, #tpu.memory_space<semaphore_mem>>) src(%dma_wait3A_371 : memref<4097x1024xf32, #tpu.memory_space<hbm>>) dst(%arg11 : memref<16x1024xf32, #tpu.memory_space<vmem>>)
      %dma_wait3A_372 = arith.constant 0 : i32
      %dma_wait3A_373 = tpu.memref_slice %arg4[%add3A_104, %dma_wait3A_372] : memref<16384x1024xf32, #tpu.memory_space<hbm>> -> memref<16x1024xf32, #tpu.memory_space<hbm>>
      %dma_wait3A_374 = arith.constant 0 : i32
      %dma_wait3A_375 = tpu.memref_slice %arg4[%add3A_104, %dma_wait3A_374] : memref<16384x1024xf32, #tpu.memory_space<hbm>> -> memref<16x1024xf32, #tpu.memory_space<hbm>>
      tpu.wait_dma2 semaphore(%arg19 : memref<!tpu.dma_semaphore, #tpu.memory_space<semaphore_mem>>) src(%arg13 : memref<16x1024xf32, #tpu.memory_space<vmem>>) dst(%dma_wait3A_375 : memref<16x1024xf32, #tpu.memory_space<hbm>>)
      %dma_wait3A_376 = arith.constant 0 : i32
      %dma_wait3A_377 = tpu.memref_slice %arg4[%add3A_108, %dma_wait3A_376] : memref<16384x1024xf32, #tpu.memory_space<hbm>> -> memref<16x1024xf32, #tpu.memory_space<hbm>>
      %dma_wait3A_378 = arith.constant 0 : i32
      %dma_wait3A_379 = tpu.memref_slice %arg4[%add3A_108, %dma_wait3A_378] : memref<16384x1024xf32, #tpu.memory_space<hbm>> -> memref<16x1024xf32, #tpu.memory_space<hbm>>
      tpu.wait_dma2 semaphore(%arg19 : memref<!tpu.dma_semaphore, #tpu.memory_space<semaphore_mem>>) src(%arg13 : memref<16x1024xf32, #tpu.memory_space<vmem>>) dst(%dma_wait3A_379 : memref<16x1024xf32, #tpu.memory_space<hbm>>)
      %dma_wait3A_380 = arith.constant 0 : i32
      %dma_wait3A_381 = tpu.memref_slice %arg4[%add3A_112, %dma_wait3A_380] : memref<16384x1024xf32, #tpu.memory_space<hbm>> -> memref<16x1024xf32, #tpu.memory_space<hbm>>
      %dma_wait3A_382 = arith.constant 0 : i32
      %dma_wait3A_383 = tpu.memref_slice %arg4[%add3A_112, %dma_wait3A_382] : memref<16384x1024xf32, #tpu.memory_space<hbm>> -> memref<16x1024xf32, #tpu.memory_space<hbm>>
      tpu.wait_dma2 semaphore(%arg19 : memref<!tpu.dma_semaphore, #tpu.memory_space<semaphore_mem>>) src(%arg13 : memref<16x1024xf32, #tpu.memory_space<vmem>>) dst(%dma_wait3A_383 : memref<16x1024xf32, #tpu.memory_space<hbm>>)
      %dma_wait3A_384 = arith.constant 0 : i32
      %dma_wait3A_385 = tpu.memref_slice %arg4[%add3A_116, %dma_wait3A_384] : memref<16384x1024xf32, #tpu.memory_space<hbm>> -> memref<16x1024xf32, #tpu.memory_space<hbm>>
      %dma_wait3A_386 = arith.constant 0 : i32
      %dma_wait3A_387 = tpu.memref_slice %arg4[%add3A_116, %dma_wait3A_386] : memref<16384x1024xf32, #tpu.memory_space<hbm>> -> memref<16x1024xf32, #tpu.memory_space<hbm>>
      tpu.wait_dma2 semaphore(%arg19 : memref<!tpu.dma_semaphore, #tpu.memory_space<semaphore_mem>>) src(%arg13 : memref<16x1024xf32, #tpu.memory_space<vmem>>) dst(%dma_wait3A_387 : memref<16x1024xf32, #tpu.memory_space<hbm>>)
      %dma_start3A_388 = arith.constant 112 : i32
      %dma_start3A_389 = tpu.memref_slice %arg6[%dma_start3A_388] : memref<128xi32, #tpu.memory_space<vmem>> -> memref<16xi32, #tpu.memory_space<vmem>>
      %dma_start3A_390 = arith.constant 0 : i32
      %dma_start3A_391 = arith.constant 0 : i32
      %dma_start3A_392 = tpu.memref_slice %arg3[%dma_start3A_390, %dma_start3A_391] : memref<4097x1024xf32, #tpu.memory_space<hbm>> -> memref<4097x1024xf32, #tpu.memory_space<hbm>>
      tpu.enqueue_indirect_dma source(%dma_start3A_392 : memref<4097x1024xf32, #tpu.memory_space<hbm>>) target(%arg13 : memref<16x1024xf32, #tpu.memory_space<vmem>>) offsets(%dma_start3A_389 : memref<16xi32, #tpu.memory_space<vmem>>) semaphore(%arg15 : memref<!tpu.dma_semaphore, #tpu.memory_space<semaphore_mem>>)
      %dma_start3A_393 = arith.constant 0 : i32
      %dma_start3A_394 = tpu.memref_slice %arg4[%add3A_136, %dma_start3A_393] : memref<16384x1024xf32, #tpu.memory_space<hbm>> -> memref<16x1024xf32, #tpu.memory_space<hbm>>
      %dma_start3A_395 = arith.constant 0 : i32
      %dma_start3A_396 = tpu.memref_slice %arg4[%add3A_136, %dma_start3A_395] : memref<16384x1024xf32, #tpu.memory_space<hbm>> -> memref<16x1024xf32, #tpu.memory_space<hbm>>
      tpu.enqueue_dma source(%arg11 : memref<16x1024xf32, #tpu.memory_space<vmem>>) target(%dma_start3A_396 : memref<16x1024xf32, #tpu.memory_space<hbm>>) target_semaphore(%arg17 : memref<!tpu.dma_semaphore, #tpu.memory_space<semaphore_mem>>)
      %dma_start3A_397 = arith.constant 0 : i32
      %dma_start3A_398 = tpu.memref_slice %arg4[%add3A_140, %dma_start3A_397] : memref<16384x1024xf32, #tpu.memory_space<hbm>> -> memref<16x1024xf32, #tpu.memory_space<hbm>>
      %dma_start3A_399 = arith.constant 0 : i32
      %dma_start3A_400 = tpu.memref_slice %arg4[%add3A_140, %dma_start3A_399] : memref<16384x1024xf32, #tpu.memory_space<hbm>> -> memref<16x1024xf32, #tpu.memory_space<hbm>>
      tpu.enqueue_dma source(%arg11 : memref<16x1024xf32, #tpu.memory_space<vmem>>) target(%dma_start3A_400 : memref<16x1024xf32, #tpu.memory_space<hbm>>) target_semaphore(%arg17 : memref<!tpu.dma_semaphore, #tpu.memory_space<semaphore_mem>>)
      %dma_start3A_401 = arith.constant 0 : i32
      %dma_start3A_402 = tpu.memref_slice %arg4[%add3A_144, %dma_start3A_401] : memref<16384x1024xf32, #tpu.memory_space<hbm>> -> memref<16x1024xf32, #tpu.memory_space<hbm>>
      %dma_start3A_403 = arith.constant 0 : i32
      %dma_start3A_404 = tpu.memref_slice %arg4[%add3A_144, %dma_start3A_403] : memref<16384x1024xf32, #tpu.memory_space<hbm>> -> memref<16x1024xf32, #tpu.memory_space<hbm>>
      tpu.enqueue_dma source(%arg11 : memref<16x1024xf32, #tpu.memory_space<vmem>>) target(%dma_start3A_404 : memref<16x1024xf32, #tpu.memory_space<hbm>>) target_semaphore(%arg17 : memref<!tpu.dma_semaphore, #tpu.memory_space<semaphore_mem>>)
      %dma_start3A_405 = arith.constant 0 : i32
      %dma_start3A_406 = tpu.memref_slice %arg4[%add3A_148, %dma_start3A_405] : memref<16384x1024xf32, #tpu.memory_space<hbm>> -> memref<16x1024xf32, #tpu.memory_space<hbm>>
      %dma_start3A_407 = arith.constant 0 : i32
      %dma_start3A_408 = tpu.memref_slice %arg4[%add3A_148, %dma_start3A_407] : memref<16384x1024xf32, #tpu.memory_space<hbm>> -> memref<16x1024xf32, #tpu.memory_space<hbm>>
      tpu.enqueue_dma source(%arg11 : memref<16x1024xf32, #tpu.memory_space<vmem>>) target(%dma_start3A_408 : memref<16x1024xf32, #tpu.memory_space<hbm>>) target_semaphore(%arg17 : memref<!tpu.dma_semaphore, #tpu.memory_space<semaphore_mem>>)
      %dma_wait3A_409 = arith.constant 96 : i32
      %dma_wait3A_410 = tpu.memref_slice %arg6[%dma_wait3A_409] : memref<128xi32, #tpu.memory_space<vmem>> -> memref<16xi32, #tpu.memory_space<vmem>>
      %dma_wait3A_411 = arith.constant 0 : i32
      %dma_wait3A_412 = arith.constant 0 : i32
      %dma_wait3A_413 = tpu.memref_slice %arg3[%dma_wait3A_411, %dma_wait3A_412] : memref<4097x1024xf32, #tpu.memory_space<hbm>> -> memref<4097x1024xf32, #tpu.memory_space<hbm>>
      tpu.wait_indirect_dma semaphore(%arg14 : memref<!tpu.dma_semaphore, #tpu.memory_space<semaphore_mem>>) src(%dma_wait3A_413 : memref<4097x1024xf32, #tpu.memory_space<hbm>>) dst(%arg12 : memref<16x1024xf32, #tpu.memory_space<vmem>>)
      %dma_start3A_414 = arith.constant 0 : i32
      %dma_start3A_415 = tpu.memref_slice %arg4[%add3A_152, %dma_start3A_414] : memref<16384x1024xf32, #tpu.memory_space<hbm>> -> memref<16x1024xf32, #tpu.memory_space<hbm>>
      %dma_start3A_416 = arith.constant 0 : i32
      %dma_start3A_417 = tpu.memref_slice %arg4[%add3A_152, %dma_start3A_416] : memref<16384x1024xf32, #tpu.memory_space<hbm>> -> memref<16x1024xf32, #tpu.memory_space<hbm>>
      tpu.enqueue_dma source(%arg12 : memref<16x1024xf32, #tpu.memory_space<vmem>>) target(%dma_start3A_417 : memref<16x1024xf32, #tpu.memory_space<hbm>>) target_semaphore(%arg18 : memref<!tpu.dma_semaphore, #tpu.memory_space<semaphore_mem>>)
      %dma_start3A_418 = arith.constant 0 : i32
      %dma_start3A_419 = tpu.memref_slice %arg4[%add3A_156, %dma_start3A_418] : memref<16384x1024xf32, #tpu.memory_space<hbm>> -> memref<16x1024xf32, #tpu.memory_space<hbm>>
      %dma_start3A_420 = arith.constant 0 : i32
      %dma_start3A_421 = tpu.memref_slice %arg4[%add3A_156, %dma_start3A_420] : memref<16384x1024xf32, #tpu.memory_space<hbm>> -> memref<16x1024xf32, #tpu.memory_space<hbm>>
      tpu.enqueue_dma source(%arg12 : memref<16x1024xf32, #tpu.memory_space<vmem>>) target(%dma_start3A_421 : memref<16x1024xf32, #tpu.memory_space<hbm>>) target_semaphore(%arg18 : memref<!tpu.dma_semaphore, #tpu.memory_space<semaphore_mem>>)
      %dma_start3A_422 = arith.constant 0 : i32
      %dma_start3A_423 = tpu.memref_slice %arg4[%add3A_160, %dma_start3A_422] : memref<16384x1024xf32, #tpu.memory_space<hbm>> -> memref<16x1024xf32, #tpu.memory_space<hbm>>
      %dma_start3A_424 = arith.constant 0 : i32
      %dma_start3A_425 = tpu.memref_slice %arg4[%add3A_160, %dma_start3A_424] : memref<16384x1024xf32, #tpu.memory_space<hbm>> -> memref<16x1024xf32, #tpu.memory_space<hbm>>
      tpu.enqueue_dma source(%arg12 : memref<16x1024xf32, #tpu.memory_space<vmem>>) target(%dma_start3A_425 : memref<16x1024xf32, #tpu.memory_space<hbm>>) target_semaphore(%arg18 : memref<!tpu.dma_semaphore, #tpu.memory_space<semaphore_mem>>)
      %dma_start3A_426 = arith.constant 0 : i32
      %dma_start3A_427 = tpu.memref_slice %arg4[%add3A_164, %dma_start3A_426] : memref<16384x1024xf32, #tpu.memory_space<hbm>> -> memref<16x1024xf32, #tpu.memory_space<hbm>>
      %dma_start3A_428 = arith.constant 0 : i32
      %dma_start3A_429 = tpu.memref_slice %arg4[%add3A_164, %dma_start3A_428] : memref<16384x1024xf32, #tpu.memory_space<hbm>> -> memref<16x1024xf32, #tpu.memory_space<hbm>>
      tpu.enqueue_dma source(%arg12 : memref<16x1024xf32, #tpu.memory_space<vmem>>) target(%dma_start3A_429 : memref<16x1024xf32, #tpu.memory_space<hbm>>) target_semaphore(%arg18 : memref<!tpu.dma_semaphore, #tpu.memory_space<semaphore_mem>>)
      %dma_wait3A_430 = arith.constant 112 : i32
      %dma_wait3A_431 = tpu.memref_slice %arg6[%dma_wait3A_430] : memref<128xi32, #tpu.memory_space<vmem>> -> memref<16xi32, #tpu.memory_space<vmem>>
      %dma_wait3A_432 = arith.constant 0 : i32
      %dma_wait3A_433 = arith.constant 0 : i32
      %dma_wait3A_434 = tpu.memref_slice %arg3[%dma_wait3A_432, %dma_wait3A_433] : memref<4097x1024xf32, #tpu.memory_space<hbm>> -> memref<4097x1024xf32, #tpu.memory_space<hbm>>
      tpu.wait_indirect_dma semaphore(%arg15 : memref<!tpu.dma_semaphore, #tpu.memory_space<semaphore_mem>>) src(%dma_wait3A_434 : memref<4097x1024xf32, #tpu.memory_space<hbm>>) dst(%arg13 : memref<16x1024xf32, #tpu.memory_space<vmem>>)
      %dma_start3A_435 = arith.constant 0 : i32
      %dma_start3A_436 = tpu.memref_slice %arg4[%add3A_168, %dma_start3A_435] : memref<16384x1024xf32, #tpu.memory_space<hbm>> -> memref<16x1024xf32, #tpu.memory_space<hbm>>
      %dma_start3A_437 = arith.constant 0 : i32
      %dma_start3A_438 = tpu.memref_slice %arg4[%add3A_168, %dma_start3A_437] : memref<16384x1024xf32, #tpu.memory_space<hbm>> -> memref<16x1024xf32, #tpu.memory_space<hbm>>
      tpu.enqueue_dma source(%arg13 : memref<16x1024xf32, #tpu.memory_space<vmem>>) target(%dma_start3A_438 : memref<16x1024xf32, #tpu.memory_space<hbm>>) target_semaphore(%arg19 : memref<!tpu.dma_semaphore, #tpu.memory_space<semaphore_mem>>)
      %dma_start3A_439 = arith.constant 0 : i32
      %dma_start3A_440 = tpu.memref_slice %arg4[%add3A_172, %dma_start3A_439] : memref<16384x1024xf32, #tpu.memory_space<hbm>> -> memref<16x1024xf32, #tpu.memory_space<hbm>>
      %dma_start3A_441 = arith.constant 0 : i32
      %dma_start3A_442 = tpu.memref_slice %arg4[%add3A_172, %dma_start3A_441] : memref<16384x1024xf32, #tpu.memory_space<hbm>> -> memref<16x1024xf32, #tpu.memory_space<hbm>>
      tpu.enqueue_dma source(%arg13 : memref<16x1024xf32, #tpu.memory_space<vmem>>) target(%dma_start3A_442 : memref<16x1024xf32, #tpu.memory_space<hbm>>) target_semaphore(%arg19 : memref<!tpu.dma_semaphore, #tpu.memory_space<semaphore_mem>>)
      %dma_start3A_443 = arith.constant 0 : i32
      %dma_start3A_444 = tpu.memref_slice %arg4[%add3A_176, %dma_start3A_443] : memref<16384x1024xf32, #tpu.memory_space<hbm>> -> memref<16x1024xf32, #tpu.memory_space<hbm>>
      %dma_start3A_445 = arith.constant 0 : i32
      %dma_start3A_446 = tpu.memref_slice %arg4[%add3A_176, %dma_start3A_445] : memref<16384x1024xf32, #tpu.memory_space<hbm>> -> memref<16x1024xf32, #tpu.memory_space<hbm>>
      tpu.enqueue_dma source(%arg13 : memref<16x1024xf32, #tpu.memory_space<vmem>>) target(%dma_start3A_446 : memref<16x1024xf32, #tpu.memory_space<hbm>>) target_semaphore(%arg19 : memref<!tpu.dma_semaphore, #tpu.memory_space<semaphore_mem>>)
      %dma_start3A_447 = arith.constant 0 : i32
      %dma_start3A_448 = tpu.memref_slice %arg4[%add3A_180, %dma_start3A_447] : memref<16384x1024xf32, #tpu.memory_space<hbm>> -> memref<16x1024xf32, #tpu.memory_space<hbm>>
      %dma_start3A_449 = arith.constant 0 : i32
      %dma_start3A_450 = tpu.memref_slice %arg4[%add3A_180, %dma_start3A_449] : memref<16384x1024xf32, #tpu.memory_space<hbm>> -> memref<16x1024xf32, #tpu.memory_space<hbm>>
      tpu.enqueue_dma source(%arg13 : memref<16x1024xf32, #tpu.memory_space<vmem>>) target(%dma_start3A_450 : memref<16x1024xf32, #tpu.memory_space<hbm>>) target_semaphore(%arg19 : memref<!tpu.dma_semaphore, #tpu.memory_space<semaphore_mem>>)
      %dma_wait3A_451 = arith.constant 0 : i32
      %dma_wait3A_452 = tpu.memref_slice %arg4[%add3A_120, %dma_wait3A_451] : memref<16384x1024xf32, #tpu.memory_space<hbm>> -> memref<16x1024xf32, #tpu.memory_space<hbm>>
      %dma_wait3A_453 = arith.constant 0 : i32
      %dma_wait3A_454 = tpu.memref_slice %arg4[%add3A_120, %dma_wait3A_453] : memref<16384x1024xf32, #tpu.memory_space<hbm>> -> memref<16x1024xf32, #tpu.memory_space<hbm>>
      tpu.wait_dma2 semaphore(%arg16 : memref<!tpu.dma_semaphore, #tpu.memory_space<semaphore_mem>>) src(%arg10 : memref<16x1024xf32, #tpu.memory_space<vmem>>) dst(%dma_wait3A_454 : memref<16x1024xf32, #tpu.memory_space<hbm>>)
      %dma_wait3A_455 = arith.constant 0 : i32
      %dma_wait3A_456 = tpu.memref_slice %arg4[%add3A_124, %dma_wait3A_455] : memref<16384x1024xf32, #tpu.memory_space<hbm>> -> memref<16x1024xf32, #tpu.memory_space<hbm>>
      %dma_wait3A_457 = arith.constant 0 : i32
      %dma_wait3A_458 = tpu.memref_slice %arg4[%add3A_124, %dma_wait3A_457] : memref<16384x1024xf32, #tpu.memory_space<hbm>> -> memref<16x1024xf32, #tpu.memory_space<hbm>>
      tpu.wait_dma2 semaphore(%arg16 : memref<!tpu.dma_semaphore, #tpu.memory_space<semaphore_mem>>) src(%arg10 : memref<16x1024xf32, #tpu.memory_space<vmem>>) dst(%dma_wait3A_458 : memref<16x1024xf32, #tpu.memory_space<hbm>>)
      %dma_wait3A_459 = arith.constant 0 : i32
      %dma_wait3A_460 = tpu.memref_slice %arg4[%add3A_128, %dma_wait3A_459] : memref<16384x1024xf32, #tpu.memory_space<hbm>> -> memref<16x1024xf32, #tpu.memory_space<hbm>>
      %dma_wait3A_461 = arith.constant 0 : i32
      %dma_wait3A_462 = tpu.memref_slice %arg4[%add3A_128, %dma_wait3A_461] : memref<16384x1024xf32, #tpu.memory_space<hbm>> -> memref<16x1024xf32, #tpu.memory_space<hbm>>
      tpu.wait_dma2 semaphore(%arg16 : memref<!tpu.dma_semaphore, #tpu.memory_space<semaphore_mem>>) src(%arg10 : memref<16x1024xf32, #tpu.memory_space<vmem>>) dst(%dma_wait3A_462 : memref<16x1024xf32, #tpu.memory_space<hbm>>)
      %dma_wait3A_463 = arith.constant 0 : i32
      %dma_wait3A_464 = tpu.memref_slice %arg4[%add3A_132, %dma_wait3A_463] : memref<16384x1024xf32, #tpu.memory_space<hbm>> -> memref<16x1024xf32, #tpu.memory_space<hbm>>
      %dma_wait3A_465 = arith.constant 0 : i32
      %dma_wait3A_466 = tpu.memref_slice %arg4[%add3A_132, %dma_wait3A_465] : memref<16384x1024xf32, #tpu.memory_space<hbm>> -> memref<16x1024xf32, #tpu.memory_space<hbm>>
      tpu.wait_dma2 semaphore(%arg16 : memref<!tpu.dma_semaphore, #tpu.memory_space<semaphore_mem>>) src(%arg10 : memref<16x1024xf32, #tpu.memory_space<vmem>>) dst(%dma_wait3A_466 : memref<16x1024xf32, #tpu.memory_space<hbm>>)
      %dma_wait3A_467 = arith.constant 0 : i32
      %dma_wait3A_468 = tpu.memref_slice %arg4[%add3A_136, %dma_wait3A_467] : memref<16384x1024xf32, #tpu.memory_space<hbm>> -> memref<16x1024xf32, #tpu.memory_space<hbm>>
      %dma_wait3A_469 = arith.constant 0 : i32
      %dma_wait3A_470 = tpu.memref_slice %arg4[%add3A_136, %dma_wait3A_469] : memref<16384x1024xf32, #tpu.memory_space<hbm>> -> memref<16x1024xf32, #tpu.memory_space<hbm>>
      tpu.wait_dma2 semaphore(%arg17 : memref<!tpu.dma_semaphore, #tpu.memory_space<semaphore_mem>>) src(%arg11 : memref<16x1024xf32, #tpu.memory_space<vmem>>) dst(%dma_wait3A_470 : memref<16x1024xf32, #tpu.memory_space<hbm>>)
      %dma_wait3A_471 = arith.constant 0 : i32
      %dma_wait3A_472 = tpu.memref_slice %arg4[%add3A_140, %dma_wait3A_471] : memref<16384x1024xf32, #tpu.memory_space<hbm>> -> memref<16x1024xf32, #tpu.memory_space<hbm>>
      %dma_wait3A_473 = arith.constant 0 : i32
      %dma_wait3A_474 = tpu.memref_slice %arg4[%add3A_140, %dma_wait3A_473] : memref<16384x1024xf32, #tpu.memory_space<hbm>> -> memref<16x1024xf32, #tpu.memory_space<hbm>>
      tpu.wait_dma2 semaphore(%arg17 : memref<!tpu.dma_semaphore, #tpu.memory_space<semaphore_mem>>) src(%arg11 : memref<16x1024xf32, #tpu.memory_space<vmem>>) dst(%dma_wait3A_474 : memref<16x1024xf32, #tpu.memory_space<hbm>>)
      %dma_wait3A_475 = arith.constant 0 : i32
      %dma_wait3A_476 = tpu.memref_slice %arg4[%add3A_144, %dma_wait3A_475] : memref<16384x1024xf32, #tpu.memory_space<hbm>> -> memref<16x1024xf32, #tpu.memory_space<hbm>>
      %dma_wait3A_477 = arith.constant 0 : i32
      %dma_wait3A_478 = tpu.memref_slice %arg4[%add3A_144, %dma_wait3A_477] : memref<16384x1024xf32, #tpu.memory_space<hbm>> -> memref<16x1024xf32, #tpu.memory_space<hbm>>
      tpu.wait_dma2 semaphore(%arg17 : memref<!tpu.dma_semaphore, #tpu.memory_space<semaphore_mem>>) src(%arg11 : memref<16x1024xf32, #tpu.memory_space<vmem>>) dst(%dma_wait3A_478 : memref<16x1024xf32, #tpu.memory_space<hbm>>)
      %dma_wait3A_479 = arith.constant 0 : i32
      %dma_wait3A_480 = tpu.memref_slice %arg4[%add3A_148, %dma_wait3A_479] : memref<16384x1024xf32, #tpu.memory_space<hbm>> -> memref<16x1024xf32, #tpu.memory_space<hbm>>
      %dma_wait3A_481 = arith.constant 0 : i32
      %dma_wait3A_482 = tpu.memref_slice %arg4[%add3A_148, %dma_wait3A_481] : memref<16384x1024xf32, #tpu.memory_space<hbm>> -> memref<16x1024xf32, #tpu.memory_space<hbm>>
      tpu.wait_dma2 semaphore(%arg17 : memref<!tpu.dma_semaphore, #tpu.memory_space<semaphore_mem>>) src(%arg11 : memref<16x1024xf32, #tpu.memory_space<vmem>>) dst(%dma_wait3A_482 : memref<16x1024xf32, #tpu.memory_space<hbm>>)
      %dma_wait3A_483 = arith.constant 0 : i32
      %dma_wait3A_484 = tpu.memref_slice %arg4[%add3A_152, %dma_wait3A_483] : memref<16384x1024xf32, #tpu.memory_space<hbm>> -> memref<16x1024xf32, #tpu.memory_space<hbm>>
      %dma_wait3A_485 = arith.constant 0 : i32
      %dma_wait3A_486 = tpu.memref_slice %arg4[%add3A_152, %dma_wait3A_485] : memref<16384x1024xf32, #tpu.memory_space<hbm>> -> memref<16x1024xf32, #tpu.memory_space<hbm>>
      tpu.wait_dma2 semaphore(%arg18 : memref<!tpu.dma_semaphore, #tpu.memory_space<semaphore_mem>>) src(%arg12 : memref<16x1024xf32, #tpu.memory_space<vmem>>) dst(%dma_wait3A_486 : memref<16x1024xf32, #tpu.memory_space<hbm>>)
      %dma_wait3A_487 = arith.constant 0 : i32
      %dma_wait3A_488 = tpu.memref_slice %arg4[%add3A_156, %dma_wait3A_487] : memref<16384x1024xf32, #tpu.memory_space<hbm>> -> memref<16x1024xf32, #tpu.memory_space<hbm>>
      %dma_wait3A_489 = arith.constant 0 : i32
      %dma_wait3A_490 = tpu.memref_slice %arg4[%add3A_156, %dma_wait3A_489] : memref<16384x1024xf32, #tpu.memory_space<hbm>> -> memref<16x1024xf32, #tpu.memory_space<hbm>>
      tpu.wait_dma2 semaphore(%arg18 : memref<!tpu.dma_semaphore, #tpu.memory_space<semaphore_mem>>) src(%arg12 : memref<16x1024xf32, #tpu.memory_space<vmem>>) dst(%dma_wait3A_490 : memref<16x1024xf32, #tpu.memory_space<hbm>>)
      %dma_wait3A_491 = arith.constant 0 : i32
      %dma_wait3A_492 = tpu.memref_slice %arg4[%add3A_160, %dma_wait3A_491] : memref<16384x1024xf32, #tpu.memory_space<hbm>> -> memref<16x1024xf32, #tpu.memory_space<hbm>>
      %dma_wait3A_493 = arith.constant 0 : i32
      %dma_wait3A_494 = tpu.memref_slice %arg4[%add3A_160, %dma_wait3A_493] : memref<16384x1024xf32, #tpu.memory_space<hbm>> -> memref<16x1024xf32, #tpu.memory_space<hbm>>
      tpu.wait_dma2 semaphore(%arg18 : memref<!tpu.dma_semaphore, #tpu.memory_space<semaphore_mem>>) src(%arg12 : memref<16x1024xf32, #tpu.memory_space<vmem>>) dst(%dma_wait3A_494 : memref<16x1024xf32, #tpu.memory_space<hbm>>)
      %dma_wait3A_495 = arith.constant 0 : i32
      %dma_wait3A_496 = tpu.memref_slice %arg4[%add3A_164, %dma_wait3A_495] : memref<16384x1024xf32, #tpu.memory_space<hbm>> -> memref<16x1024xf32, #tpu.memory_space<hbm>>
      %dma_wait3A_497 = arith.constant 0 : i32
      %dma_wait3A_498 = tpu.memref_slice %arg4[%add3A_164, %dma_wait3A_497] : memref<16384x1024xf32, #tpu.memory_space<hbm>> -> memref<16x1024xf32, #tpu.memory_space<hbm>>
      tpu.wait_dma2 semaphore(%arg18 : memref<!tpu.dma_semaphore, #tpu.memory_space<semaphore_mem>>) src(%arg12 : memref<16x1024xf32, #tpu.memory_space<vmem>>) dst(%dma_wait3A_498 : memref<16x1024xf32, #tpu.memory_space<hbm>>)
      %dma_wait3A_499 = arith.constant 0 : i32
      %dma_wait3A_500 = tpu.memref_slice %arg4[%add3A_168, %dma_wait3A_499] : memref<16384x1024xf32, #tpu.memory_space<hbm>> -> memref<16x1024xf32, #tpu.memory_space<hbm>>
      %dma_wait3A_501 = arith.constant 0 : i32
      %dma_wait3A_502 = tpu.memref_slice %arg4[%add3A_168, %dma_wait3A_501] : memref<16384x1024xf32, #tpu.memory_space<hbm>> -> memref<16x1024xf32, #tpu.memory_space<hbm>>
      tpu.wait_dma2 semaphore(%arg19 : memref<!tpu.dma_semaphore, #tpu.memory_space<semaphore_mem>>) src(%arg13 : memref<16x1024xf32, #tpu.memory_space<vmem>>) dst(%dma_wait3A_502 : memref<16x1024xf32, #tpu.memory_space<hbm>>)
      %dma_wait3A_503 = arith.constant 0 : i32
      %dma_wait3A_504 = tpu.memref_slice %arg4[%add3A_172, %dma_wait3A_503] : memref<16384x1024xf32, #tpu.memory_space<hbm>> -> memref<16x1024xf32, #tpu.memory_space<hbm>>
      %dma_wait3A_505 = arith.constant 0 : i32
      %dma_wait3A_506 = tpu.memref_slice %arg4[%add3A_172, %dma_wait3A_505] : memref<16384x1024xf32, #tpu.memory_space<hbm>> -> memref<16x1024xf32, #tpu.memory_space<hbm>>
      tpu.wait_dma2 semaphore(%arg19 : memref<!tpu.dma_semaphore, #tpu.memory_space<semaphore_mem>>) src(%arg13 : memref<16x1024xf32, #tpu.memory_space<vmem>>) dst(%dma_wait3A_506 : memref<16x1024xf32, #tpu.memory_space<hbm>>)
      %dma_wait3A_507 = arith.constant 0 : i32
      %dma_wait3A_508 = tpu.memref_slice %arg4[%add3A_176, %dma_wait3A_507] : memref<16384x1024xf32, #tpu.memory_space<hbm>> -> memref<16x1024xf32, #tpu.memory_space<hbm>>
      %dma_wait3A_509 = arith.constant 0 : i32
      %dma_wait3A_510 = tpu.memref_slice %arg4[%add3A_176, %dma_wait3A_509] : memref<16384x1024xf32, #tpu.memory_space<hbm>> -> memref<16x1024xf32, #tpu.memory_space<hbm>>
      tpu.wait_dma2 semaphore(%arg19 : memref<!tpu.dma_semaphore, #tpu.memory_space<semaphore_mem>>) src(%arg13 : memref<16x1024xf32, #tpu.memory_space<vmem>>) dst(%dma_wait3A_510 : memref<16x1024xf32, #tpu.memory_space<hbm>>)
      %dma_wait3A_511 = arith.constant 0 : i32
      %dma_wait3A_512 = tpu.memref_slice %arg4[%add3A_180, %dma_wait3A_511] : memref<16384x1024xf32, #tpu.memory_space<hbm>> -> memref<16x1024xf32, #tpu.memory_space<hbm>>
      %dma_wait3A_513 = arith.constant 0 : i32
      %dma_wait3A_514 = tpu.memref_slice %arg4[%add3A_180, %dma_wait3A_513] : memref<16384x1024xf32, #tpu.memory_space<hbm>> -> memref<16x1024xf32, #tpu.memory_space<hbm>>
      tpu.wait_dma2 semaphore(%arg19 : memref<!tpu.dma_semaphore, #tpu.memory_space<semaphore_mem>>) src(%arg13 : memref<16x1024xf32, #tpu.memory_space<vmem>>) dst(%dma_wait3A_514 : memref<16x1024xf32, #tpu.memory_space<hbm>>)
    } else {
    }
    %not3A = arith.constant true
    %not3A_49 = arith.xori %and3A_45, %not3A : i1
    %convert_element_type3A_50 = arith.extui %not3A_49 : i1 to i32
    %cond3A_51 = arith.constant 0 : i32
    %cond3A_52 = arith.cmpi ne, %convert_element_type3A_50, %cond3A_51 : i32
    scf.if %cond3A_52 {
      %add3A_53 = arith.constant 0 : i32
      %add3A_54 = arith.addi %add3A_53, %mul3A_47 : i32
      %add3A_55 = arith.constant 0 : i32
      %add3A_56 = arith.addi %add3A_54, %add3A_55 : i32
      %add3A_57 = arith.constant 0 : i32
      %add3A_58 = arith.addi %add3A_57, %mul3A_47 : i32
      %add3A_59 = arith.constant 16 : i32
      %add3A_60 = arith.addi %add3A_58, %add3A_59 : i32
      %add3A_61 = arith.constant 0 : i32
      %add3A_62 = arith.addi %add3A_61, %mul3A_47 : i32
      %add3A_63 = arith.constant 32 : i32
      %add3A_64 = arith.addi %add3A_62, %add3A_63 : i32
      %add3A_65 = arith.constant 0 : i32
      %add3A_66 = arith.addi %add3A_65, %mul3A_47 : i32
      %add3A_67 = arith.constant 48 : i32
      %add3A_68 = arith.addi %add3A_66, %add3A_67 : i32
      %add3A_69 = arith.constant 0 : i32
      %add3A_70 = arith.addi %add3A_69, %mul3A_47 : i32
      %add3A_71 = arith.constant 64 : i32
      %add3A_72 = arith.addi %add3A_70, %add3A_71 : i32
      %add3A_73 = arith.constant 0 : i32
      %add3A_74 = arith.addi %add3A_73, %mul3A_47 : i32
      %add3A_75 = arith.constant 80 : i32
      %add3A_76 = arith.addi %add3A_74, %add3A_75 : i32
      %add3A_77 = arith.constant 0 : i32
      %add3A_78 = arith.addi %add3A_77, %mul3A_47 : i32
      %add3A_79 = arith.constant 96 : i32
      %add3A_80 = arith.addi %add3A_78, %add3A_79 : i32
      %add3A_81 = arith.constant 0 : i32
      %add3A_82 = arith.addi %add3A_81, %mul3A_47 : i32
      %add3A_83 = arith.constant 112 : i32
      %add3A_84 = arith.addi %add3A_82, %add3A_83 : i32
      %add3A_85 = arith.constant 4096 : i32
      %add3A_86 = arith.addi %add3A_85, %mul3A_47 : i32
      %add3A_87 = arith.constant 0 : i32
      %add3A_88 = arith.addi %add3A_86, %add3A_87 : i32
      %add3A_89 = arith.constant 4096 : i32
      %add3A_90 = arith.addi %add3A_89, %mul3A_47 : i32
      %add3A_91 = arith.constant 16 : i32
      %add3A_92 = arith.addi %add3A_90, %add3A_91 : i32
      %add3A_93 = arith.constant 4096 : i32
      %add3A_94 = arith.addi %add3A_93, %mul3A_47 : i32
      %add3A_95 = arith.constant 32 : i32
      %add3A_96 = arith.addi %add3A_94, %add3A_95 : i32
      %add3A_97 = arith.constant 4096 : i32
      %add3A_98 = arith.addi %add3A_97, %mul3A_47 : i32
      %add3A_99 = arith.constant 48 : i32
      %add3A_100 = arith.addi %add3A_98, %add3A_99 : i32
      %add3A_101 = arith.constant 4096 : i32
      %add3A_102 = arith.addi %add3A_101, %mul3A_47 : i32
      %add3A_103 = arith.constant 64 : i32
      %add3A_104 = arith.addi %add3A_102, %add3A_103 : i32
      %add3A_105 = arith.constant 4096 : i32
      %add3A_106 = arith.addi %add3A_105, %mul3A_47 : i32
      %add3A_107 = arith.constant 80 : i32
      %add3A_108 = arith.addi %add3A_106, %add3A_107 : i32
      %add3A_109 = arith.constant 4096 : i32
      %add3A_110 = arith.addi %add3A_109, %mul3A_47 : i32
      %add3A_111 = arith.constant 96 : i32
      %add3A_112 = arith.addi %add3A_110, %add3A_111 : i32
      %add3A_113 = arith.constant 4096 : i32
      %add3A_114 = arith.addi %add3A_113, %mul3A_47 : i32
      %add3A_115 = arith.constant 112 : i32
      %add3A_116 = arith.addi %add3A_114, %add3A_115 : i32
      %add3A_117 = arith.constant 8192 : i32
      %add3A_118 = arith.addi %add3A_117, %mul3A_47 : i32
      %add3A_119 = arith.constant 0 : i32
      %add3A_120 = arith.addi %add3A_118, %add3A_119 : i32
      %add3A_121 = arith.constant 8192 : i32
      %add3A_122 = arith.addi %add3A_121, %mul3A_47 : i32
      %add3A_123 = arith.constant 16 : i32
      %add3A_124 = arith.addi %add3A_122, %add3A_123 : i32
      %add3A_125 = arith.constant 8192 : i32
      %add3A_126 = arith.addi %add3A_125, %mul3A_47 : i32
      %add3A_127 = arith.constant 32 : i32
      %add3A_128 = arith.addi %add3A_126, %add3A_127 : i32
      %add3A_129 = arith.constant 8192 : i32
      %add3A_130 = arith.addi %add3A_129, %mul3A_47 : i32
      %add3A_131 = arith.constant 48 : i32
      %add3A_132 = arith.addi %add3A_130, %add3A_131 : i32
      %add3A_133 = arith.constant 8192 : i32
      %add3A_134 = arith.addi %add3A_133, %mul3A_47 : i32
      %add3A_135 = arith.constant 64 : i32
      %add3A_136 = arith.addi %add3A_134, %add3A_135 : i32
      %add3A_137 = arith.constant 8192 : i32
      %add3A_138 = arith.addi %add3A_137, %mul3A_47 : i32
      %add3A_139 = arith.constant 80 : i32
      %add3A_140 = arith.addi %add3A_138, %add3A_139 : i32
      %add3A_141 = arith.constant 8192 : i32
      %add3A_142 = arith.addi %add3A_141, %mul3A_47 : i32
      %add3A_143 = arith.constant 96 : i32
      %add3A_144 = arith.addi %add3A_142, %add3A_143 : i32
      %add3A_145 = arith.constant 8192 : i32
      %add3A_146 = arith.addi %add3A_145, %mul3A_47 : i32
      %add3A_147 = arith.constant 112 : i32
      %add3A_148 = arith.addi %add3A_146, %add3A_147 : i32
      %add3A_149 = arith.constant 12288 : i32
      %add3A_150 = arith.addi %add3A_149, %mul3A_47 : i32
      %add3A_151 = arith.constant 0 : i32
      %add3A_152 = arith.addi %add3A_150, %add3A_151 : i32
      %add3A_153 = arith.constant 12288 : i32
      %add3A_154 = arith.addi %add3A_153, %mul3A_47 : i32
      %add3A_155 = arith.constant 16 : i32
      %add3A_156 = arith.addi %add3A_154, %add3A_155 : i32
      %add3A_157 = arith.constant 12288 : i32
      %add3A_158 = arith.addi %add3A_157, %mul3A_47 : i32
      %add3A_159 = arith.constant 32 : i32
      %add3A_160 = arith.addi %add3A_158, %add3A_159 : i32
      %add3A_161 = arith.constant 12288 : i32
      %add3A_162 = arith.addi %add3A_161, %mul3A_47 : i32
      %add3A_163 = arith.constant 48 : i32
      %add3A_164 = arith.addi %add3A_162, %add3A_163 : i32
      %add3A_165 = arith.constant 12288 : i32
      %add3A_166 = arith.addi %add3A_165, %mul3A_47 : i32
      %add3A_167 = arith.constant 64 : i32
      %add3A_168 = arith.addi %add3A_166, %add3A_167 : i32
      %add3A_169 = arith.constant 12288 : i32
      %add3A_170 = arith.addi %add3A_169, %mul3A_47 : i32
      %add3A_171 = arith.constant 80 : i32
      %add3A_172 = arith.addi %add3A_170, %add3A_171 : i32
      %add3A_173 = arith.constant 12288 : i32
      %add3A_174 = arith.addi %add3A_173, %mul3A_47 : i32
      %add3A_175 = arith.constant 96 : i32
      %add3A_176 = arith.addi %add3A_174, %add3A_175 : i32
      %add3A_177 = arith.constant 12288 : i32
      %add3A_178 = arith.addi %add3A_177, %mul3A_47 : i32
      %add3A_179 = arith.constant 112 : i32
      %add3A_180 = arith.addi %add3A_178, %add3A_179 : i32
      %dma_start3A = arith.constant 0 : i32
      %dma_start3A_181 = tpu.memref_slice %arg6[%dma_start3A] : memref<128xi32, #tpu.memory_space<vmem>> -> memref<16xi32, #tpu.memory_space<vmem>>
      %dma_start3A_182 = arith.constant 0 : i32
      %dma_start3A_183 = arith.constant 0 : i32
      %dma_start3A_184 = tpu.memref_slice %arg3[%dma_start3A_182, %dma_start3A_183] : memref<4097x1024xf32, #tpu.memory_space<hbm>> -> memref<4097x1024xf32, #tpu.memory_space<hbm>>
      tpu.enqueue_indirect_dma source(%dma_start3A_184 : memref<4097x1024xf32, #tpu.memory_space<hbm>>) target(%arg10 : memref<16x1024xf32, #tpu.memory_space<vmem>>) offsets(%dma_start3A_181 : memref<16xi32, #tpu.memory_space<vmem>>) semaphore(%arg14 : memref<!tpu.dma_semaphore, #tpu.memory_space<semaphore_mem>>)
      %dma_start3A_185 = arith.constant 16 : i32
      %dma_start3A_186 = tpu.memref_slice %arg6[%dma_start3A_185] : memref<128xi32, #tpu.memory_space<vmem>> -> memref<16xi32, #tpu.memory_space<vmem>>
      %dma_start3A_187 = arith.constant 0 : i32
      %dma_start3A_188 = arith.constant 0 : i32
      %dma_start3A_189 = tpu.memref_slice %arg3[%dma_start3A_187, %dma_start3A_188] : memref<4097x1024xf32, #tpu.memory_space<hbm>> -> memref<4097x1024xf32, #tpu.memory_space<hbm>>
      tpu.enqueue_indirect_dma source(%dma_start3A_189 : memref<4097x1024xf32, #tpu.memory_space<hbm>>) target(%arg11 : memref<16x1024xf32, #tpu.memory_space<vmem>>) offsets(%dma_start3A_186 : memref<16xi32, #tpu.memory_space<vmem>>) semaphore(%arg15 : memref<!tpu.dma_semaphore, #tpu.memory_space<semaphore_mem>>)
      %dma_wait3A = arith.constant 0 : i32
      %dma_wait3A_190 = tpu.memref_slice %arg6[%dma_wait3A] : memref<128xi32, #tpu.memory_space<vmem>> -> memref<16xi32, #tpu.memory_space<vmem>>
      %dma_wait3A_191 = arith.constant 0 : i32
      %dma_wait3A_192 = arith.constant 0 : i32
      %dma_wait3A_193 = tpu.memref_slice %arg3[%dma_wait3A_191, %dma_wait3A_192] : memref<4097x1024xf32, #tpu.memory_space<hbm>> -> memref<4097x1024xf32, #tpu.memory_space<hbm>>
      tpu.wait_indirect_dma semaphore(%arg14 : memref<!tpu.dma_semaphore, #tpu.memory_space<semaphore_mem>>) src(%dma_wait3A_193 : memref<4097x1024xf32, #tpu.memory_space<hbm>>) dst(%arg10 : memref<16x1024xf32, #tpu.memory_space<vmem>>)
      %dma_start3A_194 = arith.constant 32 : i32
      %dma_start3A_195 = tpu.memref_slice %arg6[%dma_start3A_194] : memref<128xi32, #tpu.memory_space<vmem>> -> memref<16xi32, #tpu.memory_space<vmem>>
      %dma_start3A_196 = arith.constant 0 : i32
      %dma_start3A_197 = arith.constant 0 : i32
      %dma_start3A_198 = tpu.memref_slice %arg3[%dma_start3A_196, %dma_start3A_197] : memref<4097x1024xf32, #tpu.memory_space<hbm>> -> memref<4097x1024xf32, #tpu.memory_space<hbm>>
      tpu.enqueue_indirect_dma source(%dma_start3A_198 : memref<4097x1024xf32, #tpu.memory_space<hbm>>) target(%arg12 : memref<16x1024xf32, #tpu.memory_space<vmem>>) offsets(%dma_start3A_195 : memref<16xi32, #tpu.memory_space<vmem>>) semaphore(%arg14 : memref<!tpu.dma_semaphore, #tpu.memory_space<semaphore_mem>>)
      %dma_start3A_199 = arith.constant 0 : i32
      %dma_start3A_200 = tpu.memref_slice %arg4[%add3A_56, %dma_start3A_199] : memref<16384x1024xf32, #tpu.memory_space<hbm>> -> memref<16x1024xf32, #tpu.memory_space<hbm>>
      %dma_start3A_201 = arith.constant 0 : i32
      %dma_start3A_202 = tpu.memref_slice %arg4[%add3A_56, %dma_start3A_201] : memref<16384x1024xf32, #tpu.memory_space<hbm>> -> memref<16x1024xf32, #tpu.memory_space<hbm>>
      tpu.enqueue_dma source(%arg10 : memref<16x1024xf32, #tpu.memory_space<vmem>>) target(%dma_start3A_202 : memref<16x1024xf32, #tpu.memory_space<hbm>>) target_semaphore(%arg16 : memref<!tpu.dma_semaphore, #tpu.memory_space<semaphore_mem>>)
      %dma_wait3A_203 = arith.constant 16 : i32
      %dma_wait3A_204 = tpu.memref_slice %arg6[%dma_wait3A_203] : memref<128xi32, #tpu.memory_space<vmem>> -> memref<16xi32, #tpu.memory_space<vmem>>
      %dma_wait3A_205 = arith.constant 0 : i32
      %dma_wait3A_206 = arith.constant 0 : i32
      %dma_wait3A_207 = tpu.memref_slice %arg3[%dma_wait3A_205, %dma_wait3A_206] : memref<4097x1024xf32, #tpu.memory_space<hbm>> -> memref<4097x1024xf32, #tpu.memory_space<hbm>>
      tpu.wait_indirect_dma semaphore(%arg15 : memref<!tpu.dma_semaphore, #tpu.memory_space<semaphore_mem>>) src(%dma_wait3A_207 : memref<4097x1024xf32, #tpu.memory_space<hbm>>) dst(%arg11 : memref<16x1024xf32, #tpu.memory_space<vmem>>)
      %dma_start3A_208 = arith.constant 48 : i32
      %dma_start3A_209 = tpu.memref_slice %arg6[%dma_start3A_208] : memref<128xi32, #tpu.memory_space<vmem>> -> memref<16xi32, #tpu.memory_space<vmem>>
      %dma_start3A_210 = arith.constant 0 : i32
      %dma_start3A_211 = arith.constant 0 : i32
      %dma_start3A_212 = tpu.memref_slice %arg3[%dma_start3A_210, %dma_start3A_211] : memref<4097x1024xf32, #tpu.memory_space<hbm>> -> memref<4097x1024xf32, #tpu.memory_space<hbm>>
      tpu.enqueue_indirect_dma source(%dma_start3A_212 : memref<4097x1024xf32, #tpu.memory_space<hbm>>) target(%arg13 : memref<16x1024xf32, #tpu.memory_space<vmem>>) offsets(%dma_start3A_209 : memref<16xi32, #tpu.memory_space<vmem>>) semaphore(%arg15 : memref<!tpu.dma_semaphore, #tpu.memory_space<semaphore_mem>>)
      %dma_start3A_213 = arith.constant 0 : i32
      %dma_start3A_214 = tpu.memref_slice %arg4[%add3A_60, %dma_start3A_213] : memref<16384x1024xf32, #tpu.memory_space<hbm>> -> memref<16x1024xf32, #tpu.memory_space<hbm>>
      %dma_start3A_215 = arith.constant 0 : i32
      %dma_start3A_216 = tpu.memref_slice %arg4[%add3A_60, %dma_start3A_215] : memref<16384x1024xf32, #tpu.memory_space<hbm>> -> memref<16x1024xf32, #tpu.memory_space<hbm>>
      tpu.enqueue_dma source(%arg11 : memref<16x1024xf32, #tpu.memory_space<vmem>>) target(%dma_start3A_216 : memref<16x1024xf32, #tpu.memory_space<hbm>>) target_semaphore(%arg17 : memref<!tpu.dma_semaphore, #tpu.memory_space<semaphore_mem>>)
      %dma_wait3A_217 = arith.constant 32 : i32
      %dma_wait3A_218 = tpu.memref_slice %arg6[%dma_wait3A_217] : memref<128xi32, #tpu.memory_space<vmem>> -> memref<16xi32, #tpu.memory_space<vmem>>
      %dma_wait3A_219 = arith.constant 0 : i32
      %dma_wait3A_220 = arith.constant 0 : i32
      %dma_wait3A_221 = tpu.memref_slice %arg3[%dma_wait3A_219, %dma_wait3A_220] : memref<4097x1024xf32, #tpu.memory_space<hbm>> -> memref<4097x1024xf32, #tpu.memory_space<hbm>>
      tpu.wait_indirect_dma semaphore(%arg14 : memref<!tpu.dma_semaphore, #tpu.memory_space<semaphore_mem>>) src(%dma_wait3A_221 : memref<4097x1024xf32, #tpu.memory_space<hbm>>) dst(%arg12 : memref<16x1024xf32, #tpu.memory_space<vmem>>)
      %dma_wait3A_222 = arith.constant 0 : i32
      %dma_wait3A_223 = tpu.memref_slice %arg4[%add3A_56, %dma_wait3A_222] : memref<16384x1024xf32, #tpu.memory_space<hbm>> -> memref<16x1024xf32, #tpu.memory_space<hbm>>
      %dma_wait3A_224 = arith.constant 0 : i32
      %dma_wait3A_225 = tpu.memref_slice %arg4[%add3A_56, %dma_wait3A_224] : memref<16384x1024xf32, #tpu.memory_space<hbm>> -> memref<16x1024xf32, #tpu.memory_space<hbm>>
      tpu.wait_dma2 semaphore(%arg16 : memref<!tpu.dma_semaphore, #tpu.memory_space<semaphore_mem>>) src(%arg10 : memref<16x1024xf32, #tpu.memory_space<vmem>>) dst(%dma_wait3A_225 : memref<16x1024xf32, #tpu.memory_space<hbm>>)
      %dma_start3A_226 = arith.constant 64 : i32
      %dma_start3A_227 = tpu.memref_slice %arg6[%dma_start3A_226] : memref<128xi32, #tpu.memory_space<vmem>> -> memref<16xi32, #tpu.memory_space<vmem>>
      %dma_start3A_228 = arith.constant 0 : i32
      %dma_start3A_229 = arith.constant 0 : i32
      %dma_start3A_230 = tpu.memref_slice %arg3[%dma_start3A_228, %dma_start3A_229] : memref<4097x1024xf32, #tpu.memory_space<hbm>> -> memref<4097x1024xf32, #tpu.memory_space<hbm>>
      tpu.enqueue_indirect_dma source(%dma_start3A_230 : memref<4097x1024xf32, #tpu.memory_space<hbm>>) target(%arg10 : memref<16x1024xf32, #tpu.memory_space<vmem>>) offsets(%dma_start3A_227 : memref<16xi32, #tpu.memory_space<vmem>>) semaphore(%arg14 : memref<!tpu.dma_semaphore, #tpu.memory_space<semaphore_mem>>)
      %dma_start3A_231 = arith.constant 0 : i32
      %dma_start3A_232 = tpu.memref_slice %arg4[%add3A_64, %dma_start3A_231] : memref<16384x1024xf32, #tpu.memory_space<hbm>> -> memref<16x1024xf32, #tpu.memory_space<hbm>>
      %dma_start3A_233 = arith.constant 0 : i32
      %dma_start3A_234 = tpu.memref_slice %arg4[%add3A_64, %dma_start3A_233] : memref<16384x1024xf32, #tpu.memory_space<hbm>> -> memref<16x1024xf32, #tpu.memory_space<hbm>>
      tpu.enqueue_dma source(%arg12 : memref<16x1024xf32, #tpu.memory_space<vmem>>) target(%dma_start3A_234 : memref<16x1024xf32, #tpu.memory_space<hbm>>) target_semaphore(%arg18 : memref<!tpu.dma_semaphore, #tpu.memory_space<semaphore_mem>>)
      %dma_wait3A_235 = arith.constant 48 : i32
      %dma_wait3A_236 = tpu.memref_slice %arg6[%dma_wait3A_235] : memref<128xi32, #tpu.memory_space<vmem>> -> memref<16xi32, #tpu.memory_space<vmem>>
      %dma_wait3A_237 = arith.constant 0 : i32
      %dma_wait3A_238 = arith.constant 0 : i32
      %dma_wait3A_239 = tpu.memref_slice %arg3[%dma_wait3A_237, %dma_wait3A_238] : memref<4097x1024xf32, #tpu.memory_space<hbm>> -> memref<4097x1024xf32, #tpu.memory_space<hbm>>
      tpu.wait_indirect_dma semaphore(%arg15 : memref<!tpu.dma_semaphore, #tpu.memory_space<semaphore_mem>>) src(%dma_wait3A_239 : memref<4097x1024xf32, #tpu.memory_space<hbm>>) dst(%arg13 : memref<16x1024xf32, #tpu.memory_space<vmem>>)
      %dma_wait3A_240 = arith.constant 0 : i32
      %dma_wait3A_241 = tpu.memref_slice %arg4[%add3A_60, %dma_wait3A_240] : memref<16384x1024xf32, #tpu.memory_space<hbm>> -> memref<16x1024xf32, #tpu.memory_space<hbm>>
      %dma_wait3A_242 = arith.constant 0 : i32
      %dma_wait3A_243 = tpu.memref_slice %arg4[%add3A_60, %dma_wait3A_242] : memref<16384x1024xf32, #tpu.memory_space<hbm>> -> memref<16x1024xf32, #tpu.memory_space<hbm>>
      tpu.wait_dma2 semaphore(%arg17 : memref<!tpu.dma_semaphore, #tpu.memory_space<semaphore_mem>>) src(%arg11 : memref<16x1024xf32, #tpu.memory_space<vmem>>) dst(%dma_wait3A_243 : memref<16x1024xf32, #tpu.memory_space<hbm>>)
      %dma_start3A_244 = arith.constant 80 : i32
      %dma_start3A_245 = tpu.memref_slice %arg6[%dma_start3A_244] : memref<128xi32, #tpu.memory_space<vmem>> -> memref<16xi32, #tpu.memory_space<vmem>>
      %dma_start3A_246 = arith.constant 0 : i32
      %dma_start3A_247 = arith.constant 0 : i32
      %dma_start3A_248 = tpu.memref_slice %arg3[%dma_start3A_246, %dma_start3A_247] : memref<4097x1024xf32, #tpu.memory_space<hbm>> -> memref<4097x1024xf32, #tpu.memory_space<hbm>>
      tpu.enqueue_indirect_dma source(%dma_start3A_248 : memref<4097x1024xf32, #tpu.memory_space<hbm>>) target(%arg11 : memref<16x1024xf32, #tpu.memory_space<vmem>>) offsets(%dma_start3A_245 : memref<16xi32, #tpu.memory_space<vmem>>) semaphore(%arg15 : memref<!tpu.dma_semaphore, #tpu.memory_space<semaphore_mem>>)
      %dma_start3A_249 = arith.constant 0 : i32
      %dma_start3A_250 = tpu.memref_slice %arg4[%add3A_68, %dma_start3A_249] : memref<16384x1024xf32, #tpu.memory_space<hbm>> -> memref<16x1024xf32, #tpu.memory_space<hbm>>
      %dma_start3A_251 = arith.constant 0 : i32
      %dma_start3A_252 = tpu.memref_slice %arg4[%add3A_68, %dma_start3A_251] : memref<16384x1024xf32, #tpu.memory_space<hbm>> -> memref<16x1024xf32, #tpu.memory_space<hbm>>
      tpu.enqueue_dma source(%arg13 : memref<16x1024xf32, #tpu.memory_space<vmem>>) target(%dma_start3A_252 : memref<16x1024xf32, #tpu.memory_space<hbm>>) target_semaphore(%arg19 : memref<!tpu.dma_semaphore, #tpu.memory_space<semaphore_mem>>)
      %dma_wait3A_253 = arith.constant 64 : i32
      %dma_wait3A_254 = tpu.memref_slice %arg6[%dma_wait3A_253] : memref<128xi32, #tpu.memory_space<vmem>> -> memref<16xi32, #tpu.memory_space<vmem>>
      %dma_wait3A_255 = arith.constant 0 : i32
      %dma_wait3A_256 = arith.constant 0 : i32
      %dma_wait3A_257 = tpu.memref_slice %arg3[%dma_wait3A_255, %dma_wait3A_256] : memref<4097x1024xf32, #tpu.memory_space<hbm>> -> memref<4097x1024xf32, #tpu.memory_space<hbm>>
      tpu.wait_indirect_dma semaphore(%arg14 : memref<!tpu.dma_semaphore, #tpu.memory_space<semaphore_mem>>) src(%dma_wait3A_257 : memref<4097x1024xf32, #tpu.memory_space<hbm>>) dst(%arg10 : memref<16x1024xf32, #tpu.memory_space<vmem>>)
      %dma_wait3A_258 = arith.constant 0 : i32
      %dma_wait3A_259 = tpu.memref_slice %arg4[%add3A_64, %dma_wait3A_258] : memref<16384x1024xf32, #tpu.memory_space<hbm>> -> memref<16x1024xf32, #tpu.memory_space<hbm>>
      %dma_wait3A_260 = arith.constant 0 : i32
      %dma_wait3A_261 = tpu.memref_slice %arg4[%add3A_64, %dma_wait3A_260] : memref<16384x1024xf32, #tpu.memory_space<hbm>> -> memref<16x1024xf32, #tpu.memory_space<hbm>>
      tpu.wait_dma2 semaphore(%arg18 : memref<!tpu.dma_semaphore, #tpu.memory_space<semaphore_mem>>) src(%arg12 : memref<16x1024xf32, #tpu.memory_space<vmem>>) dst(%dma_wait3A_261 : memref<16x1024xf32, #tpu.memory_space<hbm>>)
      %dma_start3A_262 = arith.constant 96 : i32
      %dma_start3A_263 = tpu.memref_slice %arg6[%dma_start3A_262] : memref<128xi32, #tpu.memory_space<vmem>> -> memref<16xi32, #tpu.memory_space<vmem>>
      %dma_start3A_264 = arith.constant 0 : i32
      %dma_start3A_265 = arith.constant 0 : i32
      %dma_start3A_266 = tpu.memref_slice %arg3[%dma_start3A_264, %dma_start3A_265] : memref<4097x1024xf32, #tpu.memory_space<hbm>> -> memref<4097x1024xf32, #tpu.memory_space<hbm>>
      tpu.enqueue_indirect_dma source(%dma_start3A_266 : memref<4097x1024xf32, #tpu.memory_space<hbm>>) target(%arg12 : memref<16x1024xf32, #tpu.memory_space<vmem>>) offsets(%dma_start3A_263 : memref<16xi32, #tpu.memory_space<vmem>>) semaphore(%arg14 : memref<!tpu.dma_semaphore, #tpu.memory_space<semaphore_mem>>)
      %dma_start3A_267 = arith.constant 0 : i32
      %dma_start3A_268 = tpu.memref_slice %arg4[%add3A_72, %dma_start3A_267] : memref<16384x1024xf32, #tpu.memory_space<hbm>> -> memref<16x1024xf32, #tpu.memory_space<hbm>>
      %dma_start3A_269 = arith.constant 0 : i32
      %dma_start3A_270 = tpu.memref_slice %arg4[%add3A_72, %dma_start3A_269] : memref<16384x1024xf32, #tpu.memory_space<hbm>> -> memref<16x1024xf32, #tpu.memory_space<hbm>>
      tpu.enqueue_dma source(%arg10 : memref<16x1024xf32, #tpu.memory_space<vmem>>) target(%dma_start3A_270 : memref<16x1024xf32, #tpu.memory_space<hbm>>) target_semaphore(%arg16 : memref<!tpu.dma_semaphore, #tpu.memory_space<semaphore_mem>>)
      %dma_wait3A_271 = arith.constant 80 : i32
      %dma_wait3A_272 = tpu.memref_slice %arg6[%dma_wait3A_271] : memref<128xi32, #tpu.memory_space<vmem>> -> memref<16xi32, #tpu.memory_space<vmem>>
      %dma_wait3A_273 = arith.constant 0 : i32
      %dma_wait3A_274 = arith.constant 0 : i32
      %dma_wait3A_275 = tpu.memref_slice %arg3[%dma_wait3A_273, %dma_wait3A_274] : memref<4097x1024xf32, #tpu.memory_space<hbm>> -> memref<4097x1024xf32, #tpu.memory_space<hbm>>
      tpu.wait_indirect_dma semaphore(%arg15 : memref<!tpu.dma_semaphore, #tpu.memory_space<semaphore_mem>>) src(%dma_wait3A_275 : memref<4097x1024xf32, #tpu.memory_space<hbm>>) dst(%arg11 : memref<16x1024xf32, #tpu.memory_space<vmem>>)
      %dma_wait3A_276 = arith.constant 0 : i32
      %dma_wait3A_277 = tpu.memref_slice %arg4[%add3A_68, %dma_wait3A_276] : memref<16384x1024xf32, #tpu.memory_space<hbm>> -> memref<16x1024xf32, #tpu.memory_space<hbm>>
      %dma_wait3A_278 = arith.constant 0 : i32
      %dma_wait3A_279 = tpu.memref_slice %arg4[%add3A_68, %dma_wait3A_278] : memref<16384x1024xf32, #tpu.memory_space<hbm>> -> memref<16x1024xf32, #tpu.memory_space<hbm>>
      tpu.wait_dma2 semaphore(%arg19 : memref<!tpu.dma_semaphore, #tpu.memory_space<semaphore_mem>>) src(%arg13 : memref<16x1024xf32, #tpu.memory_space<vmem>>) dst(%dma_wait3A_279 : memref<16x1024xf32, #tpu.memory_space<hbm>>)
      %dma_start3A_280 = arith.constant 112 : i32
      %dma_start3A_281 = tpu.memref_slice %arg6[%dma_start3A_280] : memref<128xi32, #tpu.memory_space<vmem>> -> memref<16xi32, #tpu.memory_space<vmem>>
      %dma_start3A_282 = arith.constant 0 : i32
      %dma_start3A_283 = arith.constant 0 : i32
      %dma_start3A_284 = tpu.memref_slice %arg3[%dma_start3A_282, %dma_start3A_283] : memref<4097x1024xf32, #tpu.memory_space<hbm>> -> memref<4097x1024xf32, #tpu.memory_space<hbm>>
      tpu.enqueue_indirect_dma source(%dma_start3A_284 : memref<4097x1024xf32, #tpu.memory_space<hbm>>) target(%arg13 : memref<16x1024xf32, #tpu.memory_space<vmem>>) offsets(%dma_start3A_281 : memref<16xi32, #tpu.memory_space<vmem>>) semaphore(%arg15 : memref<!tpu.dma_semaphore, #tpu.memory_space<semaphore_mem>>)
      %dma_start3A_285 = arith.constant 0 : i32
      %dma_start3A_286 = tpu.memref_slice %arg4[%add3A_76, %dma_start3A_285] : memref<16384x1024xf32, #tpu.memory_space<hbm>> -> memref<16x1024xf32, #tpu.memory_space<hbm>>
      %dma_start3A_287 = arith.constant 0 : i32
      %dma_start3A_288 = tpu.memref_slice %arg4[%add3A_76, %dma_start3A_287] : memref<16384x1024xf32, #tpu.memory_space<hbm>> -> memref<16x1024xf32, #tpu.memory_space<hbm>>
      tpu.enqueue_dma source(%arg11 : memref<16x1024xf32, #tpu.memory_space<vmem>>) target(%dma_start3A_288 : memref<16x1024xf32, #tpu.memory_space<hbm>>) target_semaphore(%arg17 : memref<!tpu.dma_semaphore, #tpu.memory_space<semaphore_mem>>)
      %dma_wait3A_289 = arith.constant 96 : i32
      %dma_wait3A_290 = tpu.memref_slice %arg6[%dma_wait3A_289] : memref<128xi32, #tpu.memory_space<vmem>> -> memref<16xi32, #tpu.memory_space<vmem>>
      %dma_wait3A_291 = arith.constant 0 : i32
      %dma_wait3A_292 = arith.constant 0 : i32
      %dma_wait3A_293 = tpu.memref_slice %arg3[%dma_wait3A_291, %dma_wait3A_292] : memref<4097x1024xf32, #tpu.memory_space<hbm>> -> memref<4097x1024xf32, #tpu.memory_space<hbm>>
      tpu.wait_indirect_dma semaphore(%arg14 : memref<!tpu.dma_semaphore, #tpu.memory_space<semaphore_mem>>) src(%dma_wait3A_293 : memref<4097x1024xf32, #tpu.memory_space<hbm>>) dst(%arg12 : memref<16x1024xf32, #tpu.memory_space<vmem>>)
      %dma_wait3A_294 = arith.constant 0 : i32
      %dma_wait3A_295 = tpu.memref_slice %arg4[%add3A_72, %dma_wait3A_294] : memref<16384x1024xf32, #tpu.memory_space<hbm>> -> memref<16x1024xf32, #tpu.memory_space<hbm>>
      %dma_wait3A_296 = arith.constant 0 : i32
      %dma_wait3A_297 = tpu.memref_slice %arg4[%add3A_72, %dma_wait3A_296] : memref<16384x1024xf32, #tpu.memory_space<hbm>> -> memref<16x1024xf32, #tpu.memory_space<hbm>>
      tpu.wait_dma2 semaphore(%arg16 : memref<!tpu.dma_semaphore, #tpu.memory_space<semaphore_mem>>) src(%arg10 : memref<16x1024xf32, #tpu.memory_space<vmem>>) dst(%dma_wait3A_297 : memref<16x1024xf32, #tpu.memory_space<hbm>>)
      %dma_start3A_298 = arith.constant 0 : i32
      %dma_start3A_299 = tpu.memref_slice %arg7[%dma_start3A_298] : memref<128xi32, #tpu.memory_space<vmem>> -> memref<16xi32, #tpu.memory_space<vmem>>
      %dma_start3A_300 = arith.constant 0 : i32
      %dma_start3A_301 = arith.constant 0 : i32
      %dma_start3A_302 = tpu.memref_slice %arg3[%dma_start3A_300, %dma_start3A_301] : memref<4097x1024xf32, #tpu.memory_space<hbm>> -> memref<4097x1024xf32, #tpu.memory_space<hbm>>
      tpu.enqueue_indirect_dma source(%dma_start3A_302 : memref<4097x1024xf32, #tpu.memory_space<hbm>>) target(%arg10 : memref<16x1024xf32, #tpu.memory_space<vmem>>) offsets(%dma_start3A_299 : memref<16xi32, #tpu.memory_space<vmem>>) semaphore(%arg14 : memref<!tpu.dma_semaphore, #tpu.memory_space<semaphore_mem>>)
      %dma_start3A_303 = arith.constant 0 : i32
      %dma_start3A_304 = tpu.memref_slice %arg4[%add3A_80, %dma_start3A_303] : memref<16384x1024xf32, #tpu.memory_space<hbm>> -> memref<16x1024xf32, #tpu.memory_space<hbm>>
      %dma_start3A_305 = arith.constant 0 : i32
      %dma_start3A_306 = tpu.memref_slice %arg4[%add3A_80, %dma_start3A_305] : memref<16384x1024xf32, #tpu.memory_space<hbm>> -> memref<16x1024xf32, #tpu.memory_space<hbm>>
      tpu.enqueue_dma source(%arg12 : memref<16x1024xf32, #tpu.memory_space<vmem>>) target(%dma_start3A_306 : memref<16x1024xf32, #tpu.memory_space<hbm>>) target_semaphore(%arg18 : memref<!tpu.dma_semaphore, #tpu.memory_space<semaphore_mem>>)
      %dma_wait3A_307 = arith.constant 112 : i32
      %dma_wait3A_308 = tpu.memref_slice %arg6[%dma_wait3A_307] : memref<128xi32, #tpu.memory_space<vmem>> -> memref<16xi32, #tpu.memory_space<vmem>>
      %dma_wait3A_309 = arith.constant 0 : i32
      %dma_wait3A_310 = arith.constant 0 : i32
      %dma_wait3A_311 = tpu.memref_slice %arg3[%dma_wait3A_309, %dma_wait3A_310] : memref<4097x1024xf32, #tpu.memory_space<hbm>> -> memref<4097x1024xf32, #tpu.memory_space<hbm>>
      tpu.wait_indirect_dma semaphore(%arg15 : memref<!tpu.dma_semaphore, #tpu.memory_space<semaphore_mem>>) src(%dma_wait3A_311 : memref<4097x1024xf32, #tpu.memory_space<hbm>>) dst(%arg13 : memref<16x1024xf32, #tpu.memory_space<vmem>>)
      %dma_wait3A_312 = arith.constant 0 : i32
      %dma_wait3A_313 = tpu.memref_slice %arg4[%add3A_76, %dma_wait3A_312] : memref<16384x1024xf32, #tpu.memory_space<hbm>> -> memref<16x1024xf32, #tpu.memory_space<hbm>>
      %dma_wait3A_314 = arith.constant 0 : i32
      %dma_wait3A_315 = tpu.memref_slice %arg4[%add3A_76, %dma_wait3A_314] : memref<16384x1024xf32, #tpu.memory_space<hbm>> -> memref<16x1024xf32, #tpu.memory_space<hbm>>
      tpu.wait_dma2 semaphore(%arg17 : memref<!tpu.dma_semaphore, #tpu.memory_space<semaphore_mem>>) src(%arg11 : memref<16x1024xf32, #tpu.memory_space<vmem>>) dst(%dma_wait3A_315 : memref<16x1024xf32, #tpu.memory_space<hbm>>)
      %dma_start3A_316 = arith.constant 16 : i32
      %dma_start3A_317 = tpu.memref_slice %arg7[%dma_start3A_316] : memref<128xi32, #tpu.memory_space<vmem>> -> memref<16xi32, #tpu.memory_space<vmem>>
      %dma_start3A_318 = arith.constant 0 : i32
      %dma_start3A_319 = arith.constant 0 : i32
      %dma_start3A_320 = tpu.memref_slice %arg3[%dma_start3A_318, %dma_start3A_319] : memref<4097x1024xf32, #tpu.memory_space<hbm>> -> memref<4097x1024xf32, #tpu.memory_space<hbm>>
      tpu.enqueue_indirect_dma source(%dma_start3A_320 : memref<4097x1024xf32, #tpu.memory_space<hbm>>) target(%arg11 : memref<16x1024xf32, #tpu.memory_space<vmem>>) offsets(%dma_start3A_317 : memref<16xi32, #tpu.memory_space<vmem>>) semaphore(%arg15 : memref<!tpu.dma_semaphore, #tpu.memory_space<semaphore_mem>>)
      %dma_start3A_321 = arith.constant 0 : i32
      %dma_start3A_322 = tpu.memref_slice %arg4[%add3A_84, %dma_start3A_321] : memref<16384x1024xf32, #tpu.memory_space<hbm>> -> memref<16x1024xf32, #tpu.memory_space<hbm>>
      %dma_start3A_323 = arith.constant 0 : i32
      %dma_start3A_324 = tpu.memref_slice %arg4[%add3A_84, %dma_start3A_323] : memref<16384x1024xf32, #tpu.memory_space<hbm>> -> memref<16x1024xf32, #tpu.memory_space<hbm>>
      tpu.enqueue_dma source(%arg13 : memref<16x1024xf32, #tpu.memory_space<vmem>>) target(%dma_start3A_324 : memref<16x1024xf32, #tpu.memory_space<hbm>>) target_semaphore(%arg19 : memref<!tpu.dma_semaphore, #tpu.memory_space<semaphore_mem>>)
      %dma_wait3A_325 = arith.constant 0 : i32
      %dma_wait3A_326 = tpu.memref_slice %arg7[%dma_wait3A_325] : memref<128xi32, #tpu.memory_space<vmem>> -> memref<16xi32, #tpu.memory_space<vmem>>
      %dma_wait3A_327 = arith.constant 0 : i32
      %dma_wait3A_328 = arith.constant 0 : i32
      %dma_wait3A_329 = tpu.memref_slice %arg3[%dma_wait3A_327, %dma_wait3A_328] : memref<4097x1024xf32, #tpu.memory_space<hbm>> -> memref<4097x1024xf32, #tpu.memory_space<hbm>>
      tpu.wait_indirect_dma semaphore(%arg14 : memref<!tpu.dma_semaphore, #tpu.memory_space<semaphore_mem>>) src(%dma_wait3A_329 : memref<4097x1024xf32, #tpu.memory_space<hbm>>) dst(%arg10 : memref<16x1024xf32, #tpu.memory_space<vmem>>)
      %dma_wait3A_330 = arith.constant 0 : i32
      %dma_wait3A_331 = tpu.memref_slice %arg4[%add3A_80, %dma_wait3A_330] : memref<16384x1024xf32, #tpu.memory_space<hbm>> -> memref<16x1024xf32, #tpu.memory_space<hbm>>
      %dma_wait3A_332 = arith.constant 0 : i32
      %dma_wait3A_333 = tpu.memref_slice %arg4[%add3A_80, %dma_wait3A_332] : memref<16384x1024xf32, #tpu.memory_space<hbm>> -> memref<16x1024xf32, #tpu.memory_space<hbm>>
      tpu.wait_dma2 semaphore(%arg18 : memref<!tpu.dma_semaphore, #tpu.memory_space<semaphore_mem>>) src(%arg12 : memref<16x1024xf32, #tpu.memory_space<vmem>>) dst(%dma_wait3A_333 : memref<16x1024xf32, #tpu.memory_space<hbm>>)
      %dma_start3A_334 = arith.constant 32 : i32
      %dma_start3A_335 = tpu.memref_slice %arg7[%dma_start3A_334] : memref<128xi32, #tpu.memory_space<vmem>> -> memref<16xi32, #tpu.memory_space<vmem>>
      %dma_start3A_336 = arith.constant 0 : i32
      %dma_start3A_337 = arith.constant 0 : i32
      %dma_start3A_338 = tpu.memref_slice %arg3[%dma_start3A_336, %dma_start3A_337] : memref<4097x1024xf32, #tpu.memory_space<hbm>> -> memref<4097x1024xf32, #tpu.memory_space<hbm>>
      tpu.enqueue_indirect_dma source(%dma_start3A_338 : memref<4097x1024xf32, #tpu.memory_space<hbm>>) target(%arg12 : memref<16x1024xf32, #tpu.memory_space<vmem>>) offsets(%dma_start3A_335 : memref<16xi32, #tpu.memory_space<vmem>>) semaphore(%arg14 : memref<!tpu.dma_semaphore, #tpu.memory_space<semaphore_mem>>)
      %dma_start3A_339 = arith.constant 0 : i32
      %dma_start3A_340 = tpu.memref_slice %arg4[%add3A_88, %dma_start3A_339] : memref<16384x1024xf32, #tpu.memory_space<hbm>> -> memref<16x1024xf32, #tpu.memory_space<hbm>>
      %dma_start3A_341 = arith.constant 0 : i32
      %dma_start3A_342 = tpu.memref_slice %arg4[%add3A_88, %dma_start3A_341] : memref<16384x1024xf32, #tpu.memory_space<hbm>> -> memref<16x1024xf32, #tpu.memory_space<hbm>>
      tpu.enqueue_dma source(%arg10 : memref<16x1024xf32, #tpu.memory_space<vmem>>) target(%dma_start3A_342 : memref<16x1024xf32, #tpu.memory_space<hbm>>) target_semaphore(%arg16 : memref<!tpu.dma_semaphore, #tpu.memory_space<semaphore_mem>>)
      %dma_wait3A_343 = arith.constant 16 : i32
      %dma_wait3A_344 = tpu.memref_slice %arg7[%dma_wait3A_343] : memref<128xi32, #tpu.memory_space<vmem>> -> memref<16xi32, #tpu.memory_space<vmem>>
      %dma_wait3A_345 = arith.constant 0 : i32
      %dma_wait3A_346 = arith.constant 0 : i32
      %dma_wait3A_347 = tpu.memref_slice %arg3[%dma_wait3A_345, %dma_wait3A_346] : memref<4097x1024xf32, #tpu.memory_space<hbm>> -> memref<4097x1024xf32, #tpu.memory_space<hbm>>
      tpu.wait_indirect_dma semaphore(%arg15 : memref<!tpu.dma_semaphore, #tpu.memory_space<semaphore_mem>>) src(%dma_wait3A_347 : memref<4097x1024xf32, #tpu.memory_space<hbm>>) dst(%arg11 : memref<16x1024xf32, #tpu.memory_space<vmem>>)
      %dma_wait3A_348 = arith.constant 0 : i32
      %dma_wait3A_349 = tpu.memref_slice %arg4[%add3A_84, %dma_wait3A_348] : memref<16384x1024xf32, #tpu.memory_space<hbm>> -> memref<16x1024xf32, #tpu.memory_space<hbm>>
      %dma_wait3A_350 = arith.constant 0 : i32
      %dma_wait3A_351 = tpu.memref_slice %arg4[%add3A_84, %dma_wait3A_350] : memref<16384x1024xf32, #tpu.memory_space<hbm>> -> memref<16x1024xf32, #tpu.memory_space<hbm>>
      tpu.wait_dma2 semaphore(%arg19 : memref<!tpu.dma_semaphore, #tpu.memory_space<semaphore_mem>>) src(%arg13 : memref<16x1024xf32, #tpu.memory_space<vmem>>) dst(%dma_wait3A_351 : memref<16x1024xf32, #tpu.memory_space<hbm>>)
      %dma_start3A_352 = arith.constant 48 : i32
      %dma_start3A_353 = tpu.memref_slice %arg7[%dma_start3A_352] : memref<128xi32, #tpu.memory_space<vmem>> -> memref<16xi32, #tpu.memory_space<vmem>>
      %dma_start3A_354 = arith.constant 0 : i32
      %dma_start3A_355 = arith.constant 0 : i32
      %dma_start3A_356 = tpu.memref_slice %arg3[%dma_start3A_354, %dma_start3A_355] : memref<4097x1024xf32, #tpu.memory_space<hbm>> -> memref<4097x1024xf32, #tpu.memory_space<hbm>>
      tpu.enqueue_indirect_dma source(%dma_start3A_356 : memref<4097x1024xf32, #tpu.memory_space<hbm>>) target(%arg13 : memref<16x1024xf32, #tpu.memory_space<vmem>>) offsets(%dma_start3A_353 : memref<16xi32, #tpu.memory_space<vmem>>) semaphore(%arg15 : memref<!tpu.dma_semaphore, #tpu.memory_space<semaphore_mem>>)
      %dma_start3A_357 = arith.constant 0 : i32
      %dma_start3A_358 = tpu.memref_slice %arg4[%add3A_92, %dma_start3A_357] : memref<16384x1024xf32, #tpu.memory_space<hbm>> -> memref<16x1024xf32, #tpu.memory_space<hbm>>
      %dma_start3A_359 = arith.constant 0 : i32
      %dma_start3A_360 = tpu.memref_slice %arg4[%add3A_92, %dma_start3A_359] : memref<16384x1024xf32, #tpu.memory_space<hbm>> -> memref<16x1024xf32, #tpu.memory_space<hbm>>
      tpu.enqueue_dma source(%arg11 : memref<16x1024xf32, #tpu.memory_space<vmem>>) target(%dma_start3A_360 : memref<16x1024xf32, #tpu.memory_space<hbm>>) target_semaphore(%arg17 : memref<!tpu.dma_semaphore, #tpu.memory_space<semaphore_mem>>)
      %dma_wait3A_361 = arith.constant 32 : i32
      %dma_wait3A_362 = tpu.memref_slice %arg7[%dma_wait3A_361] : memref<128xi32, #tpu.memory_space<vmem>> -> memref<16xi32, #tpu.memory_space<vmem>>
      %dma_wait3A_363 = arith.constant 0 : i32
      %dma_wait3A_364 = arith.constant 0 : i32
      %dma_wait3A_365 = tpu.memref_slice %arg3[%dma_wait3A_363, %dma_wait3A_364] : memref<4097x1024xf32, #tpu.memory_space<hbm>> -> memref<4097x1024xf32, #tpu.memory_space<hbm>>
      tpu.wait_indirect_dma semaphore(%arg14 : memref<!tpu.dma_semaphore, #tpu.memory_space<semaphore_mem>>) src(%dma_wait3A_365 : memref<4097x1024xf32, #tpu.memory_space<hbm>>) dst(%arg12 : memref<16x1024xf32, #tpu.memory_space<vmem>>)
      %dma_wait3A_366 = arith.constant 0 : i32
      %dma_wait3A_367 = tpu.memref_slice %arg4[%add3A_88, %dma_wait3A_366] : memref<16384x1024xf32, #tpu.memory_space<hbm>> -> memref<16x1024xf32, #tpu.memory_space<hbm>>
      %dma_wait3A_368 = arith.constant 0 : i32
      %dma_wait3A_369 = tpu.memref_slice %arg4[%add3A_88, %dma_wait3A_368] : memref<16384x1024xf32, #tpu.memory_space<hbm>> -> memref<16x1024xf32, #tpu.memory_space<hbm>>
      tpu.wait_dma2 semaphore(%arg16 : memref<!tpu.dma_semaphore, #tpu.memory_space<semaphore_mem>>) src(%arg10 : memref<16x1024xf32, #tpu.memory_space<vmem>>) dst(%dma_wait3A_369 : memref<16x1024xf32, #tpu.memory_space<hbm>>)
      %dma_start3A_370 = arith.constant 64 : i32
      %dma_start3A_371 = tpu.memref_slice %arg7[%dma_start3A_370] : memref<128xi32, #tpu.memory_space<vmem>> -> memref<16xi32, #tpu.memory_space<vmem>>
      %dma_start3A_372 = arith.constant 0 : i32
      %dma_start3A_373 = arith.constant 0 : i32
      %dma_start3A_374 = tpu.memref_slice %arg3[%dma_start3A_372, %dma_start3A_373] : memref<4097x1024xf32, #tpu.memory_space<hbm>> -> memref<4097x1024xf32, #tpu.memory_space<hbm>>
      tpu.enqueue_indirect_dma source(%dma_start3A_374 : memref<4097x1024xf32, #tpu.memory_space<hbm>>) target(%arg10 : memref<16x1024xf32, #tpu.memory_space<vmem>>) offsets(%dma_start3A_371 : memref<16xi32, #tpu.memory_space<vmem>>) semaphore(%arg14 : memref<!tpu.dma_semaphore, #tpu.memory_space<semaphore_mem>>)
      %dma_start3A_375 = arith.constant 0 : i32
      %dma_start3A_376 = tpu.memref_slice %arg4[%add3A_96, %dma_start3A_375] : memref<16384x1024xf32, #tpu.memory_space<hbm>> -> memref<16x1024xf32, #tpu.memory_space<hbm>>
      %dma_start3A_377 = arith.constant 0 : i32
      %dma_start3A_378 = tpu.memref_slice %arg4[%add3A_96, %dma_start3A_377] : memref<16384x1024xf32, #tpu.memory_space<hbm>> -> memref<16x1024xf32, #tpu.memory_space<hbm>>
      tpu.enqueue_dma source(%arg12 : memref<16x1024xf32, #tpu.memory_space<vmem>>) target(%dma_start3A_378 : memref<16x1024xf32, #tpu.memory_space<hbm>>) target_semaphore(%arg18 : memref<!tpu.dma_semaphore, #tpu.memory_space<semaphore_mem>>)
      %dma_wait3A_379 = arith.constant 48 : i32
      %dma_wait3A_380 = tpu.memref_slice %arg7[%dma_wait3A_379] : memref<128xi32, #tpu.memory_space<vmem>> -> memref<16xi32, #tpu.memory_space<vmem>>
      %dma_wait3A_381 = arith.constant 0 : i32
      %dma_wait3A_382 = arith.constant 0 : i32
      %dma_wait3A_383 = tpu.memref_slice %arg3[%dma_wait3A_381, %dma_wait3A_382] : memref<4097x1024xf32, #tpu.memory_space<hbm>> -> memref<4097x1024xf32, #tpu.memory_space<hbm>>
      tpu.wait_indirect_dma semaphore(%arg15 : memref<!tpu.dma_semaphore, #tpu.memory_space<semaphore_mem>>) src(%dma_wait3A_383 : memref<4097x1024xf32, #tpu.memory_space<hbm>>) dst(%arg13 : memref<16x1024xf32, #tpu.memory_space<vmem>>)
      %dma_wait3A_384 = arith.constant 0 : i32
      %dma_wait3A_385 = tpu.memref_slice %arg4[%add3A_92, %dma_wait3A_384] : memref<16384x1024xf32, #tpu.memory_space<hbm>> -> memref<16x1024xf32, #tpu.memory_space<hbm>>
      %dma_wait3A_386 = arith.constant 0 : i32
      %dma_wait3A_387 = tpu.memref_slice %arg4[%add3A_92, %dma_wait3A_386] : memref<16384x1024xf32, #tpu.memory_space<hbm>> -> memref<16x1024xf32, #tpu.memory_space<hbm>>
      tpu.wait_dma2 semaphore(%arg17 : memref<!tpu.dma_semaphore, #tpu.memory_space<semaphore_mem>>) src(%arg11 : memref<16x1024xf32, #tpu.memory_space<vmem>>) dst(%dma_wait3A_387 : memref<16x1024xf32, #tpu.memory_space<hbm>>)
      %dma_start3A_388 = arith.constant 80 : i32
      %dma_start3A_389 = tpu.memref_slice %arg7[%dma_start3A_388] : memref<128xi32, #tpu.memory_space<vmem>> -> memref<16xi32, #tpu.memory_space<vmem>>
      %dma_start3A_390 = arith.constant 0 : i32
      %dma_start3A_391 = arith.constant 0 : i32
      %dma_start3A_392 = tpu.memref_slice %arg3[%dma_start3A_390, %dma_start3A_391] : memref<4097x1024xf32, #tpu.memory_space<hbm>> -> memref<4097x1024xf32, #tpu.memory_space<hbm>>
      tpu.enqueue_indirect_dma source(%dma_start3A_392 : memref<4097x1024xf32, #tpu.memory_space<hbm>>) target(%arg11 : memref<16x1024xf32, #tpu.memory_space<vmem>>) offsets(%dma_start3A_389 : memref<16xi32, #tpu.memory_space<vmem>>) semaphore(%arg15 : memref<!tpu.dma_semaphore, #tpu.memory_space<semaphore_mem>>)
      %dma_start3A_393 = arith.constant 0 : i32
      %dma_start3A_394 = tpu.memref_slice %arg4[%add3A_100, %dma_start3A_393] : memref<16384x1024xf32, #tpu.memory_space<hbm>> -> memref<16x1024xf32, #tpu.memory_space<hbm>>
      %dma_start3A_395 = arith.constant 0 : i32
      %dma_start3A_396 = tpu.memref_slice %arg4[%add3A_100, %dma_start3A_395] : memref<16384x1024xf32, #tpu.memory_space<hbm>> -> memref<16x1024xf32, #tpu.memory_space<hbm>>
      tpu.enqueue_dma source(%arg13 : memref<16x1024xf32, #tpu.memory_space<vmem>>) target(%dma_start3A_396 : memref<16x1024xf32, #tpu.memory_space<hbm>>) target_semaphore(%arg19 : memref<!tpu.dma_semaphore, #tpu.memory_space<semaphore_mem>>)
      %dma_wait3A_397 = arith.constant 64 : i32
      %dma_wait3A_398 = tpu.memref_slice %arg7[%dma_wait3A_397] : memref<128xi32, #tpu.memory_space<vmem>> -> memref<16xi32, #tpu.memory_space<vmem>>
      %dma_wait3A_399 = arith.constant 0 : i32
      %dma_wait3A_400 = arith.constant 0 : i32
      %dma_wait3A_401 = tpu.memref_slice %arg3[%dma_wait3A_399, %dma_wait3A_400] : memref<4097x1024xf32, #tpu.memory_space<hbm>> -> memref<4097x1024xf32, #tpu.memory_space<hbm>>
      tpu.wait_indirect_dma semaphore(%arg14 : memref<!tpu.dma_semaphore, #tpu.memory_space<semaphore_mem>>) src(%dma_wait3A_401 : memref<4097x1024xf32, #tpu.memory_space<hbm>>) dst(%arg10 : memref<16x1024xf32, #tpu.memory_space<vmem>>)
      %dma_wait3A_402 = arith.constant 0 : i32
      %dma_wait3A_403 = tpu.memref_slice %arg4[%add3A_96, %dma_wait3A_402] : memref<16384x1024xf32, #tpu.memory_space<hbm>> -> memref<16x1024xf32, #tpu.memory_space<hbm>>
      %dma_wait3A_404 = arith.constant 0 : i32
      %dma_wait3A_405 = tpu.memref_slice %arg4[%add3A_96, %dma_wait3A_404] : memref<16384x1024xf32, #tpu.memory_space<hbm>> -> memref<16x1024xf32, #tpu.memory_space<hbm>>
      tpu.wait_dma2 semaphore(%arg18 : memref<!tpu.dma_semaphore, #tpu.memory_space<semaphore_mem>>) src(%arg12 : memref<16x1024xf32, #tpu.memory_space<vmem>>) dst(%dma_wait3A_405 : memref<16x1024xf32, #tpu.memory_space<hbm>>)
      %dma_start3A_406 = arith.constant 96 : i32
      %dma_start3A_407 = tpu.memref_slice %arg7[%dma_start3A_406] : memref<128xi32, #tpu.memory_space<vmem>> -> memref<16xi32, #tpu.memory_space<vmem>>
      %dma_start3A_408 = arith.constant 0 : i32
      %dma_start3A_409 = arith.constant 0 : i32
      %dma_start3A_410 = tpu.memref_slice %arg3[%dma_start3A_408, %dma_start3A_409] : memref<4097x1024xf32, #tpu.memory_space<hbm>> -> memref<4097x1024xf32, #tpu.memory_space<hbm>>
      tpu.enqueue_indirect_dma source(%dma_start3A_410 : memref<4097x1024xf32, #tpu.memory_space<hbm>>) target(%arg12 : memref<16x1024xf32, #tpu.memory_space<vmem>>) offsets(%dma_start3A_407 : memref<16xi32, #tpu.memory_space<vmem>>) semaphore(%arg14 : memref<!tpu.dma_semaphore, #tpu.memory_space<semaphore_mem>>)
      %dma_start3A_411 = arith.constant 0 : i32
      %dma_start3A_412 = tpu.memref_slice %arg4[%add3A_104, %dma_start3A_411] : memref<16384x1024xf32, #tpu.memory_space<hbm>> -> memref<16x1024xf32, #tpu.memory_space<hbm>>
      %dma_start3A_413 = arith.constant 0 : i32
      %dma_start3A_414 = tpu.memref_slice %arg4[%add3A_104, %dma_start3A_413] : memref<16384x1024xf32, #tpu.memory_space<hbm>> -> memref<16x1024xf32, #tpu.memory_space<hbm>>
      tpu.enqueue_dma source(%arg10 : memref<16x1024xf32, #tpu.memory_space<vmem>>) target(%dma_start3A_414 : memref<16x1024xf32, #tpu.memory_space<hbm>>) target_semaphore(%arg16 : memref<!tpu.dma_semaphore, #tpu.memory_space<semaphore_mem>>)
      %dma_wait3A_415 = arith.constant 80 : i32
      %dma_wait3A_416 = tpu.memref_slice %arg7[%dma_wait3A_415] : memref<128xi32, #tpu.memory_space<vmem>> -> memref<16xi32, #tpu.memory_space<vmem>>
      %dma_wait3A_417 = arith.constant 0 : i32
      %dma_wait3A_418 = arith.constant 0 : i32
      %dma_wait3A_419 = tpu.memref_slice %arg3[%dma_wait3A_417, %dma_wait3A_418] : memref<4097x1024xf32, #tpu.memory_space<hbm>> -> memref<4097x1024xf32, #tpu.memory_space<hbm>>
      tpu.wait_indirect_dma semaphore(%arg15 : memref<!tpu.dma_semaphore, #tpu.memory_space<semaphore_mem>>) src(%dma_wait3A_419 : memref<4097x1024xf32, #tpu.memory_space<hbm>>) dst(%arg11 : memref<16x1024xf32, #tpu.memory_space<vmem>>)
      %dma_wait3A_420 = arith.constant 0 : i32
      %dma_wait3A_421 = tpu.memref_slice %arg4[%add3A_100, %dma_wait3A_420] : memref<16384x1024xf32, #tpu.memory_space<hbm>> -> memref<16x1024xf32, #tpu.memory_space<hbm>>
      %dma_wait3A_422 = arith.constant 0 : i32
      %dma_wait3A_423 = tpu.memref_slice %arg4[%add3A_100, %dma_wait3A_422] : memref<16384x1024xf32, #tpu.memory_space<hbm>> -> memref<16x1024xf32, #tpu.memory_space<hbm>>
      tpu.wait_dma2 semaphore(%arg19 : memref<!tpu.dma_semaphore, #tpu.memory_space<semaphore_mem>>) src(%arg13 : memref<16x1024xf32, #tpu.memory_space<vmem>>) dst(%dma_wait3A_423 : memref<16x1024xf32, #tpu.memory_space<hbm>>)
      %dma_start3A_424 = arith.constant 112 : i32
      %dma_start3A_425 = tpu.memref_slice %arg7[%dma_start3A_424] : memref<128xi32, #tpu.memory_space<vmem>> -> memref<16xi32, #tpu.memory_space<vmem>>
      %dma_start3A_426 = arith.constant 0 : i32
      %dma_start3A_427 = arith.constant 0 : i32
      %dma_start3A_428 = tpu.memref_slice %arg3[%dma_start3A_426, %dma_start3A_427] : memref<4097x1024xf32, #tpu.memory_space<hbm>> -> memref<4097x1024xf32, #tpu.memory_space<hbm>>
      tpu.enqueue_indirect_dma source(%dma_start3A_428 : memref<4097x1024xf32, #tpu.memory_space<hbm>>) target(%arg13 : memref<16x1024xf32, #tpu.memory_space<vmem>>) offsets(%dma_start3A_425 : memref<16xi32, #tpu.memory_space<vmem>>) semaphore(%arg15 : memref<!tpu.dma_semaphore, #tpu.memory_space<semaphore_mem>>)
      %dma_start3A_429 = arith.constant 0 : i32
      %dma_start3A_430 = tpu.memref_slice %arg4[%add3A_108, %dma_start3A_429] : memref<16384x1024xf32, #tpu.memory_space<hbm>> -> memref<16x1024xf32, #tpu.memory_space<hbm>>
      %dma_start3A_431 = arith.constant 0 : i32
      %dma_start3A_432 = tpu.memref_slice %arg4[%add3A_108, %dma_start3A_431] : memref<16384x1024xf32, #tpu.memory_space<hbm>> -> memref<16x1024xf32, #tpu.memory_space<hbm>>
      tpu.enqueue_dma source(%arg11 : memref<16x1024xf32, #tpu.memory_space<vmem>>) target(%dma_start3A_432 : memref<16x1024xf32, #tpu.memory_space<hbm>>) target_semaphore(%arg17 : memref<!tpu.dma_semaphore, #tpu.memory_space<semaphore_mem>>)
      %dma_wait3A_433 = arith.constant 96 : i32
      %dma_wait3A_434 = tpu.memref_slice %arg7[%dma_wait3A_433] : memref<128xi32, #tpu.memory_space<vmem>> -> memref<16xi32, #tpu.memory_space<vmem>>
      %dma_wait3A_435 = arith.constant 0 : i32
      %dma_wait3A_436 = arith.constant 0 : i32
      %dma_wait3A_437 = tpu.memref_slice %arg3[%dma_wait3A_435, %dma_wait3A_436] : memref<4097x1024xf32, #tpu.memory_space<hbm>> -> memref<4097x1024xf32, #tpu.memory_space<hbm>>
      tpu.wait_indirect_dma semaphore(%arg14 : memref<!tpu.dma_semaphore, #tpu.memory_space<semaphore_mem>>) src(%dma_wait3A_437 : memref<4097x1024xf32, #tpu.memory_space<hbm>>) dst(%arg12 : memref<16x1024xf32, #tpu.memory_space<vmem>>)
      %dma_wait3A_438 = arith.constant 0 : i32
      %dma_wait3A_439 = tpu.memref_slice %arg4[%add3A_104, %dma_wait3A_438] : memref<16384x1024xf32, #tpu.memory_space<hbm>> -> memref<16x1024xf32, #tpu.memory_space<hbm>>
      %dma_wait3A_440 = arith.constant 0 : i32
      %dma_wait3A_441 = tpu.memref_slice %arg4[%add3A_104, %dma_wait3A_440] : memref<16384x1024xf32, #tpu.memory_space<hbm>> -> memref<16x1024xf32, #tpu.memory_space<hbm>>
      tpu.wait_dma2 semaphore(%arg16 : memref<!tpu.dma_semaphore, #tpu.memory_space<semaphore_mem>>) src(%arg10 : memref<16x1024xf32, #tpu.memory_space<vmem>>) dst(%dma_wait3A_441 : memref<16x1024xf32, #tpu.memory_space<hbm>>)
      %dma_start3A_442 = arith.constant 0 : i32
      %dma_start3A_443 = tpu.memref_slice %arg8[%dma_start3A_442] : memref<128xi32, #tpu.memory_space<vmem>> -> memref<16xi32, #tpu.memory_space<vmem>>
      %dma_start3A_444 = arith.constant 0 : i32
      %dma_start3A_445 = arith.constant 0 : i32
      %dma_start3A_446 = tpu.memref_slice %arg3[%dma_start3A_444, %dma_start3A_445] : memref<4097x1024xf32, #tpu.memory_space<hbm>> -> memref<4097x1024xf32, #tpu.memory_space<hbm>>
      tpu.enqueue_indirect_dma source(%dma_start3A_446 : memref<4097x1024xf32, #tpu.memory_space<hbm>>) target(%arg10 : memref<16x1024xf32, #tpu.memory_space<vmem>>) offsets(%dma_start3A_443 : memref<16xi32, #tpu.memory_space<vmem>>) semaphore(%arg14 : memref<!tpu.dma_semaphore, #tpu.memory_space<semaphore_mem>>)
      %dma_start3A_447 = arith.constant 0 : i32
      %dma_start3A_448 = tpu.memref_slice %arg4[%add3A_112, %dma_start3A_447] : memref<16384x1024xf32, #tpu.memory_space<hbm>> -> memref<16x1024xf32, #tpu.memory_space<hbm>>
      %dma_start3A_449 = arith.constant 0 : i32
      %dma_start3A_450 = tpu.memref_slice %arg4[%add3A_112, %dma_start3A_449] : memref<16384x1024xf32, #tpu.memory_space<hbm>> -> memref<16x1024xf32, #tpu.memory_space<hbm>>
      tpu.enqueue_dma source(%arg12 : memref<16x1024xf32, #tpu.memory_space<vmem>>) target(%dma_start3A_450 : memref<16x1024xf32, #tpu.memory_space<hbm>>) target_semaphore(%arg18 : memref<!tpu.dma_semaphore, #tpu.memory_space<semaphore_mem>>)
      %dma_wait3A_451 = arith.constant 112 : i32
      %dma_wait3A_452 = tpu.memref_slice %arg7[%dma_wait3A_451] : memref<128xi32, #tpu.memory_space<vmem>> -> memref<16xi32, #tpu.memory_space<vmem>>
      %dma_wait3A_453 = arith.constant 0 : i32
      %dma_wait3A_454 = arith.constant 0 : i32
      %dma_wait3A_455 = tpu.memref_slice %arg3[%dma_wait3A_453, %dma_wait3A_454] : memref<4097x1024xf32, #tpu.memory_space<hbm>> -> memref<4097x1024xf32, #tpu.memory_space<hbm>>
      tpu.wait_indirect_dma semaphore(%arg15 : memref<!tpu.dma_semaphore, #tpu.memory_space<semaphore_mem>>) src(%dma_wait3A_455 : memref<4097x1024xf32, #tpu.memory_space<hbm>>) dst(%arg13 : memref<16x1024xf32, #tpu.memory_space<vmem>>)
      %dma_wait3A_456 = arith.constant 0 : i32
      %dma_wait3A_457 = tpu.memref_slice %arg4[%add3A_108, %dma_wait3A_456] : memref<16384x1024xf32, #tpu.memory_space<hbm>> -> memref<16x1024xf32, #tpu.memory_space<hbm>>
      %dma_wait3A_458 = arith.constant 0 : i32
      %dma_wait3A_459 = tpu.memref_slice %arg4[%add3A_108, %dma_wait3A_458] : memref<16384x1024xf32, #tpu.memory_space<hbm>> -> memref<16x1024xf32, #tpu.memory_space<hbm>>
      tpu.wait_dma2 semaphore(%arg17 : memref<!tpu.dma_semaphore, #tpu.memory_space<semaphore_mem>>) src(%arg11 : memref<16x1024xf32, #tpu.memory_space<vmem>>) dst(%dma_wait3A_459 : memref<16x1024xf32, #tpu.memory_space<hbm>>)
      %dma_start3A_460 = arith.constant 16 : i32
      %dma_start3A_461 = tpu.memref_slice %arg8[%dma_start3A_460] : memref<128xi32, #tpu.memory_space<vmem>> -> memref<16xi32, #tpu.memory_space<vmem>>
      %dma_start3A_462 = arith.constant 0 : i32
      %dma_start3A_463 = arith.constant 0 : i32
      %dma_start3A_464 = tpu.memref_slice %arg3[%dma_start3A_462, %dma_start3A_463] : memref<4097x1024xf32, #tpu.memory_space<hbm>> -> memref<4097x1024xf32, #tpu.memory_space<hbm>>
      tpu.enqueue_indirect_dma source(%dma_start3A_464 : memref<4097x1024xf32, #tpu.memory_space<hbm>>) target(%arg11 : memref<16x1024xf32, #tpu.memory_space<vmem>>) offsets(%dma_start3A_461 : memref<16xi32, #tpu.memory_space<vmem>>) semaphore(%arg15 : memref<!tpu.dma_semaphore, #tpu.memory_space<semaphore_mem>>)
      %dma_start3A_465 = arith.constant 0 : i32
      %dma_start3A_466 = tpu.memref_slice %arg4[%add3A_116, %dma_start3A_465] : memref<16384x1024xf32, #tpu.memory_space<hbm>> -> memref<16x1024xf32, #tpu.memory_space<hbm>>
      %dma_start3A_467 = arith.constant 0 : i32
      %dma_start3A_468 = tpu.memref_slice %arg4[%add3A_116, %dma_start3A_467] : memref<16384x1024xf32, #tpu.memory_space<hbm>> -> memref<16x1024xf32, #tpu.memory_space<hbm>>
      tpu.enqueue_dma source(%arg13 : memref<16x1024xf32, #tpu.memory_space<vmem>>) target(%dma_start3A_468 : memref<16x1024xf32, #tpu.memory_space<hbm>>) target_semaphore(%arg19 : memref<!tpu.dma_semaphore, #tpu.memory_space<semaphore_mem>>)
      %dma_wait3A_469 = arith.constant 0 : i32
      %dma_wait3A_470 = tpu.memref_slice %arg8[%dma_wait3A_469] : memref<128xi32, #tpu.memory_space<vmem>> -> memref<16xi32, #tpu.memory_space<vmem>>
      %dma_wait3A_471 = arith.constant 0 : i32
      %dma_wait3A_472 = arith.constant 0 : i32
      %dma_wait3A_473 = tpu.memref_slice %arg3[%dma_wait3A_471, %dma_wait3A_472] : memref<4097x1024xf32, #tpu.memory_space<hbm>> -> memref<4097x1024xf32, #tpu.memory_space<hbm>>
      tpu.wait_indirect_dma semaphore(%arg14 : memref<!tpu.dma_semaphore, #tpu.memory_space<semaphore_mem>>) src(%dma_wait3A_473 : memref<4097x1024xf32, #tpu.memory_space<hbm>>) dst(%arg10 : memref<16x1024xf32, #tpu.memory_space<vmem>>)
      %dma_wait3A_474 = arith.constant 0 : i32
      %dma_wait3A_475 = tpu.memref_slice %arg4[%add3A_112, %dma_wait3A_474] : memref<16384x1024xf32, #tpu.memory_space<hbm>> -> memref<16x1024xf32, #tpu.memory_space<hbm>>
      %dma_wait3A_476 = arith.constant 0 : i32
      %dma_wait3A_477 = tpu.memref_slice %arg4[%add3A_112, %dma_wait3A_476] : memref<16384x1024xf32, #tpu.memory_space<hbm>> -> memref<16x1024xf32, #tpu.memory_space<hbm>>
      tpu.wait_dma2 semaphore(%arg18 : memref<!tpu.dma_semaphore, #tpu.memory_space<semaphore_mem>>) src(%arg12 : memref<16x1024xf32, #tpu.memory_space<vmem>>) dst(%dma_wait3A_477 : memref<16x1024xf32, #tpu.memory_space<hbm>>)
      %dma_start3A_478 = arith.constant 32 : i32
      %dma_start3A_479 = tpu.memref_slice %arg8[%dma_start3A_478] : memref<128xi32, #tpu.memory_space<vmem>> -> memref<16xi32, #tpu.memory_space<vmem>>
      %dma_start3A_480 = arith.constant 0 : i32
      %dma_start3A_481 = arith.constant 0 : i32
      %dma_start3A_482 = tpu.memref_slice %arg3[%dma_start3A_480, %dma_start3A_481] : memref<4097x1024xf32, #tpu.memory_space<hbm>> -> memref<4097x1024xf32, #tpu.memory_space<hbm>>
      tpu.enqueue_indirect_dma source(%dma_start3A_482 : memref<4097x1024xf32, #tpu.memory_space<hbm>>) target(%arg12 : memref<16x1024xf32, #tpu.memory_space<vmem>>) offsets(%dma_start3A_479 : memref<16xi32, #tpu.memory_space<vmem>>) semaphore(%arg14 : memref<!tpu.dma_semaphore, #tpu.memory_space<semaphore_mem>>)
      %dma_start3A_483 = arith.constant 0 : i32
      %dma_start3A_484 = tpu.memref_slice %arg4[%add3A_120, %dma_start3A_483] : memref<16384x1024xf32, #tpu.memory_space<hbm>> -> memref<16x1024xf32, #tpu.memory_space<hbm>>
      %dma_start3A_485 = arith.constant 0 : i32
      %dma_start3A_486 = tpu.memref_slice %arg4[%add3A_120, %dma_start3A_485] : memref<16384x1024xf32, #tpu.memory_space<hbm>> -> memref<16x1024xf32, #tpu.memory_space<hbm>>
      tpu.enqueue_dma source(%arg10 : memref<16x1024xf32, #tpu.memory_space<vmem>>) target(%dma_start3A_486 : memref<16x1024xf32, #tpu.memory_space<hbm>>) target_semaphore(%arg16 : memref<!tpu.dma_semaphore, #tpu.memory_space<semaphore_mem>>)
      %dma_wait3A_487 = arith.constant 16 : i32
      %dma_wait3A_488 = tpu.memref_slice %arg8[%dma_wait3A_487] : memref<128xi32, #tpu.memory_space<vmem>> -> memref<16xi32, #tpu.memory_space<vmem>>
      %dma_wait3A_489 = arith.constant 0 : i32
      %dma_wait3A_490 = arith.constant 0 : i32
      %dma_wait3A_491 = tpu.memref_slice %arg3[%dma_wait3A_489, %dma_wait3A_490] : memref<4097x1024xf32, #tpu.memory_space<hbm>> -> memref<4097x1024xf32, #tpu.memory_space<hbm>>
      tpu.wait_indirect_dma semaphore(%arg15 : memref<!tpu.dma_semaphore, #tpu.memory_space<semaphore_mem>>) src(%dma_wait3A_491 : memref<4097x1024xf32, #tpu.memory_space<hbm>>) dst(%arg11 : memref<16x1024xf32, #tpu.memory_space<vmem>>)
      %dma_wait3A_492 = arith.constant 0 : i32
      %dma_wait3A_493 = tpu.memref_slice %arg4[%add3A_116, %dma_wait3A_492] : memref<16384x1024xf32, #tpu.memory_space<hbm>> -> memref<16x1024xf32, #tpu.memory_space<hbm>>
      %dma_wait3A_494 = arith.constant 0 : i32
      %dma_wait3A_495 = tpu.memref_slice %arg4[%add3A_116, %dma_wait3A_494] : memref<16384x1024xf32, #tpu.memory_space<hbm>> -> memref<16x1024xf32, #tpu.memory_space<hbm>>
      tpu.wait_dma2 semaphore(%arg19 : memref<!tpu.dma_semaphore, #tpu.memory_space<semaphore_mem>>) src(%arg13 : memref<16x1024xf32, #tpu.memory_space<vmem>>) dst(%dma_wait3A_495 : memref<16x1024xf32, #tpu.memory_space<hbm>>)
      %dma_start3A_496 = arith.constant 48 : i32
      %dma_start3A_497 = tpu.memref_slice %arg8[%dma_start3A_496] : memref<128xi32, #tpu.memory_space<vmem>> -> memref<16xi32, #tpu.memory_space<vmem>>
      %dma_start3A_498 = arith.constant 0 : i32
      %dma_start3A_499 = arith.constant 0 : i32
      %dma_start3A_500 = tpu.memref_slice %arg3[%dma_start3A_498, %dma_start3A_499] : memref<4097x1024xf32, #tpu.memory_space<hbm>> -> memref<4097x1024xf32, #tpu.memory_space<hbm>>
      tpu.enqueue_indirect_dma source(%dma_start3A_500 : memref<4097x1024xf32, #tpu.memory_space<hbm>>) target(%arg13 : memref<16x1024xf32, #tpu.memory_space<vmem>>) offsets(%dma_start3A_497 : memref<16xi32, #tpu.memory_space<vmem>>) semaphore(%arg15 : memref<!tpu.dma_semaphore, #tpu.memory_space<semaphore_mem>>)
      %dma_start3A_501 = arith.constant 0 : i32
      %dma_start3A_502 = tpu.memref_slice %arg4[%add3A_124, %dma_start3A_501] : memref<16384x1024xf32, #tpu.memory_space<hbm>> -> memref<16x1024xf32, #tpu.memory_space<hbm>>
      %dma_start3A_503 = arith.constant 0 : i32
      %dma_start3A_504 = tpu.memref_slice %arg4[%add3A_124, %dma_start3A_503] : memref<16384x1024xf32, #tpu.memory_space<hbm>> -> memref<16x1024xf32, #tpu.memory_space<hbm>>
      tpu.enqueue_dma source(%arg11 : memref<16x1024xf32, #tpu.memory_space<vmem>>) target(%dma_start3A_504 : memref<16x1024xf32, #tpu.memory_space<hbm>>) target_semaphore(%arg17 : memref<!tpu.dma_semaphore, #tpu.memory_space<semaphore_mem>>)
      %dma_wait3A_505 = arith.constant 32 : i32
      %dma_wait3A_506 = tpu.memref_slice %arg8[%dma_wait3A_505] : memref<128xi32, #tpu.memory_space<vmem>> -> memref<16xi32, #tpu.memory_space<vmem>>
      %dma_wait3A_507 = arith.constant 0 : i32
      %dma_wait3A_508 = arith.constant 0 : i32
      %dma_wait3A_509 = tpu.memref_slice %arg3[%dma_wait3A_507, %dma_wait3A_508] : memref<4097x1024xf32, #tpu.memory_space<hbm>> -> memref<4097x1024xf32, #tpu.memory_space<hbm>>
      tpu.wait_indirect_dma semaphore(%arg14 : memref<!tpu.dma_semaphore, #tpu.memory_space<semaphore_mem>>) src(%dma_wait3A_509 : memref<4097x1024xf32, #tpu.memory_space<hbm>>) dst(%arg12 : memref<16x1024xf32, #tpu.memory_space<vmem>>)
      %dma_wait3A_510 = arith.constant 0 : i32
      %dma_wait3A_511 = tpu.memref_slice %arg4[%add3A_120, %dma_wait3A_510] : memref<16384x1024xf32, #tpu.memory_space<hbm>> -> memref<16x1024xf32, #tpu.memory_space<hbm>>
      %dma_wait3A_512 = arith.constant 0 : i32
      %dma_wait3A_513 = tpu.memref_slice %arg4[%add3A_120, %dma_wait3A_512] : memref<16384x1024xf32, #tpu.memory_space<hbm>> -> memref<16x1024xf32, #tpu.memory_space<hbm>>
      tpu.wait_dma2 semaphore(%arg16 : memref<!tpu.dma_semaphore, #tpu.memory_space<semaphore_mem>>) src(%arg10 : memref<16x1024xf32, #tpu.memory_space<vmem>>) dst(%dma_wait3A_513 : memref<16x1024xf32, #tpu.memory_space<hbm>>)
      %dma_start3A_514 = arith.constant 64 : i32
      %dma_start3A_515 = tpu.memref_slice %arg8[%dma_start3A_514] : memref<128xi32, #tpu.memory_space<vmem>> -> memref<16xi32, #tpu.memory_space<vmem>>
      %dma_start3A_516 = arith.constant 0 : i32
      %dma_start3A_517 = arith.constant 0 : i32
      %dma_start3A_518 = tpu.memref_slice %arg3[%dma_start3A_516, %dma_start3A_517] : memref<4097x1024xf32, #tpu.memory_space<hbm>> -> memref<4097x1024xf32, #tpu.memory_space<hbm>>
      tpu.enqueue_indirect_dma source(%dma_start3A_518 : memref<4097x1024xf32, #tpu.memory_space<hbm>>) target(%arg10 : memref<16x1024xf32, #tpu.memory_space<vmem>>) offsets(%dma_start3A_515 : memref<16xi32, #tpu.memory_space<vmem>>) semaphore(%arg14 : memref<!tpu.dma_semaphore, #tpu.memory_space<semaphore_mem>>)
      %dma_start3A_519 = arith.constant 0 : i32
      %dma_start3A_520 = tpu.memref_slice %arg4[%add3A_128, %dma_start3A_519] : memref<16384x1024xf32, #tpu.memory_space<hbm>> -> memref<16x1024xf32, #tpu.memory_space<hbm>>
      %dma_start3A_521 = arith.constant 0 : i32
      %dma_start3A_522 = tpu.memref_slice %arg4[%add3A_128, %dma_start3A_521] : memref<16384x1024xf32, #tpu.memory_space<hbm>> -> memref<16x1024xf32, #tpu.memory_space<hbm>>
      tpu.enqueue_dma source(%arg12 : memref<16x1024xf32, #tpu.memory_space<vmem>>) target(%dma_start3A_522 : memref<16x1024xf32, #tpu.memory_space<hbm>>) target_semaphore(%arg18 : memref<!tpu.dma_semaphore, #tpu.memory_space<semaphore_mem>>)
      %dma_wait3A_523 = arith.constant 48 : i32
      %dma_wait3A_524 = tpu.memref_slice %arg8[%dma_wait3A_523] : memref<128xi32, #tpu.memory_space<vmem>> -> memref<16xi32, #tpu.memory_space<vmem>>
      %dma_wait3A_525 = arith.constant 0 : i32
      %dma_wait3A_526 = arith.constant 0 : i32
      %dma_wait3A_527 = tpu.memref_slice %arg3[%dma_wait3A_525, %dma_wait3A_526] : memref<4097x1024xf32, #tpu.memory_space<hbm>> -> memref<4097x1024xf32, #tpu.memory_space<hbm>>
      tpu.wait_indirect_dma semaphore(%arg15 : memref<!tpu.dma_semaphore, #tpu.memory_space<semaphore_mem>>) src(%dma_wait3A_527 : memref<4097x1024xf32, #tpu.memory_space<hbm>>) dst(%arg13 : memref<16x1024xf32, #tpu.memory_space<vmem>>)
      %dma_wait3A_528 = arith.constant 0 : i32
      %dma_wait3A_529 = tpu.memref_slice %arg4[%add3A_124, %dma_wait3A_528] : memref<16384x1024xf32, #tpu.memory_space<hbm>> -> memref<16x1024xf32, #tpu.memory_space<hbm>>
      %dma_wait3A_530 = arith.constant 0 : i32
      %dma_wait3A_531 = tpu.memref_slice %arg4[%add3A_124, %dma_wait3A_530] : memref<16384x1024xf32, #tpu.memory_space<hbm>> -> memref<16x1024xf32, #tpu.memory_space<hbm>>
      tpu.wait_dma2 semaphore(%arg17 : memref<!tpu.dma_semaphore, #tpu.memory_space<semaphore_mem>>) src(%arg11 : memref<16x1024xf32, #tpu.memory_space<vmem>>) dst(%dma_wait3A_531 : memref<16x1024xf32, #tpu.memory_space<hbm>>)
      %dma_start3A_532 = arith.constant 80 : i32
      %dma_start3A_533 = tpu.memref_slice %arg8[%dma_start3A_532] : memref<128xi32, #tpu.memory_space<vmem>> -> memref<16xi32, #tpu.memory_space<vmem>>
      %dma_start3A_534 = arith.constant 0 : i32
      %dma_start3A_535 = arith.constant 0 : i32
      %dma_start3A_536 = tpu.memref_slice %arg3[%dma_start3A_534, %dma_start3A_535] : memref<4097x1024xf32, #tpu.memory_space<hbm>> -> memref<4097x1024xf32, #tpu.memory_space<hbm>>
      tpu.enqueue_indirect_dma source(%dma_start3A_536 : memref<4097x1024xf32, #tpu.memory_space<hbm>>) target(%arg11 : memref<16x1024xf32, #tpu.memory_space<vmem>>) offsets(%dma_start3A_533 : memref<16xi32, #tpu.memory_space<vmem>>) semaphore(%arg15 : memref<!tpu.dma_semaphore, #tpu.memory_space<semaphore_mem>>)
      %dma_start3A_537 = arith.constant 0 : i32
      %dma_start3A_538 = tpu.memref_slice %arg4[%add3A_132, %dma_start3A_537] : memref<16384x1024xf32, #tpu.memory_space<hbm>> -> memref<16x1024xf32, #tpu.memory_space<hbm>>
      %dma_start3A_539 = arith.constant 0 : i32
      %dma_start3A_540 = tpu.memref_slice %arg4[%add3A_132, %dma_start3A_539] : memref<16384x1024xf32, #tpu.memory_space<hbm>> -> memref<16x1024xf32, #tpu.memory_space<hbm>>
      tpu.enqueue_dma source(%arg13 : memref<16x1024xf32, #tpu.memory_space<vmem>>) target(%dma_start3A_540 : memref<16x1024xf32, #tpu.memory_space<hbm>>) target_semaphore(%arg19 : memref<!tpu.dma_semaphore, #tpu.memory_space<semaphore_mem>>)
      %dma_wait3A_541 = arith.constant 64 : i32
      %dma_wait3A_542 = tpu.memref_slice %arg8[%dma_wait3A_541] : memref<128xi32, #tpu.memory_space<vmem>> -> memref<16xi32, #tpu.memory_space<vmem>>
      %dma_wait3A_543 = arith.constant 0 : i32
      %dma_wait3A_544 = arith.constant 0 : i32
      %dma_wait3A_545 = tpu.memref_slice %arg3[%dma_wait3A_543, %dma_wait3A_544] : memref<4097x1024xf32, #tpu.memory_space<hbm>> -> memref<4097x1024xf32, #tpu.memory_space<hbm>>
      tpu.wait_indirect_dma semaphore(%arg14 : memref<!tpu.dma_semaphore, #tpu.memory_space<semaphore_mem>>) src(%dma_wait3A_545 : memref<4097x1024xf32, #tpu.memory_space<hbm>>) dst(%arg10 : memref<16x1024xf32, #tpu.memory_space<vmem>>)
      %dma_wait3A_546 = arith.constant 0 : i32
      %dma_wait3A_547 = tpu.memref_slice %arg4[%add3A_128, %dma_wait3A_546] : memref<16384x1024xf32, #tpu.memory_space<hbm>> -> memref<16x1024xf32, #tpu.memory_space<hbm>>
      %dma_wait3A_548 = arith.constant 0 : i32
      %dma_wait3A_549 = tpu.memref_slice %arg4[%add3A_128, %dma_wait3A_548] : memref<16384x1024xf32, #tpu.memory_space<hbm>> -> memref<16x1024xf32, #tpu.memory_space<hbm>>
      tpu.wait_dma2 semaphore(%arg18 : memref<!tpu.dma_semaphore, #tpu.memory_space<semaphore_mem>>) src(%arg12 : memref<16x1024xf32, #tpu.memory_space<vmem>>) dst(%dma_wait3A_549 : memref<16x1024xf32, #tpu.memory_space<hbm>>)
      %dma_start3A_550 = arith.constant 96 : i32
      %dma_start3A_551 = tpu.memref_slice %arg8[%dma_start3A_550] : memref<128xi32, #tpu.memory_space<vmem>> -> memref<16xi32, #tpu.memory_space<vmem>>
      %dma_start3A_552 = arith.constant 0 : i32
      %dma_start3A_553 = arith.constant 0 : i32
      %dma_start3A_554 = tpu.memref_slice %arg3[%dma_start3A_552, %dma_start3A_553] : memref<4097x1024xf32, #tpu.memory_space<hbm>> -> memref<4097x1024xf32, #tpu.memory_space<hbm>>
      tpu.enqueue_indirect_dma source(%dma_start3A_554 : memref<4097x1024xf32, #tpu.memory_space<hbm>>) target(%arg12 : memref<16x1024xf32, #tpu.memory_space<vmem>>) offsets(%dma_start3A_551 : memref<16xi32, #tpu.memory_space<vmem>>) semaphore(%arg14 : memref<!tpu.dma_semaphore, #tpu.memory_space<semaphore_mem>>)
      %dma_start3A_555 = arith.constant 0 : i32
      %dma_start3A_556 = tpu.memref_slice %arg4[%add3A_136, %dma_start3A_555] : memref<16384x1024xf32, #tpu.memory_space<hbm>> -> memref<16x1024xf32, #tpu.memory_space<hbm>>
      %dma_start3A_557 = arith.constant 0 : i32
      %dma_start3A_558 = tpu.memref_slice %arg4[%add3A_136, %dma_start3A_557] : memref<16384x1024xf32, #tpu.memory_space<hbm>> -> memref<16x1024xf32, #tpu.memory_space<hbm>>
      tpu.enqueue_dma source(%arg10 : memref<16x1024xf32, #tpu.memory_space<vmem>>) target(%dma_start3A_558 : memref<16x1024xf32, #tpu.memory_space<hbm>>) target_semaphore(%arg16 : memref<!tpu.dma_semaphore, #tpu.memory_space<semaphore_mem>>)
      %dma_wait3A_559 = arith.constant 80 : i32
      %dma_wait3A_560 = tpu.memref_slice %arg8[%dma_wait3A_559] : memref<128xi32, #tpu.memory_space<vmem>> -> memref<16xi32, #tpu.memory_space<vmem>>
      %dma_wait3A_561 = arith.constant 0 : i32
      %dma_wait3A_562 = arith.constant 0 : i32
      %dma_wait3A_563 = tpu.memref_slice %arg3[%dma_wait3A_561, %dma_wait3A_562] : memref<4097x1024xf32, #tpu.memory_space<hbm>> -> memref<4097x1024xf32, #tpu.memory_space<hbm>>
      tpu.wait_indirect_dma semaphore(%arg15 : memref<!tpu.dma_semaphore, #tpu.memory_space<semaphore_mem>>) src(%dma_wait3A_563 : memref<4097x1024xf32, #tpu.memory_space<hbm>>) dst(%arg11 : memref<16x1024xf32, #tpu.memory_space<vmem>>)
      %dma_wait3A_564 = arith.constant 0 : i32
      %dma_wait3A_565 = tpu.memref_slice %arg4[%add3A_132, %dma_wait3A_564] : memref<16384x1024xf32, #tpu.memory_space<hbm>> -> memref<16x1024xf32, #tpu.memory_space<hbm>>
      %dma_wait3A_566 = arith.constant 0 : i32
      %dma_wait3A_567 = tpu.memref_slice %arg4[%add3A_132, %dma_wait3A_566] : memref<16384x1024xf32, #tpu.memory_space<hbm>> -> memref<16x1024xf32, #tpu.memory_space<hbm>>
      tpu.wait_dma2 semaphore(%arg19 : memref<!tpu.dma_semaphore, #tpu.memory_space<semaphore_mem>>) src(%arg13 : memref<16x1024xf32, #tpu.memory_space<vmem>>) dst(%dma_wait3A_567 : memref<16x1024xf32, #tpu.memory_space<hbm>>)
      %dma_start3A_568 = arith.constant 112 : i32
      %dma_start3A_569 = tpu.memref_slice %arg8[%dma_start3A_568] : memref<128xi32, #tpu.memory_space<vmem>> -> memref<16xi32, #tpu.memory_space<vmem>>
      %dma_start3A_570 = arith.constant 0 : i32
      %dma_start3A_571 = arith.constant 0 : i32
      %dma_start3A_572 = tpu.memref_slice %arg3[%dma_start3A_570, %dma_start3A_571] : memref<4097x1024xf32, #tpu.memory_space<hbm>> -> memref<4097x1024xf32, #tpu.memory_space<hbm>>
      tpu.enqueue_indirect_dma source(%dma_start3A_572 : memref<4097x1024xf32, #tpu.memory_space<hbm>>) target(%arg13 : memref<16x1024xf32, #tpu.memory_space<vmem>>) offsets(%dma_start3A_569 : memref<16xi32, #tpu.memory_space<vmem>>) semaphore(%arg15 : memref<!tpu.dma_semaphore, #tpu.memory_space<semaphore_mem>>)
      %dma_start3A_573 = arith.constant 0 : i32
      %dma_start3A_574 = tpu.memref_slice %arg4[%add3A_140, %dma_start3A_573] : memref<16384x1024xf32, #tpu.memory_space<hbm>> -> memref<16x1024xf32, #tpu.memory_space<hbm>>
      %dma_start3A_575 = arith.constant 0 : i32
      %dma_start3A_576 = tpu.memref_slice %arg4[%add3A_140, %dma_start3A_575] : memref<16384x1024xf32, #tpu.memory_space<hbm>> -> memref<16x1024xf32, #tpu.memory_space<hbm>>
      tpu.enqueue_dma source(%arg11 : memref<16x1024xf32, #tpu.memory_space<vmem>>) target(%dma_start3A_576 : memref<16x1024xf32, #tpu.memory_space<hbm>>) target_semaphore(%arg17 : memref<!tpu.dma_semaphore, #tpu.memory_space<semaphore_mem>>)
      %dma_wait3A_577 = arith.constant 96 : i32
      %dma_wait3A_578 = tpu.memref_slice %arg8[%dma_wait3A_577] : memref<128xi32, #tpu.memory_space<vmem>> -> memref<16xi32, #tpu.memory_space<vmem>>
      %dma_wait3A_579 = arith.constant 0 : i32
      %dma_wait3A_580 = arith.constant 0 : i32
      %dma_wait3A_581 = tpu.memref_slice %arg3[%dma_wait3A_579, %dma_wait3A_580] : memref<4097x1024xf32, #tpu.memory_space<hbm>> -> memref<4097x1024xf32, #tpu.memory_space<hbm>>
      tpu.wait_indirect_dma semaphore(%arg14 : memref<!tpu.dma_semaphore, #tpu.memory_space<semaphore_mem>>) src(%dma_wait3A_581 : memref<4097x1024xf32, #tpu.memory_space<hbm>>) dst(%arg12 : memref<16x1024xf32, #tpu.memory_space<vmem>>)
      %dma_wait3A_582 = arith.constant 0 : i32
      %dma_wait3A_583 = tpu.memref_slice %arg4[%add3A_136, %dma_wait3A_582] : memref<16384x1024xf32, #tpu.memory_space<hbm>> -> memref<16x1024xf32, #tpu.memory_space<hbm>>
      %dma_wait3A_584 = arith.constant 0 : i32
      %dma_wait3A_585 = tpu.memref_slice %arg4[%add3A_136, %dma_wait3A_584] : memref<16384x1024xf32, #tpu.memory_space<hbm>> -> memref<16x1024xf32, #tpu.memory_space<hbm>>
      tpu.wait_dma2 semaphore(%arg16 : memref<!tpu.dma_semaphore, #tpu.memory_space<semaphore_mem>>) src(%arg10 : memref<16x1024xf32, #tpu.memory_space<vmem>>) dst(%dma_wait3A_585 : memref<16x1024xf32, #tpu.memory_space<hbm>>)
      %dma_start3A_586 = arith.constant 0 : i32
      %dma_start3A_587 = tpu.memref_slice %arg9[%dma_start3A_586] : memref<128xi32, #tpu.memory_space<vmem>> -> memref<16xi32, #tpu.memory_space<vmem>>
      %dma_start3A_588 = arith.constant 0 : i32
      %dma_start3A_589 = arith.constant 0 : i32
      %dma_start3A_590 = tpu.memref_slice %arg3[%dma_start3A_588, %dma_start3A_589] : memref<4097x1024xf32, #tpu.memory_space<hbm>> -> memref<4097x1024xf32, #tpu.memory_space<hbm>>
      tpu.enqueue_indirect_dma source(%dma_start3A_590 : memref<4097x1024xf32, #tpu.memory_space<hbm>>) target(%arg10 : memref<16x1024xf32, #tpu.memory_space<vmem>>) offsets(%dma_start3A_587 : memref<16xi32, #tpu.memory_space<vmem>>) semaphore(%arg14 : memref<!tpu.dma_semaphore, #tpu.memory_space<semaphore_mem>>)
      %dma_start3A_591 = arith.constant 0 : i32
      %dma_start3A_592 = tpu.memref_slice %arg4[%add3A_144, %dma_start3A_591] : memref<16384x1024xf32, #tpu.memory_space<hbm>> -> memref<16x1024xf32, #tpu.memory_space<hbm>>
      %dma_start3A_593 = arith.constant 0 : i32
      %dma_start3A_594 = tpu.memref_slice %arg4[%add3A_144, %dma_start3A_593] : memref<16384x1024xf32, #tpu.memory_space<hbm>> -> memref<16x1024xf32, #tpu.memory_space<hbm>>
      tpu.enqueue_dma source(%arg12 : memref<16x1024xf32, #tpu.memory_space<vmem>>) target(%dma_start3A_594 : memref<16x1024xf32, #tpu.memory_space<hbm>>) target_semaphore(%arg18 : memref<!tpu.dma_semaphore, #tpu.memory_space<semaphore_mem>>)
      %dma_wait3A_595 = arith.constant 112 : i32
      %dma_wait3A_596 = tpu.memref_slice %arg8[%dma_wait3A_595] : memref<128xi32, #tpu.memory_space<vmem>> -> memref<16xi32, #tpu.memory_space<vmem>>
      %dma_wait3A_597 = arith.constant 0 : i32
      %dma_wait3A_598 = arith.constant 0 : i32
      %dma_wait3A_599 = tpu.memref_slice %arg3[%dma_wait3A_597, %dma_wait3A_598] : memref<4097x1024xf32, #tpu.memory_space<hbm>> -> memref<4097x1024xf32, #tpu.memory_space<hbm>>
      tpu.wait_indirect_dma semaphore(%arg15 : memref<!tpu.dma_semaphore, #tpu.memory_space<semaphore_mem>>) src(%dma_wait3A_599 : memref<4097x1024xf32, #tpu.memory_space<hbm>>) dst(%arg13 : memref<16x1024xf32, #tpu.memory_space<vmem>>)
      %dma_wait3A_600 = arith.constant 0 : i32
      %dma_wait3A_601 = tpu.memref_slice %arg4[%add3A_140, %dma_wait3A_600] : memref<16384x1024xf32, #tpu.memory_space<hbm>> -> memref<16x1024xf32, #tpu.memory_space<hbm>>
      %dma_wait3A_602 = arith.constant 0 : i32
      %dma_wait3A_603 = tpu.memref_slice %arg4[%add3A_140, %dma_wait3A_602] : memref<16384x1024xf32, #tpu.memory_space<hbm>> -> memref<16x1024xf32, #tpu.memory_space<hbm>>
      tpu.wait_dma2 semaphore(%arg17 : memref<!tpu.dma_semaphore, #tpu.memory_space<semaphore_mem>>) src(%arg11 : memref<16x1024xf32, #tpu.memory_space<vmem>>) dst(%dma_wait3A_603 : memref<16x1024xf32, #tpu.memory_space<hbm>>)
      %dma_start3A_604 = arith.constant 16 : i32
      %dma_start3A_605 = tpu.memref_slice %arg9[%dma_start3A_604] : memref<128xi32, #tpu.memory_space<vmem>> -> memref<16xi32, #tpu.memory_space<vmem>>
      %dma_start3A_606 = arith.constant 0 : i32
      %dma_start3A_607 = arith.constant 0 : i32
      %dma_start3A_608 = tpu.memref_slice %arg3[%dma_start3A_606, %dma_start3A_607] : memref<4097x1024xf32, #tpu.memory_space<hbm>> -> memref<4097x1024xf32, #tpu.memory_space<hbm>>
      tpu.enqueue_indirect_dma source(%dma_start3A_608 : memref<4097x1024xf32, #tpu.memory_space<hbm>>) target(%arg11 : memref<16x1024xf32, #tpu.memory_space<vmem>>) offsets(%dma_start3A_605 : memref<16xi32, #tpu.memory_space<vmem>>) semaphore(%arg15 : memref<!tpu.dma_semaphore, #tpu.memory_space<semaphore_mem>>)
      %dma_start3A_609 = arith.constant 0 : i32
      %dma_start3A_610 = tpu.memref_slice %arg4[%add3A_148, %dma_start3A_609] : memref<16384x1024xf32, #tpu.memory_space<hbm>> -> memref<16x1024xf32, #tpu.memory_space<hbm>>
      %dma_start3A_611 = arith.constant 0 : i32
      %dma_start3A_612 = tpu.memref_slice %arg4[%add3A_148, %dma_start3A_611] : memref<16384x1024xf32, #tpu.memory_space<hbm>> -> memref<16x1024xf32, #tpu.memory_space<hbm>>
      tpu.enqueue_dma source(%arg13 : memref<16x1024xf32, #tpu.memory_space<vmem>>) target(%dma_start3A_612 : memref<16x1024xf32, #tpu.memory_space<hbm>>) target_semaphore(%arg19 : memref<!tpu.dma_semaphore, #tpu.memory_space<semaphore_mem>>)
      %dma_wait3A_613 = arith.constant 0 : i32
      %dma_wait3A_614 = tpu.memref_slice %arg9[%dma_wait3A_613] : memref<128xi32, #tpu.memory_space<vmem>> -> memref<16xi32, #tpu.memory_space<vmem>>
      %dma_wait3A_615 = arith.constant 0 : i32
      %dma_wait3A_616 = arith.constant 0 : i32
      %dma_wait3A_617 = tpu.memref_slice %arg3[%dma_wait3A_615, %dma_wait3A_616] : memref<4097x1024xf32, #tpu.memory_space<hbm>> -> memref<4097x1024xf32, #tpu.memory_space<hbm>>
      tpu.wait_indirect_dma semaphore(%arg14 : memref<!tpu.dma_semaphore, #tpu.memory_space<semaphore_mem>>) src(%dma_wait3A_617 : memref<4097x1024xf32, #tpu.memory_space<hbm>>) dst(%arg10 : memref<16x1024xf32, #tpu.memory_space<vmem>>)
      %dma_wait3A_618 = arith.constant 0 : i32
      %dma_wait3A_619 = tpu.memref_slice %arg4[%add3A_144, %dma_wait3A_618] : memref<16384x1024xf32, #tpu.memory_space<hbm>> -> memref<16x1024xf32, #tpu.memory_space<hbm>>
      %dma_wait3A_620 = arith.constant 0 : i32
      %dma_wait3A_621 = tpu.memref_slice %arg4[%add3A_144, %dma_wait3A_620] : memref<16384x1024xf32, #tpu.memory_space<hbm>> -> memref<16x1024xf32, #tpu.memory_space<hbm>>
      tpu.wait_dma2 semaphore(%arg18 : memref<!tpu.dma_semaphore, #tpu.memory_space<semaphore_mem>>) src(%arg12 : memref<16x1024xf32, #tpu.memory_space<vmem>>) dst(%dma_wait3A_621 : memref<16x1024xf32, #tpu.memory_space<hbm>>)
      %dma_start3A_622 = arith.constant 32 : i32
      %dma_start3A_623 = tpu.memref_slice %arg9[%dma_start3A_622] : memref<128xi32, #tpu.memory_space<vmem>> -> memref<16xi32, #tpu.memory_space<vmem>>
      %dma_start3A_624 = arith.constant 0 : i32
      %dma_start3A_625 = arith.constant 0 : i32
      %dma_start3A_626 = tpu.memref_slice %arg3[%dma_start3A_624, %dma_start3A_625] : memref<4097x1024xf32, #tpu.memory_space<hbm>> -> memref<4097x1024xf32, #tpu.memory_space<hbm>>
      tpu.enqueue_indirect_dma source(%dma_start3A_626 : memref<4097x1024xf32, #tpu.memory_space<hbm>>) target(%arg12 : memref<16x1024xf32, #tpu.memory_space<vmem>>) offsets(%dma_start3A_623 : memref<16xi32, #tpu.memory_space<vmem>>) semaphore(%arg14 : memref<!tpu.dma_semaphore, #tpu.memory_space<semaphore_mem>>)
      %dma_start3A_627 = arith.constant 0 : i32
      %dma_start3A_628 = tpu.memref_slice %arg4[%add3A_152, %dma_start3A_627] : memref<16384x1024xf32, #tpu.memory_space<hbm>> -> memref<16x1024xf32, #tpu.memory_space<hbm>>
      %dma_start3A_629 = arith.constant 0 : i32
      %dma_start3A_630 = tpu.memref_slice %arg4[%add3A_152, %dma_start3A_629] : memref<16384x1024xf32, #tpu.memory_space<hbm>> -> memref<16x1024xf32, #tpu.memory_space<hbm>>
      tpu.enqueue_dma source(%arg10 : memref<16x1024xf32, #tpu.memory_space<vmem>>) target(%dma_start3A_630 : memref<16x1024xf32, #tpu.memory_space<hbm>>) target_semaphore(%arg16 : memref<!tpu.dma_semaphore, #tpu.memory_space<semaphore_mem>>)
      %dma_wait3A_631 = arith.constant 16 : i32
      %dma_wait3A_632 = tpu.memref_slice %arg9[%dma_wait3A_631] : memref<128xi32, #tpu.memory_space<vmem>> -> memref<16xi32, #tpu.memory_space<vmem>>
      %dma_wait3A_633 = arith.constant 0 : i32
      %dma_wait3A_634 = arith.constant 0 : i32
      %dma_wait3A_635 = tpu.memref_slice %arg3[%dma_wait3A_633, %dma_wait3A_634] : memref<4097x1024xf32, #tpu.memory_space<hbm>> -> memref<4097x1024xf32, #tpu.memory_space<hbm>>
      tpu.wait_indirect_dma semaphore(%arg15 : memref<!tpu.dma_semaphore, #tpu.memory_space<semaphore_mem>>) src(%dma_wait3A_635 : memref<4097x1024xf32, #tpu.memory_space<hbm>>) dst(%arg11 : memref<16x1024xf32, #tpu.memory_space<vmem>>)
      %dma_wait3A_636 = arith.constant 0 : i32
      %dma_wait3A_637 = tpu.memref_slice %arg4[%add3A_148, %dma_wait3A_636] : memref<16384x1024xf32, #tpu.memory_space<hbm>> -> memref<16x1024xf32, #tpu.memory_space<hbm>>
      %dma_wait3A_638 = arith.constant 0 : i32
      %dma_wait3A_639 = tpu.memref_slice %arg4[%add3A_148, %dma_wait3A_638] : memref<16384x1024xf32, #tpu.memory_space<hbm>> -> memref<16x1024xf32, #tpu.memory_space<hbm>>
      tpu.wait_dma2 semaphore(%arg19 : memref<!tpu.dma_semaphore, #tpu.memory_space<semaphore_mem>>) src(%arg13 : memref<16x1024xf32, #tpu.memory_space<vmem>>) dst(%dma_wait3A_639 : memref<16x1024xf32, #tpu.memory_space<hbm>>)
      %dma_start3A_640 = arith.constant 48 : i32
      %dma_start3A_641 = tpu.memref_slice %arg9[%dma_start3A_640] : memref<128xi32, #tpu.memory_space<vmem>> -> memref<16xi32, #tpu.memory_space<vmem>>
      %dma_start3A_642 = arith.constant 0 : i32
      %dma_start3A_643 = arith.constant 0 : i32
      %dma_start3A_644 = tpu.memref_slice %arg3[%dma_start3A_642, %dma_start3A_643] : memref<4097x1024xf32, #tpu.memory_space<hbm>> -> memref<4097x1024xf32, #tpu.memory_space<hbm>>
      tpu.enqueue_indirect_dma source(%dma_start3A_644 : memref<4097x1024xf32, #tpu.memory_space<hbm>>) target(%arg13 : memref<16x1024xf32, #tpu.memory_space<vmem>>) offsets(%dma_start3A_641 : memref<16xi32, #tpu.memory_space<vmem>>) semaphore(%arg15 : memref<!tpu.dma_semaphore, #tpu.memory_space<semaphore_mem>>)
      %dma_start3A_645 = arith.constant 0 : i32
      %dma_start3A_646 = tpu.memref_slice %arg4[%add3A_156, %dma_start3A_645] : memref<16384x1024xf32, #tpu.memory_space<hbm>> -> memref<16x1024xf32, #tpu.memory_space<hbm>>
      %dma_start3A_647 = arith.constant 0 : i32
      %dma_start3A_648 = tpu.memref_slice %arg4[%add3A_156, %dma_start3A_647] : memref<16384x1024xf32, #tpu.memory_space<hbm>> -> memref<16x1024xf32, #tpu.memory_space<hbm>>
      tpu.enqueue_dma source(%arg11 : memref<16x1024xf32, #tpu.memory_space<vmem>>) target(%dma_start3A_648 : memref<16x1024xf32, #tpu.memory_space<hbm>>) target_semaphore(%arg17 : memref<!tpu.dma_semaphore, #tpu.memory_space<semaphore_mem>>)
      %dma_wait3A_649 = arith.constant 32 : i32
      %dma_wait3A_650 = tpu.memref_slice %arg9[%dma_wait3A_649] : memref<128xi32, #tpu.memory_space<vmem>> -> memref<16xi32, #tpu.memory_space<vmem>>
      %dma_wait3A_651 = arith.constant 0 : i32
      %dma_wait3A_652 = arith.constant 0 : i32
      %dma_wait3A_653 = tpu.memref_slice %arg3[%dma_wait3A_651, %dma_wait3A_652] : memref<4097x1024xf32, #tpu.memory_space<hbm>> -> memref<4097x1024xf32, #tpu.memory_space<hbm>>
      tpu.wait_indirect_dma semaphore(%arg14 : memref<!tpu.dma_semaphore, #tpu.memory_space<semaphore_mem>>) src(%dma_wait3A_653 : memref<4097x1024xf32, #tpu.memory_space<hbm>>) dst(%arg12 : memref<16x1024xf32, #tpu.memory_space<vmem>>)
      %dma_wait3A_654 = arith.constant 0 : i32
      %dma_wait3A_655 = tpu.memref_slice %arg4[%add3A_152, %dma_wait3A_654] : memref<16384x1024xf32, #tpu.memory_space<hbm>> -> memref<16x1024xf32, #tpu.memory_space<hbm>>
      %dma_wait3A_656 = arith.constant 0 : i32
      %dma_wait3A_657 = tpu.memref_slice %arg4[%add3A_152, %dma_wait3A_656] : memref<16384x1024xf32, #tpu.memory_space<hbm>> -> memref<16x1024xf32, #tpu.memory_space<hbm>>
      tpu.wait_dma2 semaphore(%arg16 : memref<!tpu.dma_semaphore, #tpu.memory_space<semaphore_mem>>) src(%arg10 : memref<16x1024xf32, #tpu.memory_space<vmem>>) dst(%dma_wait3A_657 : memref<16x1024xf32, #tpu.memory_space<hbm>>)
      %dma_start3A_658 = arith.constant 64 : i32
      %dma_start3A_659 = tpu.memref_slice %arg9[%dma_start3A_658] : memref<128xi32, #tpu.memory_space<vmem>> -> memref<16xi32, #tpu.memory_space<vmem>>
      %dma_start3A_660 = arith.constant 0 : i32
      %dma_start3A_661 = arith.constant 0 : i32
      %dma_start3A_662 = tpu.memref_slice %arg3[%dma_start3A_660, %dma_start3A_661] : memref<4097x1024xf32, #tpu.memory_space<hbm>> -> memref<4097x1024xf32, #tpu.memory_space<hbm>>
      tpu.enqueue_indirect_dma source(%dma_start3A_662 : memref<4097x1024xf32, #tpu.memory_space<hbm>>) target(%arg10 : memref<16x1024xf32, #tpu.memory_space<vmem>>) offsets(%dma_start3A_659 : memref<16xi32, #tpu.memory_space<vmem>>) semaphore(%arg14 : memref<!tpu.dma_semaphore, #tpu.memory_space<semaphore_mem>>)
      %dma_start3A_663 = arith.constant 0 : i32
      %dma_start3A_664 = tpu.memref_slice %arg4[%add3A_160, %dma_start3A_663] : memref<16384x1024xf32, #tpu.memory_space<hbm>> -> memref<16x1024xf32, #tpu.memory_space<hbm>>
      %dma_start3A_665 = arith.constant 0 : i32
      %dma_start3A_666 = tpu.memref_slice %arg4[%add3A_160, %dma_start3A_665] : memref<16384x1024xf32, #tpu.memory_space<hbm>> -> memref<16x1024xf32, #tpu.memory_space<hbm>>
      tpu.enqueue_dma source(%arg12 : memref<16x1024xf32, #tpu.memory_space<vmem>>) target(%dma_start3A_666 : memref<16x1024xf32, #tpu.memory_space<hbm>>) target_semaphore(%arg18 : memref<!tpu.dma_semaphore, #tpu.memory_space<semaphore_mem>>)
      %dma_wait3A_667 = arith.constant 48 : i32
      %dma_wait3A_668 = tpu.memref_slice %arg9[%dma_wait3A_667] : memref<128xi32, #tpu.memory_space<vmem>> -> memref<16xi32, #tpu.memory_space<vmem>>
      %dma_wait3A_669 = arith.constant 0 : i32
      %dma_wait3A_670 = arith.constant 0 : i32
      %dma_wait3A_671 = tpu.memref_slice %arg3[%dma_wait3A_669, %dma_wait3A_670] : memref<4097x1024xf32, #tpu.memory_space<hbm>> -> memref<4097x1024xf32, #tpu.memory_space<hbm>>
      tpu.wait_indirect_dma semaphore(%arg15 : memref<!tpu.dma_semaphore, #tpu.memory_space<semaphore_mem>>) src(%dma_wait3A_671 : memref<4097x1024xf32, #tpu.memory_space<hbm>>) dst(%arg13 : memref<16x1024xf32, #tpu.memory_space<vmem>>)
      %dma_wait3A_672 = arith.constant 0 : i32
      %dma_wait3A_673 = tpu.memref_slice %arg4[%add3A_156, %dma_wait3A_672] : memref<16384x1024xf32, #tpu.memory_space<hbm>> -> memref<16x1024xf32, #tpu.memory_space<hbm>>
      %dma_wait3A_674 = arith.constant 0 : i32
      %dma_wait3A_675 = tpu.memref_slice %arg4[%add3A_156, %dma_wait3A_674] : memref<16384x1024xf32, #tpu.memory_space<hbm>> -> memref<16x1024xf32, #tpu.memory_space<hbm>>
      tpu.wait_dma2 semaphore(%arg17 : memref<!tpu.dma_semaphore, #tpu.memory_space<semaphore_mem>>) src(%arg11 : memref<16x1024xf32, #tpu.memory_space<vmem>>) dst(%dma_wait3A_675 : memref<16x1024xf32, #tpu.memory_space<hbm>>)
      %dma_start3A_676 = arith.constant 80 : i32
      %dma_start3A_677 = tpu.memref_slice %arg9[%dma_start3A_676] : memref<128xi32, #tpu.memory_space<vmem>> -> memref<16xi32, #tpu.memory_space<vmem>>
      %dma_start3A_678 = arith.constant 0 : i32
      %dma_start3A_679 = arith.constant 0 : i32
      %dma_start3A_680 = tpu.memref_slice %arg3[%dma_start3A_678, %dma_start3A_679] : memref<4097x1024xf32, #tpu.memory_space<hbm>> -> memref<4097x1024xf32, #tpu.memory_space<hbm>>
      tpu.enqueue_indirect_dma source(%dma_start3A_680 : memref<4097x1024xf32, #tpu.memory_space<hbm>>) target(%arg11 : memref<16x1024xf32, #tpu.memory_space<vmem>>) offsets(%dma_start3A_677 : memref<16xi32, #tpu.memory_space<vmem>>) semaphore(%arg15 : memref<!tpu.dma_semaphore, #tpu.memory_space<semaphore_mem>>)
      %dma_start3A_681 = arith.constant 0 : i32
      %dma_start3A_682 = tpu.memref_slice %arg4[%add3A_164, %dma_start3A_681] : memref<16384x1024xf32, #tpu.memory_space<hbm>> -> memref<16x1024xf32, #tpu.memory_space<hbm>>
      %dma_start3A_683 = arith.constant 0 : i32
      %dma_start3A_684 = tpu.memref_slice %arg4[%add3A_164, %dma_start3A_683] : memref<16384x1024xf32, #tpu.memory_space<hbm>> -> memref<16x1024xf32, #tpu.memory_space<hbm>>
      tpu.enqueue_dma source(%arg13 : memref<16x1024xf32, #tpu.memory_space<vmem>>) target(%dma_start3A_684 : memref<16x1024xf32, #tpu.memory_space<hbm>>) target_semaphore(%arg19 : memref<!tpu.dma_semaphore, #tpu.memory_space<semaphore_mem>>)
      %dma_wait3A_685 = arith.constant 64 : i32
      %dma_wait3A_686 = tpu.memref_slice %arg9[%dma_wait3A_685] : memref<128xi32, #tpu.memory_space<vmem>> -> memref<16xi32, #tpu.memory_space<vmem>>
      %dma_wait3A_687 = arith.constant 0 : i32
      %dma_wait3A_688 = arith.constant 0 : i32
      %dma_wait3A_689 = tpu.memref_slice %arg3[%dma_wait3A_687, %dma_wait3A_688] : memref<4097x1024xf32, #tpu.memory_space<hbm>> -> memref<4097x1024xf32, #tpu.memory_space<hbm>>
      tpu.wait_indirect_dma semaphore(%arg14 : memref<!tpu.dma_semaphore, #tpu.memory_space<semaphore_mem>>) src(%dma_wait3A_689 : memref<4097x1024xf32, #tpu.memory_space<hbm>>) dst(%arg10 : memref<16x1024xf32, #tpu.memory_space<vmem>>)
      %dma_wait3A_690 = arith.constant 0 : i32
      %dma_wait3A_691 = tpu.memref_slice %arg4[%add3A_160, %dma_wait3A_690] : memref<16384x1024xf32, #tpu.memory_space<hbm>> -> memref<16x1024xf32, #tpu.memory_space<hbm>>
      %dma_wait3A_692 = arith.constant 0 : i32
      %dma_wait3A_693 = tpu.memref_slice %arg4[%add3A_160, %dma_wait3A_692] : memref<16384x1024xf32, #tpu.memory_space<hbm>> -> memref<16x1024xf32, #tpu.memory_space<hbm>>
      tpu.wait_dma2 semaphore(%arg18 : memref<!tpu.dma_semaphore, #tpu.memory_space<semaphore_mem>>) src(%arg12 : memref<16x1024xf32, #tpu.memory_space<vmem>>) dst(%dma_wait3A_693 : memref<16x1024xf32, #tpu.memory_space<hbm>>)
      %dma_start3A_694 = arith.constant 96 : i32
      %dma_start3A_695 = tpu.memref_slice %arg9[%dma_start3A_694] : memref<128xi32, #tpu.memory_space<vmem>> -> memref<16xi32, #tpu.memory_space<vmem>>
      %dma_start3A_696 = arith.constant 0 : i32
      %dma_start3A_697 = arith.constant 0 : i32
      %dma_start3A_698 = tpu.memref_slice %arg3[%dma_start3A_696, %dma_start3A_697] : memref<4097x1024xf32, #tpu.memory_space<hbm>> -> memref<4097x1024xf32, #tpu.memory_space<hbm>>
      tpu.enqueue_indirect_dma source(%dma_start3A_698 : memref<4097x1024xf32, #tpu.memory_space<hbm>>) target(%arg12 : memref<16x1024xf32, #tpu.memory_space<vmem>>) offsets(%dma_start3A_695 : memref<16xi32, #tpu.memory_space<vmem>>) semaphore(%arg14 : memref<!tpu.dma_semaphore, #tpu.memory_space<semaphore_mem>>)
      %dma_start3A_699 = arith.constant 0 : i32
      %dma_start3A_700 = tpu.memref_slice %arg4[%add3A_168, %dma_start3A_699] : memref<16384x1024xf32, #tpu.memory_space<hbm>> -> memref<16x1024xf32, #tpu.memory_space<hbm>>
      %dma_start3A_701 = arith.constant 0 : i32
      %dma_start3A_702 = tpu.memref_slice %arg4[%add3A_168, %dma_start3A_701] : memref<16384x1024xf32, #tpu.memory_space<hbm>> -> memref<16x1024xf32, #tpu.memory_space<hbm>>
      tpu.enqueue_dma source(%arg10 : memref<16x1024xf32, #tpu.memory_space<vmem>>) target(%dma_start3A_702 : memref<16x1024xf32, #tpu.memory_space<hbm>>) target_semaphore(%arg16 : memref<!tpu.dma_semaphore, #tpu.memory_space<semaphore_mem>>)
      %dma_wait3A_703 = arith.constant 80 : i32
      %dma_wait3A_704 = tpu.memref_slice %arg9[%dma_wait3A_703] : memref<128xi32, #tpu.memory_space<vmem>> -> memref<16xi32, #tpu.memory_space<vmem>>
      %dma_wait3A_705 = arith.constant 0 : i32
      %dma_wait3A_706 = arith.constant 0 : i32
      %dma_wait3A_707 = tpu.memref_slice %arg3[%dma_wait3A_705, %dma_wait3A_706] : memref<4097x1024xf32, #tpu.memory_space<hbm>> -> memref<4097x1024xf32, #tpu.memory_space<hbm>>
      tpu.wait_indirect_dma semaphore(%arg15 : memref<!tpu.dma_semaphore, #tpu.memory_space<semaphore_mem>>) src(%dma_wait3A_707 : memref<4097x1024xf32, #tpu.memory_space<hbm>>) dst(%arg11 : memref<16x1024xf32, #tpu.memory_space<vmem>>)
      %dma_wait3A_708 = arith.constant 0 : i32
      %dma_wait3A_709 = tpu.memref_slice %arg4[%add3A_164, %dma_wait3A_708] : memref<16384x1024xf32, #tpu.memory_space<hbm>> -> memref<16x1024xf32, #tpu.memory_space<hbm>>
      %dma_wait3A_710 = arith.constant 0 : i32
      %dma_wait3A_711 = tpu.memref_slice %arg4[%add3A_164, %dma_wait3A_710] : memref<16384x1024xf32, #tpu.memory_space<hbm>> -> memref<16x1024xf32, #tpu.memory_space<hbm>>
      tpu.wait_dma2 semaphore(%arg19 : memref<!tpu.dma_semaphore, #tpu.memory_space<semaphore_mem>>) src(%arg13 : memref<16x1024xf32, #tpu.memory_space<vmem>>) dst(%dma_wait3A_711 : memref<16x1024xf32, #tpu.memory_space<hbm>>)
      %dma_start3A_712 = arith.constant 112 : i32
      %dma_start3A_713 = tpu.memref_slice %arg9[%dma_start3A_712] : memref<128xi32, #tpu.memory_space<vmem>> -> memref<16xi32, #tpu.memory_space<vmem>>
      %dma_start3A_714 = arith.constant 0 : i32
      %dma_start3A_715 = arith.constant 0 : i32
      %dma_start3A_716 = tpu.memref_slice %arg3[%dma_start3A_714, %dma_start3A_715] : memref<4097x1024xf32, #tpu.memory_space<hbm>> -> memref<4097x1024xf32, #tpu.memory_space<hbm>>
      tpu.enqueue_indirect_dma source(%dma_start3A_716 : memref<4097x1024xf32, #tpu.memory_space<hbm>>) target(%arg13 : memref<16x1024xf32, #tpu.memory_space<vmem>>) offsets(%dma_start3A_713 : memref<16xi32, #tpu.memory_space<vmem>>) semaphore(%arg15 : memref<!tpu.dma_semaphore, #tpu.memory_space<semaphore_mem>>)
      %dma_start3A_717 = arith.constant 0 : i32
      %dma_start3A_718 = tpu.memref_slice %arg4[%add3A_172, %dma_start3A_717] : memref<16384x1024xf32, #tpu.memory_space<hbm>> -> memref<16x1024xf32, #tpu.memory_space<hbm>>
      %dma_start3A_719 = arith.constant 0 : i32
      %dma_start3A_720 = tpu.memref_slice %arg4[%add3A_172, %dma_start3A_719] : memref<16384x1024xf32, #tpu.memory_space<hbm>> -> memref<16x1024xf32, #tpu.memory_space<hbm>>
      tpu.enqueue_dma source(%arg11 : memref<16x1024xf32, #tpu.memory_space<vmem>>) target(%dma_start3A_720 : memref<16x1024xf32, #tpu.memory_space<hbm>>) target_semaphore(%arg17 : memref<!tpu.dma_semaphore, #tpu.memory_space<semaphore_mem>>)
      %dma_wait3A_721 = arith.constant 96 : i32
      %dma_wait3A_722 = tpu.memref_slice %arg9[%dma_wait3A_721] : memref<128xi32, #tpu.memory_space<vmem>> -> memref<16xi32, #tpu.memory_space<vmem>>
      %dma_wait3A_723 = arith.constant 0 : i32
      %dma_wait3A_724 = arith.constant 0 : i32
      %dma_wait3A_725 = tpu.memref_slice %arg3[%dma_wait3A_723, %dma_wait3A_724] : memref<4097x1024xf32, #tpu.memory_space<hbm>> -> memref<4097x1024xf32, #tpu.memory_space<hbm>>
      tpu.wait_indirect_dma semaphore(%arg14 : memref<!tpu.dma_semaphore, #tpu.memory_space<semaphore_mem>>) src(%dma_wait3A_725 : memref<4097x1024xf32, #tpu.memory_space<hbm>>) dst(%arg12 : memref<16x1024xf32, #tpu.memory_space<vmem>>)
      %dma_start3A_726 = arith.constant 0 : i32
      %dma_start3A_727 = tpu.memref_slice %arg4[%add3A_176, %dma_start3A_726] : memref<16384x1024xf32, #tpu.memory_space<hbm>> -> memref<16x1024xf32, #tpu.memory_space<hbm>>
      %dma_start3A_728 = arith.constant 0 : i32
      %dma_start3A_729 = tpu.memref_slice %arg4[%add3A_176, %dma_start3A_728] : memref<16384x1024xf32, #tpu.memory_space<hbm>> -> memref<16x1024xf32, #tpu.memory_space<hbm>>
      tpu.enqueue_dma source(%arg12 : memref<16x1024xf32, #tpu.memory_space<vmem>>) target(%dma_start3A_729 : memref<16x1024xf32, #tpu.memory_space<hbm>>) target_semaphore(%arg18 : memref<!tpu.dma_semaphore, #tpu.memory_space<semaphore_mem>>)
      %dma_wait3A_730 = arith.constant 112 : i32
      %dma_wait3A_731 = tpu.memref_slice %arg9[%dma_wait3A_730] : memref<128xi32, #tpu.memory_space<vmem>> -> memref<16xi32, #tpu.memory_space<vmem>>
      %dma_wait3A_732 = arith.constant 0 : i32
      %dma_wait3A_733 = arith.constant 0 : i32
      %dma_wait3A_734 = tpu.memref_slice %arg3[%dma_wait3A_732, %dma_wait3A_733] : memref<4097x1024xf32, #tpu.memory_space<hbm>> -> memref<4097x1024xf32, #tpu.memory_space<hbm>>
      tpu.wait_indirect_dma semaphore(%arg15 : memref<!tpu.dma_semaphore, #tpu.memory_space<semaphore_mem>>) src(%dma_wait3A_734 : memref<4097x1024xf32, #tpu.memory_space<hbm>>) dst(%arg13 : memref<16x1024xf32, #tpu.memory_space<vmem>>)
      %dma_start3A_735 = arith.constant 0 : i32
      %dma_start3A_736 = tpu.memref_slice %arg4[%add3A_180, %dma_start3A_735] : memref<16384x1024xf32, #tpu.memory_space<hbm>> -> memref<16x1024xf32, #tpu.memory_space<hbm>>
      %dma_start3A_737 = arith.constant 0 : i32
      %dma_start3A_738 = tpu.memref_slice %arg4[%add3A_180, %dma_start3A_737] : memref<16384x1024xf32, #tpu.memory_space<hbm>> -> memref<16x1024xf32, #tpu.memory_space<hbm>>
      tpu.enqueue_dma source(%arg13 : memref<16x1024xf32, #tpu.memory_space<vmem>>) target(%dma_start3A_738 : memref<16x1024xf32, #tpu.memory_space<hbm>>) target_semaphore(%arg19 : memref<!tpu.dma_semaphore, #tpu.memory_space<semaphore_mem>>)
      %dma_wait3A_739 = arith.constant 0 : i32
      %dma_wait3A_740 = tpu.memref_slice %arg4[%add3A_168, %dma_wait3A_739] : memref<16384x1024xf32, #tpu.memory_space<hbm>> -> memref<16x1024xf32, #tpu.memory_space<hbm>>
      %dma_wait3A_741 = arith.constant 0 : i32
      %dma_wait3A_742 = tpu.memref_slice %arg4[%add3A_168, %dma_wait3A_741] : memref<16384x1024xf32, #tpu.memory_space<hbm>> -> memref<16x1024xf32, #tpu.memory_space<hbm>>
      tpu.wait_dma2 semaphore(%arg16 : memref<!tpu.dma_semaphore, #tpu.memory_space<semaphore_mem>>) src(%arg10 : memref<16x1024xf32, #tpu.memory_space<vmem>>) dst(%dma_wait3A_742 : memref<16x1024xf32, #tpu.memory_space<hbm>>)
      %dma_wait3A_743 = arith.constant 0 : i32
      %dma_wait3A_744 = tpu.memref_slice %arg4[%add3A_172, %dma_wait3A_743] : memref<16384x1024xf32, #tpu.memory_space<hbm>> -> memref<16x1024xf32, #tpu.memory_space<hbm>>
      %dma_wait3A_745 = arith.constant 0 : i32
      %dma_wait3A_746 = tpu.memref_slice %arg4[%add3A_172, %dma_wait3A_745] : memref<16384x1024xf32, #tpu.memory_space<hbm>> -> memref<16x1024xf32, #tpu.memory_space<hbm>>
      tpu.wait_dma2 semaphore(%arg17 : memref<!tpu.dma_semaphore, #tpu.memory_space<semaphore_mem>>) src(%arg11 : memref<16x1024xf32, #tpu.memory_space<vmem>>) dst(%dma_wait3A_746 : memref<16x1024xf32, #tpu.memory_space<hbm>>)
      %dma_wait3A_747 = arith.constant 0 : i32
      %dma_wait3A_748 = tpu.memref_slice %arg4[%add3A_176, %dma_wait3A_747] : memref<16384x1024xf32, #tpu.memory_space<hbm>> -> memref<16x1024xf32, #tpu.memory_space<hbm>>
      %dma_wait3A_749 = arith.constant 0 : i32
      %dma_wait3A_750 = tpu.memref_slice %arg4[%add3A_176, %dma_wait3A_749] : memref<16384x1024xf32, #tpu.memory_space<hbm>> -> memref<16x1024xf32, #tpu.memory_space<hbm>>
      tpu.wait_dma2 semaphore(%arg18 : memref<!tpu.dma_semaphore, #tpu.memory_space<semaphore_mem>>) src(%arg12 : memref<16x1024xf32, #tpu.memory_space<vmem>>) dst(%dma_wait3A_750 : memref<16x1024xf32, #tpu.memory_space<hbm>>)
      %dma_wait3A_751 = arith.constant 0 : i32
      %dma_wait3A_752 = tpu.memref_slice %arg4[%add3A_180, %dma_wait3A_751] : memref<16384x1024xf32, #tpu.memory_space<hbm>> -> memref<16x1024xf32, #tpu.memory_space<hbm>>
      %dma_wait3A_753 = arith.constant 0 : i32
      %dma_wait3A_754 = tpu.memref_slice %arg4[%add3A_180, %dma_wait3A_753] : memref<16384x1024xf32, #tpu.memory_space<hbm>> -> memref<16x1024xf32, #tpu.memory_space<hbm>>
      tpu.wait_dma2 semaphore(%arg19 : memref<!tpu.dma_semaphore, #tpu.memory_space<semaphore_mem>>) src(%arg13 : memref<16x1024xf32, #tpu.memory_space<vmem>>) dst(%dma_wait3A_754 : memref<16x1024xf32, #tpu.memory_space<hbm>>)
    } else {
    }
    return
  }
}

</mosaic_0001>

<sc_bundles>
// kernel: _run.3.cloned.1.call-start
scs
__scs_entry_jumppad:
0x0: {  	(pc) =	sbr.rel $0x88, $3  }
0x1: {  	(tag) =	ssettag $0x0;
	lr =	simm.s32 $0x1  }
0x2: {  	[smem:$0x3F9F] =	sst lr;
	_ =	strace $0xD0000000  }
0x3: {  	_ = 	snop  }
0x4: {  	_ = 	snop  }
0x5: {  	_ = 	snop  }
0x6: {  	_ = 	snop  }
0x7: {  	_ = 	snop  }
__scs_overlays_trampoline_lowered:
0x8: {  	[smem:$0x3FAE] =	sst s0  }
0x9: {  	[smem:$0x3FAF] =	sst s1  }
0xa: {  	[smem:$0x3FB0] =	sst s2  }
0xb: {  	[smem:$0x3FB1] =	sst s3  }
0xc: {  	[smem:$0x3FB2] =	sst s4  }
0xd: {  	[smem:$0x3FB3] =	sst s5  }
0xe: {  	[smem:$0x3FB4] =	sst s6  }
0xf: {  	[smem:$0x3FB5] =	sst s7  }
0x10: {  	[smem:$0x3FB6] =	sst s8  }
0x11: {  	[smem:$0x3FB7] =	sst s9;
	s0 =	simm.s32 @!p0 $0x0  }
0x12: {  	s1 =	sld [smem:$0x3F9D];
	s0 =	simm.s32 @p0 $0x1  }
0x13: {  	[smem:$0x3FB8] =	sst s0;
	s0 =	simm.s32 @!p1 $0x0  }
0x14: {  	s2 =	sld [smem:$0x3F9C];
	s0 =	simm.s32 @p1 $0x1  }
0x15: {  	[smem:$0x3FB9] =	sst s0;
	s0 =	simm.s32 @!p2 $0x0  }
0x16: {  	s3 =	sld [smem:$0x3FDB];
	s0 =	simm.s32 @p2 $0x1  }
0x17: {  	s4 =	simm.s32 $0x1BF5;
	[smem:$0x3FBB] =	sst s0  }
0x18: {  	s0 =	sld [smem:$0x3F9E];
	_ =	swait.ge [sflag:s4], $0x0  }
0x19: {  	s7 =	sld [smem:$0x3F9F]  }
0x1a: {  	s8 =	sadd.s32 $0xFFFFE003, lr  }
0x1b: {  	s9 =	sadd.s32 $0xFFFFFEF7, lr;
	s5 =	simm.s32 $0xFFFFFFFF;
	p2 =	slt.u32 s8, $0xFFFFF086  }
0x1c: {  	p1 =	slt.u32 s9, $0xF7A;
	s5 =	simm.s32 @!p2 $0x0  }
0x1d: {  	s5 =	simm.s32 @p1 $0x1;
	p0 =	seq.s32 s7, s2  }
0x1e: {  	s7 =	smul.u32 @!p0 $0xF7A, s2;
	p2 =	seq.s32 @!p0 s5, $0x0  }
0x1f: {  	s9 =	smul.u32 $0xF7A, s1;
	s8 =	simm.s32 @!p0 $0x1BF5;
	p2 =	por !p2, p0  }
0x20: {  	[sflag:s8] =	ssyncset.s32 @!p0 $0xFFFFF086;
	s6 =	sadd.s32 @!p0 s3, s7;
	s7 =	simm.s32 @!p0 $0x108  }
0x21: {  	s3 =	sadd.s32 s3, s9;
	s6 =	sadd.s32 @!p0 $0x88, s6;
	s7 =	simm.s32 @p2 $0x1082  }
0x22: {  	[simem:s7], [sflag:s8] =	dma.local @!p0 [hbm:s6], $0xF7A  }
0x23: {  	s9 =	sor.u32 $0xD0000000, s2;
	s6 =	simm.s32 $0x108;
	_ =	swait.ge @!p0 [sflag:s8], $0x0  }
0x24: {  	s3 =	sadd.s32 $0x88, s3;
	s6 =	simm.s32 @!p1 $0x1082;
	[sflag:s4] =	ssyncset.s32 $0xFFFFF086  }
0x25: {  	[simem:s6], [sflag:s4] =	dma.local [hbm:s3], $0xF7A  }
0x26: {  	[smem:$0x3F9F] =	sst s1;
	(tag) =	ssettag s2;
	_ =	strace s9  }
0x27: {  	s1 =	sld [smem:$0x3FAF]  }
0x28: {  	s2 =	sld [smem:$0x3FB0]  }
0x29: {  	s4 =	sld [smem:$0x3FB2]  }
0x2a: {  	p0 =	seq.s32 s5, $0x0;
	s5 =	sld [smem:$0x3FB3]  }
0x2b: {  	s6 =	sld [smem:$0x3FB4]  }
0x2c: {  	s7 =	sld [smem:$0x3FB5]  }
0x2d: {  	s3 =	simm.s32 $0x108;
	s8 =	sld [smem:$0x3FB6]  }
0x2e: {  	s3 =	simm.s32 @!p0 $0x1082;
	s9 =	sld [smem:$0x3FB7]  }
0x2f: {  	lr =	sadd.s32 s0, s3;
	s0 =	sld [smem:$0x3FAE]  }
0x30: {  	s3 =	sld [smem:$0x3FB1]  }
0x31: {  	[smem:$0x3FBA] =	sst s10  }
0x32: {  	s10 =	sld [smem:$0x3FB8];
	_ =	sdelay $0x3  }
0x33: {  	p0 =	seq.s32 s10, $0x1;
	s10 =	sld [smem:$0x3FBA];
	_ =	sdelay $0x3  }
0x34: {  	[smem:$0x3FBA] =	sst s10  }
0x35: {  	s10 =	sld [smem:$0x3FB9];
	_ =	sdelay $0x3  }
0x36: {  	p1 =	seq.s32 s10, $0x1;
	s10 =	sld [smem:$0x3FBA];
	_ =	sdelay $0x3  }
0x37: {  	[smem:$0x3FBA] =	sst s10  }
0x38: {  	s10 =	sld [smem:$0x3FBB]  }
0x39: {  	_ = 	snop;
	(pc) =	sbr.ind lr, $3  }
0x3a: {  	_ = 	snop  }
0x3b: {  	_ = 	snop  }
0x3c: {  	p2 =	seq.s32 s10, $0x1;
	s10 =	sld [smem:$0x3FBA]  }
0x3d: {  	_ =	shalt  }
0x3e: {  	_ =	shalt  }
0x3f: {  	_ =	shalt  }
0x40: {  	_ =	shalt  }
0x41: {  	_ =	shalt  }
0x42: {  	_ =	shalt  }
0x43: {  	_ =	shalt  }
0x44: {  	_ =	shalt  }
0x45: {  	_ =	shalt  }
0x46: {  	_ =	shalt  }
0x47: {  	_ =	shalt  }
0x48: {  	_ =	shalt  }
0x49: {  	_ =	shalt  }
0x4a: {  	_ =	shalt  }
0x4b: {  	_ =	shalt  }
0x4c: {  	_ =	shalt  }
0x4d: {  	_ =	shalt  }
0x4e: {  	_ =	shalt  }
0x4f: {  	_ =	shalt  }
0x50: {  	_ =	shalt  }
0x51: {  	_ =	shalt  }
0x52: {  	_ =	shalt  }
0x53: {  	_ =	shalt  }
0x54: {  	_ =	shalt  }
0x55: {  	_ =	shalt  }
0x56: {  	_ =	shalt  }
0x57: {  	_ =	shalt  }
0x58: {  	_ =	shalt  }
0x59: {  	_ =	shalt  }
0x5a: {  	_ =	shalt  }
0x5b: {  	_ =	shalt  }
0x5c: {  	_ =	shalt  }
0x5d: {  	_ =	shalt  }
0x5e: {  	_ =	shalt  }
0x5f: {  	_ =	shalt  }
0x60: {  	_ =	shalt  }
0x61: {  	_ =	shalt  }
0x62: {  	_ =	shalt  }
0x63: {  	_ =	shalt  }
0x64: {  	_ =	shalt  }
0x65: {  	_ =	shalt  }
0x66: {  	_ =	shalt  }
0x67: {  	_ =	shalt  }
0x68: {  	_ =	shalt  }
0x69: {  	_ =	shalt  }
0x6a: {  	_ =	shalt  }
0x6b: {  	_ =	shalt  }
0x6c: {  	_ =	shalt  }
0x6d: {  	_ =	shalt  }
0x6e: {  	_ =	shalt  }
0x6f: {  	_ =	shalt  }
0x70: {  	_ =	shalt  }
0x71: {  	_ =	shalt  }
0x72: {  	_ =	shalt  }
0x73: {  	_ =	shalt  }
0x74: {  	_ =	shalt  }
0x75: {  	_ =	shalt  }
0x76: {  	_ =	shalt  }
0x77: {  	_ =	shalt  }
0x78: {  	_ =	shalt  }
0x79: {  	_ =	shalt  }
0x7a: {  	_ =	shalt  }
0x7b: {  	_ =	shalt  }
0x7c: {  	_ =	shalt  }
0x7d: {  	_ =	shalt  }
0x7e: {  	_ =	shalt  }
0x7f: {  	_ =	shalt  }
0x80: {  	_ =	shalt  }
0x81: {  	_ =	shalt  }
0x82: {  	_ =	shalt  }
0x83: {  	_ =	shalt  }
0x84: {  	_ =	shalt  }
0x85: {  	_ =	shalt  }
0x86: {  	_ =	shalt  }
0x87: {  	_ =	shalt  }
.Lfunc_end0:
.L_simem_size_0:
called_computation_lowered:
.L_overlay_start_0:
0x88: {  	s2 =	sld [smem:$0x3FD9]  }
0x89: {  	s3 =	sld [smem:$0x3FFE];
	_ =	sdelay $0x1  }
0x8a: {  	s1 =	srdreg.scid  }
0x8b: {  	s0 =	sand.u32 $0x1, s1  }
0x8c: {  	s18 =	sshll.u32 s0, $0xA;
	s2 =	sadd.s32 s3, s2  }
0x8d: {  	s2 =	sadd.s32 s2, s18  }
0x8e: {  	[smem:$0x3FC6] =	sst s2  }
0x8f: {  	_ = 	snop  }
0x90: {  	s2 =	sld [smem:$0x3FC9]  }
0x91: {  	s19 =	sld [smem:$0x3FC8]  }
0x92: {  	s4 =	sld [smem:$0x3FD0];
	(tm) =	ssettm $0x1  }
0x93: {  	s5 =	sld [smem:$0x3FFB];
	_ =	sdelay $0x3  }
0x94: {  	_ =	strace s5  }
0x95: {  	s5 =	sld [smem:$0x3FFC];
	_ =	sdelay $0x3  }
0x96: {  	_ =	strace s5  }
0x97: {  	s5 =	sld [smem:$0x3FFD];
	_ =	sdelay $0x3  }
0x98: {  	_ =	strace s5  }
0x99: {  	_ =	strace $0x8FFFFFFF  }
0x9a: {  	s20 =	sld [smem:$0x3FDB];
	_ =	sdelay $0x1  }
0x9b: {  	s6 =	simm.s32 $_scs_section_size  }
0x9c: {  	s7 =	simm.s32 $_size__tile_overlayer_lowered;
	s8 =	simm.s32 $_tile_overlayer_lowered  }
0x9d: {  	s23 =	simm.s32 $0x1BFF;
	s22 =	sshll.u32 s8, $0x1;
	s5 =	sadd.s32 s6, s20  }
0x9e: {  	s9 =	simm.s32 $0x0;
	s21 =	sshll.u32 s7, $0x1;
	s7 =	sadd.s32 s22, s5  }
0x9f: {  	[timem:s9], [sflag:s23] =	dma.local [hbm:s7], s21  }
0xa0: {  	_ =	swait.ge [sflag:s23], s21  }
0xa1: {  	s6 =	ssub.s32 $0x0, s21;
	[sflag:s23] =	ssyncset.done $0x0  }
0xa2: {  	[sflag:s23] =	ssyncadd.s32 s6;
	_ =	sdelay $0x1  }
0xa3: {  	s24 =	simm.s32 $0x1B8B  }
0xa4: {  	_ =	swait.ge [sflag:s24], $0x1  }
0xa5: {  	[sflag:s24] =	ssyncset.done $0x0  }
0xa6: {  	s25 =	simm.s32 $0x1B8E;
	[sflag:s24] =	ssyncadd.s32 $0xFFFFFFFF  }
0xa7: {  	s26 =	simm.s32 $execute0_lowered;
	[smem:$0x3FD2] =	sst s25  }
0xa8: {  	s6 =	sshll.u32 s26, $0x1;
	_ =	strace $0x80000046;
	[dreg:$0x1] =	wrdreg $0xFFFFFFFF  }
0xa9: {  	s28 =	simm.s32 $_size_execute0_lowered;
	s5 =	sadd.s32 s5, s6;
	[dreg:$0x0] =	wrdreg $0x0  }
0xaa: {  	s6 =	sshll.u32 s28, $0x1;
	[dreg:$0x2] =	wrdreg s5  }
0xab: {  	[dreg:$0x3] =	wrdreg s6  }
0xac: {  	[dreg:$0x4] =	wrdreg $0xC0  }
0xad: {  	_ =	task [dreg:s9], $0x5FFFF  }
0xae: {  	[dreg:$0x1] =	wrdreg $0xFFFFFFFF  }
0xaf: {  	[dreg:$0x0] =	wrdreg $0x60  }
0xb0: {  	[dreg:$0x2] =	wrdreg s2  }
0xb1: {  	[dreg:$0x3] =	wrdreg s19  }
0xb2: {  	[dreg:$0x4] =	wrdreg s4  }
0xb3: {  	[dreg:$0x5] =	wrdreg $0x9  }
0xb4: {  	_ =	task.clear_ibuf [dreg:s9], $0x6FFFF;
	_ =	strace $0x90000046  }
0xb5: {  	s29 =	simm.s32 $0x9;
	_ =	strace $0x80000048  }
0xb6: {  	_ =	swait.ge [sflag:s29], $0x1  }
0xb7: {  	[sflag:s29] =	ssyncadd.s32 $0xFFFFFFFF  }
0xb8: {  	_ =	strace $0x90000048  }
0xb9: {  	_ =	sfence  }
0xba: {  	s30 =	sld [smem:$0x0];
	_ =	sdelay $0x2  }
0xbb: {  	s31 =	sshll.u32 s1, $0xD;
	s1 =	sshrl.u32 s1, $0x2  }
0xbc: {  	s3 =	sand.u32 $0x4000, s31;
	s1 =	sadd.s32 s1, s30  }
0xbd: {  	s0 =	sor.u32 s3, s0;
	s1 =	sshll.u32 s1, $0x11  }
0xbe: {  	s0 =	sor.u32 s1, s0  }
0xbf: {  	s0 =	sadd.s32 $0x8F2B, s0  }
0xc0: {  	[sflag:s0] =	ssyncadd.remote.s32 $0x1  }
0xc1: {  	_ =	sfence.sel $0xFFFF  }
0xc2: {  	[dreg:$0x0] =	wrdreg $0xFFFFFFFF;
	(pc) =	sbr.abs _section_cstart, $3  }
0xc3: {  	[dreg:$0x1] =	wrdreg $0xFFFFFFFF  }
0xc4: {  	_ =	task.clear_ibuf [dreg:s9], $0x2FFFF;
	_ =	strace $0x9FFFFFFF  }
0xc5: {  	(tm) =	ssettm $0x7FFFFFFF  }
tec
execute0_lowered:
.L_overlay_start_1:
0x0: {  	(tag) =	ssettag $0x1  }
0x1: {  	s1 =	srdreg.scid;
	s10 =	stileid.u32  }
0x2: {  	s1 =	sand.u32 $0x1, s1;
	s5 =	sshll.u32 s10, $0x1  }
0x3: {  	s3 =	rddreg [dreg:$0x1];
	s7 =	sor.u32 s1, s5  }
0x4: {  	s0 =	rddreg [dreg:$0x2];
	s4 =	simm.s32 $0x0;
	s8 =	sshll.u32 s7, $0xE  }
0x5: {  	[smem:$0x7FF] =	sst s4;
	s11 =	sadd.s32 s0, s8  }
0x6: {  	_ =	strace $0x80000047;
	s0 =	sadd.s32 $0x80000, s11;
	[dreg:$0x4] =	wrdreg s11  }
0x7: {  	s14 =	sadd.s32 $0x100000, s11;
	[dreg:$0x5] =	wrdreg s0  }
0x8: {  	s15 =	sadd.s32 $0x180000, s11;
	[dreg:$0x6] =	wrdreg s14  }
0x9: {  	s16 =	sadd.s32 $0x800, s11;
	[dreg:$0x7] =	wrdreg s15  }
0xa: {  	s17 =	sadd.s32 $0x100800, s11;
	[dreg:$0x8] =	wrdreg s16  }
0xb: {  	s18 =	sadd.s32 $0x80800, s11;
	[dreg:$0x9] =	wrdreg s17  }
0xc: {  	s19 =	sadd.s32 $0x180800, s11;
	[dreg:$0xa] =	wrdreg s18  }
0xd: {  	s20 =	sadd.s32 $0x1000, s11;
	[dreg:$0xb] =	wrdreg s19  }
0xe: {  	s21 =	sadd.s32 $0x81000, s11;
	[dreg:$0xc] =	wrdreg s20  }
0xf: {  	s28 =	simm.s32 $0x8200;
	s22 =	sadd.s32 $0x101000, s11;
	[dreg:$0xd] =	wrdreg s21  }
0x10: {  	s31 =	simm.s32 $0x6;
	s23 =	sadd.s32 $0x181000, s11;
	[dreg:$0xe] =	wrdreg s22  }
0x11: {  	s2 =	ssub.s32 $0x2, s1;
	s24 =	sadd.s32 $0x1800, s11;
	[dreg:$0xf] =	wrdreg s23  }
0x12: {  	s6 =	sshrl.u32 s2, $0x1;
	s29 =	sadd.s32 $0x81800, s11;
	[dreg:$0x10] =	wrdreg s24  }
0x13: {  	s2 =	ssub.s32 s2, s6;
	s30 =	sadd.s32 $0x101800, s11;
	[dreg:$0x11] =	wrdreg s29  }
0x14: {  	s25 =	sshll.u32 s10, $0x4;
	s2 =	smax.u32 s2, $0x1;
	[dreg:$0x12] =	wrdreg s30  }
0x15: {  	s26 =	sshll.u32 s10, $0xC;
	s10 =	sadd.s32 $0x181800, s11;
	[dreg:$0x13] =	wrdreg s2  }
0x16: {  	s9 =	sshll.u32 s1, $0x3;
	s12 =	sadd.s32 $0x2000, s11;
	[dreg:$0x14] =	wrdreg s10  }
0x17: {  	s1 =	sshll.u32 s1, $0xB;
	s13 =	sadd.s32 $0x82000, s11;
	[dreg:$0x15] =	wrdreg s12  }
0x18: {  	s1 =	sor.u32 s1, s26;
	s26 =	sadd.s32 $0x83800, s11;
	[dreg:$0x16] =	wrdreg s13  }
0x19: {  	s5 =	sadd.s32 $0x100, s3;
	s14 =	sadd.s32 $0x102000, s11;
	[smem:$0x7FB] =	sst s26  }
0x1a: {  	p0 =	seq.s32 s7, $0x0;
	s15 =	sadd.s32 $0x182000, s11;
	[dreg:$0x17] =	wrdreg s14  }
0x1b: {  	s6 =	sadd.s32 $0x200, s3;
	s16 =	sadd.s32 $0x82800, s11;
	[dreg:$0x18] =	wrdreg s15  }
0x1c: {  	s8 =	sadd.s32 $0x300, s3;
	s17 =	sadd.s32 $0x2800, s11;
	[dreg:$0x19] =	wrdreg s16  }
0x1d: {  	s1 =	sor.u32 $0x400, s1;
	s18 =	sadd.s32 $0x102800, s11;
	[dreg:$0x1a] =	wrdreg s17  }
0x1e: {  	s0 =	sor.u32 s9, s25;
	s19 =	sadd.s32 $0x182800, s11;
	[dreg:$0x1b] =	wrdreg s18  }
0x1f: {  	s9 =	sshrl.u32 s1, $0x2;
	s20 =	sadd.s32 $0x3000, s11;
	[dreg:$0x1c] =	wrdreg s19  }
0x20: {  	s21 =	sadd.s32 $0x83000, s11;
	s22 =	sadd.s32 $0x103000, s11;
	[dreg:$0x1d] =	wrdreg s20  }
0x21: {  	s23 =	sadd.s32 $0x183000, s11;
	s25 =	sadd.s32 $0x3800, s11;
	[dreg:$0x1e] =	wrdreg s21  }
0x22: {  	s29 =	sadd.s32 $0x103800, s11;
	s30 =	sadd.s32 $0x183800, s11;
	[dreg:$0x1f] =	wrdreg s22  }
.Ltmp0:
0x23: {  	s26 =	simm.s32 $0x4200;
	[smem:$0x7F9] =	sst s23;
	v0 =	vmov s9;
	(pc) =	sbr.rel .LBB2_1-.Ltmp0, $4  }
0x24: {  	s10 =	simm.s32 $0x1;
	s11 =	simm.s32 $0xC200;
	[smem:$0x7FA] =	sst s25  }
0x25: {  	v4 =	vlaneseq.u32;
	s2 =	simm.s32 $0x4;
	s1 =	simm.s32 $0x5;
	[smem:$0x7FC] =	sst s29  }
0x26: {  	v1 =	vimm.s32 $0x0;
	vm0 =	vmmov $0xffff;
	v3 =	vshrl.u32 v4, $0x3;
	s0 =	smax.u32 s0, $0x1;
	[smem:$0x7FD] =	sst s30;
	s19 =	simm.s32 $0x2  }
0x27: {  	v2 =	vand.u32 $0x7, v4;
	v4 =	vor.u32 $0x8, v4;
	v3 =	vmul.u32 $0x8, v3;
	s9 =	simm.s32 $0x0;
	s24 =	sshll.u32 s0, $0x4;
	s0 =	simm.s32 $0x3  }
.LBB2_12:
0x28: {  	_ =	swait.ge [sflag:s19], $0x4000  }
0x29: {  	[sflag:s19] =	ssyncset.done $0x0  }
0x2a: {  	[sflag:s19] =	ssyncadd.s32 $0xFFFFC000  }
0x2b: {  	v5 =	vld [tilespmem:$0x4030];
	_ =	sdelay $0x4  }
0x2c: {  	v6 =	vshll.u32 v5, $0x3  }
0x2d: {  	v5 =	vand.u32 $0x7, v5;
	v6 =	vand.u32 $0xFFFFFFC0, v6  }
0x2e: {  	v5 =	vor.u32 v5, v6  }
0x2f: {  	v6 =	vperm.xlane v5, v2;
	_ =	sdelay $0x1  }
0x30: {  	v6 =	vadd.s32 v3, v6;
	_ =	sdelay $0x3  }
0x31: {  	s20 =	simm.s32 $0x10200  }
0x32: {  	[tilespmem:s20], [sflag:$0x2] =	stream.indirect_vreg.gather [hbm4b:s3+s4], $0x80, v6, vm0, $0xb8;
	[tilespmem:$0x14200] =	vst v63  }
0x33: {  	s7 =	simm.s32 $0x10A00;
	v5 =	vperm.xlane v5, v4  }
0x34: {  	[tilespmem:s7], [sflag:$0x2] =	stream.indirect_vreg.gather [hbm4b:s5+s4], $0x80, v6, vm0, $0xb8;
	[tilespmem:$0x14200] =	vst v63  }
0x35: {  	s25 =	simm.s32 $0x11200;
	v5 =	vadd.s32 v3, v5  }
0x36: {  	[tilespmem:s25], [sflag:$0x2] =	stream.indirect_vreg.gather [hbm4b:s6+s4], $0x80, v6, vm0, $0xb8;
	[tilespmem:$0x14200] =	vst v63  }
0x37: {  	s26 =	simm.s32 $0x11A00  }
0x38: {  	[tilespmem:s26], [sflag:$0x2] =	stream.indirect_vreg.gather [hbm4b:s8+s4], $0x80, v6, vm0, $0xb8;
	[tilespmem:$0x14200] =	vst v63  }
0x39: {  	s12 =	simm.s32 $0x12200  }
0x3a: {  	[tilespmem:s12], [sflag:$0x2] =	stream.indirect_vreg.gather [hbm4b:s3+s4], $0x80, v5, vm0, $0xb8;
	[tilespmem:$0x14200] =	vst v63  }
0x3b: {  	s13 =	simm.s32 $0x12A00  }
0x3c: {  	[tilespmem:s13], [sflag:$0x2] =	stream.indirect_vreg.gather [hbm4b:s5+s4], $0x80, v5, vm0, $0xb8;
	[tilespmem:$0x14200] =	vst v63  }
0x3d: {  	s14 =	simm.s32 $0x13200  }
0x3e: {  	[tilespmem:s14], [sflag:$0x2] =	stream.indirect_vreg.gather [hbm4b:s6+s4], $0x80, v5, vm0, $0xb8;
	[tilespmem:$0x14200] =	vst v63  }
0x3f: {  	s15 =	simm.s32 $0x13A00  }
0x40: {  	[tilespmem:s15], [sflag:$0x2] =	stream.indirect_vreg.gather [hbm4b:s8+s4], $0x80, v5, vm0, $0xb8;
	[tilespmem:$0x14200] =	vst v63  }
0x41: {  	s25 =	rddreg [dreg:$0x8]  }
0x42: {  	[hbm4b:s25+s4] =	stream.linear.scatter [tilespmem:s28], [sflag:$0x4], $0x4000, $0x38;
	[tilespmem:$0x14200] =	vst v63  }
0x43: {  	_ =	swait.ge [sflag:s10], $0x4000  }
0x44: {  	[sflag:s10] =	ssyncset.done $0x0  }
0x45: {  	s12 =	simm.s32 $0x3;
	[sflag:s10] =	ssyncadd.s32 $0xFFFFC000  }
0x46: {  	_ =	swait.ge [sflag:s12], $0x4000  }
0x47: {  	[sflag:s12] =	ssyncset.done $0x0  }
0x48: {  	[sflag:s12] =	ssyncadd.s32 $0xFFFFC000  }
0x49: {  	v5 =	vld [tilespmem:$0x4040];
	_ =	sdelay $0x4  }
0x4a: {  	v6 =	vshll.u32 v5, $0x3  }
0x4b: {  	v5 =	vand.u32 $0x7, v5;
	v6 =	vand.u32 $0xFFFFFFC0, v6  }
0x4c: {  	v5 =	vor.u32 v5, v6  }
0x4d: {  	v6 =	vperm.xlane v5, v2;
	_ =	sdelay $0x1  }
0x4e: {  	v6 =	vadd.s32 v3, v6;
	_ =	sdelay $0x3  }
0x4f: {  	s18 =	simm.s32 $0x4200  }
0x50: {  	[tilespmem:s18], [sflag:$0x1] =	stream.indirect_vreg.gather [hbm4b:s3+s4], $0x80, v6, vm0, $0xb8;
	[tilespmem:$0x14200] =	vst v63  }
0x51: {  	s26 =	simm.s32 $0x4A00;
	v5 =	vperm.xlane v5, v4  }
0x52: {  	[tilespmem:s26], [sflag:$0x1] =	stream.indirect_vreg.gather [hbm4b:s5+s4], $0x80, v6, vm0, $0xb8;
	[tilespmem:$0x14200] =	vst v63  }
0x53: {  	s13 =	simm.s32 $0x5200;
	v5 =	vadd.s32 v3, v5  }
0x54: {  	[tilespmem:s13], [sflag:$0x1] =	stream.indirect_vreg.gather [hbm4b:s6+s4], $0x80, v6, vm0, $0xb8;
	[tilespmem:$0x14200] =	vst v63  }
0x55: {  	s14 =	simm.s32 $0x5A00  }
0x56: {  	[tilespmem:s14], [sflag:$0x1] =	stream.indirect_vreg.gather [hbm4b:s8+s4], $0x80, v6, vm0, $0xb8;
	[tilespmem:$0x14200] =	vst v63  }
0x57: {  	s25 =	simm.s32 $0x6200  }
0x58: {  	[tilespmem:s25], [sflag:$0x1] =	stream.indirect_vreg.gather [hbm4b:s3+s4], $0x80, v5, vm0, $0xb8;
	[tilespmem:$0x14200] =	vst v63  }
0x59: {  	s26 =	simm.s32 $0x6A00  }
0x5a: {  	[tilespmem:s26], [sflag:$0x1] =	stream.indirect_vreg.gather [hbm4b:s5+s4], $0x80, v5, vm0, $0xb8;
	[tilespmem:$0x14200] =	vst v63  }
0x5b: {  	s13 =	simm.s32 $0x7200  }
0x5c: {  	[tilespmem:s13], [sflag:$0x1] =	stream.indirect_vreg.gather [hbm4b:s6+s4], $0x80, v5, vm0, $0xb8;
	[tilespmem:$0x14200] =	vst v63  }
0x5d: {  	s14 =	simm.s32 $0x7A00  }
0x5e: {  	[tilespmem:s14], [sflag:$0x1] =	stream.indirect_vreg.gather [hbm4b:s8+s4], $0x80, v5, vm0, $0xb8;
	[tilespmem:$0x14200] =	vst v63  }
0x5f: {  	s25 =	rddreg [dreg:$0xc]  }
0x60: {  	[hbm4b:s25+s4] =	stream.linear.scatter [tilespmem:s11], [sflag:$0x5], $0x4000, $0x38;
	[tilespmem:$0x14200] =	vst v63  }
0x61: {  	_ =	swait.ge [sflag:s19], $0x4000  }
0x62: {  	[sflag:s19] =	ssyncset.done $0x0  }
0x63: {  	s13 =	simm.s32 $0x4;
	[sflag:s19] =	ssyncadd.s32 $0xFFFFC000  }
0x64: {  	_ =	swait.ge [sflag:s13], $0x4000  }
0x65: {  	[sflag:s13] =	ssyncset.done $0x0  }
0x66: {  	[sflag:s13] =	ssyncadd.s32 $0xFFFFC000  }
0x67: {  	v5 =	vld [tilespmem:$0x4050];
	_ =	sdelay $0x4  }
0x68: {  	v6 =	vshll.u32 v5, $0x3  }
0x69: {  	v5 =	vand.u32 $0x7, v5;
	v6 =	vand.u32 $0xFFFFFFC0, v6  }
0x6a: {  	v5 =	vor.u32 v5, v6  }
0x6b: {  	v6 =	vperm.xlane v5, v2;
	_ =	sdelay $0x1  }
0x6c: {  	v6 =	vadd.s32 v3, v6;
	_ =	sdelay $0x4  }
0x6d: {  	[tilespmem:s28], [sflag:$0x2] =	stream.indirect_vreg.gather [hbm4b:s3+s4], $0x80, v6, vm0, $0xb8;
	[tilespmem:$0x14200] =	vst v63  }
0x6e: {  	s26 =	simm.s32 $0x8A00;
	v5 =	vperm.xlane v5, v4  }
0x6f: {  	[tilespmem:s26], [sflag:$0x2] =	stream.indirect_vreg.gather [hbm4b:s5+s4], $0x80, v6, vm0, $0xb8;
	[tilespmem:$0x14200] =	vst v63  }
0x70: {  	s14 =	simm.s32 $0x9200;
	v5 =	vadd.s32 v3, v5  }
0x71: {  	[tilespmem:s14], [sflag:$0x2] =	stream.indirect_vreg.gather [hbm4b:s6+s4], $0x80, v6, vm0, $0xb8;
	[tilespmem:$0x14200] =	vst v63  }
0x72: {  	s26 =	simm.s32 $0x9A00  }
0x73: {  	[tilespmem:s26], [sflag:$0x2] =	stream.indirect_vreg.gather [hbm4b:s8+s4], $0x80, v6, vm0, $0xb8;
	[tilespmem:$0x14200] =	vst v63  }
0x74: {  	s14 =	simm.s32 $0xA200  }
0x75: {  	[tilespmem:s14], [sflag:$0x2] =	stream.indirect_vreg.gather [hbm4b:s3+s4], $0x80, v5, vm0, $0xb8;
	[tilespmem:$0x14200] =	vst v63  }
0x76: {  	s26 =	simm.s32 $0xAA00  }
0x77: {  	[tilespmem:s26], [sflag:$0x2] =	stream.indirect_vreg.gather [hbm4b:s5+s4], $0x80, v5, vm0, $0xb8;
	[tilespmem:$0x14200] =	vst v63  }
0x78: {  	s14 =	simm.s32 $0xB200  }
0x79: {  	[tilespmem:s14], [sflag:$0x2] =	stream.indirect_vreg.gather [hbm4b:s6+s4], $0x80, v5, vm0, $0xb8;
	[tilespmem:$0x14200] =	vst v63  }
0x7a: {  	s26 =	simm.s32 $0xBA00  }
0x7b: {  	[tilespmem:s26], [sflag:$0x2] =	stream.indirect_vreg.gather [hbm4b:s8+s4], $0x80, v5, vm0, $0xb8;
	[tilespmem:$0x14200] =	vst v63  }
0x7c: {  	s14 =	rddreg [dreg:$0x10]  }
0x7d: {  	[hbm4b:s14+s4] =	stream.linear.scatter [tilespmem:s20], [sflag:$0x6], $0x4000, $0x38;
	[tilespmem:$0x14200] =	vst v63  }
0x7e: {  	_ =	swait.ge [sflag:s10], $0x4000  }
0x7f: {  	[sflag:s10] =	ssyncset.done $0x0  }
0x80: {  	s14 =	simm.s32 $0x5;
	[sflag:s10] =	ssyncadd.s32 $0xFFFFC000  }
0x81: {  	_ =	swait.ge [sflag:s14], $0x4000  }
0x82: {  	[sflag:s14] =	ssyncset.done $0x0  }
0x83: {  	[sflag:s14] =	ssyncadd.s32 $0xFFFFC000  }
0x84: {  	v5 =	vld [tilespmem:$0x4060];
	_ =	sdelay $0x4  }
0x85: {  	v6 =	vshll.u32 v5, $0x3  }
0x86: {  	v5 =	vand.u32 $0x7, v5;
	v6 =	vand.u32 $0xFFFFFFC0, v6  }
0x87: {  	v5 =	vor.u32 v5, v6  }
0x88: {  	v6 =	vperm.xlane v5, v2;
	_ =	sdelay $0x1  }
0x89: {  	v6 =	vadd.s32 v3, v6;
	_ =	sdelay $0x4  }
0x8a: {  	[tilespmem:s11], [sflag:$0x1] =	stream.indirect_vreg.gather [hbm4b:s3+s4], $0x80, v6, vm0, $0xb8;
	[tilespmem:$0x14200] =	vst v63  }
0x8b: {  	s23 =	simm.s32 $0xCA00;
	v5 =	vperm.xlane v5, v4  }
0x8c: {  	[tilespmem:s23], [sflag:$0x1] =	stream.indirect_vreg.gather [hbm4b:s5+s4], $0x80, v6, vm0, $0xb8;
	[tilespmem:$0x14200] =	vst v63  }
0x8d: {  	v5 =	vadd.s32 v3, v5  }
0x8e: {  	[tilespmem:s30], [sflag:$0x1] =	stream.indirect_vreg.gather [hbm4b:s6+s4], $0x80, v6, vm0, $0xb8;
	[tilespmem:$0x14200] =	vst v63  }
0x8f: {  	s17 =	simm.s32 $0xDA00  }
0x90: {  	[tilespmem:s17], [sflag:$0x1] =	stream.indirect_vreg.gather [hbm4b:s8+s4], $0x80, v6, vm0, $0xb8;
	[tilespmem:$0x14200] =	vst v63  }
0x91: {  	s16 =	simm.s32 $0xE200  }
0x92: {  	[tilespmem:s16], [sflag:$0x1] =	stream.indirect_vreg.gather [hbm4b:s3+s4], $0x80, v5, vm0, $0xb8;
	[tilespmem:$0x14200] =	vst v63  }
0x93: {  	s25 =	simm.s32 $0xEA00  }
0x94: {  	[tilespmem:s25], [sflag:$0x1] =	stream.indirect_vreg.gather [hbm4b:s5+s4], $0x80, v5, vm0, $0xb8;
	[tilespmem:$0x14200] =	vst v63  }
0x95: {  	_ = 	snop  }
0x96: {  	[tilespmem:s29], [sflag:$0x1] =	stream.indirect_vreg.gather [hbm4b:s6+s4], $0x80, v5, vm0, $0xb8;
	[tilespmem:$0x14200] =	vst v63  }
0x97: {  	s15 =	simm.s32 $0xFA00  }
0x98: {  	[tilespmem:s15], [sflag:$0x1] =	stream.indirect_vreg.gather [hbm4b:s8+s4], $0x80, v5, vm0, $0xb8;
	[tilespmem:$0x14200] =	vst v63  }
0x99: {  	s15 =	rddreg [dreg:$0x15]  }
0x9a: {  	[hbm4b:s15+s4] =	stream.linear.scatter [tilespmem:s18], [sflag:$0x3], $0x4000, $0x38;
	[tilespmem:$0x14200] =	vst v63  }
0x9b: {  	_ =	swait.ge [sflag:s19], $0x4000  }
0x9c: {  	[sflag:s19] =	ssyncset.done $0x0  }
0x9d: {  	[sflag:s19] =	ssyncadd.s32 $0xFFFFC000  }
0x9e: {  	_ =	swait.ge [sflag:s31], $0x4000  }
0x9f: {  	[sflag:s31] =	ssyncset.done $0x0  }
0xa0: {  	[sflag:s31] =	ssyncadd.s32 $0xFFFFC000  }
0xa1: {  	v5 =	vld [tilespmem:$0x4070];
	_ =	sdelay $0x4  }
0xa2: {  	v6 =	vshll.u32 v5, $0x3  }
0xa3: {  	v5 =	vand.u32 $0x7, v5;
	v6 =	vand.u32 $0xFFFFFFC0, v6  }
0xa4: {  	v5 =	vor.u32 v5, v6  }
0xa5: {  	v6 =	vperm.xlane v5, v2;
	_ =	sdelay $0x1  }
0xa6: {  	v6 =	vadd.s32 v3, v6;
	_ =	sdelay $0x4  }
0xa7: {  	[tilespmem:s20], [sflag:$0x2] =	stream.indirect_vreg.gather [hbm4b:s3+s4], $0x80, v6, vm0, $0xb8;
	[tilespmem:$0x14200] =	vst v63  }
0xa8: {  	s22 =	simm.s32 $0x10A00;
	v5 =	vperm.xlane v5, v4  }
0xa9: {  	[tilespmem:s22], [sflag:$0x2] =	stream.indirect_vreg.gather [hbm4b:s5+s4], $0x80, v6, vm0, $0xb8;
	[tilespmem:$0x14200] =	vst v63  }
0xaa: {  	s21 =	simm.s32 $0x11200;
	v5 =	vadd.s32 v3, v5  }
0xab: {  	[tilespmem:s21], [sflag:$0x2] =	stream.indirect_vreg.gather [hbm4b:s6+s4], $0x80, v6, vm0, $0xb8;
	[tilespmem:$0x14200] =	vst v63  }
0xac: {  	s16 =	simm.s32 $0x11A00  }
0xad: {  	[tilespmem:s16], [sflag:$0x2] =	stream.indirect_vreg.gather [hbm4b:s8+s4], $0x80, v6, vm0, $0xb8;
	[tilespmem:$0x14200] =	vst v63  }
0xae: {  	s17 =	simm.s32 $0x12200  }
0xaf: {  	[tilespmem:s17], [sflag:$0x2] =	stream.indirect_vreg.gather [hbm4b:s3+s4], $0x80, v5, vm0, $0xb8;
	[tilespmem:$0x14200] =	vst v63  }
0xb0: {  	s21 =	simm.s32 $0x12A00  }
0xb1: {  	[tilespmem:s21], [sflag:$0x2] =	stream.indirect_vreg.gather [hbm4b:s5+s4], $0x80, v5, vm0, $0xb8;
	[tilespmem:$0x14200] =	vst v63  }
0xb2: {  	s23 =	simm.s32 $0x13200  }
0xb3: {  	[tilespmem:s23], [sflag:$0x2] =	stream.indirect_vreg.gather [hbm4b:s6+s4], $0x80, v5, vm0, $0xb8;
	[tilespmem:$0x14200] =	vst v63  }
0xb4: {  	s7 =	simm.s32 $0x13A00  }
0xb5: {  	[tilespmem:s7], [sflag:$0x2] =	stream.indirect_vreg.gather [hbm4b:s8+s4], $0x80, v5, vm0, $0xb8;
	[tilespmem:$0x14200] =	vst v63  }
0xb6: {  	s7 =	rddreg [dreg:$0x1a]  }
0xb7: {  	[hbm4b:s7+s4] =	stream.linear.scatter [tilespmem:s28], [sflag:$0x4], $0x4000, $0x38;
	[tilespmem:$0x14200] =	vst v63  }
0xb8: {  	_ =	swait.ge [sflag:s10], $0x4000  }
0xb9: {  	[sflag:s10] =	ssyncset.done $0x0  }
0xba: {  	[sflag:s10] =	ssyncadd.s32 $0xFFFFC000  }
0xbb: {  	_ =	swait.ge [sflag:s12], $0x4000  }
0xbc: {  	[sflag:s12] =	ssyncset.done $0x0  }
0xbd: {  	[sflag:s12] =	ssyncadd.s32 $0xFFFFC000  }
0xbe: {  	v5 =	vld [tilespmem:$0x4080];
	_ =	sdelay $0x4  }
0xbf: {  	v6 =	vshll.u32 v5, $0x3  }
0xc0: {  	v5 =	vand.u32 $0x7, v5;
	v6 =	vand.u32 $0xFFFFFFC0, v6  }
0xc1: {  	v5 =	vor.u32 v5, v6  }
0xc2: {  	v6 =	vperm.xlane v5, v2;
	_ =	sdelay $0x1  }
0xc3: {  	v6 =	vadd.s32 v3, v6;
	_ =	sdelay $0x4  }
0xc4: {  	[tilespmem:s18], [sflag:$0x1] =	stream.indirect_vreg.gather [hbm4b:s3+s4], $0x80, v6, vm0, $0xb8;
	[tilespmem:$0x14200] =	vst v63  }
0xc5: {  	s7 =	simm.s32 $0x4A00;
	v5 =	vperm.xlane v5, v4  }
0xc6: {  	[tilespmem:s7], [sflag:$0x1] =	stream.indirect_vreg.gather [hbm4b:s5+s4], $0x80, v6, vm0, $0xb8;
	[tilespmem:$0x14200] =	vst v63  }
0xc7: {  	v5 =	vadd.s32 v3, v5;
	s7 =	simm.s32 $0x5200  }
0xc8: {  	[tilespmem:s7], [sflag:$0x1] =	stream.indirect_vreg.gather [hbm4b:s6+s4], $0x80, v6, vm0, $0xb8;
	[tilespmem:$0x14200] =	vst v63  }
0xc9: {  	s7 =	simm.s32 $0x5A00  }
0xca: {  	[tilespmem:s7], [sflag:$0x1] =	stream.indirect_vreg.gather [hbm4b:s8+s4], $0x80, v6, vm0, $0xb8;
	[tilespmem:$0x14200] =	vst v63  }
0xcb: {  	s7 =	simm.s32 $0x6200  }
0xcc: {  	[tilespmem:s7], [sflag:$0x1] =	stream.indirect_vreg.gather [hbm4b:s3+s4], $0x80, v5, vm0, $0xb8;
	[tilespmem:$0x14200] =	vst v63  }
0xcd: {  	s7 =	simm.s32 $0x6A00  }
0xce: {  	[tilespmem:s7], [sflag:$0x1] =	stream.indirect_vreg.gather [hbm4b:s5+s4], $0x80, v5, vm0, $0xb8;
	[tilespmem:$0x14200] =	vst v63  }
0xcf: {  	s7 =	simm.s32 $0x7200  }
0xd0: {  	[tilespmem:s7], [sflag:$0x1] =	stream.indirect_vreg.gather [hbm4b:s6+s4], $0x80, v5, vm0, $0xb8;
	[tilespmem:$0x14200] =	vst v63  }
0xd1: {  	s7 =	simm.s32 $0x7A00  }
0xd2: {  	[tilespmem:s7], [sflag:$0x1] =	stream.indirect_vreg.gather [hbm4b:s8+s4], $0x80, v5, vm0, $0xb8;
	[tilespmem:$0x14200] =	vst v63  }
0xd3: {  	s7 =	rddreg [dreg:$0x1d]  }
0xd4: {  	[hbm4b:s7+s4] =	stream.linear.scatter [tilespmem:s11], [sflag:$0x5], $0x4000, $0x38;
	[tilespmem:$0x14200] =	vst v63  }
0xd5: {  	_ =	swait.ge [sflag:s19], $0x4000  }
0xd6: {  	[sflag:s19] =	ssyncset.done $0x0  }
0xd7: {  	[sflag:s19] =	ssyncadd.s32 $0xFFFFC000  }
0xd8: {  	_ =	swait.ge [sflag:s13], $0x4000  }
0xd9: {  	[sflag:s13] =	ssyncset.done $0x0  }
0xda: {  	[sflag:s13] =	ssyncadd.s32 $0xFFFFC000  }
0xdb: {  	v5 =	vld [tilespmem:$0x4090];
	_ =	sdelay $0x4  }
0xdc: {  	v6 =	vshll.u32 v5, $0x3  }
0xdd: {  	v5 =	vand.u32 $0x7, v5;
	v6 =	vand.u32 $0xFFFFFFC0, v6  }
0xde: {  	v5 =	vor.u32 v5, v6  }
0xdf: {  	v6 =	vperm.xlane v5, v2;
	_ =	sdelay $0x1  }
0xe0: {  	v6 =	vadd.s32 v3, v6;
	_ =	sdelay $0x4  }
0xe1: {  	[tilespmem:s28], [sflag:$0x2] =	stream.indirect_vreg.gather [hbm4b:s3+s4], $0x80, v6, vm0, $0xb8;
	[tilespmem:$0x14200] =	vst v63  }
0xe2: {  	s7 =	simm.s32 $0x8A00;
	v5 =	vperm.xlane v5, v4  }
0xe3: {  	[tilespmem:s7], [sflag:$0x2] =	stream.indirect_vreg.gather [hbm4b:s5+s4], $0x80, v6, vm0, $0xb8;
	[tilespmem:$0x14200] =	vst v63  }
0xe4: {  	v5 =	vadd.s32 v3, v5;
	s7 =	simm.s32 $0x9200  }
0xe5: {  	[tilespmem:s7], [sflag:$0x2] =	stream.indirect_vreg.gather [hbm4b:s6+s4], $0x80, v6, vm0, $0xb8;
	[tilespmem:$0x14200] =	vst v63  }
0xe6: {  	s7 =	simm.s32 $0x9A00  }
0xe7: {  	[tilespmem:s7], [sflag:$0x2] =	stream.indirect_vreg.gather [hbm4b:s8+s4], $0x80, v6, vm0, $0xb8;
	[tilespmem:$0x14200] =	vst v63  }
0xe8: {  	s7 =	simm.s32 $0xA200  }
0xe9: {  	[tilespmem:s7], [sflag:$0x2] =	stream.indirect_vreg.gather [hbm4b:s3+s4], $0x80, v5, vm0, $0xb8;
	[tilespmem:$0x14200] =	vst v63  }
0xea: {  	s7 =	simm.s32 $0xAA00  }
0xeb: {  	[tilespmem:s7], [sflag:$0x2] =	stream.indirect_vreg.gather [hbm4b:s5+s4], $0x80, v5, vm0, $0xb8;
	[tilespmem:$0x14200] =	vst v63  }
0xec: {  	s7 =	simm.s32 $0xB200  }
0xed: {  	[tilespmem:s7], [sflag:$0x2] =	stream.indirect_vreg.gather [hbm4b:s6+s4], $0x80, v5, vm0, $0xb8;
	[tilespmem:$0x14200] =	vst v63  }
0xee: {  	s7 =	simm.s32 $0xBA00  }
0xef: {  	[tilespmem:s7], [sflag:$0x2] =	stream.indirect_vreg.gather [hbm4b:s8+s4], $0x80, v5, vm0, $0xb8;
	[tilespmem:$0x14200] =	vst v63  }
0xf0: {  	s7 =	sld [smem:$0x7FA];
	_ =	sdelay $0x2  }
0xf1: {  	[hbm4b:s7+s4] =	stream.linear.scatter [tilespmem:s20], [sflag:$0x6], $0x4000, $0x38;
	[tilespmem:$0x14200] =	vst v63  }
0xf2: {  	_ =	swait.ge [sflag:s10], $0x4000  }
0xf3: {  	[sflag:s10] =	ssyncset.done $0x0  }
0xf4: {  	[sflag:s10] =	ssyncadd.s32 $0xFFFFC000  }
0xf5: {  	_ =	swait.ge [sflag:s14], $0x4000  }
0xf6: {  	[sflag:s14] =	ssyncset.done $0x0  }
0xf7: {  	[sflag:s14] =	ssyncadd.s32 $0xFFFFC000  }
0xf8: {  	v5 =	vld [tilespmem:$0x40A0];
	_ =	sdelay $0x4  }
0xf9: {  	v6 =	vshll.u32 v5, $0x3  }
0xfa: {  	v5 =	vand.u32 $0x7, v5;
	v6 =	vand.u32 $0xFFFFFFC0, v6  }
0xfb: {  	v5 =	vor.u32 v5, v6  }
0xfc: {  	v6 =	vperm.xlane v5, v2;
	_ =	sdelay $0x1  }
0xfd: {  	v6 =	vadd.s32 v3, v6;
	_ =	sdelay $0x4  }
0xfe: {  	[tilespmem:s11], [sflag:$0x1] =	stream.indirect_vreg.gather [hbm4b:s3+s4], $0x80, v6, vm0, $0xb8;
	[tilespmem:$0x14200] =	vst v63  }
0xff: {  	s26 =	simm.s32 $0xCA00;
	v5 =	vperm.xlane v5, v4  }
0x100: {  	[tilespmem:s26], [sflag:$0x1] =	stream.indirect_vreg.gather [hbm4b:s5+s4], $0x80, v6, vm0, $0xb8;
	[tilespmem:$0x14200] =	vst v63  }
0x101: {  	v5 =	vadd.s32 v3, v5  }
0x102: {  	[tilespmem:s30], [sflag:$0x1] =	stream.indirect_vreg.gather [hbm4b:s6+s4], $0x80, v6, vm0, $0xb8;
	[tilespmem:$0x14200] =	vst v63  }
0x103: {  	s7 =	simm.s32 $0xDA00  }
0x104: {  	[tilespmem:s7], [sflag:$0x1] =	stream.indirect_vreg.gather [hbm4b:s8+s4], $0x80, v6, vm0, $0xb8;
	[tilespmem:$0x14200] =	vst v63  }
0x105: {  	s7 =	simm.s32 $0xE200  }
0x106: {  	[tilespmem:s7], [sflag:$0x1] =	stream.indirect_vreg.gather [hbm4b:s3+s4], $0x80, v5, vm0, $0xb8;
	[tilespmem:$0x14200] =	vst v63  }
0x107: {  	s25 =	simm.s32 $0xEA00  }
0x108: {  	[tilespmem:s25], [sflag:$0x1] =	stream.indirect_vreg.gather [hbm4b:s5+s4], $0x80, v5, vm0, $0xb8;
	[tilespmem:$0x14200] =	vst v63  }
0x109: {  	_ = 	snop  }
0x10a: {  	[tilespmem:s29], [sflag:$0x1] =	stream.indirect_vreg.gather [hbm4b:s6+s4], $0x80, v5, vm0, $0xb8;
	[tilespmem:$0x14200] =	vst v63  }
0x10b: {  	s7 =	simm.s32 $0xFA00  }
0x10c: {  	[tilespmem:s7], [sflag:$0x1] =	stream.indirect_vreg.gather [hbm4b:s8+s4], $0x80, v5, vm0, $0xb8;
	[tilespmem:$0x14200] =	vst v63  }
0x10d: {  	s7 =	rddreg [dreg:$0x5]  }
0x10e: {  	[hbm4b:s7+s4] =	stream.linear.scatter [tilespmem:s18], [sflag:$0x3], $0x4000, $0x38;
	[tilespmem:$0x14200] =	vst v63  }
0x10f: {  	_ =	swait.ge [sflag:s19], $0x4000  }
0x110: {  	[sflag:s19] =	ssyncset.done $0x0  }
0x111: {  	[sflag:s19] =	ssyncadd.s32 $0xFFFFC000  }
0x112: {  	_ =	swait.ge [sflag:s31], $0x4000  }
0x113: {  	[sflag:s31] =	ssyncset.done $0x0  }
0x114: {  	[sflag:s31] =	ssyncadd.s32 $0xFFFFC000  }
0x115: {  	v5 =	vld [tilespmem:$0x40B0];
	_ =	sdelay $0x4  }
0x116: {  	v6 =	vshll.u32 v5, $0x3  }
0x117: {  	v5 =	vand.u32 $0x7, v5;
	v6 =	vand.u32 $0xFFFFFFC0, v6  }
0x118: {  	v5 =	vor.u32 v5, v6  }
0x119: {  	v6 =	vperm.xlane v5, v2;
	_ =	sdelay $0x1  }
0x11a: {  	v6 =	vadd.s32 v3, v6;
	_ =	sdelay $0x4  }
0x11b: {  	[tilespmem:s20], [sflag:$0x2] =	stream.indirect_vreg.gather [hbm4b:s3+s4], $0x80, v6, vm0, $0xb8;
	[tilespmem:$0x14200] =	vst v63  }
0x11c: {  	s22 =	simm.s32 $0x10A00;
	v5 =	vperm.xlane v5, v4  }
0x11d: {  	[tilespmem:s22], [sflag:$0x2] =	stream.indirect_vreg.gather [hbm4b:s5+s4], $0x80, v6, vm0, $0xb8;
	[tilespmem:$0x14200] =	vst v63  }
0x11e: {  	s15 =	simm.s32 $0x11200;
	v5 =	vadd.s32 v3, v5  }
0x11f: {  	[tilespmem:s15], [sflag:$0x2] =	stream.indirect_vreg.gather [hbm4b:s6+s4], $0x80, v6, vm0, $0xb8;
	[tilespmem:$0x14200] =	vst v63  }
0x120: {  	s16 =	simm.s32 $0x11A00  }
0x121: {  	[tilespmem:s16], [sflag:$0x2] =	stream.indirect_vreg.gather [hbm4b:s8+s4], $0x80, v6, vm0, $0xb8;
	[tilespmem:$0x14200] =	vst v63  }
0x122: {  	s17 =	simm.s32 $0x12200  }
0x123: {  	[tilespmem:s17], [sflag:$0x2] =	stream.indirect_vreg.gather [hbm4b:s3+s4], $0x80, v5, vm0, $0xb8;
	[tilespmem:$0x14200] =	vst v63  }
0x124: {  	s21 =	simm.s32 $0x12A00  }
0x125: {  	[tilespmem:s21], [sflag:$0x2] =	stream.indirect_vreg.gather [hbm4b:s5+s4], $0x80, v5, vm0, $0xb8;
	[tilespmem:$0x14200] =	vst v63  }
0x126: {  	s23 =	simm.s32 $0x13200  }
0x127: {  	[tilespmem:s23], [sflag:$0x2] =	stream.indirect_vreg.gather [hbm4b:s6+s4], $0x80, v5, vm0, $0xb8;
	[tilespmem:$0x14200] =	vst v63  }
0x128: {  	s7 =	simm.s32 $0x13A00  }
0x129: {  	[tilespmem:s7], [sflag:$0x2] =	stream.indirect_vreg.gather [hbm4b:s8+s4], $0x80, v5, vm0, $0xb8;
	[tilespmem:$0x14200] =	vst v63  }
0x12a: {  	s7 =	rddreg [dreg:$0xa]  }
0x12b: {  	[hbm4b:s7+s4] =	stream.linear.scatter [tilespmem:s28], [sflag:$0x4], $0x4000, $0x38;
	[tilespmem:$0x14200] =	vst v63  }
0x12c: {  	_ =	swait.ge [sflag:s10], $0x4000  }
0x12d: {  	[sflag:s10] =	ssyncset.done $0x0  }
0x12e: {  	[sflag:s10] =	ssyncadd.s32 $0xFFFFC000  }
0x12f: {  	_ =	swait.ge [sflag:s12], $0x4000  }
0x130: {  	[sflag:s12] =	ssyncset.done $0x0  }
0x131: {  	[sflag:s12] =	ssyncadd.s32 $0xFFFFC000  }
0x132: {  	v5 =	vld [tilespmem:$0x40C0];
	_ =	sdelay $0x4  }
0x133: {  	v6 =	vshll.u32 v5, $0x3  }
0x134: {  	v5 =	vand.u32 $0x7, v5;
	v6 =	vand.u32 $0xFFFFFFC0, v6  }
0x135: {  	v5 =	vor.u32 v5, v6  }
0x136: {  	v6 =	vperm.xlane v5, v2;
	_ =	sdelay $0x1  }
0x137: {  	v6 =	vadd.s32 v3, v6;
	_ =	sdelay $0x4  }
0x138: {  	[tilespmem:s18], [sflag:$0x1] =	stream.indirect_vreg.gather [hbm4b:s3+s4], $0x80, v6, vm0, $0xb8;
	[tilespmem:$0x14200] =	vst v63  }
0x139: {  	s7 =	simm.s32 $0x4A00;
	v5 =	vperm.xlane v5, v4  }
0x13a: {  	[tilespmem:s7], [sflag:$0x1] =	stream.indirect_vreg.gather [hbm4b:s5+s4], $0x80, v6, vm0, $0xb8;
	[tilespmem:$0x14200] =	vst v63  }
0x13b: {  	v5 =	vadd.s32 v3, v5;
	s7 =	simm.s32 $0x5200  }
0x13c: {  	[tilespmem:s7], [sflag:$0x1] =	stream.indirect_vreg.gather [hbm4b:s6+s4], $0x80, v6, vm0, $0xb8;
	[tilespmem:$0x14200] =	vst v63  }
0x13d: {  	s7 =	simm.s32 $0x5A00  }
0x13e: {  	[tilespmem:s7], [sflag:$0x1] =	stream.indirect_vreg.gather [hbm4b:s8+s4], $0x80, v6, vm0, $0xb8;
	[tilespmem:$0x14200] =	vst v63  }
0x13f: {  	s7 =	simm.s32 $0x6200  }
0x140: {  	[tilespmem:s7], [sflag:$0x1] =	stream.indirect_vreg.gather [hbm4b:s3+s4], $0x80, v5, vm0, $0xb8;
	[tilespmem:$0x14200] =	vst v63  }
0x141: {  	s7 =	simm.s32 $0x6A00  }
0x142: {  	[tilespmem:s7], [sflag:$0x1] =	stream.indirect_vreg.gather [hbm4b:s5+s4], $0x80, v5, vm0, $0xb8;
	[tilespmem:$0x14200] =	vst v63  }
0x143: {  	s7 =	simm.s32 $0x7200  }
0x144: {  	[tilespmem:s7], [sflag:$0x1] =	stream.indirect_vreg.gather [hbm4b:s6+s4], $0x80, v5, vm0, $0xb8;
	[tilespmem:$0x14200] =	vst v63  }
0x145: {  	s7 =	simm.s32 $0x7A00  }
0x146: {  	[tilespmem:s7], [sflag:$0x1] =	stream.indirect_vreg.gather [hbm4b:s8+s4], $0x80, v5, vm0, $0xb8;
	[tilespmem:$0x14200] =	vst v63  }
0x147: {  	s7 =	rddreg [dreg:$0xd]  }
0x148: {  	[hbm4b:s7+s4] =	stream.linear.scatter [tilespmem:s11], [sflag:$0x5], $0x4000, $0x38;
	[tilespmem:$0x14200] =	vst v63  }
0x149: {  	_ =	swait.ge [sflag:s19], $0x4000  }
0x14a: {  	[sflag:s19] =	ssyncset.done $0x0  }
0x14b: {  	[sflag:s19] =	ssyncadd.s32 $0xFFFFC000  }
0x14c: {  	_ =	swait.ge [sflag:s13], $0x4000  }
0x14d: {  	[sflag:s13] =	ssyncset.done $0x0  }
0x14e: {  	[sflag:s13] =	ssyncadd.s32 $0xFFFFC000  }
0x14f: {  	v5 =	vld [tilespmem:$0x40D0];
	_ =	sdelay $0x4  }
0x150: {  	v6 =	vshll.u32 v5, $0x3  }
0x151: {  	v5 =	vand.u32 $0x7, v5;
	v6 =	vand.u32 $0xFFFFFFC0, v6  }
0x152: {  	v5 =	vor.u32 v5, v6  }
0x153: {  	v6 =	vperm.xlane v5, v2;
	_ =	sdelay $0x1  }
0x154: {  	v6 =	vadd.s32 v3, v6;
	_ =	sdelay $0x4  }
0x155: {  	[tilespmem:s28], [sflag:$0x2] =	stream.indirect_vreg.gather [hbm4b:s3+s4], $0x80, v6, vm0, $0xb8;
	[tilespmem:$0x14200] =	vst v63  }
0x156: {  	s7 =	simm.s32 $0x8A00;
	v5 =	vperm.xlane v5, v4  }
0x157: {  	[tilespmem:s7], [sflag:$0x2] =	stream.indirect_vreg.gather [hbm4b:s5+s4], $0x80, v6, vm0, $0xb8;
	[tilespmem:$0x14200] =	vst v63  }
0x158: {  	v5 =	vadd.s32 v3, v5;
	s7 =	simm.s32 $0x9200  }
0x159: {  	[tilespmem:s7], [sflag:$0x2] =	stream.indirect_vreg.gather [hbm4b:s6+s4], $0x80, v6, vm0, $0xb8;
	[tilespmem:$0x14200] =	vst v63  }
0x15a: {  	s7 =	simm.s32 $0x9A00  }
0x15b: {  	[tilespmem:s7], [sflag:$0x2] =	stream.indirect_vreg.gather [hbm4b:s8+s4], $0x80, v6, vm0, $0xb8;
	[tilespmem:$0x14200] =	vst v63  }
0x15c: {  	s7 =	simm.s32 $0xA200  }
0x15d: {  	[tilespmem:s7], [sflag:$0x2] =	stream.indirect_vreg.gather [hbm4b:s3+s4], $0x80, v5, vm0, $0xb8;
	[tilespmem:$0x14200] =	vst v63  }
0x15e: {  	s7 =	simm.s32 $0xAA00  }
0x15f: {  	[tilespmem:s7], [sflag:$0x2] =	stream.indirect_vreg.gather [hbm4b:s5+s4], $0x80, v5, vm0, $0xb8;
	[tilespmem:$0x14200] =	vst v63  }
0x160: {  	s7 =	simm.s32 $0xB200  }
0x161: {  	[tilespmem:s7], [sflag:$0x2] =	stream.indirect_vreg.gather [hbm4b:s6+s4], $0x80, v5, vm0, $0xb8;
	[tilespmem:$0x14200] =	vst v63  }
0x162: {  	s7 =	simm.s32 $0xBA00  }
0x163: {  	[tilespmem:s7], [sflag:$0x2] =	stream.indirect_vreg.gather [hbm4b:s8+s4], $0x80, v5, vm0, $0xb8;
	[tilespmem:$0x14200] =	vst v63  }
0x164: {  	s7 =	rddreg [dreg:$0x11]  }
0x165: {  	[hbm4b:s7+s4] =	stream.linear.scatter [tilespmem:s20], [sflag:$0x6], $0x4000, $0x38;
	[tilespmem:$0x14200] =	vst v63  }
0x166: {  	_ =	swait.ge [sflag:s10], $0x4000  }
0x167: {  	[sflag:s10] =	ssyncset.done $0x0  }
0x168: {  	[sflag:s10] =	ssyncadd.s32 $0xFFFFC000  }
0x169: {  	_ =	swait.ge [sflag:s14], $0x4000  }
0x16a: {  	[sflag:s14] =	ssyncset.done $0x0  }
0x16b: {  	[sflag:s14] =	ssyncadd.s32 $0xFFFFC000  }
0x16c: {  	v5 =	vld [tilespmem:$0x40E0];
	_ =	sdelay $0x4  }
0x16d: {  	v6 =	vshll.u32 v5, $0x3  }
0x16e: {  	v5 =	vand.u32 $0x7, v5;
	v6 =	vand.u32 $0xFFFFFFC0, v6  }
0x16f: {  	v5 =	vor.u32 v5, v6  }
0x170: {  	v6 =	vperm.xlane v5, v2;
	_ =	sdelay $0x1  }
0x171: {  	v6 =	vadd.s32 v3, v6;
	_ =	sdelay $0x4  }
0x172: {  	[tilespmem:s11], [sflag:$0x1] =	stream.indirect_vreg.gather [hbm4b:s3+s4], $0x80, v6, vm0, $0xb8;
	[tilespmem:$0x14200] =	vst v63  }
0x173: {  	s26 =	simm.s32 $0xCA00;
	v5 =	vperm.xlane v5, v4  }
0x174: {  	[tilespmem:s26], [sflag:$0x1] =	stream.indirect_vreg.gather [hbm4b:s5+s4], $0x80, v6, vm0, $0xb8;
	[tilespmem:$0x14200] =	vst v63  }
0x175: {  	v5 =	vadd.s32 v3, v5  }
0x176: {  	[tilespmem:s30], [sflag:$0x1] =	stream.indirect_vreg.gather [hbm4b:s6+s4], $0x80, v6, vm0, $0xb8;
	[tilespmem:$0x14200] =	vst v63  }
0x177: {  	s7 =	simm.s32 $0xDA00  }
0x178: {  	[tilespmem:s7], [sflag:$0x1] =	stream.indirect_vreg.gather [hbm4b:s8+s4], $0x80, v6, vm0, $0xb8;
	[tilespmem:$0x14200] =	vst v63  }
0x179: {  	s7 =	simm.s32 $0xE200  }
0x17a: {  	[tilespmem:s7], [sflag:$0x1] =	stream.indirect_vreg.gather [hbm4b:s3+s4], $0x80, v5, vm0, $0xb8;
	[tilespmem:$0x14200] =	vst v63  }
0x17b: {  	s25 =	simm.s32 $0xEA00  }
0x17c: {  	[tilespmem:s25], [sflag:$0x1] =	stream.indirect_vreg.gather [hbm4b:s5+s4], $0x80, v5, vm0, $0xb8;
	[tilespmem:$0x14200] =	vst v63  }
0x17d: {  	_ = 	snop  }
0x17e: {  	[tilespmem:s29], [sflag:$0x1] =	stream.indirect_vreg.gather [hbm4b:s6+s4], $0x80, v5, vm0, $0xb8;
	[tilespmem:$0x14200] =	vst v63  }
0x17f: {  	s7 =	simm.s32 $0xFA00  }
0x180: {  	[tilespmem:s7], [sflag:$0x1] =	stream.indirect_vreg.gather [hbm4b:s8+s4], $0x80, v5, vm0, $0xb8;
	[tilespmem:$0x14200] =	vst v63  }
0x181: {  	s7 =	rddreg [dreg:$0x16]  }
0x182: {  	[hbm4b:s7+s4] =	stream.linear.scatter [tilespmem:s18], [sflag:$0x3], $0x4000, $0x38;
	[tilespmem:$0x14200] =	vst v63  }
0x183: {  	_ =	swait.ge [sflag:s19], $0x4000  }
0x184: {  	[sflag:s19] =	ssyncset.done $0x0  }
0x185: {  	[sflag:s19] =	ssyncadd.s32 $0xFFFFC000  }
0x186: {  	_ =	swait.ge [sflag:s31], $0x4000  }
0x187: {  	[sflag:s31] =	ssyncset.done $0x0  }
0x188: {  	[sflag:s31] =	ssyncadd.s32 $0xFFFFC000  }
0x189: {  	v5 =	vld [tilespmem:$0x40F0];
	_ =	sdelay $0x4  }
0x18a: {  	v6 =	vshll.u32 v5, $0x3  }
0x18b: {  	v5 =	vand.u32 $0x7, v5;
	v6 =	vand.u32 $0xFFFFFFC0, v6  }
0x18c: {  	v5 =	vor.u32 v5, v6  }
0x18d: {  	v6 =	vperm.xlane v5, v2;
	_ =	sdelay $0x1  }
0x18e: {  	v6 =	vadd.s32 v3, v6;
	_ =	sdelay $0x4  }
0x18f: {  	[tilespmem:s20], [sflag:$0x2] =	stream.indirect_vreg.gather [hbm4b:s3+s4], $0x80, v6, vm0, $0xb8;
	[tilespmem:$0x14200] =	vst v63  }
0x190: {  	s22 =	simm.s32 $0x10A00;
	v5 =	vperm.xlane v5, v4  }
0x191: {  	[tilespmem:s22], [sflag:$0x2] =	stream.indirect_vreg.gather [hbm4b:s5+s4], $0x80, v6, vm0, $0xb8;
	[tilespmem:$0x14200] =	vst v63  }
0x192: {  	s15 =	simm.s32 $0x11200;
	v5 =	vadd.s32 v3, v5  }
0x193: {  	[tilespmem:s15], [sflag:$0x2] =	stream.indirect_vreg.gather [hbm4b:s6+s4], $0x80, v6, vm0, $0xb8;
	[tilespmem:$0x14200] =	vst v63  }
0x194: {  	s16 =	simm.s32 $0x11A00  }
0x195: {  	[tilespmem:s16], [sflag:$0x2] =	stream.indirect_vreg.gather [hbm4b:s8+s4], $0x80, v6, vm0, $0xb8;
	[tilespmem:$0x14200] =	vst v63  }
0x196: {  	s17 =	simm.s32 $0x12200  }
0x197: {  	[tilespmem:s17], [sflag:$0x2] =	stream.indirect_vreg.gather [hbm4b:s3+s4], $0x80, v5, vm0, $0xb8;
	[tilespmem:$0x14200] =	vst v63  }
0x198: {  	s21 =	simm.s32 $0x12A00  }
0x199: {  	[tilespmem:s21], [sflag:$0x2] =	stream.indirect_vreg.gather [hbm4b:s5+s4], $0x80, v5, vm0, $0xb8;
	[tilespmem:$0x14200] =	vst v63  }
0x19a: {  	s23 =	simm.s32 $0x13200  }
0x19b: {  	[tilespmem:s23], [sflag:$0x2] =	stream.indirect_vreg.gather [hbm4b:s6+s4], $0x80, v5, vm0, $0xb8;
	[tilespmem:$0x14200] =	vst v63  }
0x19c: {  	s7 =	simm.s32 $0x13A00  }
0x19d: {  	[tilespmem:s7], [sflag:$0x2] =	stream.indirect_vreg.gather [hbm4b:s8+s4], $0x80, v5, vm0, $0xb8;
	[tilespmem:$0x14200] =	vst v63  }
0x19e: {  	s7 =	rddreg [dreg:$0x19]  }
0x19f: {  	[hbm4b:s7+s4] =	stream.linear.scatter [tilespmem:s28], [sflag:$0x4], $0x4000, $0x38;
	[tilespmem:$0x14200] =	vst v63  }
0x1a0: {  	_ =	swait.ge [sflag:s10], $0x4000  }
0x1a1: {  	[sflag:s10] =	ssyncset.done $0x0  }
0x1a2: {  	[sflag:s10] =	ssyncadd.s32 $0xFFFFC000  }
0x1a3: {  	_ =	swait.ge [sflag:s12], $0x4000  }
0x1a4: {  	[sflag:s12] =	ssyncset.done $0x0  }
0x1a5: {  	[sflag:s12] =	ssyncadd.s32 $0xFFFFC000  }
0x1a6: {  	v5 =	vld [tilespmem:$0x4100];
	_ =	sdelay $0x4  }
0x1a7: {  	v6 =	vshll.u32 v5, $0x3  }
0x1a8: {  	v5 =	vand.u32 $0x7, v5;
	v6 =	vand.u32 $0xFFFFFFC0, v6  }
0x1a9: {  	v5 =	vor.u32 v5, v6  }
0x1aa: {  	v6 =	vperm.xlane v5, v2;
	_ =	sdelay $0x1  }
0x1ab: {  	v6 =	vadd.s32 v3, v6;
	_ =	sdelay $0x4  }
0x1ac: {  	[tilespmem:s18], [sflag:$0x1] =	stream.indirect_vreg.gather [hbm4b:s3+s4], $0x80, v6, vm0, $0xb8;
	[tilespmem:$0x14200] =	vst v63  }
0x1ad: {  	s7 =	simm.s32 $0x4A00;
	v5 =	vperm.xlane v5, v4  }
0x1ae: {  	[tilespmem:s7], [sflag:$0x1] =	stream.indirect_vreg.gather [hbm4b:s5+s4], $0x80, v6, vm0, $0xb8;
	[tilespmem:$0x14200] =	vst v63  }
0x1af: {  	v5 =	vadd.s32 v3, v5;
	s7 =	simm.s32 $0x5200  }
0x1b0: {  	[tilespmem:s7], [sflag:$0x1] =	stream.indirect_vreg.gather [hbm4b:s6+s4], $0x80, v6, vm0, $0xb8;
	[tilespmem:$0x14200] =	vst v63  }
0x1b1: {  	s7 =	simm.s32 $0x5A00  }
0x1b2: {  	[tilespmem:s7], [sflag:$0x1] =	stream.indirect_vreg.gather [hbm4b:s8+s4], $0x80, v6, vm0, $0xb8;
	[tilespmem:$0x14200] =	vst v63  }
0x1b3: {  	s7 =	simm.s32 $0x6200  }
0x1b4: {  	[tilespmem:s7], [sflag:$0x1] =	stream.indirect_vreg.gather [hbm4b:s3+s4], $0x80, v5, vm0, $0xb8;
	[tilespmem:$0x14200] =	vst v63  }
0x1b5: {  	s7 =	simm.s32 $0x6A00  }
0x1b6: {  	[tilespmem:s7], [sflag:$0x1] =	stream.indirect_vreg.gather [hbm4b:s5+s4], $0x80, v5, vm0, $0xb8;
	[tilespmem:$0x14200] =	vst v63  }
0x1b7: {  	s7 =	simm.s32 $0x7200  }
0x1b8: {  	[tilespmem:s7], [sflag:$0x1] =	stream.indirect_vreg.gather [hbm4b:s6+s4], $0x80, v5, vm0, $0xb8;
	[tilespmem:$0x14200] =	vst v63  }
0x1b9: {  	s7 =	simm.s32 $0x7A00  }
0x1ba: {  	[tilespmem:s7], [sflag:$0x1] =	stream.indirect_vreg.gather [hbm4b:s8+s4], $0x80, v5, vm0, $0xb8;
	[tilespmem:$0x14200] =	vst v63  }
0x1bb: {  	s7 =	rddreg [dreg:$0x1e]  }
0x1bc: {  	[hbm4b:s7+s4] =	stream.linear.scatter [tilespmem:s11], [sflag:$0x5], $0x4000, $0x38;
	[tilespmem:$0x14200] =	vst v63  }
0x1bd: {  	_ =	swait.ge [sflag:s19], $0x4000  }
0x1be: {  	[sflag:s19] =	ssyncset.done $0x0  }
0x1bf: {  	[sflag:s19] =	ssyncadd.s32 $0xFFFFC000  }
0x1c0: {  	_ =	swait.ge [sflag:s13], $0x4000  }
0x1c1: {  	[sflag:s13] =	ssyncset.done $0x0  }
0x1c2: {  	[sflag:s13] =	ssyncadd.s32 $0xFFFFC000  }
0x1c3: {  	v5 =	vld [tilespmem:$0x4110];
	_ =	sdelay $0x4  }
0x1c4: {  	v6 =	vshll.u32 v5, $0x3  }
0x1c5: {  	v5 =	vand.u32 $0x7, v5;
	v6 =	vand.u32 $0xFFFFFFC0, v6  }
0x1c6: {  	v5 =	vor.u32 v5, v6  }
0x1c7: {  	v6 =	vperm.xlane v5, v2;
	_ =	sdelay $0x1  }
0x1c8: {  	v6 =	vadd.s32 v3, v6;
	_ =	sdelay $0x4  }
0x1c9: {  	[tilespmem:s28], [sflag:$0x2] =	stream.indirect_vreg.gather [hbm4b:s3+s4], $0x80, v6, vm0, $0xb8;
	[tilespmem:$0x14200] =	vst v63  }
0x1ca: {  	s7 =	simm.s32 $0x8A00;
	v5 =	vperm.xlane v5, v4  }
0x1cb: {  	[tilespmem:s7], [sflag:$0x2] =	stream.indirect_vreg.gather [hbm4b:s5+s4], $0x80, v6, vm0, $0xb8;
	[tilespmem:$0x14200] =	vst v63  }
0x1cc: {  	v5 =	vadd.s32 v3, v5;
	s7 =	simm.s32 $0x9200  }
0x1cd: {  	[tilespmem:s7], [sflag:$0x2] =	stream.indirect_vreg.gather [hbm4b:s6+s4], $0x80, v6, vm0, $0xb8;
	[tilespmem:$0x14200] =	vst v63  }
0x1ce: {  	s7 =	simm.s32 $0x9A00  }
0x1cf: {  	[tilespmem:s7], [sflag:$0x2] =	stream.indirect_vreg.gather [hbm4b:s8+s4], $0x80, v6, vm0, $0xb8;
	[tilespmem:$0x14200] =	vst v63  }
0x1d0: {  	s7 =	simm.s32 $0xA200  }
0x1d1: {  	[tilespmem:s7], [sflag:$0x2] =	stream.indirect_vreg.gather [hbm4b:s3+s4], $0x80, v5, vm0, $0xb8;
	[tilespmem:$0x14200] =	vst v63  }
0x1d2: {  	s7 =	simm.s32 $0xAA00  }
0x1d3: {  	[tilespmem:s7], [sflag:$0x2] =	stream.indirect_vreg.gather [hbm4b:s5+s4], $0x80, v5, vm0, $0xb8;
	[tilespmem:$0x14200] =	vst v63  }
0x1d4: {  	s7 =	simm.s32 $0xB200  }
0x1d5: {  	[tilespmem:s7], [sflag:$0x2] =	stream.indirect_vreg.gather [hbm4b:s6+s4], $0x80, v5, vm0, $0xb8;
	[tilespmem:$0x14200] =	vst v63  }
0x1d6: {  	s7 =	simm.s32 $0xBA00  }
0x1d7: {  	[tilespmem:s7], [sflag:$0x2] =	stream.indirect_vreg.gather [hbm4b:s8+s4], $0x80, v5, vm0, $0xb8;
	[tilespmem:$0x14200] =	vst v63  }
0x1d8: {  	s7 =	sld [smem:$0x7FB];
	_ =	sdelay $0x2  }
0x1d9: {  	[hbm4b:s7+s4] =	stream.linear.scatter [tilespmem:s20], [sflag:$0x6], $0x4000, $0x38;
	[tilespmem:$0x14200] =	vst v63  }
0x1da: {  	_ =	swait.ge [sflag:s10], $0x4000  }
0x1db: {  	[sflag:s10] =	ssyncset.done $0x0  }
0x1dc: {  	[sflag:s10] =	ssyncadd.s32 $0xFFFFC000  }
0x1dd: {  	_ =	swait.ge [sflag:s14], $0x4000  }
0x1de: {  	[sflag:s14] =	ssyncset.done $0x0  }
0x1df: {  	[sflag:s14] =	ssyncadd.s32 $0xFFFFC000  }
0x1e0: {  	v5 =	vld [tilespmem:$0x4120];
	_ =	sdelay $0x4  }
0x1e1: {  	v6 =	vshll.u32 v5, $0x3  }
0x1e2: {  	v5 =	vand.u32 $0x7, v5;
	v6 =	vand.u32 $0xFFFFFFC0, v6  }
0x1e3: {  	v5 =	vor.u32 v5, v6  }
0x1e4: {  	v6 =	vperm.xlane v5, v2;
	_ =	sdelay $0x1  }
0x1e5: {  	v6 =	vadd.s32 v3, v6;
	_ =	sdelay $0x4  }
0x1e6: {  	[tilespmem:s11], [sflag:$0x1] =	stream.indirect_vreg.gather [hbm4b:s3+s4], $0x80, v6, vm0, $0xb8;
	[tilespmem:$0x14200] =	vst v63  }
0x1e7: {  	s26 =	simm.s32 $0xCA00;
	v5 =	vperm.xlane v5, v4  }
0x1e8: {  	[tilespmem:s26], [sflag:$0x1] =	stream.indirect_vreg.gather [hbm4b:s5+s4], $0x80, v6, vm0, $0xb8;
	[tilespmem:$0x14200] =	vst v63  }
0x1e9: {  	v5 =	vadd.s32 v3, v5  }
0x1ea: {  	[tilespmem:s30], [sflag:$0x1] =	stream.indirect_vreg.gather [hbm4b:s6+s4], $0x80, v6, vm0, $0xb8;
	[tilespmem:$0x14200] =	vst v63  }
0x1eb: {  	s7 =	simm.s32 $0xDA00  }
0x1ec: {  	[tilespmem:s7], [sflag:$0x1] =	stream.indirect_vreg.gather [hbm4b:s8+s4], $0x80, v6, vm0, $0xb8;
	[tilespmem:$0x14200] =	vst v63  }
0x1ed: {  	s7 =	simm.s32 $0xE200  }
0x1ee: {  	[tilespmem:s7], [sflag:$0x1] =	stream.indirect_vreg.gather [hbm4b:s3+s4], $0x80, v5, vm0, $0xb8;
	[tilespmem:$0x14200] =	vst v63  }
0x1ef: {  	s25 =	simm.s32 $0xEA00  }
0x1f0: {  	[tilespmem:s25], [sflag:$0x1] =	stream.indirect_vreg.gather [hbm4b:s5+s4], $0x80, v5, vm0, $0xb8;
	[tilespmem:$0x14200] =	vst v63  }
0x1f1: {  	_ = 	snop  }
0x1f2: {  	[tilespmem:s29], [sflag:$0x1] =	stream.indirect_vreg.gather [hbm4b:s6+s4], $0x80, v5, vm0, $0xb8;
	[tilespmem:$0x14200] =	vst v63  }
0x1f3: {  	s7 =	simm.s32 $0xFA00  }
0x1f4: {  	[tilespmem:s7], [sflag:$0x1] =	stream.indirect_vreg.gather [hbm4b:s8+s4], $0x80, v5, vm0, $0xb8;
	[tilespmem:$0x14200] =	vst v63  }
0x1f5: {  	s7 =	rddreg [dreg:$0x6]  }
0x1f6: {  	[hbm4b:s7+s4] =	stream.linear.scatter [tilespmem:s18], [sflag:$0x3], $0x4000, $0x38;
	[tilespmem:$0x14200] =	vst v63  }
0x1f7: {  	_ =	swait.ge [sflag:s19], $0x4000  }
0x1f8: {  	[sflag:s19] =	ssyncset.done $0x0  }
0x1f9: {  	[sflag:s19] =	ssyncadd.s32 $0xFFFFC000  }
0x1fa: {  	_ =	swait.ge [sflag:s31], $0x4000  }
0x1fb: {  	[sflag:s31] =	ssyncset.done $0x0  }
0x1fc: {  	[sflag:s31] =	ssyncadd.s32 $0xFFFFC000  }
0x1fd: {  	v5 =	vld [tilespmem:$0x4130];
	_ =	sdelay $0x4  }
0x1fe: {  	v6 =	vshll.u32 v5, $0x3  }
0x1ff: {  	v5 =	vand.u32 $0x7, v5;
	v6 =	vand.u32 $0xFFFFFFC0, v6  }
0x200: {  	v5 =	vor.u32 v5, v6  }
0x201: {  	v6 =	vperm.xlane v5, v2;
	_ =	sdelay $0x1  }
0x202: {  	v6 =	vadd.s32 v3, v6;
	_ =	sdelay $0x4  }
0x203: {  	[tilespmem:s20], [sflag:$0x2] =	stream.indirect_vreg.gather [hbm4b:s3+s4], $0x80, v6, vm0, $0xb8;
	[tilespmem:$0x14200] =	vst v63  }
0x204: {  	s22 =	simm.s32 $0x10A00;
	v5 =	vperm.xlane v5, v4  }
0x205: {  	[tilespmem:s22], [sflag:$0x2] =	stream.indirect_vreg.gather [hbm4b:s5+s4], $0x80, v6, vm0, $0xb8;
	[tilespmem:$0x14200] =	vst v63  }
0x206: {  	s15 =	simm.s32 $0x11200;
	v5 =	vadd.s32 v3, v5  }
0x207: {  	[tilespmem:s15], [sflag:$0x2] =	stream.indirect_vreg.gather [hbm4b:s6+s4], $0x80, v6, vm0, $0xb8;
	[tilespmem:$0x14200] =	vst v63  }
0x208: {  	s16 =	simm.s32 $0x11A00  }
0x209: {  	[tilespmem:s16], [sflag:$0x2] =	stream.indirect_vreg.gather [hbm4b:s8+s4], $0x80, v6, vm0, $0xb8;
	[tilespmem:$0x14200] =	vst v63  }
0x20a: {  	s17 =	simm.s32 $0x12200  }
0x20b: {  	[tilespmem:s17], [sflag:$0x2] =	stream.indirect_vreg.gather [hbm4b:s3+s4], $0x80, v5, vm0, $0xb8;
	[tilespmem:$0x14200] =	vst v63  }
0x20c: {  	s21 =	simm.s32 $0x12A00  }
0x20d: {  	[tilespmem:s21], [sflag:$0x2] =	stream.indirect_vreg.gather [hbm4b:s5+s4], $0x80, v5, vm0, $0xb8;
	[tilespmem:$0x14200] =	vst v63  }
0x20e: {  	s23 =	simm.s32 $0x13200  }
0x20f: {  	[tilespmem:s23], [sflag:$0x2] =	stream.indirect_vreg.gather [hbm4b:s6+s4], $0x80, v5, vm0, $0xb8;
	[tilespmem:$0x14200] =	vst v63  }
0x210: {  	s7 =	simm.s32 $0x13A00  }
0x211: {  	[tilespmem:s7], [sflag:$0x2] =	stream.indirect_vreg.gather [hbm4b:s8+s4], $0x80, v5, vm0, $0xb8;
	[tilespmem:$0x14200] =	vst v63  }
0x212: {  	s7 =	rddreg [dreg:$0x9]  }
0x213: {  	[hbm4b:s7+s4] =	stream.linear.scatter [tilespmem:s28], [sflag:$0x4], $0x4000, $0x38;
	[tilespmem:$0x14200] =	vst v63  }
0x214: {  	_ =	swait.ge [sflag:s10], $0x4000  }
0x215: {  	[sflag:s10] =	ssyncset.done $0x0  }
0x216: {  	[sflag:s10] =	ssyncadd.s32 $0xFFFFC000  }
0x217: {  	_ =	swait.ge [sflag:s12], $0x4000  }
0x218: {  	[sflag:s12] =	ssyncset.done $0x0  }
0x219: {  	[sflag:s12] =	ssyncadd.s32 $0xFFFFC000  }
0x21a: {  	v5 =	vld [tilespmem:$0x4140];
	_ =	sdelay $0x4  }
0x21b: {  	v6 =	vshll.u32 v5, $0x3  }
0x21c: {  	v5 =	vand.u32 $0x7, v5;
	v6 =	vand.u32 $0xFFFFFFC0, v6  }
0x21d: {  	v5 =	vor.u32 v5, v6  }
0x21e: {  	v6 =	vperm.xlane v5, v2;
	_ =	sdelay $0x1  }
0x21f: {  	v6 =	vadd.s32 v3, v6;
	_ =	sdelay $0x4  }
0x220: {  	[tilespmem:s18], [sflag:$0x1] =	stream.indirect_vreg.gather [hbm4b:s3+s4], $0x80, v6, vm0, $0xb8;
	[tilespmem:$0x14200] =	vst v63  }
0x221: {  	s7 =	simm.s32 $0x4A00;
	v5 =	vperm.xlane v5, v4  }
0x222: {  	[tilespmem:s7], [sflag:$0x1] =	stream.indirect_vreg.gather [hbm4b:s5+s4], $0x80, v6, vm0, $0xb8;
	[tilespmem:$0x14200] =	vst v63  }
0x223: {  	v5 =	vadd.s32 v3, v5;
	s7 =	simm.s32 $0x5200  }
0x224: {  	[tilespmem:s7], [sflag:$0x1] =	stream.indirect_vreg.gather [hbm4b:s6+s4], $0x80, v6, vm0, $0xb8;
	[tilespmem:$0x14200] =	vst v63  }
0x225: {  	s7 =	simm.s32 $0x5A00  }
0x226: {  	[tilespmem:s7], [sflag:$0x1] =	stream.indirect_vreg.gather [hbm4b:s8+s4], $0x80, v6, vm0, $0xb8;
	[tilespmem:$0x14200] =	vst v63  }
0x227: {  	s7 =	simm.s32 $0x6200  }
0x228: {  	[tilespmem:s7], [sflag:$0x1] =	stream.indirect_vreg.gather [hbm4b:s3+s4], $0x80, v5, vm0, $0xb8;
	[tilespmem:$0x14200] =	vst v63  }
0x229: {  	s7 =	simm.s32 $0x6A00  }
0x22a: {  	[tilespmem:s7], [sflag:$0x1] =	stream.indirect_vreg.gather [hbm4b:s5+s4], $0x80, v5, vm0, $0xb8;
	[tilespmem:$0x14200] =	vst v63  }
0x22b: {  	s7 =	simm.s32 $0x7200  }
0x22c: {  	[tilespmem:s7], [sflag:$0x1] =	stream.indirect_vreg.gather [hbm4b:s6+s4], $0x80, v5, vm0, $0xb8;
	[tilespmem:$0x14200] =	vst v63  }
0x22d: {  	s7 =	simm.s32 $0x7A00  }
0x22e: {  	[tilespmem:s7], [sflag:$0x1] =	stream.indirect_vreg.gather [hbm4b:s8+s4], $0x80, v5, vm0, $0xb8;
	[tilespmem:$0x14200] =	vst v63  }
0x22f: {  	s7 =	rddreg [dreg:$0xe]  }
0x230: {  	[hbm4b:s7+s4] =	stream.linear.scatter [tilespmem:s11], [sflag:$0x5], $0x4000, $0x38;
	[tilespmem:$0x14200] =	vst v63  }
0x231: {  	_ =	swait.ge [sflag:s19], $0x4000  }
0x232: {  	[sflag:s19] =	ssyncset.done $0x0  }
0x233: {  	[sflag:s19] =	ssyncadd.s32 $0xFFFFC000  }
0x234: {  	_ =	swait.ge [sflag:s13], $0x4000  }
0x235: {  	[sflag:s13] =	ssyncset.done $0x0  }
0x236: {  	[sflag:s13] =	ssyncadd.s32 $0xFFFFC000  }
0x237: {  	v5 =	vld [tilespmem:$0x4150];
	_ =	sdelay $0x4  }
0x238: {  	v6 =	vshll.u32 v5, $0x3  }
0x239: {  	v5 =	vand.u32 $0x7, v5;
	v6 =	vand.u32 $0xFFFFFFC0, v6  }
0x23a: {  	v5 =	vor.u32 v5, v6  }
0x23b: {  	v6 =	vperm.xlane v5, v2;
	_ =	sdelay $0x1  }
0x23c: {  	v6 =	vadd.s32 v3, v6;
	_ =	sdelay $0x4  }
0x23d: {  	[tilespmem:s28], [sflag:$0x2] =	stream.indirect_vreg.gather [hbm4b:s3+s4], $0x80, v6, vm0, $0xb8;
	[tilespmem:$0x14200] =	vst v63  }
0x23e: {  	s7 =	simm.s32 $0x8A00;
	v5 =	vperm.xlane v5, v4  }
0x23f: {  	[tilespmem:s7], [sflag:$0x2] =	stream.indirect_vreg.gather [hbm4b:s5+s4], $0x80, v6, vm0, $0xb8;
	[tilespmem:$0x14200] =	vst v63  }
0x240: {  	v5 =	vadd.s32 v3, v5;
	s7 =	simm.s32 $0x9200  }
0x241: {  	[tilespmem:s7], [sflag:$0x2] =	stream.indirect_vreg.gather [hbm4b:s6+s4], $0x80, v6, vm0, $0xb8;
	[tilespmem:$0x14200] =	vst v63  }
0x242: {  	s7 =	simm.s32 $0x9A00  }
0x243: {  	[tilespmem:s7], [sflag:$0x2] =	stream.indirect_vreg.gather [hbm4b:s8+s4], $0x80, v6, vm0, $0xb8;
	[tilespmem:$0x14200] =	vst v63  }
0x244: {  	s7 =	simm.s32 $0xA200  }
0x245: {  	[tilespmem:s7], [sflag:$0x2] =	stream.indirect_vreg.gather [hbm4b:s3+s4], $0x80, v5, vm0, $0xb8;
	[tilespmem:$0x14200] =	vst v63  }
0x246: {  	s7 =	simm.s32 $0xAA00  }
0x247: {  	[tilespmem:s7], [sflag:$0x2] =	stream.indirect_vreg.gather [hbm4b:s5+s4], $0x80, v5, vm0, $0xb8;
	[tilespmem:$0x14200] =	vst v63  }
0x248: {  	s7 =	simm.s32 $0xB200  }
0x249: {  	[tilespmem:s7], [sflag:$0x2] =	stream.indirect_vreg.gather [hbm4b:s6+s4], $0x80, v5, vm0, $0xb8;
	[tilespmem:$0x14200] =	vst v63  }
0x24a: {  	s7 =	simm.s32 $0xBA00  }
0x24b: {  	[tilespmem:s7], [sflag:$0x2] =	stream.indirect_vreg.gather [hbm4b:s8+s4], $0x80, v5, vm0, $0xb8;
	[tilespmem:$0x14200] =	vst v63  }
0x24c: {  	s7 =	rddreg [dreg:$0x12]  }
0x24d: {  	[hbm4b:s7+s4] =	stream.linear.scatter [tilespmem:s20], [sflag:$0x6], $0x4000, $0x38;
	[tilespmem:$0x14200] =	vst v63  }
0x24e: {  	_ =	swait.ge [sflag:s10], $0x4000  }
0x24f: {  	[sflag:s10] =	ssyncset.done $0x0  }
0x250: {  	[sflag:s10] =	ssyncadd.s32 $0xFFFFC000  }
0x251: {  	_ =	swait.ge [sflag:s14], $0x4000  }
0x252: {  	[sflag:s14] =	ssyncset.done $0x0  }
0x253: {  	[sflag:s14] =	ssyncadd.s32 $0xFFFFC000  }
0x254: {  	v5 =	vld [tilespmem:$0x4160];
	_ =	sdelay $0x4  }
0x255: {  	v6 =	vshll.u32 v5, $0x3  }
0x256: {  	v5 =	vand.u32 $0x7, v5;
	v6 =	vand.u32 $0xFFFFFFC0, v6  }
0x257: {  	v5 =	vor.u32 v5, v6  }
0x258: {  	v6 =	vperm.xlane v5, v2;
	_ =	sdelay $0x1  }
0x259: {  	v6 =	vadd.s32 v3, v6;
	_ =	sdelay $0x4  }
0x25a: {  	[tilespmem:s11], [sflag:$0x1] =	stream.indirect_vreg.gather [hbm4b:s3+s4], $0x80, v6, vm0, $0xb8;
	[tilespmem:$0x14200] =	vst v63  }
0x25b: {  	s26 =	simm.s32 $0xCA00;
	v5 =	vperm.xlane v5, v4  }
0x25c: {  	[tilespmem:s26], [sflag:$0x1] =	stream.indirect_vreg.gather [hbm4b:s5+s4], $0x80, v6, vm0, $0xb8;
	[tilespmem:$0x14200] =	vst v63  }
0x25d: {  	v5 =	vadd.s32 v3, v5  }
0x25e: {  	[tilespmem:s30], [sflag:$0x1] =	stream.indirect_vreg.gather [hbm4b:s6+s4], $0x80, v6, vm0, $0xb8;
	[tilespmem:$0x14200] =	vst v63  }
0x25f: {  	s26 =	simm.s32 $0xDA00  }
0x260: {  	[tilespmem:s26], [sflag:$0x1] =	stream.indirect_vreg.gather [hbm4b:s8+s4], $0x80, v6, vm0, $0xb8;
	[tilespmem:$0x14200] =	vst v63  }
0x261: {  	s26 =	simm.s32 $0xE200  }
0x262: {  	[tilespmem:s26], [sflag:$0x1] =	stream.indirect_vreg.gather [hbm4b:s3+s4], $0x80, v5, vm0, $0xb8;
	[tilespmem:$0x14200] =	vst v63  }
0x263: {  	s25 =	simm.s32 $0xEA00  }
0x264: {  	[tilespmem:s25], [sflag:$0x1] =	stream.indirect_vreg.gather [hbm4b:s5+s4], $0x80, v5, vm0, $0xb8;
	[tilespmem:$0x14200] =	vst v63  }
0x265: {  	_ = 	snop  }
0x266: {  	[tilespmem:s29], [sflag:$0x1] =	stream.indirect_vreg.gather [hbm4b:s6+s4], $0x80, v5, vm0, $0xb8;
	[tilespmem:$0x14200] =	vst v63  }
0x267: {  	s25 =	simm.s32 $0xFA00  }
0x268: {  	[tilespmem:s25], [sflag:$0x1] =	stream.indirect_vreg.gather [hbm4b:s8+s4], $0x80, v5, vm0, $0xb8;
	[tilespmem:$0x14200] =	vst v63  }
0x269: {  	s26 =	rddreg [dreg:$0x17]  }
0x26a: {  	[hbm4b:s26+s4] =	stream.linear.scatter [tilespmem:s18], [sflag:$0x3], $0x4000, $0x38;
	[tilespmem:$0x14200] =	vst v63  }
0x26b: {  	_ =	swait.ge [sflag:s19], $0x4000  }
0x26c: {  	[sflag:s19] =	ssyncset.done $0x0  }
0x26d: {  	[sflag:s19] =	ssyncadd.s32 $0xFFFFC000  }
0x26e: {  	_ =	swait.ge [sflag:s31], $0x4000  }
0x26f: {  	[sflag:s31] =	ssyncset.done $0x0  }
0x270: {  	[sflag:s31] =	ssyncadd.s32 $0xFFFFC000  }
0x271: {  	v5 =	vld [tilespmem:$0x4170];
	_ =	sdelay $0x4  }
0x272: {  	v6 =	vshll.u32 v5, $0x3  }
0x273: {  	v5 =	vand.u32 $0x7, v5;
	v6 =	vand.u32 $0xFFFFFFC0, v6  }
0x274: {  	v5 =	vor.u32 v5, v6  }
0x275: {  	v6 =	vperm.xlane v5, v2;
	_ =	sdelay $0x1  }
0x276: {  	v6 =	vadd.s32 v3, v6;
	_ =	sdelay $0x4  }
0x277: {  	[tilespmem:s20], [sflag:$0x2] =	stream.indirect_vreg.gather [hbm4b:s3+s4], $0x80, v6, vm0, $0xb8;
	[tilespmem:$0x14200] =	vst v63  }
0x278: {  	s22 =	simm.s32 $0x10A00;
	v5 =	vperm.xlane v5, v4  }
0x279: {  	[tilespmem:s22], [sflag:$0x2] =	stream.indirect_vreg.gather [hbm4b:s5+s4], $0x80, v6, vm0, $0xb8;
	[tilespmem:$0x14200] =	vst v63  }
0x27a: {  	s15 =	simm.s32 $0x11200;
	v5 =	vadd.s32 v3, v5  }
0x27b: {  	[tilespmem:s15], [sflag:$0x2] =	stream.indirect_vreg.gather [hbm4b:s6+s4], $0x80, v6, vm0, $0xb8;
	[tilespmem:$0x14200] =	vst v63  }
0x27c: {  	s16 =	simm.s32 $0x11A00  }
0x27d: {  	[tilespmem:s16], [sflag:$0x2] =	stream.indirect_vreg.gather [hbm4b:s8+s4], $0x80, v6, vm0, $0xb8;
	[tilespmem:$0x14200] =	vst v63  }
0x27e: {  	s17 =	simm.s32 $0x12200  }
0x27f: {  	[tilespmem:s17], [sflag:$0x2] =	stream.indirect_vreg.gather [hbm4b:s3+s4], $0x80, v5, vm0, $0xb8;
	[tilespmem:$0x14200] =	vst v63  }
0x280: {  	s21 =	simm.s32 $0x12A00  }
0x281: {  	[tilespmem:s21], [sflag:$0x2] =	stream.indirect_vreg.gather [hbm4b:s5+s4], $0x80, v5, vm0, $0xb8;
	[tilespmem:$0x14200] =	vst v63  }
0x282: {  	s23 =	simm.s32 $0x13200  }
0x283: {  	[tilespmem:s23], [sflag:$0x2] =	stream.indirect_vreg.gather [hbm4b:s6+s4], $0x80, v5, vm0, $0xb8;
	[tilespmem:$0x14200] =	vst v63  }
0x284: {  	s21 =	simm.s32 $0x13A00  }
0x285: {  	[tilespmem:s21], [sflag:$0x2] =	stream.indirect_vreg.gather [hbm4b:s8+s4], $0x80, v5, vm0, $0xb8;
	[tilespmem:$0x14200] =	vst v63  }
0x286: {  	s23 =	rddreg [dreg:$0x1b]  }
0x287: {  	[hbm4b:s23+s4] =	stream.linear.scatter [tilespmem:s28], [sflag:$0x4], $0x4000, $0x38;
	[tilespmem:$0x14200] =	vst v63  }
0x288: {  	_ =	swait.ge [sflag:s10], $0x4000  }
0x289: {  	[sflag:s10] =	ssyncset.done $0x0  }
0x28a: {  	[sflag:s10] =	ssyncadd.s32 $0xFFFFC000  }
0x28b: {  	_ =	swait.ge [sflag:s12], $0x4000  }
0x28c: {  	[sflag:s12] =	ssyncset.done $0x0  }
0x28d: {  	[sflag:s12] =	ssyncadd.s32 $0xFFFFC000  }
0x28e: {  	v5 =	vld [tilespmem:$0x4180];
	_ =	sdelay $0x4  }
0x28f: {  	v6 =	vshll.u32 v5, $0x3  }
0x290: {  	v5 =	vand.u32 $0x7, v5;
	v6 =	vand.u32 $0xFFFFFFC0, v6  }
0x291: {  	v5 =	vor.u32 v5, v6  }
0x292: {  	v6 =	vperm.xlane v5, v2;
	_ =	sdelay $0x1  }
0x293: {  	v6 =	vadd.s32 v3, v6;
	_ =	sdelay $0x4  }
0x294: {  	[tilespmem:s18], [sflag:$0x1] =	stream.indirect_vreg.gather [hbm4b:s3+s4], $0x80, v6, vm0, $0xb8;
	[tilespmem:$0x14200] =	vst v63  }
0x295: {  	s15 =	simm.s32 $0x4A00;
	v5 =	vperm.xlane v5, v4  }
0x296: {  	[tilespmem:s15], [sflag:$0x1] =	stream.indirect_vreg.gather [hbm4b:s5+s4], $0x80, v6, vm0, $0xb8;
	[tilespmem:$0x14200] =	vst v63  }
0x297: {  	s16 =	simm.s32 $0x5200;
	v5 =	vadd.s32 v3, v5  }
0x298: {  	[tilespmem:s16], [sflag:$0x1] =	stream.indirect_vreg.gather [hbm4b:s6+s4], $0x80, v6, vm0, $0xb8;
	[tilespmem:$0x14200] =	vst v63  }
0x299: {  	s17 =	simm.s32 $0x5A00  }
0x29a: {  	[tilespmem:s17], [sflag:$0x1] =	stream.indirect_vreg.gather [hbm4b:s8+s4], $0x80, v6, vm0, $0xb8;
	[tilespmem:$0x14200] =	vst v63  }
0x29b: {  	s21 =	simm.s32 $0x6200  }
0x29c: {  	[tilespmem:s21], [sflag:$0x1] =	stream.indirect_vreg.gather [hbm4b:s3+s4], $0x80, v5, vm0, $0xb8;
	[tilespmem:$0x14200] =	vst v63  }
0x29d: {  	s23 =	simm.s32 $0x6A00  }
0x29e: {  	[tilespmem:s23], [sflag:$0x1] =	stream.indirect_vreg.gather [hbm4b:s5+s4], $0x80, v5, vm0, $0xb8;
	[tilespmem:$0x14200] =	vst v63  }
0x29f: {  	s16 =	simm.s32 $0x7200  }
0x2a0: {  	[tilespmem:s16], [sflag:$0x1] =	stream.indirect_vreg.gather [hbm4b:s6+s4], $0x80, v5, vm0, $0xb8;
	[tilespmem:$0x14200] =	vst v63  }
0x2a1: {  	s17 =	simm.s32 $0x7A00  }
0x2a2: {  	[tilespmem:s17], [sflag:$0x1] =	stream.indirect_vreg.gather [hbm4b:s8+s4], $0x80, v5, vm0, $0xb8;
	[tilespmem:$0x14200] =	vst v63  }
0x2a3: {  	s21 =	rddreg [dreg:$0x1f]  }
0x2a4: {  	[hbm4b:s21+s4] =	stream.linear.scatter [tilespmem:s11], [sflag:$0x5], $0x4000, $0x38;
	[tilespmem:$0x14200] =	vst v63  }
0x2a5: {  	_ =	swait.ge [sflag:s19], $0x4000  }
0x2a6: {  	[sflag:s19] =	ssyncset.done $0x0  }
0x2a7: {  	[sflag:s19] =	ssyncadd.s32 $0xFFFFC000  }
0x2a8: {  	_ =	swait.ge [sflag:s13], $0x4000  }
0x2a9: {  	[sflag:s13] =	ssyncset.done $0x0  }
0x2aa: {  	[sflag:s13] =	ssyncadd.s32 $0xFFFFC000  }
0x2ab: {  	v5 =	vld [tilespmem:$0x4190];
	_ =	sdelay $0x4  }
0x2ac: {  	v6 =	vshll.u32 v5, $0x3  }
0x2ad: {  	v5 =	vand.u32 $0x7, v5;
	v6 =	vand.u32 $0xFFFFFFC0, v6  }
0x2ae: {  	v5 =	vor.u32 v5, v6  }
0x2af: {  	v6 =	vperm.xlane v5, v2;
	_ =	sdelay $0x1  }
0x2b0: {  	v6 =	vadd.s32 v3, v6;
	_ =	sdelay $0x4  }
0x2b1: {  	[tilespmem:s28], [sflag:$0x2] =	stream.indirect_vreg.gather [hbm4b:s3+s4], $0x80, v6, vm0, $0xb8;
	[tilespmem:$0x14200] =	vst v63  }
0x2b2: {  	s23 =	simm.s32 $0x8A00;
	v5 =	vperm.xlane v5, v4  }
0x2b3: {  	[tilespmem:s23], [sflag:$0x2] =	stream.indirect_vreg.gather [hbm4b:s5+s4], $0x80, v6, vm0, $0xb8;
	[tilespmem:$0x14200] =	vst v63  }
0x2b4: {  	s16 =	simm.s32 $0x9200;
	v5 =	vadd.s32 v3, v5  }
0x2b5: {  	[tilespmem:s16], [sflag:$0x2] =	stream.indirect_vreg.gather [hbm4b:s6+s4], $0x80, v6, vm0, $0xb8;
	[tilespmem:$0x14200] =	vst v63  }
0x2b6: {  	s17 =	simm.s32 $0x9A00  }
0x2b7: {  	[tilespmem:s17], [sflag:$0x2] =	stream.indirect_vreg.gather [hbm4b:s8+s4], $0x80, v6, vm0, $0xb8;
	[tilespmem:$0x14200] =	vst v63  }
0x2b8: {  	s23 =	simm.s32 $0xA200  }
0x2b9: {  	[tilespmem:s23], [sflag:$0x2] =	stream.indirect_vreg.gather [hbm4b:s3+s4], $0x80, v5, vm0, $0xb8;
	[tilespmem:$0x14200] =	vst v63  }
0x2ba: {  	s17 =	simm.s32 $0xAA00  }
0x2bb: {  	[tilespmem:s17], [sflag:$0x2] =	stream.indirect_vreg.gather [hbm4b:s5+s4], $0x80, v5, vm0, $0xb8;
	[tilespmem:$0x14200] =	vst v63  }
0x2bc: {  	s23 =	simm.s32 $0xB200  }
0x2bd: {  	[tilespmem:s23], [sflag:$0x2] =	stream.indirect_vreg.gather [hbm4b:s6+s4], $0x80, v5, vm0, $0xb8;
	[tilespmem:$0x14200] =	vst v63  }
0x2be: {  	s23 =	simm.s32 $0xBA00  }
0x2bf: {  	[tilespmem:s23], [sflag:$0x2] =	stream.indirect_vreg.gather [hbm4b:s8+s4], $0x80, v5, vm0, $0xb8;
	[tilespmem:$0x14200] =	vst v63  }
0x2c0: {  	s23 =	sld [smem:$0x7FC];
	_ =	sdelay $0x2  }
0x2c1: {  	[hbm4b:s23+s4] =	stream.linear.scatter [tilespmem:s20], [sflag:$0x6], $0x4000, $0x38;
	[tilespmem:$0x14200] =	vst v63  }
0x2c2: {  	_ =	swait.ge [sflag:s10], $0x4000  }
0x2c3: {  	[sflag:s10] =	ssyncset.done $0x0  }
0x2c4: {  	[sflag:s10] =	ssyncadd.s32 $0xFFFFC000  }
0x2c5: {  	_ =	swait.ge [sflag:s14], $0x4000  }
0x2c6: {  	[sflag:s14] =	ssyncset.done $0x0  }
0x2c7: {  	[sflag:s14] =	ssyncadd.s32 $0xFFFFC000  }
0x2c8: {  	v5 =	vld [tilespmem:$0x41A0];
	_ =	sdelay $0x4  }
0x2c9: {  	v6 =	vshll.u32 v5, $0x3  }
0x2ca: {  	v5 =	vand.u32 $0x7, v5;
	v6 =	vand.u32 $0xFFFFFFC0, v6  }
0x2cb: {  	v5 =	vor.u32 v5, v6  }
0x2cc: {  	v6 =	vperm.xlane v5, v2;
	_ =	sdelay $0x1  }
0x2cd: {  	v6 =	vadd.s32 v3, v6;
	_ =	sdelay $0x4  }
0x2ce: {  	[tilespmem:s11], [sflag:$0x1] =	stream.indirect_vreg.gather [hbm4b:s3+s4], $0x80, v6, vm0, $0xb8;
	[tilespmem:$0x14200] =	vst v63  }
0x2cf: {  	s23 =	simm.s32 $0xCA00;
	v5 =	vperm.xlane v5, v4  }
0x2d0: {  	[tilespmem:s23], [sflag:$0x1] =	stream.indirect_vreg.gather [hbm4b:s5+s4], $0x80, v6, vm0, $0xb8;
	[tilespmem:$0x14200] =	vst v63  }
0x2d1: {  	v5 =	vadd.s32 v3, v5  }
0x2d2: {  	[tilespmem:s30], [sflag:$0x1] =	stream.indirect_vreg.gather [hbm4b:s6+s4], $0x80, v6, vm0, $0xb8;
	[tilespmem:$0x14200] =	vst v63  }
0x2d3: {  	s23 =	simm.s32 $0xDA00  }
0x2d4: {  	[tilespmem:s23], [sflag:$0x1] =	stream.indirect_vreg.gather [hbm4b:s8+s4], $0x80, v6, vm0, $0xb8;
	[tilespmem:$0x14200] =	vst v63  }
0x2d5: {  	s23 =	simm.s32 $0xE200  }
0x2d6: {  	[tilespmem:s23], [sflag:$0x1] =	stream.indirect_vreg.gather [hbm4b:s3+s4], $0x80, v5, vm0, $0xb8;
	[tilespmem:$0x14200] =	vst v63  }
0x2d7: {  	s23 =	simm.s32 $0xEA00  }
0x2d8: {  	[tilespmem:s23], [sflag:$0x1] =	stream.indirect_vreg.gather [hbm4b:s5+s4], $0x80, v5, vm0, $0xb8;
	[tilespmem:$0x14200] =	vst v63  }
0x2d9: {  	_ = 	snop  }
0x2da: {  	[tilespmem:s29], [sflag:$0x1] =	stream.indirect_vreg.gather [hbm4b:s6+s4], $0x80, v5, vm0, $0xb8;
	[tilespmem:$0x14200] =	vst v63  }
0x2db: {  	s23 =	simm.s32 $0xFA00  }
0x2dc: {  	[tilespmem:s23], [sflag:$0x1] =	stream.indirect_vreg.gather [hbm4b:s8+s4], $0x80, v5, vm0, $0xb8;
	[tilespmem:$0x14200] =	vst v63  }
0x2dd: {  	s23 =	rddreg [dreg:$0x7]  }
0x2de: {  	[hbm4b:s23+s4] =	stream.linear.scatter [tilespmem:s18], [sflag:$0x3], $0x4000, $0x38;
	[tilespmem:$0x14200] =	vst v63  }
0x2df: {  	_ =	swait.ge [sflag:s19], $0x4000  }
0x2e0: {  	[sflag:s19] =	ssyncset.done $0x0  }
0x2e1: {  	[sflag:s19] =	ssyncadd.s32 $0xFFFFC000  }
0x2e2: {  	_ =	swait.ge [sflag:s31], $0x4000  }
0x2e3: {  	[sflag:s31] =	ssyncset.done $0x0  }
0x2e4: {  	[sflag:s31] =	ssyncadd.s32 $0xFFFFC000  }
0x2e5: {  	v5 =	vld [tilespmem:$0x41B0];
	_ =	sdelay $0x4  }
0x2e6: {  	v6 =	vshll.u32 v5, $0x3  }
0x2e7: {  	v5 =	vand.u32 $0x7, v5;
	v6 =	vand.u32 $0xFFFFFFC0, v6  }
0x2e8: {  	v5 =	vor.u32 v5, v6  }
0x2e9: {  	v6 =	vperm.xlane v5, v2;
	_ =	sdelay $0x1  }
0x2ea: {  	v6 =	vadd.s32 v3, v6;
	_ =	sdelay $0x4  }
0x2eb: {  	[tilespmem:s20], [sflag:$0x2] =	stream.indirect_vreg.gather [hbm4b:s3+s4], $0x80, v6, vm0, $0xb8;
	[tilespmem:$0x14200] =	vst v63  }
0x2ec: {  	s23 =	simm.s32 $0x10A00;
	v5 =	vperm.xlane v5, v4  }
0x2ed: {  	[tilespmem:s23], [sflag:$0x2] =	stream.indirect_vreg.gather [hbm4b:s5+s4], $0x80, v6, vm0, $0xb8;
	[tilespmem:$0x14200] =	vst v63  }
0x2ee: {  	s22 =	simm.s32 $0x11200;
	v5 =	vadd.s32 v3, v5  }
0x2ef: {  	[tilespmem:s22], [sflag:$0x2] =	stream.indirect_vreg.gather [hbm4b:s6+s4], $0x80, v6, vm0, $0xb8;
	[tilespmem:$0x14200] =	vst v63  }
0x2f0: {  	s25 =	simm.s32 $0x11A00  }
0x2f1: {  	[tilespmem:s25], [sflag:$0x2] =	stream.indirect_vreg.gather [hbm4b:s8+s4], $0x80, v6, vm0, $0xb8;
	[tilespmem:$0x14200] =	vst v63  }
0x2f2: {  	s26 =	simm.s32 $0x12200  }
0x2f3: {  	[tilespmem:s26], [sflag:$0x2] =	stream.indirect_vreg.gather [hbm4b:s3+s4], $0x80, v5, vm0, $0xb8;
	[tilespmem:$0x14200] =	vst v63  }
0x2f4: {  	s26 =	simm.s32 $0x12A00  }
0x2f5: {  	[tilespmem:s26], [sflag:$0x2] =	stream.indirect_vreg.gather [hbm4b:s5+s4], $0x80, v5, vm0, $0xb8;
	[tilespmem:$0x14200] =	vst v63  }
0x2f6: {  	s7 =	simm.s32 $0x13200  }
0x2f7: {  	[tilespmem:s7], [sflag:$0x2] =	stream.indirect_vreg.gather [hbm4b:s6+s4], $0x80, v5, vm0, $0xb8;
	[tilespmem:$0x14200] =	vst v63  }
0x2f8: {  	s7 =	simm.s32 $0x13A00  }
0x2f9: {  	[tilespmem:s7], [sflag:$0x2] =	stream.indirect_vreg.gather [hbm4b:s8+s4], $0x80, v5, vm0, $0xb8;
	[tilespmem:$0x14200] =	vst v63  }
0x2fa: {  	s7 =	rddreg [dreg:$0xb]  }
0x2fb: {  	[hbm4b:s7+s4] =	stream.linear.scatter [tilespmem:s28], [sflag:$0x4], $0x4000, $0x38;
	[tilespmem:$0x14200] =	vst v63  }
0x2fc: {  	_ =	swait.ge [sflag:s10], $0x4000  }
0x2fd: {  	[sflag:s10] =	ssyncset.done $0x0  }
0x2fe: {  	[sflag:s10] =	ssyncadd.s32 $0xFFFFC000  }
0x2ff: {  	_ =	swait.ge [sflag:s12], $0x4000  }
0x300: {  	[sflag:s12] =	ssyncset.done $0x0  }
0x301: {  	[sflag:s12] =	ssyncadd.s32 $0xFFFFC000  }
0x302: {  	v5 =	vld [tilespmem:$0x41C0];
	_ =	sdelay $0x4  }
0x303: {  	v6 =	vshll.u32 v5, $0x3  }
0x304: {  	v5 =	vand.u32 $0x7, v5;
	v6 =	vand.u32 $0xFFFFFFC0, v6  }
0x305: {  	v5 =	vor.u32 v5, v6  }
0x306: {  	v6 =	vperm.xlane v5, v2;
	_ =	sdelay $0x1  }
0x307: {  	v6 =	vadd.s32 v3, v6;
	_ =	sdelay $0x4  }
0x308: {  	[tilespmem:s18], [sflag:$0x1] =	stream.indirect_vreg.gather [hbm4b:s3+s4], $0x80, v6, vm0, $0xb8;
	[tilespmem:$0x14200] =	vst v63  }
0x309: {  	s15 =	simm.s32 $0x4A00;
	v5 =	vperm.xlane v5, v4  }
0x30a: {  	[tilespmem:s15], [sflag:$0x1] =	stream.indirect_vreg.gather [hbm4b:s5+s4], $0x80, v6, vm0, $0xb8;
	[tilespmem:$0x14200] =	vst v63  }
0x30b: {  	v5 =	vadd.s32 v3, v5;
	s15 =	simm.s32 $0x5200  }
0x30c: {  	[tilespmem:s15], [sflag:$0x1] =	stream.indirect_vreg.gather [hbm4b:s6+s4], $0x80, v6, vm0, $0xb8;
	[tilespmem:$0x14200] =	vst v63  }
0x30d: {  	s15 =	simm.s32 $0x5A00  }
0x30e: {  	[tilespmem:s15], [sflag:$0x1] =	stream.indirect_vreg.gather [hbm4b:s8+s4], $0x80, v6, vm0, $0xb8;
	[tilespmem:$0x14200] =	vst v63  }
0x30f: {  	s15 =	simm.s32 $0x6200  }
0x310: {  	[tilespmem:s15], [sflag:$0x1] =	stream.indirect_vreg.gather [hbm4b:s3+s4], $0x80, v5, vm0, $0xb8;
	[tilespmem:$0x14200] =	vst v63  }
0x311: {  	s15 =	simm.s32 $0x6A00  }
0x312: {  	[tilespmem:s15], [sflag:$0x1] =	stream.indirect_vreg.gather [hbm4b:s5+s4], $0x80, v5, vm0, $0xb8;
	[tilespmem:$0x14200] =	vst v63  }
0x313: {  	s15 =	simm.s32 $0x7200  }
0x314: {  	[tilespmem:s15], [sflag:$0x1] =	stream.indirect_vreg.gather [hbm4b:s6+s4], $0x80, v5, vm0, $0xb8;
	[tilespmem:$0x14200] =	vst v63  }
0x315: {  	s15 =	simm.s32 $0x7A00  }
0x316: {  	[tilespmem:s15], [sflag:$0x1] =	stream.indirect_vreg.gather [hbm4b:s8+s4], $0x80, v5, vm0, $0xb8;
	[tilespmem:$0x14200] =	vst v63  }
0x317: {  	s15 =	rddreg [dreg:$0xf]  }
0x318: {  	[hbm4b:s15+s4] =	stream.linear.scatter [tilespmem:s11], [sflag:$0x5], $0x4000, $0x38;
	[tilespmem:$0x14200] =	vst v63  }
0x319: {  	_ =	swait.ge [sflag:s19], $0x4000  }
0x31a: {  	[sflag:s19] =	ssyncset.done $0x0  }
0x31b: {  	[sflag:s19] =	ssyncadd.s32 $0xFFFFC000  }
0x31c: {  	_ =	swait.ge [sflag:s13], $0x4000  }
0x31d: {  	[sflag:s13] =	ssyncset.done $0x0  }
0x31e: {  	[sflag:s13] =	ssyncadd.s32 $0xFFFFC000  }
0x31f: {  	v5 =	vld [tilespmem:$0x41D0];
	_ =	sdelay $0x4  }
0x320: {  	v6 =	vshll.u32 v5, $0x3  }
0x321: {  	v5 =	vand.u32 $0x7, v5;
	v6 =	vand.u32 $0xFFFFFFC0, v6  }
0x322: {  	v5 =	vor.u32 v5, v6  }
0x323: {  	v6 =	vperm.xlane v5, v2;
	_ =	sdelay $0x1  }
0x324: {  	v6 =	vadd.s32 v3, v6;
	_ =	sdelay $0x4  }
0x325: {  	[tilespmem:s28], [sflag:$0x2] =	stream.indirect_vreg.gather [hbm4b:s3+s4], $0x80, v6, vm0, $0xb8;
	[tilespmem:$0x14200] =	vst v63  }
0x326: {  	s21 =	simm.s32 $0x8A00;
	v5 =	vperm.xlane v5, v4  }
0x327: {  	[tilespmem:s21], [sflag:$0x2] =	stream.indirect_vreg.gather [hbm4b:s5+s4], $0x80, v6, vm0, $0xb8;
	[tilespmem:$0x14200] =	vst v63  }
0x328: {  	s15 =	simm.s32 $0x9200;
	v5 =	vadd.s32 v3, v5  }
0x329: {  	[tilespmem:s15], [sflag:$0x2] =	stream.indirect_vreg.gather [hbm4b:s6+s4], $0x80, v6, vm0, $0xb8;
	[tilespmem:$0x14200] =	vst v63  }
0x32a: {  	s16 =	simm.s32 $0x9A00  }
0x32b: {  	[tilespmem:s16], [sflag:$0x2] =	stream.indirect_vreg.gather [hbm4b:s8+s4], $0x80, v6, vm0, $0xb8;
	[tilespmem:$0x14200] =	vst v63  }
0x32c: {  	s16 =	simm.s32 $0xA200  }
0x32d: {  	[tilespmem:s16], [sflag:$0x2] =	stream.indirect_vreg.gather [hbm4b:s3+s4], $0x80, v5, vm0, $0xb8;
	[tilespmem:$0x14200] =	vst v63  }
0x32e: {  	s17 =	simm.s32 $0xAA00  }
0x32f: {  	[tilespmem:s17], [sflag:$0x2] =	stream.indirect_vreg.gather [hbm4b:s5+s4], $0x80, v5, vm0, $0xb8;
	[tilespmem:$0x14200] =	vst v63  }
0x330: {  	s21 =	simm.s32 $0xB200  }
0x331: {  	[tilespmem:s21], [sflag:$0x2] =	stream.indirect_vreg.gather [hbm4b:s6+s4], $0x80, v5, vm0, $0xb8;
	[tilespmem:$0x14200] =	vst v63  }
0x332: {  	s15 =	simm.s32 $0xBA00  }
0x333: {  	[tilespmem:s15], [sflag:$0x2] =	stream.indirect_vreg.gather [hbm4b:s8+s4], $0x80, v5, vm0, $0xb8;
	[tilespmem:$0x14200] =	vst v63  }
0x334: {  	s16 =	rddreg [dreg:$0x14]  }
0x335: {  	[hbm4b:s16+s4] =	stream.linear.scatter [tilespmem:s20], [sflag:$0x6], $0x4000, $0x38;
	[tilespmem:$0x14200] =	vst v63  }
0x336: {  	_ =	swait.ge [sflag:s10], $0x4000  }
0x337: {  	[sflag:s10] =	ssyncset.done $0x0  }
0x338: {  	[sflag:s10] =	ssyncadd.s32 $0xFFFFC000  }
0x339: {  	_ =	swait.ge [sflag:s14], $0x4000  }
0x33a: {  	[sflag:s14] =	ssyncset.done $0x0  }
0x33b: {  	[sflag:s14] =	ssyncadd.s32 $0xFFFFC000  }
0x33c: {  	v5 =	vld [tilespmem:$0x41E0];
	_ =	sdelay $0x4  }
0x33d: {  	v6 =	vshll.u32 v5, $0x3  }
0x33e: {  	v5 =	vand.u32 $0x7, v5;
	v6 =	vand.u32 $0xFFFFFFC0, v6  }
0x33f: {  	v5 =	vor.u32 v5, v6  }
0x340: {  	v6 =	vperm.xlane v5, v2;
	_ =	sdelay $0x1  }
0x341: {  	v6 =	vadd.s32 v3, v6;
	_ =	sdelay $0x4  }
0x342: {  	[tilespmem:s11], [sflag:$0x1] =	stream.indirect_vreg.gather [hbm4b:s3+s4], $0x80, v6, vm0, $0xb8;
	[tilespmem:$0x14200] =	vst v63  }
0x343: {  	s17 =	simm.s32 $0xCA00;
	v5 =	vperm.xlane v5, v4  }
0x344: {  	[tilespmem:s17], [sflag:$0x1] =	stream.indirect_vreg.gather [hbm4b:s5+s4], $0x80, v6, vm0, $0xb8;
	[tilespmem:$0x14200] =	vst v63  }
0x345: {  	v5 =	vadd.s32 v3, v5  }
0x346: {  	[tilespmem:s30], [sflag:$0x1] =	stream.indirect_vreg.gather [hbm4b:s6+s4], $0x80, v6, vm0, $0xb8;
	[tilespmem:$0x14200] =	vst v63  }
0x347: {  	s21 =	simm.s32 $0xDA00  }
0x348: {  	[tilespmem:s21], [sflag:$0x1] =	stream.indirect_vreg.gather [hbm4b:s8+s4], $0x80, v6, vm0, $0xb8;
	[tilespmem:$0x14200] =	vst v63  }
0x349: {  	s30 =	simm.s32 $0xE200  }
0x34a: {  	[tilespmem:s30], [sflag:$0x1] =	stream.indirect_vreg.gather [hbm4b:s3+s4], $0x80, v5, vm0, $0xb8;
	[tilespmem:$0x14200] =	vst v63  }
0x34b: {  	s15 =	simm.s32 $0xEA00  }
0x34c: {  	[tilespmem:s15], [sflag:$0x1] =	stream.indirect_vreg.gather [hbm4b:s5+s4], $0x80, v5, vm0, $0xb8;
	[tilespmem:$0x14200] =	vst v63  }
0x34d: {  	_ = 	snop  }
0x34e: {  	[tilespmem:s29], [sflag:$0x1] =	stream.indirect_vreg.gather [hbm4b:s6+s4], $0x80, v5, vm0, $0xb8;
	[tilespmem:$0x14200] =	vst v63  }
0x34f: {  	s16 =	simm.s32 $0xFA00  }
0x350: {  	[tilespmem:s16], [sflag:$0x1] =	stream.indirect_vreg.gather [hbm4b:s8+s4], $0x80, v5, vm0, $0xb8;
	[tilespmem:$0x14200] =	vst v63  }
0x351: {  	s17 =	rddreg [dreg:$0x18]  }
0x352: {  	[hbm4b:s17+s4] =	stream.linear.scatter [tilespmem:s18], [sflag:$0x3], $0x4000, $0x38;
	[tilespmem:$0x14200] =	vst v63  }
0x353: {  	_ =	swait.ge [sflag:s19], $0x4000  }
0x354: {  	[sflag:s19] =	ssyncset.done $0x0  }
0x355: {  	[sflag:s19] =	ssyncadd.s32 $0xFFFFC000  }
0x356: {  	_ =	swait.ge [sflag:s31], $0x4000  }
0x357: {  	[sflag:s31] =	ssyncset.done $0x0  }
0x358: {  	[sflag:s31] =	ssyncadd.s32 $0xFFFFC000  }
0x359: {  	v5 =	vld [tilespmem:$0x41F0];
	_ =	sdelay $0x4  }
0x35a: {  	v6 =	vshll.u32 v5, $0x3  }
0x35b: {  	v5 =	vand.u32 $0x7, v5;
	v6 =	vand.u32 $0xFFFFFFC0, v6  }
0x35c: {  	v5 =	vor.u32 v5, v6  }
0x35d: {  	v6 =	vperm.xlane v5, v2;
	_ =	sdelay $0x1  }
0x35e: {  	v6 =	vadd.s32 v3, v6;
	_ =	sdelay $0x4  }
0x35f: {  	[tilespmem:s20], [sflag:$0x2] =	stream.indirect_vreg.gather [hbm4b:s3+s4], $0x80, v6, vm0, $0xb8;
	[tilespmem:$0x14200] =	vst v63  }
0x360: {  	s21 =	simm.s32 $0x10A00;
	v5 =	vperm.xlane v5, v4  }
0x361: {  	[tilespmem:s21], [sflag:$0x2] =	stream.indirect_vreg.gather [hbm4b:s5+s4], $0x80, v6, vm0, $0xb8;
	[tilespmem:$0x14200] =	vst v63  }
0x362: {  	s22 =	simm.s32 $0x11200;
	v5 =	vadd.s32 v3, v5  }
0x363: {  	[tilespmem:s22], [sflag:$0x2] =	stream.indirect_vreg.gather [hbm4b:s6+s4], $0x80, v6, vm0, $0xb8;
	[tilespmem:$0x14200] =	vst v63  }
0x364: {  	s23 =	simm.s32 $0x11A00  }
0x365: {  	[tilespmem:s23], [sflag:$0x2] =	stream.indirect_vreg.gather [hbm4b:s8+s4], $0x80, v6, vm0, $0xb8;
	[tilespmem:$0x14200] =	vst v63  }
0x366: {  	s25 =	simm.s32 $0x12200  }
0x367: {  	[tilespmem:s25], [sflag:$0x2] =	stream.indirect_vreg.gather [hbm4b:s3+s4], $0x80, v5, vm0, $0xb8;
	[tilespmem:$0x14200] =	vst v63  }
0x368: {  	s26 =	simm.s32 $0x12A00  }
0x369: {  	[tilespmem:s26], [sflag:$0x2] =	stream.indirect_vreg.gather [hbm4b:s5+s4], $0x80, v5, vm0, $0xb8;
	[tilespmem:$0x14200] =	vst v63  }
0x36a: {  	s23 =	simm.s32 $0x13200  }
0x36b: {  	[tilespmem:s23], [sflag:$0x2] =	stream.indirect_vreg.gather [hbm4b:s6+s4], $0x80, v5, vm0, $0xb8;
	[tilespmem:$0x14200] =	vst v63  }
0x36c: {  	s25 =	simm.s32 $0x13A00  }
0x36d: {  	[tilespmem:s25], [sflag:$0x2] =	stream.indirect_vreg.gather [hbm4b:s8+s4], $0x80, v5, vm0, $0xb8;
	[tilespmem:$0x14200] =	vst v63  }
0x36e: {  	s26 =	rddreg [dreg:$0x1c]  }
0x36f: {  	[hbm4b:s26+s4] =	stream.linear.scatter [tilespmem:s28], [sflag:$0x4], $0x4000, $0x38;
	[tilespmem:$0x14200] =	vst v63  }
0x370: {  	_ =	swait.ge [sflag:s10], $0x4000  }
0x371: {  	s29 =	sld [smem:$0x7F9]  }
0x372: {  	[sflag:s10] =	ssyncset.done $0x0  }
0x373: {  	[sflag:s10] =	ssyncadd.s32 $0xFFFFC000  }
0x374: {  	[hbm4b:s29+s4] =	stream.linear.scatter [tilespmem:s11], [sflag:$0x5], $0x4000, $0x38;
	[tilespmem:$0x14200] =	vst v63  }
0x375: {  	_ =	swait.ge [sflag:s19], $0x4000  }
0x376: {  	s30 =	sld [smem:$0x7FD]  }
0x377: {  	[sflag:s19] =	ssyncset.done $0x0  }
0x378: {  	[sflag:s19] =	ssyncadd.s32 $0xFFFFC000  }
0x379: {  	[hbm4b:s30+s4] =	stream.linear.scatter [tilespmem:s20], [sflag:$0x6], $0x4000, $0x38;
	[tilespmem:$0x14200] =	vst v63  }
.LBB2_13:
0x37a: {  	_ =	swait.ge [sflag:s12], $0x4000  }
0x37b: {  	[sflag:s12] =	ssyncset.done $0x0  }
0x37c: {  	[sflag:s12] =	ssyncadd.s32 $0xFFFFC000  }
0x37d: {  	_ =	swait.ge [sflag:s13], $0x4000  }
0x37e: {  	[sflag:s13] =	ssyncset.done $0x0  }
0x37f: {  	[sflag:s13] =	ssyncadd.s32 $0xFFFFC000  }
0x380: {  	_ =	swait.ge [sflag:s14], $0x4000  }
0x381: {  	[sflag:s14] =	ssyncset.done $0x0  }
0x382: {  	[sflag:s14] =	ssyncadd.s32 $0xFFFFC000  }
0x383: {  	_ =	swait.ge [sflag:s31], $0x4000  }
0x384: {  	s9 =	sadd.s32 $0x1, s9;
	s7 =	rddreg [dreg:$0x13]  }
0x385: {  	p1 =	sne.s32 s9, s7  }
.Ltmp1:
0x386: {  	_ = 	snop;
	(pc) =	sbr.rel @!p1 .LBB2_14-.Ltmp1, $3  }
0x387: {  	_ =	sdelay $0x1  }
0x388: {  	[sflag:s31] =	ssyncset.done $0x0  }
0x389: {  	s26 =	simm.s32 $0x4200;
	[sflag:s31] =	ssyncadd.s32 $0xFFFFC000  }
.LBB2_1:
.Ltmp2:
0x38a: {  	s7 =	rddreg [dreg:$0x0];
	s30 =	simm.s32 $0x7;
	(pc) =	sbr.rel @p0 .LBB2_8-.Ltmp2, $4  }
0x38b: {  	[tilespmem:s4], [sflag:$0x7] =	stream.linear.gather [hbm4b:s7+s4], $0x4000, $0x38;
	[tilespmem:$0x14200] =	vst v63  }
0x38c: {  	_ =	swait.ge [sflag:s30], $0x4000  }
0x38d: {  	v8 =	vimm.s32 $0x0;
	[sflag:s30] =	ssyncset.done $0x0  }
0x38e: {  	v6 =	vimm.s32 $0x0;
	v5 =	vimm.s32 $0x0;
	v7 =	vimm.s32 $0x0;
	[sflag:s30] =	ssyncadd.s32 $0xFFFFC000  }
0x38f: {  	p2 =	sne.s32 s24, $0x10  }
.Ltmp3:
0x390: {  	_ = 	snop;
	(pc) =	sbr.rel @!p2 .LBB2_3-.Ltmp3, $4  }
0x391: {  	_ = 	snop  }
0x392: {  	s7 =	sand.u32 $0x70, s4;
	s12 =	sand.u32 $0xFFFFFE00, s4  }
0x393: {  	s7 =	sor.u32 s7, s12  }
0x394: {  	s13 =	simm.s32 $0x10;
	p1 =	por $0x0, $0x0;
	v5 =	vld [tilespmem:s7+$0x100]  }
0x395: {  	v8 =	vld [tilespmem:s7+$0x80];
	p2 =	sne.s32 s24, $0x20  }
.Ltmp4:
0x396: {  	_ = 	snop;
	(pc) =	sbr.rel @!p2 .LBB2_5-.Ltmp4, $4  }
0x397: {  	v6 =	vld [tilespmem:s7+$0x180];
	s12 =	simm.s32 $0x40  }
0x398: {  	v7 =	vld [tilespmem:s7+$0x0];
	s29 =	sand.u32 $0x70, s13;
	v9 =	vimm.s32 $0x0;
	s30 =	sand.u32 $0xFFFFFE00, s12  }
0x399: {  	v10 =	vimm.s32 $0x0;
	v11 =	vimm.s32 $0x0;
	s7 =	sor.u32 s29, s30;
	vm2 =	vne.s32 v5, $0x0  }
0x39a: {  	s13 =	simm.s32 $0x20;
	p1 =	por $0x1, $0x1;
	v5 =	vld [tilespmem:s7+$0x100];
	vm1 =	vne.s32 v8, $0x0;
	v12 =	vsel vm2, $0x1, v1;
	v8 =	vimm.s32 $0x0  }
.LBB2_6:
0x39b: {  	s14 =	smov.u32 s13;
	s13 =	sadd.s32 $0x10, s13  }
0x39c: {  	v13 =	vld [tilespmem:s7+$0x80];
	v14 =	vsel vm1, $0x1, v1;
	v8 =	vadd.s32 v12, v8;
	p2 =	sne.s32 s24, s13  }
.Ltmp5:
0x39d: {  	vm2 =	vne.s32 v6, $0x0;
	vm1 =	vne.s32 v7, $0x0;
	v9 =	vadd.s32 v14, v9;
	v6 =	vld [tilespmem:s7+$0x180];
	(pc) =	sbr.rel @p2 .LBB2_6-.Ltmp5, $4  }
0x39e: {  	s12 =	sadd.s32 $0x40, s12;
	v14 =	vsel vm2, $0x1, v1;
	v7 =	vld [tilespmem:s7+$0x0];
	v12 =	vsel vm1, $0x1, v1  }
0x39f: {  	s7 =	sand.u32 $0x70, s14;
	s14 =	sand.u32 $0xFFFFFE00, s12;
	v11 =	vadd.s32 v14, v11;
	v10 =	vadd.s32 v12, v10  }
0x3a0: {  	s7 =	sor.u32 s7, s14;
	vm2 =	vne.s32 v5, $0x0  }
0x3a1: {  	v5 =	vld [tilespmem:s7+$0x100];
	vm1 =	vne.s32 v13, $0x0;
	v12 =	vsel vm2, $0x1, v1  }
.LBB2_7:
0x3a2: {  	v13 =	vld [tilespmem:s7+$0x80]  }
0x3a3: {  	v8 =	vadd.s32 @p1 v12, v8;
	v63 =	vld [tilespmem:s7+$0x180]  }
0x3a4: {  	v14 =	vsel @p1 vm1, $0x1, v1;
	vm2 =	vne.s32 @p1 v6, $0x0;
	v6 =	vld [tilespmem:s7+$0x0];
	vm1 =	vne.s32 @p1 v7, $0x0  }
0x3a5: {  	v7 =	vadd.s32 @p1 v14, v9;
	v14 =	vsel @p1 vm2, $0x1, v1;
	v9 =	vsel @p1 vm1, $0x1, v1  }
0x3a6: {  	v8 =	vpsel p1, v8, v1;
	v7 =	vpsel p1, v7, v1;
	v9 =	vadd.s32 @p1 v9, v10  }
0x3a7: {  	v10 =	vadd.s32 @p1 v14, v11;
	vm1 =	vne.s32 v5, $0x0;
	v9 =	vpsel p1, v9, v1  }
0x3a8: {  	v10 =	vpsel p1, v10, v1;
	vm2 =	vne.s32 v13, $0x0;
	v5 =	vsel vm1, $0x1, v1  }
0x3a9: {  	vm1 =	vne.s32 v6, $0x0;
	v11 =	vsel vm2, $0x1, v1;
	vm2 =	vne.s32 v63, $0x0  }
0x3aa: {  	v5 =	vadd.s32 v5, v8;
	v8 =	vsel vm1, $0x1, v1;
	v12 =	vsel vm2, $0x1, v1  }
0x3ab: {  	v6 =	vadd.s32 v11, v7;
	v8 =	vadd.s32 v8, v9;
	v7 =	vadd.s32 v12, v10  }
.LBB2_8:
0x3ac: {  	(xrf0) =	vadd.scan.msk.s32 $0xffff, v8;
	_ =	sdelay $0x5  }
0x3ad: {  	v8, _, _ =	vpop (xrf0)  }
0x3ae: {  	(v2sf) =	vpush v8, $0xF  }
0x3af: {  	s15 =	simm.s32 $0x0  }
0x3b0: {  	v60 =	vld.idx.msk [tilespmem:v0+s15+$0xFFFFFF00 ss:$0x1], $0xffff;
	_ =	sdelay $0x3  }
0x3b1: {  	(xrf0) =	vadd.scan.msk.s32 $0xffff, v6  }
0x3b2: {  	vm1 =	vne.s32 v60, $0x0;
	(xrf0) =	vadd.scan.msk.s32 $0xffff, v5  }
0x3b3: {  	v5 =	vsel vm1, $0x1, v1;
	(xrf0) =	vadd.scan.msk.s32 $0xffff, v7  }
0x3b4: {  	(xrf0) =	vadd.scan.msk.s32 $0xffff, v5;
	_ =	sdelay $0x2  }
0x3b5: {  	v5, _, _ =	vpop (xrf0)  }
0x3b6: {  	v6, _, _ =	vpop (xrf0)  }
0x3b7: {  	v7, _, _ =	vpop (xrf0)  }
0x3b8: {  	v61, _, _ =	vpop (xrf0);
	s12 =	spop (v2sf)  }
0x3b9: {  	v9 =	vadd.s32 s12, v61  }
0x3ba: {  	(v2sf) =	vpush v5, $0xF;
	v5 =	vnsel vm1, $0x0, v9  }
0x3bb: {  	[tilespmem:s15+$0x4000] =	vst v5  }
0x3bc: {  	v5 =	vld.idx.msk [tilespmem:v0+s15+$0xFFFFFF80 ss:$0x1], $0xffff;
	_ =	sdelay $0x4  }
0x3bd: {  	vm2 =	vne.s32 v5, $0x0  }
0x3be: {  	v5 =	vsel vm2, $0x1, v1  }
0x3bf: {  	(xrf0) =	vadd.scan.msk.s32 $0xffff, v5;
	_ =	sdelay $0x5  }
0x3c0: {  	s13 =	spop (v2sf);
	v5, _, _ =	vpop (xrf0)  }
0x3c1: {  	v62 =	vadd.s32 s13, v5  }
0x3c2: {  	(v2sf) =	vpush v6, $0xF;
	v6 =	vnsel vm2, $0x0, v62  }
0x3c3: {  	[tilespmem:s15+$0x4080] =	vst v6  }
0x3c4: {  	v6 =	vld.idx.msk [tilespmem:v0+s15+$0x0 ss:$0x1], $0xffff;
	_ =	sdelay $0x4  }
0x3c5: {  	vm3 =	vne.s32 v6, $0x0  }
0x3c6: {  	v6 =	vsel vm3, $0x1, v1  }
0x3c7: {  	(xrf0) =	vadd.scan.msk.s32 $0xffff, v6;
	_ =	sdelay $0x5  }
0x3c8: {  	s14 =	spop (v2sf);
	v6, _, _ =	vpop (xrf0)  }
0x3c9: {  	(v2sf) =	vpush v7, $0xF;
	v7 =	vadd.s32 s14, v6  }
0x3ca: {  	(v2sf) =	vpush v61, $0xF;
	v7 =	vnsel vm3, $0x0, v7  }
0x3cb: {  	(v2sf) =	vpush v5, $0xF;
	[tilespmem:s15+$0x4100] =	vst v7  }
0x3cc: {  	(v2sf) =	vpush v6, $0xF;
	v5 =	vld.idx.msk [tilespmem:v0+s15+$0x80 ss:$0x1], $0xffff;
	_ =	sdelay $0x4  }
0x3cd: {  	vm4 =	vne.s32 v5, $0x0  }
0x3ce: {  	v5 =	vsel vm4, $0x1, v1  }
0x3cf: {  	(xrf0) =	vadd.scan.msk.s32 $0xffff, v5;
	_ =	sdelay $0x2  }
0x3d0: {  	v6 =	vimm.s32 $0x0  }
0x3d1: {  	vm2 =	vmxor vm2, vm1  }
0x3d2: {  	s17 =	spop (v2sf);
	v5 =	vsel vm2, $0x1, v1  }
0x3d3: {  	s7 =	spop (v2sf);
	vm2 =	vmxor vm3, vm1;
	vm1 =	vmxor vm4, vm1;
	v5 =	vadd.s32 v6, v5;
	v6, _, _ =	vpop (xrf0)  }
0x3d4: {  	s23 =	simm.s32 $0x80;
	s16 =	spop (v2sf);
	v7 =	vsel vm2, $0x1, v1;
	v63 =	vadd.s32 s17, v6;
	(v2sf) =	vpush v6, $0xF  }
0x3d5: {  	s22 =	sadd.s32 s12, s7;
	s21 =	sadd.s32 s13, s16;
	v5 =	vadd.s32 v7, v5;
	v7 =	vsel vm1, $0x1, v1;
	s30 =	spop (v2sf);
	v8 =	vnsel vm4, $0x0, v63  }
0x3d6: {  	s16 =	simm.s32 $0x10;
	v5 =	vadd.s32 v7, v5;
	s7 =	sadd.s32 s14, s30;
	[tilespmem:s15+$0x4180] =	vst v8;
	s15 =	smov.u32 s17  }
.LBB2_9:
0x3d7: {  	p1 =	sne.s32 s23, $0x1C0;
	v6 =	vld.idx.msk [tilespmem:v0+s16+$0xFFFFFF00 ss:$0x1], $0xffff;
	_ =	sdelay $0x5  }
0x3d8: {  	vm1 =	vne.s32 v6, $0x0  }
0x3d9: {  	v6 =	vsel vm1, $0x1, v1  }
0x3da: {  	(xrf0) =	vadd.scan.msk.s32 $0xffff, v6;
	_ =	sdelay $0x3  }
0x3db: {  	s25 =	spop (v2sf)  }
0x3dc: {  	s15 =	sadd.s32 s15, s25  }
0x3dd: {  	v6, _, _ =	vpop (xrf0)  }
0x3de: {  	v7 =	vadd.s32 s22, v6;
	(v2sf) =	vpush v6, $0xF  }
0x3df: {  	v6 =	vnsel vm1, $0x0, v7  }
0x3e0: {  	[tilespmem:s16+$0x4000] =	vst v6  }
0x3e1: {  	v6 =	vld.idx.msk [tilespmem:v0+s16+$0xFFFFFF80 ss:$0x1], $0xffff;
	_ =	sdelay $0x5  }
0x3e2: {  	vm2 =	vne.s32 v6, $0x0  }
0x3e3: {  	v6 =	vsel vm2, $0x1, v1;
	vm3 =	vmxor vm2, vm1  }
0x3e4: {  	v7 =	vsel vm3, $0x1, v1;
	(xrf0) =	vadd.scan.msk.s32 $0xffff, v6  }
0x3e5: {  	v5 =	vadd.s32 v5, v7;
	_ =	sdelay $0x2  }
0x3e6: {  	s25 =	spop (v2sf)  }
0x3e7: {  	s22 =	sadd.s32 s22, s25  }
0x3e8: {  	v6, _, _ =	vpop (xrf0)  }
0x3e9: {  	v7 =	vadd.s32 s21, v6;
	(v2sf) =	vpush v6, $0xF  }
0x3ea: {  	v6 =	vnsel vm2, $0x0, v7  }
0x3eb: {  	[tilespmem:s16+$0x4080] =	vst v6  }
0x3ec: {  	v6 =	vld.idx.msk [tilespmem:v0+s16+$0x0 ss:$0x1], $0xffff;
	_ =	sdelay $0x5  }
0x3ed: {  	vm2 =	vne.s32 v6, $0x0  }
0x3ee: {  	v6 =	vsel vm2, $0x1, v1;
	vm3 =	vmxor vm2, vm1  }
0x3ef: {  	v7 =	vsel vm3, $0x1, v1;
	(xrf0) =	vadd.scan.msk.s32 $0xffff, v6  }
0x3f0: {  	v5 =	vadd.s32 v7, v5;
	_ =	sdelay $0x2  }
0x3f1: {  	s25 =	spop (v2sf)  }
0x3f2: {  	s21 =	sadd.s32 s21, s25  }
0x3f3: {  	v6, _, _ =	vpop (xrf0)  }
0x3f4: {  	v7 =	vadd.s32 s7, v6;
	(v2sf) =	vpush v6, $0xF  }
0x3f5: {  	v6 =	vnsel vm2, $0x0, v7  }
0x3f6: {  	[tilespmem:s16+$0x4100] =	vst v6  }
0x3f7: {  	v6 =	vld.idx.msk [tilespmem:v0+s16+$0x80 ss:$0x1], $0xffff;
	_ =	sdelay $0x5  }
0x3f8: {  	vm2 =	vne.s32 v6, $0x0  }
0x3f9: {  	v6 =	vsel vm2, $0x1, v1;
	vm1 =	vmxor vm2, vm1  }
0x3fa: {  	v7 =	vsel vm1, $0x1, v1;
	(xrf0) =	vadd.scan.msk.s32 $0xffff, v6  }
0x3fb: {  	v5 =	vadd.s32 v7, v5;
	_ =	sdelay $0x2  }
0x3fc: {  	s25 =	spop (v2sf)  }
.Ltmp6:
0x3fd: {  	s7 =	sadd.s32 s7, s25;
	(pc) =	sbr.rel @p1 .LBB2_9-.Ltmp6, $4  }
0x3fe: {  	v6, _, _ =	vpop (xrf0)  }
0x3ff: {  	v7 =	vadd.s32 s15, v6;
	(v2sf) =	vpush v6, $0xF  }
0x400: {  	v6 =	vnsel vm2, $0x0, v7  }
0x401: {  	[tilespmem:s16+$0x4180] =	vst v6;
	s16 =	sshra.s32 s23, $0x2;
	s23 =	sadd.s32 $0x40, s23  }
0x402: {  	_ =	sdelay $0x3  }
0x403: {  	v6 =	vld.idx.msk [tilespmem:v0+s16+$0xFFFFFF00 ss:$0x1], $0xffff;
	_ =	sdelay $0x4  }
0x404: {  	vm1 =	vne.s32 v6, $0x0  }
0x405: {  	v6 =	vsel vm1, $0x1, v1  }
0x406: {  	(xrf0) =	vadd.scan.msk.s32 $0xffff, v6;
	_ =	sdelay $0x5  }
0x407: {  	v6, _, _ =	vpop (xrf0)  }
0x408: {  	v7 =	vadd.s32 s22, v6  }
0x409: {  	v7 =	vnsel vm1, $0x0, v7  }
0x40a: {  	[tilespmem:s16+$0x4000] =	vst v7  }
0x40b: {  	v7 =	vld.idx.msk [tilespmem:v0+s16+$0xFFFFFF80 ss:$0x1], $0xffff;
	_ =	sdelay $0x4  }
0x40c: {  	vm2 =	vne.s32 v7, $0x0  }
0x40d: {  	v7 =	vsel vm2, $0x1, v1  }
0x40e: {  	(xrf0) =	vadd.scan.msk.s32 $0xffff, v7;
	_ =	sdelay $0x5  }
0x40f: {  	v7, _, _ =	vpop (xrf0)  }
0x410: {  	v8 =	vadd.s32 s21, v7  }
0x411: {  	v8 =	vnsel vm2, $0x0, v8  }
0x412: {  	[tilespmem:s16+$0x4080] =	vst v8  }
0x413: {  	v8 =	vld.idx.msk [tilespmem:v0+s16+$0x0 ss:$0x1], $0xffff;
	_ =	sdelay $0x4  }
0x414: {  	vm3 =	vne.s32 v8, $0x0  }
0x415: {  	v8 =	vsel vm3, $0x1, v1  }
0x416: {  	(xrf0) =	vadd.scan.msk.s32 $0xffff, v8;
	_ =	sdelay $0x5  }
0x417: {  	v8, _, _ =	vpop (xrf0)  }
0x418: {  	v9 =	vadd.s32 s7, v8  }
0x419: {  	v9 =	vnsel vm3, $0x0, v9  }
0x41a: {  	[tilespmem:s16+$0x4100] =	vst v9  }
0x41b: {  	v9 =	vld.idx.msk [tilespmem:v0+s16+$0x80 ss:$0x1], $0xffff;
	_ =	sdelay $0x4  }
0x41c: {  	vm4 =	vne.s32 v9, $0x0  }
0x41d: {  	v9 =	vsel vm4, $0x1, v1  }
0x41e: {  	(xrf0) =	vadd.scan.msk.s32 $0xffff, v9;
	_ =	sdelay $0x4  }
0x41f: {  	s25 =	spop (v2sf)  }
0x420: {  	s7 =	sadd.s32 s15, s25;
	v9, _, _ =	vpop (xrf0)  }
0x421: {  	v10 =	vadd.s32 s7, v9  }
0x422: {  	v10 =	vnsel vm4, $0x0, v10  }
0x423: {  	[tilespmem:s16+$0x4180] =	vst v10  }
0x424: {  	v10 =	vld [tilespmem:$0x4000];
	_ =	sdelay $0x4  }
0x425: {  	v11 =	vshll.u32 v10, $0x3  }
0x426: {  	v10 =	vand.u32 $0x7, v10;
	v11 =	vand.u32 $0xFFFFFFC0, v11  }
0x427: {  	v10 =	vor.u32 v10, v11  }
0x428: {  	v11 =	vperm.xlane v10, v2;
	_ =	sdelay $0x1  }
0x429: {  	v11 =	vadd.s32 v3, v11;
	_ =	sdelay $0x4  }
0x42a: {  	[tilespmem:s26], [sflag:$0x1] =	stream.indirect_vreg.gather [hbm4b:s3+s4], $0x80, v11, vm0, $0xb8;
	[tilespmem:$0x14200] =	vst v63  }
0x42b: {  	s16 =	simm.s32 $0x4A00;
	v10 =	vperm.xlane v10, v4  }
0x42c: {  	[tilespmem:s16], [sflag:$0x1] =	stream.indirect_vreg.gather [hbm4b:s5+s4], $0x80, v11, vm0, $0xb8;
	[tilespmem:$0x14200] =	vst v63  }
0x42d: {  	s18 =	simm.s32 $0x5200;
	v10 =	vadd.s32 v3, v10  }
0x42e: {  	[tilespmem:s18], [sflag:$0x1] =	stream.indirect_vreg.gather [hbm4b:s6+s4], $0x80, v11, vm0, $0xb8;
	[tilespmem:$0x14200] =	vst v63  }
0x42f: {  	s20 =	simm.s32 $0x5A00  }
0x430: {  	[tilespmem:s20], [sflag:$0x1] =	stream.indirect_vreg.gather [hbm4b:s8+s4], $0x80, v11, vm0, $0xb8;
	[tilespmem:$0x14200] =	vst v63  }
0x431: {  	s21 =	simm.s32 $0x6200  }
0x432: {  	[tilespmem:s21], [sflag:$0x1] =	stream.indirect_vreg.gather [hbm4b:s3+s4], $0x80, v10, vm0, $0xb8;
	[tilespmem:$0x14200] =	vst v63  }
0x433: {  	s22 =	simm.s32 $0x6A00  }
0x434: {  	[tilespmem:s22], [sflag:$0x1] =	stream.indirect_vreg.gather [hbm4b:s5+s4], $0x80, v10, vm0, $0xb8;
	[tilespmem:$0x14200] =	vst v63  }
0x435: {  	s23 =	simm.s32 $0x7200  }
0x436: {  	[tilespmem:s23], [sflag:$0x1] =	stream.indirect_vreg.gather [hbm4b:s6+s4], $0x80, v10, vm0, $0xb8;
	[tilespmem:$0x14200] =	vst v63  }
0x437: {  	s25 =	simm.s32 $0x7A00  }
0x438: {  	[tilespmem:s25], [sflag:$0x1] =	stream.indirect_vreg.gather [hbm4b:s8+s4], $0x80, v10, vm0, $0xb8;
	[tilespmem:$0x14200] =	vst v63  }
0x439: {  	v10 =	vld [tilespmem:$0x4010]  }
0x43a: {  	vm2 =	vmxor vm2, vm1  }
0x43b: {  	v61 =	vsel vm2, $0x1, v1;
	vm2 =	vmxor vm3, vm1  }
0x43c: {  	v5 =	vadd.s32 v5, v61;
	v62 =	vsel vm2, $0x1, v1;
	vm1 =	vmxor vm4, vm1  }
0x43d: {  	v5 =	vadd.s32 v62, v5;
	v63 =	vsel vm1, $0x1, v1  }
0x43e: {  	(v2sf) =	vpush v6, $0xF;
	v5 =	vadd.s32 v63, v5;
	v6 =	vshll.u32 v10, $0x3  }
0x43f: {  	(xrf0) =	vadd.scan.msk.s32 $0xffff, v5;
	v5 =	vand.u32 $0x7, v10;
	v6 =	vand.u32 $0xFFFFFFC0, v6  }
0x440: {  	(v2sf) =	vpush v7, $0xF;
	v5 =	vor.u32 v5, v6  }
0x441: {  	v6 =	vperm.xlane v5, v2  }
0x442: {  	(v2sf) =	vpush v8, $0xF  }
0x443: {  	v6 =	vadd.s32 v3, v6  }
0x444: {  	(v2sf) =	vpush v9, $0xF  }
0x445: {  	v7, _, _ =	vpop (xrf0)  }
0x446: {  	(v2sf) =	vpush v7, $0xF;
	_ =	sdelay $0x1  }
0x447: {  	[tilespmem:s28], [sflag:$0x2] =	stream.indirect_vreg.gather [hbm4b:s3+s4], $0x80, v6, vm0, $0xb8;
	[tilespmem:$0x14200] =	vst v63  }
0x448: {  	s16 =	simm.s32 $0x8A00;
	v5 =	vperm.xlane v5, v4  }
0x449: {  	[tilespmem:s16], [sflag:$0x2] =	stream.indirect_vreg.gather [hbm4b:s5+s4], $0x80, v6, vm0, $0xb8;
	[tilespmem:$0x14200] =	vst v63  }
0x44a: {  	s18 =	simm.s32 $0x9200;
	v5 =	vadd.s32 v3, v5  }
0x44b: {  	[tilespmem:s18], [sflag:$0x2] =	stream.indirect_vreg.gather [hbm4b:s6+s4], $0x80, v6, vm0, $0xb8;
	[tilespmem:$0x14200] =	vst v63  }
0x44c: {  	s7 =	simm.s32 $0x9A00;
	s20 =	spop (v2sf)  }
0x44d: {  	[tilespmem:s7], [sflag:$0x2] =	stream.indirect_vreg.gather [hbm4b:s8+s4], $0x80, v6, vm0, $0xb8;
	[tilespmem:$0x14200] =	vst v63  }
0x44e: {  	s21 =	spop (v2sf);
	s7 =	simm.s32 $0xA200  }
0x44f: {  	[tilespmem:s7], [sflag:$0x2] =	stream.indirect_vreg.gather [hbm4b:s3+s4], $0x80, v5, vm0, $0xb8;
	[tilespmem:$0x14200] =	vst v63  }
0x450: {  	s22 =	spop (v2sf);
	s7 =	simm.s32 $0xAA00  }
0x451: {  	[tilespmem:s7], [sflag:$0x2] =	stream.indirect_vreg.gather [hbm4b:s5+s4], $0x80, v5, vm0, $0xb8;
	[tilespmem:$0x14200] =	vst v63  }
0x452: {  	s23 =	spop (v2sf);
	s7 =	simm.s32 $0xB200  }
0x453: {  	[tilespmem:s7], [sflag:$0x2] =	stream.indirect_vreg.gather [hbm4b:s6+s4], $0x80, v5, vm0, $0xb8;
	[tilespmem:$0x14200] =	vst v63  }
0x454: {  	s18 =	simm.s32 $0xBA00;
	s7 =	spop (v2sf)  }
0x455: {  	[tilespmem:s18], [sflag:$0x2] =	stream.indirect_vreg.gather [hbm4b:s8+s4], $0x80, v5, vm0, $0xb8;
	[tilespmem:$0x14200] =	vst v63  }
0x456: {  	_ =	swait.ge [sflag:s10], $0x4000  }
0x457: {  	[sflag:s10] =	ssyncset.done $0x0  }
0x458: {  	[sflag:s10] =	ssyncadd.s32 $0xFFFFC000  }
0x459: {  	v5 =	vld [tilespmem:$0x4020];
	_ =	sdelay $0x4  }
0x45a: {  	v6 =	vshll.u32 v5, $0x3  }
0x45b: {  	v5 =	vand.u32 $0x7, v5;
	v6 =	vand.u32 $0xFFFFFFC0, v6  }
0x45c: {  	v5 =	vor.u32 v5, v6  }
0x45d: {  	v6 =	vperm.xlane v5, v2;
	_ =	sdelay $0x1  }
0x45e: {  	v6 =	vadd.s32 v3, v6;
	_ =	sdelay $0x3  }
0x45f: {  	p1 =	sne.s32 s13, s12  }
0x460: {  	[tilespmem:s11], [sflag:$0x1] =	stream.indirect_vreg.gather [hbm4b:s3+s4], $0x80, v6, vm0, $0xb8;
	[tilespmem:$0x14200] =	vst v63  }
0x461: {  	p2 =	sne.s32 @!p1 s14, s12;
	s25 =	simm.s32 $0xCA00;
	v5 =	vperm.xlane v5, v4  }
0x462: {  	[tilespmem:s25], [sflag:$0x1] =	stream.indirect_vreg.gather [hbm4b:s5+s4], $0x80, v6, vm0, $0xb8;
	[tilespmem:$0x14200] =	vst v63  }
0x463: {  	s30 =	simm.s32 $0xD200;
	p1 =	por p1, p2;
	v5 =	vadd.s32 v3, v5  }
0x464: {  	[tilespmem:s30], [sflag:$0x1] =	stream.indirect_vreg.gather [hbm4b:s6+s4], $0x80, v6, vm0, $0xb8;
	[tilespmem:$0x14200] =	vst v63  }
0x465: {  	p2 =	sne.s32 @!p1 s17, s12;
	s20 =	simm.s32 $0xDA00  }
0x466: {  	[tilespmem:s20], [sflag:$0x1] =	stream.indirect_vreg.gather [hbm4b:s8+s4], $0x80, v6, vm0, $0xb8;
	[tilespmem:$0x14200] =	vst v63  }
0x467: {  	p1 =	por p1, p2;
	s23 =	simm.s32 $0xE200  }
0x468: {  	[tilespmem:s23], [sflag:$0x1] =	stream.indirect_vreg.gather [hbm4b:s3+s4], $0x80, v5, vm0, $0xb8;
	[tilespmem:$0x14200] =	vst v63  }
0x469: {  	s13 =	simm.s32 $0xEA00;
	p2 =	sne.s32 @!p1 s7, $0x0  }
0x46a: {  	[tilespmem:s13], [sflag:$0x1] =	stream.indirect_vreg.gather [hbm4b:s5+s4], $0x80, v5, vm0, $0xb8;
	[tilespmem:$0x14200] =	vst v63  }
0x46b: {  	s29 =	simm.s32 $0xF200;
	p1 =	por p1, p2  }
0x46c: {  	[tilespmem:s29], [sflag:$0x1] =	stream.indirect_vreg.gather [hbm4b:s6+s4], $0x80, v5, vm0, $0xb8;
	[tilespmem:$0x14200] =	vst v63  }
.Ltmp7:
0x46d: {  	_ = 	snop;
	(pc) =	sbr.rel @p1 .LBB2_12-.Ltmp7, $4  }
0x46e: {  	s12 =	simm.s32 $0xFA00;
	s15 =	simm.s32 $0x7A00;
	s21 =	simm.s32 $0xB200  }
0x46f: {  	[tilespmem:s12], [sflag:$0x1] =	stream.indirect_vreg.gather [hbm4b:s8+s4], $0x80, v5, vm0, $0xb8;
	[tilespmem:$0x14200] =	vst v63  }
0x470: {  	s22 =	simm.s32 $0xBA00;
	s16 =	simm.s32 $0xAA00;
	s25 =	rddreg [dreg:$0x4]  }
0x471: {  	[hbm4b:s25+s4] =	stream.linear.scatter [tilespmem:s26], [sflag:$0x3], $0x4000, $0x38;
	[tilespmem:$0x14200] =	vst v63  }
0x472: {  	s7 =	rddreg [dreg:$0x5]  }
0x473: {  	[hbm4b:s7+s4] =	stream.linear.scatter [tilespmem:s26], [sflag:$0x3], $0x4000, $0x38;
	[tilespmem:$0x14200] =	vst v63  }
0x474: {  	s11 =	rddreg [dreg:$0x6]  }
0x475: {  	[hbm4b:s11+s4] =	stream.linear.scatter [tilespmem:s26], [sflag:$0x3], $0x4000, $0x38;
	[tilespmem:$0x14200] =	vst v63  }
0x476: {  	s14 =	rddreg [dreg:$0x7]  }
0x477: {  	[hbm4b:s14+s4] =	stream.linear.scatter [tilespmem:s26], [sflag:$0x3], $0x4000, $0x38;
	[tilespmem:$0x14200] =	vst v63  }
0x478: {  	_ =	swait.ge [sflag:s19], $0x4000  }
0x479: {  	[sflag:s19] =	ssyncset.done $0x0  }
0x47a: {  	[sflag:s19] =	ssyncadd.s32 $0xFFFFC000  }
0x47b: {  	v5 =	vld [tilespmem:$0x4030];
	_ =	sdelay $0x4  }
0x47c: {  	v6 =	vshll.u32 v5, $0x3  }
0x47d: {  	v5 =	vand.u32 $0x7, v5;
	v6 =	vand.u32 $0xFFFFFFC0, v6  }
0x47e: {  	v5 =	vor.u32 v5, v6  }
0x47f: {  	v6 =	vperm.xlane v5, v2;
	_ =	sdelay $0x1  }
0x480: {  	v6 =	vadd.s32 v3, v6;
	_ =	sdelay $0x3  }
0x481: {  	s18 =	smov.u32 s9;
	s9 =	simm.s32 $0x10200  }
0x482: {  	[tilespmem:s9], [sflag:$0x2] =	stream.indirect_vreg.gather [hbm4b:s3+s4], $0x80, v6, vm0, $0xb8;
	[tilespmem:$0x14200] =	vst v63  }
0x483: {  	s14 =	simm.s32 $0x10A00;
	v5 =	vperm.xlane v5, v4  }
0x484: {  	[tilespmem:s14], [sflag:$0x2] =	stream.indirect_vreg.gather [hbm4b:s5+s4], $0x80, v6, vm0, $0xb8;
	[tilespmem:$0x14200] =	vst v63  }
0x485: {  	s17 =	simm.s32 $0x11200;
	v5 =	vadd.s32 v3, v5  }
0x486: {  	[tilespmem:s17], [sflag:$0x2] =	stream.indirect_vreg.gather [hbm4b:s6+s4], $0x80, v6, vm0, $0xb8;
	[tilespmem:$0x14200] =	vst v63  }
0x487: {  	s30 =	simm.s32 $0x11A00  }
0x488: {  	[tilespmem:s30], [sflag:$0x2] =	stream.indirect_vreg.gather [hbm4b:s8+s4], $0x80, v6, vm0, $0xb8;
	[tilespmem:$0x14200] =	vst v63  }
0x489: {  	s29 =	simm.s32 $0x12200  }
0x48a: {  	[tilespmem:s29], [sflag:$0x2] =	stream.indirect_vreg.gather [hbm4b:s3+s4], $0x80, v5, vm0, $0xb8;
	[tilespmem:$0x14200] =	vst v63  }
0x48b: {  	s26 =	simm.s32 $0x12A00  }
0x48c: {  	[tilespmem:s26], [sflag:$0x2] =	stream.indirect_vreg.gather [hbm4b:s5+s4], $0x80, v5, vm0, $0xb8;
	[tilespmem:$0x14200] =	vst v63  }
0x48d: {  	s25 =	simm.s32 $0x13200  }
0x48e: {  	[tilespmem:s25], [sflag:$0x2] =	stream.indirect_vreg.gather [hbm4b:s6+s4], $0x80, v5, vm0, $0xb8;
	[tilespmem:$0x14200] =	vst v63  }
0x48f: {  	s23 =	simm.s32 $0x13A00  }
0x490: {  	[tilespmem:s23], [sflag:$0x2] =	stream.indirect_vreg.gather [hbm4b:s8+s4], $0x80, v5, vm0, $0xb8;
	[tilespmem:$0x14200] =	vst v63  }
0x491: {  	s11 =	simm.s32 $0x8200;
	s7 =	rddreg [dreg:$0x8]  }
0x492: {  	[hbm4b:s7+s4] =	stream.linear.scatter [tilespmem:s11], [sflag:$0x4], $0x4000, $0x38;
	[tilespmem:$0x14200] =	vst v63  }
0x493: {  	s7 =	rddreg [dreg:$0xa]  }
0x494: {  	[hbm4b:s7+s4] =	stream.linear.scatter [tilespmem:s11], [sflag:$0x4], $0x4000, $0x38;
	[tilespmem:$0x14200] =	vst v63  }
0x495: {  	s7 =	rddreg [dreg:$0x9]  }
0x496: {  	[hbm4b:s7+s4] =	stream.linear.scatter [tilespmem:s11], [sflag:$0x4], $0x4000, $0x38;
	[tilespmem:$0x14200] =	vst v63  }
0x497: {  	s7 =	rddreg [dreg:$0xb]  }
0x498: {  	[hbm4b:s7+s4] =	stream.linear.scatter [tilespmem:s11], [sflag:$0x4], $0x4000, $0x38;
	[tilespmem:$0x14200] =	vst v63  }
0x499: {  	_ =	swait.ge [sflag:s10], $0x4000  }
0x49a: {  	[sflag:s10] =	ssyncset.done $0x0  }
0x49b: {  	[sflag:s10] =	ssyncadd.s32 $0xFFFFC000  }
0x49c: {  	_ =	swait.ge [sflag:s0], $0x4000  }
0x49d: {  	[sflag:s0] =	ssyncset.done $0x0  }
0x49e: {  	[sflag:s0] =	ssyncadd.s32 $0xFFFFC000  }
0x49f: {  	_ =	swait.ge [sflag:s0], $0x4000  }
0x4a0: {  	[sflag:s0] =	ssyncset.done $0x0  }
0x4a1: {  	[sflag:s0] =	ssyncadd.s32 $0xFFFFC000  }
0x4a2: {  	_ =	swait.ge [sflag:s0], $0x4000  }
0x4a3: {  	[sflag:s0] =	ssyncset.done $0x0  }
0x4a4: {  	[sflag:s0] =	ssyncadd.s32 $0xFFFFC000  }
0x4a5: {  	_ =	swait.ge [sflag:s0], $0x4000  }
0x4a6: {  	[sflag:s0] =	ssyncset.done $0x0  }
0x4a7: {  	[sflag:s0] =	ssyncadd.s32 $0xFFFFC000  }
0x4a8: {  	v5 =	vld [tilespmem:$0x4040];
	_ =	sdelay $0x4  }
0x4a9: {  	v6 =	vshll.u32 v5, $0x3  }
0x4aa: {  	v5 =	vand.u32 $0x7, v5;
	v6 =	vand.u32 $0xFFFFFFC0, v6  }
0x4ab: {  	v5 =	vor.u32 v5, v6  }
0x4ac: {  	v6 =	vperm.xlane v5, v2;
	_ =	sdelay $0x1  }
0x4ad: {  	v6 =	vadd.s32 v3, v6;
	_ =	sdelay $0x3  }
0x4ae: {  	s28 =	simm.s32 $0x4200  }
0x4af: {  	[tilespmem:s28], [sflag:$0x1] =	stream.indirect_vreg.gather [hbm4b:s3+s4], $0x80, v6, vm0, $0xb8;
	[tilespmem:$0x14200] =	vst v63  }
0x4b0: {  	s7 =	simm.s32 $0x4A00;
	v5 =	vperm.xlane v5, v4  }
0x4b1: {  	[tilespmem:s7], [sflag:$0x1] =	stream.indirect_vreg.gather [hbm4b:s5+s4], $0x80, v6, vm0, $0xb8;
	[tilespmem:$0x14200] =	vst v63  }
0x4b2: {  	v5 =	vadd.s32 v3, v5;
	s7 =	simm.s32 $0x5200  }
0x4b3: {  	[tilespmem:s7], [sflag:$0x1] =	stream.indirect_vreg.gather [hbm4b:s6+s4], $0x80, v6, vm0, $0xb8;
	[tilespmem:$0x14200] =	vst v63  }
0x4b4: {  	s7 =	simm.s32 $0x5A00  }
0x4b5: {  	[tilespmem:s7], [sflag:$0x1] =	stream.indirect_vreg.gather [hbm4b:s8+s4], $0x80, v6, vm0, $0xb8;
	[tilespmem:$0x14200] =	vst v63  }
0x4b6: {  	s7 =	simm.s32 $0x6200  }
0x4b7: {  	[tilespmem:s7], [sflag:$0x1] =	stream.indirect_vreg.gather [hbm4b:s3+s4], $0x80, v5, vm0, $0xb8;
	[tilespmem:$0x14200] =	vst v63  }
0x4b8: {  	s7 =	simm.s32 $0x6A00  }
0x4b9: {  	[tilespmem:s7], [sflag:$0x1] =	stream.indirect_vreg.gather [hbm4b:s5+s4], $0x80, v5, vm0, $0xb8;
	[tilespmem:$0x14200] =	vst v63  }
0x4ba: {  	s7 =	simm.s32 $0x7200  }
0x4bb: {  	[tilespmem:s7], [sflag:$0x1] =	stream.indirect_vreg.gather [hbm4b:s6+s4], $0x80, v5, vm0, $0xb8;
	[tilespmem:$0x14200] =	vst v63  }
0x4bc: {  	_ = 	snop  }
0x4bd: {  	[tilespmem:s15], [sflag:$0x1] =	stream.indirect_vreg.gather [hbm4b:s8+s4], $0x80, v5, vm0, $0xb8;
	[tilespmem:$0x14200] =	vst v63  }
0x4be: {  	s20 =	simm.s32 $0xC200;
	s15 =	rddreg [dreg:$0xc]  }
0x4bf: {  	[hbm4b:s15+s4] =	stream.linear.scatter [tilespmem:s20], [sflag:$0x5], $0x4000, $0x38;
	[tilespmem:$0x14200] =	vst v63  }
0x4c0: {  	s15 =	rddreg [dreg:$0xd]  }
0x4c1: {  	[hbm4b:s15+s4] =	stream.linear.scatter [tilespmem:s20], [sflag:$0x5], $0x4000, $0x38;
	[tilespmem:$0x14200] =	vst v63  }
0x4c2: {  	s15 =	rddreg [dreg:$0xe]  }
0x4c3: {  	[hbm4b:s15+s4] =	stream.linear.scatter [tilespmem:s20], [sflag:$0x5], $0x4000, $0x38;
	[tilespmem:$0x14200] =	vst v63  }
0x4c4: {  	s15 =	rddreg [dreg:$0xf]  }
0x4c5: {  	[hbm4b:s15+s4] =	stream.linear.scatter [tilespmem:s20], [sflag:$0x5], $0x4000, $0x38;
	[tilespmem:$0x14200] =	vst v63  }
0x4c6: {  	_ =	swait.ge [sflag:s19], $0x4000  }
0x4c7: {  	[sflag:s19] =	ssyncset.done $0x0  }
0x4c8: {  	[sflag:s19] =	ssyncadd.s32 $0xFFFFC000  }
0x4c9: {  	_ =	swait.ge [sflag:s2], $0x4000  }
0x4ca: {  	[sflag:s2] =	ssyncset.done $0x0  }
0x4cb: {  	[sflag:s2] =	ssyncadd.s32 $0xFFFFC000  }
0x4cc: {  	_ =	swait.ge [sflag:s2], $0x4000  }
0x4cd: {  	[sflag:s2] =	ssyncset.done $0x0  }
0x4ce: {  	[sflag:s2] =	ssyncadd.s32 $0xFFFFC000  }
0x4cf: {  	_ =	swait.ge [sflag:s2], $0x4000  }
0x4d0: {  	[sflag:s2] =	ssyncset.done $0x0  }
0x4d1: {  	[sflag:s2] =	ssyncadd.s32 $0xFFFFC000  }
0x4d2: {  	_ =	swait.ge [sflag:s2], $0x4000  }
0x4d3: {  	[sflag:s2] =	ssyncset.done $0x0  }
0x4d4: {  	[sflag:s2] =	ssyncadd.s32 $0xFFFFC000  }
0x4d5: {  	v5 =	vld [tilespmem:$0x4050];
	_ =	sdelay $0x4  }
0x4d6: {  	v6 =	vshll.u32 v5, $0x3  }
0x4d7: {  	v5 =	vand.u32 $0x7, v5;
	v6 =	vand.u32 $0xFFFFFFC0, v6  }
0x4d8: {  	v5 =	vor.u32 v5, v6  }
0x4d9: {  	v6 =	vperm.xlane v5, v2;
	_ =	sdelay $0x1  }
0x4da: {  	v6 =	vadd.s32 v3, v6;
	_ =	sdelay $0x4  }
0x4db: {  	[tilespmem:s11], [sflag:$0x2] =	stream.indirect_vreg.gather [hbm4b:s3+s4], $0x80, v6, vm0, $0xb8;
	[tilespmem:$0x14200] =	vst v63  }
0x4dc: {  	s15 =	simm.s32 $0x8A00;
	v5 =	vperm.xlane v5, v4  }
0x4dd: {  	[tilespmem:s15], [sflag:$0x2] =	stream.indirect_vreg.gather [hbm4b:s5+s4], $0x80, v6, vm0, $0xb8;
	[tilespmem:$0x14200] =	vst v63  }
0x4de: {  	s20 =	simm.s32 $0x9200;
	v5 =	vadd.s32 v3, v5  }
0x4df: {  	[tilespmem:s20], [sflag:$0x2] =	stream.indirect_vreg.gather [hbm4b:s6+s4], $0x80, v6, vm0, $0xb8;
	[tilespmem:$0x14200] =	vst v63  }
0x4e0: {  	s15 =	simm.s32 $0x9A00  }
0x4e1: {  	[tilespmem:s15], [sflag:$0x2] =	stream.indirect_vreg.gather [hbm4b:s8+s4], $0x80, v6, vm0, $0xb8;
	[tilespmem:$0x14200] =	vst v63  }
0x4e2: {  	s20 =	simm.s32 $0xA200  }
0x4e3: {  	[tilespmem:s20], [sflag:$0x2] =	stream.indirect_vreg.gather [hbm4b:s3+s4], $0x80, v5, vm0, $0xb8;
	[tilespmem:$0x14200] =	vst v63  }
0x4e4: {  	_ = 	snop  }
0x4e5: {  	[tilespmem:s16], [sflag:$0x2] =	stream.indirect_vreg.gather [hbm4b:s5+s4], $0x80, v5, vm0, $0xb8;
	[tilespmem:$0x14200] =	vst v63  }
0x4e6: {  	_ = 	snop  }
0x4e7: {  	[tilespmem:s21], [sflag:$0x2] =	stream.indirect_vreg.gather [hbm4b:s6+s4], $0x80, v5, vm0, $0xb8;
	[tilespmem:$0x14200] =	vst v63  }
0x4e8: {  	_ = 	snop  }
0x4e9: {  	[tilespmem:s22], [sflag:$0x2] =	stream.indirect_vreg.gather [hbm4b:s8+s4], $0x80, v5, vm0, $0xb8;
	[tilespmem:$0x14200] =	vst v63  }
0x4ea: {  	s15 =	rddreg [dreg:$0x10]  }
0x4eb: {  	[hbm4b:s15+s4] =	stream.linear.scatter [tilespmem:s9], [sflag:$0x6], $0x4000, $0x38;
	[tilespmem:$0x14200] =	vst v63  }
0x4ec: {  	s16 =	rddreg [dreg:$0x11]  }
0x4ed: {  	[hbm4b:s16+s4] =	stream.linear.scatter [tilespmem:s9], [sflag:$0x6], $0x4000, $0x38;
	[tilespmem:$0x14200] =	vst v63  }
0x4ee: {  	s20 =	rddreg [dreg:$0x12]  }
0x4ef: {  	[hbm4b:s20+s4] =	stream.linear.scatter [tilespmem:s9], [sflag:$0x6], $0x4000, $0x38;
	[tilespmem:$0x14200] =	vst v63  }
0x4f0: {  	s21 =	rddreg [dreg:$0x14]  }
0x4f1: {  	[hbm4b:s21+s4] =	stream.linear.scatter [tilespmem:s9], [sflag:$0x6], $0x4000, $0x38;
	[tilespmem:$0x14200] =	vst v63  }
0x4f2: {  	_ =	swait.ge [sflag:s10], $0x4000  }
0x4f3: {  	[sflag:s10] =	ssyncset.done $0x0  }
0x4f4: {  	[sflag:s10] =	ssyncadd.s32 $0xFFFFC000  }
0x4f5: {  	_ =	swait.ge [sflag:s1], $0x4000  }
0x4f6: {  	[sflag:s1] =	ssyncset.done $0x0  }
0x4f7: {  	[sflag:s1] =	ssyncadd.s32 $0xFFFFC000  }
0x4f8: {  	_ =	swait.ge [sflag:s1], $0x4000  }
0x4f9: {  	[sflag:s1] =	ssyncset.done $0x0  }
0x4fa: {  	[sflag:s1] =	ssyncadd.s32 $0xFFFFC000  }
0x4fb: {  	_ =	swait.ge [sflag:s1], $0x4000  }
0x4fc: {  	[sflag:s1] =	ssyncset.done $0x0  }
0x4fd: {  	[sflag:s1] =	ssyncadd.s32 $0xFFFFC000  }
0x4fe: {  	_ =	swait.ge [sflag:s1], $0x4000  }
0x4ff: {  	[sflag:s1] =	ssyncset.done $0x0  }
0x500: {  	[sflag:s1] =	ssyncadd.s32 $0xFFFFC000  }
0x501: {  	v5 =	vld [tilespmem:$0x4060];
	_ =	sdelay $0x4  }
0x502: {  	v6 =	vshll.u32 v5, $0x3  }
0x503: {  	v5 =	vand.u32 $0x7, v5;
	v6 =	vand.u32 $0xFFFFFFC0, v6  }
0x504: {  	v5 =	vor.u32 v5, v6  }
0x505: {  	v6 =	vperm.xlane v5, v2;
	_ =	sdelay $0x1  }
0x506: {  	v6 =	vadd.s32 v3, v6;
	_ =	sdelay $0x3  }
0x507: {  	s11 =	simm.s32 $0xC200  }
0x508: {  	[tilespmem:s11], [sflag:$0x1] =	stream.indirect_vreg.gather [hbm4b:s3+s4], $0x80, v6, vm0, $0xb8;
	[tilespmem:$0x14200] =	vst v63  }
0x509: {  	s31 =	simm.s32 $0xCA00;
	v5 =	vperm.xlane v5, v4  }
0x50a: {  	[tilespmem:s31], [sflag:$0x1] =	stream.indirect_vreg.gather [hbm4b:s5+s4], $0x80, v6, vm0, $0xb8;
	[tilespmem:$0x14200] =	vst v63  }
0x50b: {  	s22 =	simm.s32 $0xD200;
	v5 =	vadd.s32 v3, v5  }
0x50c: {  	[tilespmem:s22], [sflag:$0x1] =	stream.indirect_vreg.gather [hbm4b:s6+s4], $0x80, v6, vm0, $0xb8;
	[tilespmem:$0x14200] =	vst v63  }
0x50d: {  	s15 =	simm.s32 $0xDA00  }
0x50e: {  	[tilespmem:s15], [sflag:$0x1] =	stream.indirect_vreg.gather [hbm4b:s8+s4], $0x80, v6, vm0, $0xb8;
	[tilespmem:$0x14200] =	vst v63  }
0x50f: {  	s16 =	simm.s32 $0xE200  }
0x510: {  	[tilespmem:s16], [sflag:$0x1] =	stream.indirect_vreg.gather [hbm4b:s3+s4], $0x80, v5, vm0, $0xb8;
	[tilespmem:$0x14200] =	vst v63  }
0x511: {  	_ = 	snop  }
0x512: {  	[tilespmem:s13], [sflag:$0x1] =	stream.indirect_vreg.gather [hbm4b:s5+s4], $0x80, v5, vm0, $0xb8;
	[tilespmem:$0x14200] =	vst v63  }
0x513: {  	s20 =	simm.s32 $0xF200  }
0x514: {  	[tilespmem:s20], [sflag:$0x1] =	stream.indirect_vreg.gather [hbm4b:s6+s4], $0x80, v5, vm0, $0xb8;
	[tilespmem:$0x14200] =	vst v63  }
0x515: {  	_ = 	snop  }
0x516: {  	[tilespmem:s12], [sflag:$0x1] =	stream.indirect_vreg.gather [hbm4b:s8+s4], $0x80, v5, vm0, $0xb8;
	[tilespmem:$0x14200] =	vst v63  }
0x517: {  	s21 =	rddreg [dreg:$0x15]  }
0x518: {  	[hbm4b:s21+s4] =	stream.linear.scatter [tilespmem:s28], [sflag:$0x3], $0x4000, $0x38;
	[tilespmem:$0x14200] =	vst v63  }
0x519: {  	s22 =	rddreg [dreg:$0x16]  }
0x51a: {  	[hbm4b:s22+s4] =	stream.linear.scatter [tilespmem:s28], [sflag:$0x3], $0x4000, $0x38;
	[tilespmem:$0x14200] =	vst v63  }
0x51b: {  	s12 =	rddreg [dreg:$0x17]  }
0x51c: {  	[hbm4b:s12+s4] =	stream.linear.scatter [tilespmem:s28], [sflag:$0x3], $0x4000, $0x38;
	[tilespmem:$0x14200] =	vst v63  }
0x51d: {  	s13 =	rddreg [dreg:$0x18]  }
0x51e: {  	[hbm4b:s13+s4] =	stream.linear.scatter [tilespmem:s28], [sflag:$0x3], $0x4000, $0x38;
	[tilespmem:$0x14200] =	vst v63  }
0x51f: {  	_ =	swait.ge [sflag:s19], $0x4000  }
0x520: {  	[sflag:s19] =	ssyncset.done $0x0  }
0x521: {  	s12 =	simm.s32 $0x6;
	[sflag:s19] =	ssyncadd.s32 $0xFFFFC000  }
0x522: {  	_ =	swait.ge [sflag:s12], $0x4000  }
0x523: {  	[sflag:s12] =	ssyncset.done $0x0  }
0x524: {  	[sflag:s12] =	ssyncadd.s32 $0xFFFFC000  }
0x525: {  	_ =	swait.ge [sflag:s12], $0x4000  }
0x526: {  	[sflag:s12] =	ssyncset.done $0x0  }
0x527: {  	[sflag:s12] =	ssyncadd.s32 $0xFFFFC000  }
0x528: {  	_ =	swait.ge [sflag:s12], $0x4000  }
0x529: {  	[sflag:s12] =	ssyncset.done $0x0  }
0x52a: {  	[sflag:s12] =	ssyncadd.s32 $0xFFFFC000  }
0x52b: {  	_ =	swait.ge [sflag:s12], $0x4000  }
0x52c: {  	[sflag:s12] =	ssyncset.done $0x0  }
0x52d: {  	[sflag:s12] =	ssyncadd.s32 $0xFFFFC000  }
0x52e: {  	v5 =	vld [tilespmem:$0x4070];
	_ =	sdelay $0x4  }
0x52f: {  	v6 =	vshll.u32 v5, $0x3  }
0x530: {  	v5 =	vand.u32 $0x7, v5;
	v6 =	vand.u32 $0xFFFFFFC0, v6  }
0x531: {  	v5 =	vor.u32 v5, v6  }
0x532: {  	v6 =	vperm.xlane v5, v2;
	_ =	sdelay $0x1  }
0x533: {  	v6 =	vadd.s32 v3, v6;
	_ =	sdelay $0x4  }
0x534: {  	[tilespmem:s9], [sflag:$0x2] =	stream.indirect_vreg.gather [hbm4b:s3+s4], $0x80, v6, vm0, $0xb8;
	[tilespmem:$0x14200] =	vst v63  }
0x535: {  	v5 =	vperm.xlane v5, v4  }
0x536: {  	[tilespmem:s14], [sflag:$0x2] =	stream.indirect_vreg.gather [hbm4b:s5+s4], $0x80, v6, vm0, $0xb8;
	[tilespmem:$0x14200] =	vst v63  }
0x537: {  	v5 =	vadd.s32 v3, v5  }
0x538: {  	[tilespmem:s17], [sflag:$0x2] =	stream.indirect_vreg.gather [hbm4b:s6+s4], $0x80, v6, vm0, $0xb8;
	[tilespmem:$0x14200] =	vst v63  }
0x539: {  	_ = 	snop  }
0x53a: {  	[tilespmem:s30], [sflag:$0x2] =	stream.indirect_vreg.gather [hbm4b:s8+s4], $0x80, v6, vm0, $0xb8;
	[tilespmem:$0x14200] =	vst v63  }
0x53b: {  	_ = 	snop  }
0x53c: {  	[tilespmem:s29], [sflag:$0x2] =	stream.indirect_vreg.gather [hbm4b:s3+s4], $0x80, v5, vm0, $0xb8;
	[tilespmem:$0x14200] =	vst v63  }
0x53d: {  	_ = 	snop  }
0x53e: {  	[tilespmem:s26], [sflag:$0x2] =	stream.indirect_vreg.gather [hbm4b:s5+s4], $0x80, v5, vm0, $0xb8;
	[tilespmem:$0x14200] =	vst v63  }
0x53f: {  	_ = 	snop  }
0x540: {  	[tilespmem:s25], [sflag:$0x2] =	stream.indirect_vreg.gather [hbm4b:s6+s4], $0x80, v5, vm0, $0xb8;
	[tilespmem:$0x14200] =	vst v63  }
0x541: {  	_ = 	snop  }
0x542: {  	[tilespmem:s23], [sflag:$0x2] =	stream.indirect_vreg.gather [hbm4b:s8+s4], $0x80, v5, vm0, $0xb8;
	[tilespmem:$0x14200] =	vst v63  }
0x543: {  	s28 =	simm.s32 $0x8200;
	s14 =	rddreg [dreg:$0x1a]  }
0x544: {  	[hbm4b:s14+s4] =	stream.linear.scatter [tilespmem:s28], [sflag:$0x4], $0x4000, $0x38;
	[tilespmem:$0x14200] =	vst v63  }
0x545: {  	s15 =	rddreg [dreg:$0x19]  }
0x546: {  	[hbm4b:s15+s4] =	stream.linear.scatter [tilespmem:s28], [sflag:$0x4], $0x4000, $0x38;
	[tilespmem:$0x14200] =	vst v63  }
0x547: {  	s16 =	rddreg [dreg:$0x1b]  }
0x548: {  	[hbm4b:s16+s4] =	stream.linear.scatter [tilespmem:s28], [sflag:$0x4], $0x4000, $0x38;
	[tilespmem:$0x14200] =	vst v63  }
0x549: {  	s17 =	rddreg [dreg:$0x1c]  }
0x54a: {  	[hbm4b:s17+s4] =	stream.linear.scatter [tilespmem:s28], [sflag:$0x4], $0x4000, $0x38;
	[tilespmem:$0x14200] =	vst v63  }
0x54b: {  	_ =	swait.ge [sflag:s10], $0x4000  }
0x54c: {  	[sflag:s10] =	ssyncset.done $0x0;
	s20 =	rddreg [dreg:$0x1d]  }
0x54d: {  	s21 =	rddreg [dreg:$0x1e];
	[sflag:s10] =	ssyncadd.s32 $0xFFFFC000  }
0x54e: {  	[hbm4b:s20+s4] =	stream.linear.scatter [tilespmem:s11], [sflag:$0x5], $0x4000, $0x38;
	[tilespmem:$0x14200] =	vst v63  }
0x54f: {  	s22 =	rddreg [dreg:$0x1f]  }
0x550: {  	[hbm4b:s21+s4] =	stream.linear.scatter [tilespmem:s11], [sflag:$0x5], $0x4000, $0x38;
	[tilespmem:$0x14200] =	vst v63  }
0x551: {  	s23 =	sld [smem:$0x7F9]  }
0x552: {  	[hbm4b:s22+s4] =	stream.linear.scatter [tilespmem:s11], [sflag:$0x5], $0x4000, $0x38;
	[tilespmem:$0x14200] =	vst v63  }
0x553: {  	_ = 	snop  }
0x554: {  	[hbm4b:s23+s4] =	stream.linear.scatter [tilespmem:s11], [sflag:$0x5], $0x4000, $0x38;
	[tilespmem:$0x14200] =	vst v63  }
0x555: {  	_ =	swait.ge [sflag:s19], $0x4000  }
0x556: {  	s25 =	sld [smem:$0x7FA]  }
0x557: {  	[sflag:s19] =	ssyncset.done $0x0  }
0x558: {  	s26 =	sld [smem:$0x7FB];
	[sflag:s19] =	ssyncadd.s32 $0xFFFFC000  }
0x559: {  	[hbm4b:s25+s4] =	stream.linear.scatter [tilespmem:s9], [sflag:$0x6], $0x4000, $0x38;
	[tilespmem:$0x14200] =	vst v63  }
0x55a: {  	s29 =	sld [smem:$0x7FC]  }
0x55b: {  	[hbm4b:s26+s4] =	stream.linear.scatter [tilespmem:s9], [sflag:$0x6], $0x4000, $0x38;
	[tilespmem:$0x14200] =	vst v63  }
0x55c: {  	s30 =	sld [smem:$0x7FD]  }
0x55d: {  	[hbm4b:s29+s4] =	stream.linear.scatter [tilespmem:s9], [sflag:$0x6], $0x4000, $0x38;
	[tilespmem:$0x14200] =	vst v63  }
0x55e: {  	_ = 	snop  }
0x55f: {  	[hbm4b:s30+s4] =	stream.linear.scatter [tilespmem:s9], [sflag:$0x6], $0x4000, $0x38;
	[tilespmem:$0x14200] =	vst v63  }
0x560: {  	_ =	swait.ge [sflag:s0], $0x4000  }
0x561: {  	[sflag:s0] =	ssyncset.done $0x0  }
0x562: {  	[sflag:s0] =	ssyncadd.s32 $0xFFFFC000  }
0x563: {  	_ =	swait.ge [sflag:s0], $0x4000  }
0x564: {  	[sflag:s0] =	ssyncset.done $0x0  }
0x565: {  	[sflag:s0] =	ssyncadd.s32 $0xFFFFC000  }
0x566: {  	_ =	swait.ge [sflag:s0], $0x4000  }
0x567: {  	[sflag:s0] =	ssyncset.done $0x0  }
0x568: {  	[sflag:s0] =	ssyncadd.s32 $0xFFFFC000  }
0x569: {  	_ =	swait.ge [sflag:s0], $0x4000  }
0x56a: {  	[sflag:s0] =	ssyncset.done $0x0  }
0x56b: {  	[sflag:s0] =	ssyncadd.s32 $0xFFFFC000  }
0x56c: {  	_ =	swait.ge [sflag:s2], $0x4000  }
0x56d: {  	[sflag:s2] =	ssyncset.done $0x0  }
0x56e: {  	[sflag:s2] =	ssyncadd.s32 $0xFFFFC000  }
0x56f: {  	_ =	swait.ge [sflag:s2], $0x4000  }
0x570: {  	[sflag:s2] =	ssyncset.done $0x0  }
0x571: {  	[sflag:s2] =	ssyncadd.s32 $0xFFFFC000  }
0x572: {  	_ =	swait.ge [sflag:s2], $0x4000  }
0x573: {  	[sflag:s2] =	ssyncset.done $0x0  }
0x574: {  	[sflag:s2] =	ssyncadd.s32 $0xFFFFC000  }
0x575: {  	_ =	swait.ge [sflag:s2], $0x4000  }
0x576: {  	[sflag:s2] =	ssyncset.done $0x0  }
0x577: {  	[sflag:s2] =	ssyncadd.s32 $0xFFFFC000  }
0x578: {  	_ =	swait.ge [sflag:s1], $0x4000  }
0x579: {  	[sflag:s1] =	ssyncset.done $0x0  }
0x57a: {  	[sflag:s1] =	ssyncadd.s32 $0xFFFFC000  }
0x57b: {  	_ =	swait.ge [sflag:s1], $0x4000  }
0x57c: {  	[sflag:s1] =	ssyncset.done $0x0  }
0x57d: {  	[sflag:s1] =	ssyncadd.s32 $0xFFFFC000  }
0x57e: {  	_ =	swait.ge [sflag:s1], $0x4000  }
.Ltmp8:
0x57f: {  	[sflag:s1] =	ssyncset.done $0x0;
	(pc) =	sbr.rel .LBB2_13-.Ltmp8, $4  }
0x580: {  	[sflag:s1] =	ssyncadd.s32 $0xFFFFC000  }
0x581: {  	_ =	swait.ge [sflag:s1], $0x4000  }
0x582: {  	s31 =	simm.s32 $0x6;
	s13 =	simm.s32 $0x6;
	[sflag:s1] =	ssyncset.done $0x0  }
0x583: {  	s14 =	simm.s32 $0x6;
	s9 =	smov.u32 s18;
	[sflag:s1] =	ssyncadd.s32 $0xFFFFC000  }
.LBB2_3:
.Ltmp9:
0x584: {  	(pc) =	sbr.rel .LBB2_7-.Ltmp9, $3  }
0x585: {  	_ =	sdelay $0x1  }
0x586: {  	v8 =	vimm.s32 $0x0  }
0x587: {  	v9 =	vimm.s32 $0x0;
	v10 =	vimm.s32 $0x0;
	v11 =	vimm.s32 $0x0  }
.LBB2_5:
.Ltmp10:
0x588: {  	(pc) =	sbr.rel .LBB2_7-.Ltmp10, $3  }
0x589: {  	_ =	sdelay $0x1  }
0x58a: {  	v8 =	vimm.s32 $0x0  }
0x58b: {  	v9 =	vimm.s32 $0x0;
	v10 =	vimm.s32 $0x0;
	v11 =	vimm.s32 $0x0  }
.LBB2_14:
0x58c: {  	_ =	sfence.sel $0x180000  }
0x58d: {  	[bflag:$0x0] =	sbarrier.arrive $0xFFFF  }
0x58e: {  	_ =	strace $0x90000047  }
0x58f: {  	s0 =	stileid.u32;
	[bflag:$0x2] =	sbarrier.arrive $0xFFFF  }
0x590: {  	p0 =	sne.s32 s0, $0x0;
	s0 =	rddreg [dreg:$0x3]  }
0x591: {  	s0 =	sadd.s32 @!p0 $0x100000, s0  }
0x592: {  	[sflag:s0] =	ssyncadd.tile.s32 @!p0 $0x1;
	_ =	shalt  }
.Lfunc_end2:
_tile_overlayer_lowered:
.L_overlay_start_2:
0x593: {  	(tag) =	ssettag $0x2  }
0x594: {  	s0 =	rddreg [dreg:$0x0];
	s2 =	stileid.u32  }
0x595: {  	s1 =	rddreg [dreg:$0x1];
	p0 =	sne.s32 s2, $0x0  }
0x596: {  	s3 =	rddreg [dreg:$0x2];
	[bflag:$0x3] =	sbarrier.arrive $0xFFFF;
	s2 =	simm.s32 @!p0 $0x1C07  }
0x597: {  	[timem:s3], [sflag:s2] =	dma.local @!p0 [hbm:s0], s1  }
0x598: {  	s0 =	simm.s32 @!p0 $0x7  }
0x599: {  	_ =	swait.ge @!p0 [sflag:s0], s1  }
0x59a: {  	s1 =	ssub.s32 @!p0 $0x0, s1;
	[sflag:s0] =	ssyncset.done @!p0 $0x0  }
0x59b: {  	[sflag:s0] =	ssyncadd.s32 @!p0 s1  }
0x59c: {  	[bflag:$0x3] =	sbarrier.arrive $0xFFFF  }
0x59d: {  	_ =	shalt  }

</sc_bundles>
